<compile_context>
chip_gen: v7x
topology: tpu7x:2x2x1
jax: 0.10.2.dev20260603
libtpu: 0.0.44.dev20260713+nightly
codegen_flags: <defaults>
</compile_context>

<pallas_src>
import jax
import jax.numpy as jnp
from jax import lax
from jax.experimental import pallas as pl
from jax.experimental.pallas import tpu as pltpu
from jax.experimental.pallas import tpu_sc as plsc

N_EDGES = 320000
N_SEG = 10000
N_SEG_PAD = 10112
D = 128
DH = D // 2

NC = 2
NS = 16

CHUNK = 256
ROWS_PER_CHUNK = CHUNK // 128
N_CHUNKS = N_EDGES // CHUNK
ITERS = (N_CHUNKS + NS - 1) // NS

SEG_PER_SUB = N_SEG_PAD // NS
CL = 8


def _sc_body(xh_hbm, idx_hbm, w_hbm, zs_hbm, zc_hbm, ones_hbm,
             psums_hbm, pcnts_hbm,
             xbufs, ridbufs, idxbufs, wbufs, obufs, onesbuf,
             acc_s, acc_c, gsems, ssems):
    c = lax.axis_index("c")
    s = lax.axis_index("s")

    iota16 = lax.iota(jnp.int32, 16)

    pltpu.sync_copy(ones_hbm, onesbuf)
    off = s * SEG_PER_SUB
    pltpu.sync_copy(zs_hbm, acc_s.at[pl.ds(off, SEG_PER_SUB)])
    pltpu.sync_copy(zc_hbm, acc_c.at[pl.ds(off, SEG_PER_SUB)])
    plsc.subcore_barrier()

    def chunk_t(i):
        return s + i * NS


    def issue_gathers(i, xb, ib):
        t = chunk_t(i)
        base = t * CHUNK
        rowb = t * ROWS_PER_CHUNK
        xbuf, ridbuf, idxbuf, wbuf = xbufs[xb], ridbufs[xb], idxbufs[ib], wbufs[xb]

        def rid_body(g, gc):
            e0 = base + g * 16
            ridbuf[g // 8, pl.ds((g % 8) * 16, 16)] = 2 * (e0 + iota16) + c
            return gc

        lax.fori_loop(0, CHUNK // 16, rid_body, 0)

        pltpu.async_copy(idx_hbm.at[pl.ds(rowb, ROWS_PER_CHUNK)], idxbuf, gsems[xb])
        pltpu.async_copy(w_hbm.at[pl.ds(rowb, ROWS_PER_CHUNK)], wbuf, gsems[xb])
        for j in range(ROWS_PER_CHUNK):
            pltpu.async_copy(xh_hbm.at[ridbuf.at[j]],
                             xbuf.at[pl.ds(j * 128, 128)], gsems[xb])

    def wait_gathers(i, xb, ib):
        t = chunk_t(i)
        rowb = t * ROWS_PER_CHUNK
        xbuf, ridbuf, idxbuf, wbuf = xbufs[xb], ridbufs[xb], idxbufs[ib], wbufs[xb]
        pltpu.make_async_copy(idx_hbm.at[pl.ds(rowb, ROWS_PER_CHUNK)], idxbuf,
                              gsems[xb]).wait()
        pltpu.make_async_copy(w_hbm.at[pl.ds(rowb, ROWS_PER_CHUNK)], wbuf,
                              gsems[xb]).wait()
        for j in range(ROWS_PER_CHUNK):
            pltpu.make_async_copy(xh_hbm.at[ridbuf.at[j]],
                                  xbuf.at[pl.ds(j * 128, 128)], gsems[xb]).wait()

    def process_chunk(xb, ib):
        xbuf, idxbuf, wbuf, obuf = xbufs[xb], idxbufs[ib], wbufs[xb], obufs[xb]

        def group_body(g, gc):
            wvec = wbuf[g // 8, pl.ds((g % 8) * 16, 16)]
            for l in range(0, 16, 2):
                e0 = g * 16 + l
                e1 = e0 + 1
                w0 = wvec[l]
                w1 = wvec[l + 1]
                vals0 = [xbuf[e0, pl.ds(j * 16, 16)] for j in range(DH // 16)]
                vals1 = [xbuf[e1, pl.ds(j * 16, 16)] for j in range(DH // 16)]
                for j in range(DH // 16):
                    obuf[e0, pl.ds(j * 16, 16)] = vals0[j] * w0
                for j in range(DH // 16):
                    obuf[e1, pl.ds(j * 16, 16)] = vals1[j] * w1
            return gc

        lax.fori_loop(0, CHUNK // 16, group_body, 0)

        for j in range(ROWS_PER_CHUNK):
            pltpu.async_copy(obuf.at[pl.ds(j * 128, 128)],
                             acc_s.at[idxbuf.at[j]], ssems[xb], add=True)

        @pl.when(c == 0)
        def _():
            for j in range(ROWS_PER_CHUNK):
                pltpu.async_copy(onesbuf, acc_c.at[idxbuf.at[j]], ssems[xb],
                                 add=True)

    def drain_scatters(xb, ib):
        idxbuf, obuf = idxbufs[ib], obufs[xb]
        for j in range(ROWS_PER_CHUNK):
            pltpu.make_async_copy(obuf.at[pl.ds(j * 128, 128)],
                                  acc_s.at[idxbuf.at[j]], ssems[xb]).wait()

        @pl.when(c == 0)
        def _():
            for j in range(ROWS_PER_CHUNK):
                pltpu.make_async_copy(onesbuf, acc_c.at[idxbuf.at[j]],
                                      ssems[xb]).wait()


    def loop_body(jj, carry):
        for q in range(4):
            i = 4 * jj + q
            t = chunk_t(i)

            @pl.when((t >= s + 3 * NS) & (t - 3 * NS < N_CHUNKS))
            def _():
                drain_scatters((q + 1) % 2, (q + 1) % 4)

            @pl.when(t < N_CHUNKS)
            def _():
                issue_gathers(i, q % 2, q)

            @pl.when((i >= 1) & (t - NS < N_CHUNKS))
            def _():
                wait_gathers(i - 1, (q + 1) % 2, (q + 3) % 4)
                process_chunk((q + 1) % 2, (q + 3) % 4)

        return carry

    H4 = ITERS // 4 + 1
    lax.fori_loop(0, H4, loop_body, 0)

    for k in (4 * H4 - 3, 4 * H4 - 2):
        @pl.when(chunk_t(k) < N_CHUNKS)
        def _():
            drain_scatters(k % 2, k % 4)

    plsc.subcore_barrier()

    hoff = c * N_SEG_PAD + off
    pltpu.sync_copy(acc_s.at[pl.ds(off, SEG_PER_SUB)],
                    psums_hbm.at[pl.ds(hoff, SEG_PER_SUB)])

    @pl.when(c == 0)
    def _():
        pltpu.sync_copy(acc_c.at[pl.ds(off, SEG_PER_SUB)],
                        pcnts_hbm.at[pl.ds(off, SEG_PER_SUB)])


def _combine_body(p0, p1, cn, o):
    cnt = jnp.sum(cn[...], axis=1)
    cnt = jnp.maximum(cnt, 1.0)
    o[...] = jnp.concatenate([p0[...], p1[...]], axis=1) / cnt[:, None]


BLK = 632


def kernel(x, index, weights):
    xh = x.reshape(2 * N_EDGES, DH)
    idx2d = index.reshape(N_EDGES // 128, 128)
    w2d = weights.reshape(N_EDGES // 128, 128)

    mesh = plsc.VectorSubcoreMesh(core_axis_name="c", subcore_axis_name="s")
    phase1 = pl.kernel(
        _sc_body,
        out_type=[
            jax.ShapeDtypeStruct((NC * N_SEG_PAD, DH), jnp.float32),
            jax.ShapeDtypeStruct((N_SEG_PAD, CL), jnp.float32),
        ],
        mesh=mesh,
        compiler_params=pltpu.CompilerParams(use_tc_tiling_on_sc=False),
        scratch_types=[
            [pltpu.VMEM((CHUNK, DH), jnp.float32) for _ in range(2)],
            [pltpu.VMEM((ROWS_PER_CHUNK, 128), jnp.int32) for _ in range(2)],
            [pltpu.VMEM((ROWS_PER_CHUNK, 128), jnp.int32) for _ in range(4)],
            [pltpu.VMEM((ROWS_PER_CHUNK, 128), jnp.float32) for _ in range(2)],
            [pltpu.VMEM((CHUNK, DH), jnp.float32) for _ in range(2)],
            pltpu.VMEM((128, CL), jnp.float32),
            pltpu.VMEM_SHARED((N_SEG_PAD, DH), jnp.float32),
            pltpu.VMEM_SHARED((N_SEG_PAD, CL), jnp.float32),
            [pltpu.SemaphoreType.DMA for _ in range(2)],
            [pltpu.SemaphoreType.DMA for _ in range(2)],
        ],
    )
    zs = jnp.zeros((SEG_PER_SUB, DH), jnp.float32)
    zc = jnp.zeros((SEG_PER_SUB, CL), jnp.float32)
    ones = jnp.zeros((128, CL), jnp.float32).at[:, 0].set(1.0)
    psums, pcnts = phase1(xh, idx2d, w2d, zs, zc, ones)

    nblk = N_SEG_PAD // BLK
    out = pl.pallas_call(
        _combine_body,
        grid=(nblk,),
        in_specs=[
            pl.BlockSpec((BLK, DH), lambda i: (i, 0)),
            pl.BlockSpec((BLK, DH), lambda i: (i + nblk, 0)),
            pl.BlockSpec((BLK, CL), lambda i: (i, 0)),
        ],
        out_specs=pl.BlockSpec((BLK, D), lambda i: (i, 0)),
        out_shape=jax.ShapeDtypeStruct((N_SEG_PAD, D), jnp.float32),
    )(psums, psums, pcnts)
    return out[:N_SEG]

# --- scband reference (transcript-rebuilt; emitter-appended) ---
"""Pipeline reference for scband-weighted-mean-pooling-35596688949645 (READ-ONLY COPY).

The authoritative reference and input builder live on the scoring server;
editing this copy changes nothing except your own understanding.
"""

import jax, jax.numpy as jnp
import numpy as np

N_EDGES = 320000
N_SEG = 10000
D = 128


def setup_inputs(seed: int = 0) -> dict:
    key = jax.random.key(seed)
    k1, k2, k3 = jax.random.split(key, 3)
    x = jax.random.normal(k1, (N_EDGES, D), dtype=jnp.float32)
    index = jnp.sort(jax.random.randint(k2, (N_EDGES,), 0, N_SEG, dtype=jnp.int32))
    weights = jax.random.uniform(k3, (N_EDGES,), dtype=jnp.float32)
    return {"x": x, "index": index, "weights": weights}


def reference(x, index, weights):
    # weights = weights.unsqueeze(-1) if weights.dim() == 1 else weights
    w = weights[:, None] if weights.ndim == 1 else weights
    xv = w * x
    # scatter_mean(x, index, dim=0): per-segment sum divided by per-segment count
    sums = jax.ops.segment_sum(xv, index, num_segments=N_SEG)
    counts = jax.ops.segment_sum(jnp.ones((xv.shape[0],), dtype=xv.dtype), index, num_segments=N_SEG)
    counts = jnp.clip(counts, 1.0, None)
    return sums / counts[:, None]

if __name__ == "__main__":
    import jax
    _d = setup_inputs()
    print(jax.jit(kernel)(*tuple(_d.values())))

</pallas_src>

<mosaic_0001>
#map = affine_map<(d0, d1) -> (0, 0)>
module attributes {stable_mosaic.version = 14 : i64} {
  func.func @_sc_body(%arg0: i32, %arg1: i32, %arg2: memref<640000x64xf32, #tpu.memory_space<hbm>>, %arg3: memref<2500x128xi32, #tpu.memory_space<hbm>>, %arg4: memref<2500x128xf32, #tpu.memory_space<hbm>>, %arg5: memref<632x64xf32, #tpu.memory_space<hbm>>, %arg6: memref<632x8xf32, #tpu.memory_space<hbm>>, %arg7: memref<128x8xf32, #tpu.memory_space<hbm>>, %arg8: memref<20224x64xf32, #tpu.memory_space<hbm>>, %arg9: memref<10112x8xf32, #tpu.memory_space<hbm>>, %arg10: memref<256x64xf32, #tpu.memory_space<vmem>>, %arg11: memref<256x64xf32, #tpu.memory_space<vmem>>, %arg12: memref<2x128xi32, #tpu.memory_space<vmem>>, %arg13: memref<2x128xi32, #tpu.memory_space<vmem>>, %arg14: memref<2x128xi32, #tpu.memory_space<vmem>>, %arg15: memref<2x128xi32, #tpu.memory_space<vmem>>, %arg16: memref<2x128xi32, #tpu.memory_space<vmem>>, %arg17: memref<2x128xi32, #tpu.memory_space<vmem>>, %arg18: memref<2x128xf32, #tpu.memory_space<vmem>>, %arg19: memref<2x128xf32, #tpu.memory_space<vmem>>, %arg20: memref<256x64xf32, #tpu.memory_space<vmem>>, %arg21: memref<256x64xf32, #tpu.memory_space<vmem>>, %arg22: memref<128x8xf32, #tpu.memory_space<vmem>>, %arg23: memref<10112x64xf32, #tpu.memory_space<vmem_shared>>, %arg24: memref<10112x8xf32, #tpu.memory_space<vmem_shared>>, %arg25: memref<!tpu.dma_semaphore, #tpu.memory_space<semaphore_mem>>, %arg26: memref<!tpu.dma_semaphore, #tpu.memory_space<semaphore_mem>>, %arg27: memref<!tpu.dma_semaphore, #tpu.memory_space<semaphore_mem>>, %arg28: memref<!tpu.dma_semaphore, #tpu.memory_space<semaphore_mem>>) attributes {dimension_semantics = [#tpu.dimension_semantics<core_parallel>, #tpu.dimension_semantics<subcore_parallel>], iteration_bounds = array<i64: 2, 16>, scalar_prefetch = 0 : i64, scratch_operands = 19 : i64, tpu.core_type = #tpu.core_type<sc_vector_subcore>, window_params = [{transform_indices = #map}, {transform_indices = #map}, {transform_indices = #map}, {transform_indices = #map}, {transform_indices = #map}, {transform_indices = #map}, {transform_indices = #map}, {transform_indices = #map}]} {
    %iota3A = tpu.iota {dimensions = array<i32: 0>} : vector<16xi32>
    "tpu.region"() ({
      %run_scoped3A = tpu.sem_alloc : memref<!tpu.dma_semaphore, #tpu.memory_space<semaphore_mem>>
      tpu.enqueue_dma source(%arg7 : memref<128x8xf32, #tpu.memory_space<hbm>>) target(%arg22 : memref<128x8xf32, #tpu.memory_space<vmem>>) target_semaphore(%run_scoped3A : memref<!tpu.dma_semaphore, #tpu.memory_space<semaphore_mem>>)
      tpu.wait_dma2 semaphore(%run_scoped3A : memref<!tpu.dma_semaphore, #tpu.memory_space<semaphore_mem>>) src(%arg7 : memref<128x8xf32, #tpu.memory_space<hbm>>) dst(%arg22 : memref<128x8xf32, #tpu.memory_space<vmem>>)
      tpu.yield
    }) : () -> ()
    %mul3A = arith.constant 632 : i32
    %mul3A_0 = arith.muli %arg1, %mul3A : i32
    "tpu.region"() ({
      %run_scoped3A = tpu.sem_alloc : memref<!tpu.dma_semaphore, #tpu.memory_space<semaphore_mem>>
      %dma_start3A = arith.constant 0 : i32
      %dma_start3A_24 = tpu.memref_slice %arg23[%mul3A_0, %dma_start3A] : memref<10112x64xf32, #tpu.memory_space<vmem_shared>> -> memref<632x64xf32, #tpu.memory_space<vmem_shared>>
      tpu.enqueue_dma source(%arg5 : memref<632x64xf32, #tpu.memory_space<hbm>>) target(%dma_start3A_24 : memref<632x64xf32, #tpu.memory_space<vmem_shared>>) target_semaphore(%run_scoped3A : memref<!tpu.dma_semaphore, #tpu.memory_space<semaphore_mem>>)
      %dma_wait3A = arith.constant 0 : i32
      %dma_wait3A_25 = tpu.memref_slice %arg23[%mul3A_0, %dma_wait3A] : memref<10112x64xf32, #tpu.memory_space<vmem_shared>> -> memref<632x64xf32, #tpu.memory_space<vmem_shared>>
      tpu.wait_dma2 semaphore(%run_scoped3A : memref<!tpu.dma_semaphore, #tpu.memory_space<semaphore_mem>>) src(%arg5 : memref<632x64xf32, #tpu.memory_space<hbm>>) dst(%dma_wait3A_25 : memref<632x64xf32, #tpu.memory_space<vmem_shared>>)
      tpu.yield
    }) : () -> ()
    "tpu.region"() ({
      %run_scoped3A = tpu.sem_alloc : memref<!tpu.dma_semaphore, #tpu.memory_space<semaphore_mem>>
      %dma_start3A = arith.constant 0 : i32
      %dma_start3A_24 = tpu.memref_slice %arg24[%mul3A_0, %dma_start3A] : memref<10112x8xf32, #tpu.memory_space<vmem_shared>> -> memref<632x8xf32, #tpu.memory_space<vmem_shared>>
      tpu.enqueue_dma source(%arg6 : memref<632x8xf32, #tpu.memory_space<hbm>>) target(%dma_start3A_24 : memref<632x8xf32, #tpu.memory_space<vmem_shared>>) target_semaphore(%run_scoped3A : memref<!tpu.dma_semaphore, #tpu.memory_space<semaphore_mem>>)
      %dma_wait3A = arith.constant 0 : i32
      %dma_wait3A_25 = tpu.memref_slice %arg24[%mul3A_0, %dma_wait3A] : memref<10112x8xf32, #tpu.memory_space<vmem_shared>> -> memref<632x8xf32, #tpu.memory_space<vmem_shared>>
      tpu.wait_dma2 semaphore(%run_scoped3A : memref<!tpu.dma_semaphore, #tpu.memory_space<semaphore_mem>>) src(%arg6 : memref<632x8xf32, #tpu.memory_space<hbm>>) dst(%dma_wait3A_25 : memref<632x8xf32, #tpu.memory_space<vmem_shared>>)
      tpu.yield
    }) : () -> ()
    %barrier3A = arith.constant 0 : index
    tpu.barrier barrier_id(%barrier3A)
    %scan3A = arith.constant 0 : i32
    %scan3A_1 = arith.constant 0 : i32
    %scan3A_2 = arith.constant 20 : i32
    %scan3A_3 = arith.addi %scan3A_1, %scan3A_2 : i32
    %scan3A_4 = arith.constant 1 : i32
    scf.for %scan3A_24 = %scan3A_1 to %scan3A_3 step %scan3A_4  : i32 {
      %mul3A_25 = arith.constant 4 : i32
      %mul3A_26 = arith.muli %mul3A_25, %scan3A_24 : i32
      %add3A_27 = arith.constant 0 : i32
      %add3A_28 = arith.addi %mul3A_26, %add3A_27 : i32
      %mul3A_29 = arith.constant 16 : i32
      %mul3A_30 = arith.muli %add3A_28, %mul3A_29 : i32
      %add3A_31 = arith.addi %arg1, %mul3A_30 : i32
      %add3A_32 = arith.constant 48 : i32
      %add3A_33 = arith.addi %arg1, %add3A_32 : i32
      %ge3A = arith.cmpi sge, %add3A_31, %add3A_33 : i32
      %sub3A = arith.constant 48 : i32
      %sub3A_34 = arith.subi %add3A_31, %sub3A : i32
      %lt3A_35 = arith.constant 1250 : i32
      %lt3A_36 = arith.cmpi slt, %sub3A_34, %lt3A_35 : i32
      %and3A = arith.andi %ge3A, %lt3A_36 : i1
      %convert_element_type3A_37 = arith.extui %and3A : i1 to i32
      %cond3A_38 = arith.constant 0 : i32
      %cond3A_39 = arith.cmpi ne, %convert_element_type3A_37, %cond3A_38 : i32
      scf.if %cond3A_39 {
        %dma_wait3A = arith.constant 0 : i32
        %dma_wait3A_154 = arith.constant 0 : i32
        %dma_wait3A_155 = arith.constant 0 : i32
        %dma_wait3A_156 = tpu.memref_slice %arg21[%dma_wait3A_154, %dma_wait3A_155] : memref<256x64xf32, #tpu.memory_space<vmem>> -> memref<128x64xf32, #tpu.memory_space<vmem>>
        %dma_wait3A_157 = arith.constant 0 : i32
        %dma_wait3A_158 = tpu.memref_slice %arg15[%dma_wait3A, %dma_wait3A_157] : memref<2x128xi32, #tpu.memory_space<vmem>> -> memref<1x128xi32, #tpu.memory_space<vmem>>
        %dma_wait3A_159 = tpu.memref_squeeze %dma_wait3A_158 : memref<1x128xi32, #tpu.memory_space<vmem>> -> memref<128xi32, #tpu.memory_space<vmem>>
        %dma_wait3A_160 = arith.constant 0 : i32
        %dma_wait3A_161 = arith.constant 0 : i32
        %dma_wait3A_162 = tpu.memref_slice %arg23[%dma_wait3A_160, %dma_wait3A_161] : memref<10112x64xf32, #tpu.memory_space<vmem_shared>> -> memref<10112x64xf32, #tpu.memory_space<vmem_shared>>
        tpu.wait_indirect_dma semaphore(%arg28 : memref<!tpu.dma_semaphore, #tpu.memory_space<semaphore_mem>>) src(%dma_wait3A_156 : memref<128x64xf32, #tpu.memory_space<vmem>>) dst(%dma_wait3A_162 : memref<10112x64xf32, #tpu.memory_space<vmem_shared>>)
        %dma_wait3A_163 = arith.constant 1 : i32
        %dma_wait3A_164 = arith.constant 128 : i32
        %dma_wait3A_165 = arith.constant 0 : i32
        %dma_wait3A_166 = tpu.memref_slice %arg21[%dma_wait3A_164, %dma_wait3A_165] : memref<256x64xf32, #tpu.memory_space<vmem>> -> memref<128x64xf32, #tpu.memory_space<vmem>>
        %dma_wait3A_167 = arith.constant 0 : i32
        %dma_wait3A_168 = tpu.memref_slice %arg15[%dma_wait3A_163, %dma_wait3A_167] : memref<2x128xi32, #tpu.memory_space<vmem>> -> memref<1x128xi32, #tpu.memory_space<vmem>>
        %dma_wait3A_169 = tpu.memref_squeeze %dma_wait3A_168 : memref<1x128xi32, #tpu.memory_space<vmem>> -> memref<128xi32, #tpu.memory_space<vmem>>
        %dma_wait3A_170 = arith.constant 0 : i32
        %dma_wait3A_171 = arith.constant 0 : i32
        %dma_wait3A_172 = tpu.memref_slice %arg23[%dma_wait3A_170, %dma_wait3A_171] : memref<10112x64xf32, #tpu.memory_space<vmem_shared>> -> memref<10112x64xf32, #tpu.memory_space<vmem_shared>>
        tpu.wait_indirect_dma semaphore(%arg28 : memref<!tpu.dma_semaphore, #tpu.memory_space<semaphore_mem>>) src(%dma_wait3A_166 : memref<128x64xf32, #tpu.memory_space<vmem>>) dst(%dma_wait3A_172 : memref<10112x64xf32, #tpu.memory_space<vmem_shared>>)
        %eq3A_173 = arith.constant 0 : i32
        %eq3A_174 = arith.cmpi eq, %arg0, %eq3A_173 : i32
        %convert_element_type3A_175 = arith.extui %eq3A_174 : i1 to i32
        %cond3A_176 = arith.constant 0 : i32
        %cond3A_177 = arith.cmpi ne, %convert_element_type3A_175, %cond3A_176 : i32
        scf.if %cond3A_177 {
          %dma_wait3A_178 = arith.constant 0 : i32
          %dma_wait3A_179 = arith.constant 0 : i32
          %dma_wait3A_180 = tpu.memref_slice %arg15[%dma_wait3A_178, %dma_wait3A_179] : memref<2x128xi32, #tpu.memory_space<vmem>> -> memref<1x128xi32, #tpu.memory_space<vmem>>
          %dma_wait3A_181 = tpu.memref_squeeze %dma_wait3A_180 : memref<1x128xi32, #tpu.memory_space<vmem>> -> memref<128xi32, #tpu.memory_space<vmem>>
          %dma_wait3A_182 = arith.constant 0 : i32
          %dma_wait3A_183 = arith.constant 0 : i32
          %dma_wait3A_184 = tpu.memref_slice %arg24[%dma_wait3A_182, %dma_wait3A_183] : memref<10112x8xf32, #tpu.memory_space<vmem_shared>> -> memref<10112x8xf32, #tpu.memory_space<vmem_shared>>
          tpu.wait_indirect_dma semaphore(%arg28 : memref<!tpu.dma_semaphore, #tpu.memory_space<semaphore_mem>>) src(%arg22 : memref<128x8xf32, #tpu.memory_space<vmem>>) dst(%dma_wait3A_184 : memref<10112x8xf32, #tpu.memory_space<vmem_shared>>)
          %dma_wait3A_185 = arith.constant 1 : i32
          %dma_wait3A_186 = arith.constant 0 : i32
          %dma_wait3A_187 = tpu.memref_slice %arg15[%dma_wait3A_185, %dma_wait3A_186] : memref<2x128xi32, #tpu.memory_space<vmem>> -> memref<1x128xi32, #tpu.memory_space<vmem>>
          %dma_wait3A_188 = tpu.memref_squeeze %dma_wait3A_187 : memref<1x128xi32, #tpu.memory_space<vmem>> -> memref<128xi32, #tpu.memory_space<vmem>>
          %dma_wait3A_189 = arith.constant 0 : i32
          %dma_wait3A_190 = arith.constant 0 : i32
          %dma_wait3A_191 = tpu.memref_slice %arg24[%dma_wait3A_189, %dma_wait3A_190] : memref<10112x8xf32, #tpu.memory_space<vmem_shared>> -> memref<10112x8xf32, #tpu.memory_space<vmem_shared>>
          tpu.wait_indirect_dma semaphore(%arg28 : memref<!tpu.dma_semaphore, #tpu.memory_space<semaphore_mem>>) src(%arg22 : memref<128x8xf32, #tpu.memory_space<vmem>>) dst(%dma_wait3A_191 : memref<10112x8xf32, #tpu.memory_space<vmem_shared>>)
        } else {
        }
      } else {
      }
      %lt3A_40 = arith.constant 1250 : i32
      %lt3A_41 = arith.cmpi slt, %add3A_31, %lt3A_40 : i32
      %convert_element_type3A_42 = arith.extui %lt3A_41 : i1 to i32
      %cond3A_43 = arith.constant 0 : i32
      %cond3A_44 = arith.cmpi ne, %convert_element_type3A_42, %cond3A_43 : i32
      scf.if %cond3A_44 {
        %mul3A_154 = arith.constant 16 : i32
        %mul3A_155 = arith.muli %add3A_28, %mul3A_154 : i32
        %add3A_156 = arith.addi %arg1, %mul3A_155 : i32
        %mul3A_157 = arith.constant 256 : i32
        %mul3A_158 = arith.muli %add3A_156, %mul3A_157 : i32
        %mul3A_159 = arith.constant 2 : i32
        %mul3A_160 = arith.muli %add3A_156, %mul3A_159 : i32
        %scan3A_161 = arith.constant 0 : i32
        %scan3A_162 = arith.constant 0 : i32
        %scan3A_163 = arith.constant 16 : i32
        %scan3A_164 = arith.addi %scan3A_162, %scan3A_163 : i32
        %scan3A_165 = arith.constant 1 : i32
        scf.for %scan3A_194 = %scan3A_162 to %scan3A_164 step %scan3A_165  : i32 {
          %mul3A_195 = arith.constant 16 : i32
          %mul3A_196 = arith.muli %scan3A_194, %mul3A_195 : i32
          %add3A_197 = arith.addi %mul3A_158, %mul3A_196 : i32
          %add3A_198 = vector.broadcast %add3A_197 : i32 to vector<16xi32>
          %add3A_199 = arith.addi %add3A_198, %iota3A : vector<16xi32>
          %mul3A_200 = arith.constant 2 : i32
          %mul3A_201 = vector.broadcast %mul3A_200 : i32 to vector<16xi32>
          %mul3A_202 = arith.muli %mul3A_201, %add3A_199 : vector<16xi32>
          %add3A_203 = vector.broadcast %arg0 : i32 to vector<16xi32>
          %add3A_204 = arith.addi %mul3A_202, %add3A_203 : vector<16xi32>
          %jit3A = arith.constant 8 : i32
          %div3A = arith.divsi %scan3A_194, %jit3A : i32
          %sign3A = arith.constant 0 : i32
          %sign3A_205 = arith.cmpi sgt, %scan3A_194, %sign3A : i32
          %sign3A_206 = arith.extui %sign3A_205 : i1 to i32
          %sign3A_207 = arith.constant 0 : i32
          %sign3A_208 = arith.cmpi slt, %scan3A_194, %sign3A_207 : i32
          %sign3A_209 = arith.extui %sign3A_208 : i1 to i32
          %sign3A_210 = arith.subi %sign3A_206, %sign3A_209 : i32
          %sign3A_211 = arith.constant 0 : i32
          %sign3A_212 = arith.cmpi sgt, %jit3A, %sign3A_211 : i32
          %sign3A_213 = arith.extui %sign3A_212 : i1 to i32
          %sign3A_214 = arith.constant 0 : i32
          %sign3A_215 = arith.cmpi slt, %jit3A, %sign3A_214 : i32
          %sign3A_216 = arith.extui %sign3A_215 : i1 to i32
          %sign3A_217 = arith.subi %sign3A_213, %sign3A_216 : i32
          %ne3A = arith.cmpi ne, %sign3A_210, %sign3A_217 : i32
          %rem3A = arith.remsi %scan3A_194, %jit3A : i32
          %ne3A_218 = arith.constant 0 : i32
          %ne3A_219 = arith.cmpi ne, %rem3A, %ne3A_218 : i32
          %and3A_220 = arith.andi %ne3A, %ne3A_219 : i1
          %sub3A_221 = arith.constant 1 : i32
          %sub3A_222 = arith.subi %div3A, %sub3A_221 : i32
          %select_n3A = arith.select %and3A_220, %sub3A_222, %div3A : i32
          %jit3A_223 = arith.constant 8 : i32
          %eq3A_224 = arith.constant 0 : i32
          %eq3A_225 = arith.cmpi eq, %jit3A_223, %eq3A_224 : i32
          %jit3A_226 = arith.constant 1 : i32
          %select_n3A_227 = arith.select %eq3A_225, %jit3A_226, %jit3A_223 : i32
          %rem3A_228 = arith.remsi %scan3A_194, %select_n3A_227 : i32
          %ne3A_229 = arith.constant 0 : i32
          %ne3A_230 = arith.cmpi ne, %rem3A_228, %ne3A_229 : i32
          %lt3A_231 = arith.constant 0 : i32
          %lt3A_232 = arith.cmpi slt, %rem3A_228, %lt3A_231 : i32
          %lt3A_233 = arith.constant 0 : i32
          %lt3A_234 = arith.cmpi slt, %select_n3A_227, %lt3A_233 : i32
          %ne3A_235 = arith.xori %lt3A_232, %lt3A_234 : i1
          %and3A_236 = arith.andi %ne3A_235, %ne3A_230 : i1
          %add3A_237 = arith.addi %rem3A_228, %select_n3A_227 : i32
          %select_n3A_238 = arith.select %and3A_236, %add3A_237, %rem3A_228 : i32
          %mul3A_239 = arith.constant 16 : i32
          %mul3A_240 = arith.muli %select_n3A_238, %mul3A_239 : i32
          %swap3A = arith.index_cast %select_n3A : i32 to index
          %swap3A_241 = arith.index_cast %mul3A_240 : i32 to index
          %swap3A_242 = tpu.vector_load %arg12[%swap3A, %swap3A_241] {strides = array<i32>} : memref<2x128xi32, #tpu.memory_space<vmem>>, vector<1x16xi32>,
          %swap3A_243 = vector.shape_cast %swap3A_242 : vector<1x16xi32> to vector<16xi32>
          %swap3A_244 = vector.shape_cast %add3A_204 : vector<16xi32> to vector<1x16xi32>
          tpu.vector_store %arg12[%swap3A, %swap3A_241], %swap3A_244 {strides = array<i32>} : memref<2x128xi32, #tpu.memory_space<vmem>>, vector<1x16xi32>,
        }
        %scan3A_166 = arith.constant 16 : i32
        %dma_start3A = arith.constant 0 : i32
        %dma_start3A_167 = tpu.memref_slice %arg3[%mul3A_160, %dma_start3A] : memref<2500x128xi32, #tpu.memory_space<hbm>> -> memref<2x128xi32, #tpu.memory_space<hbm>>
        %dma_start3A_168 = arith.constant 0 : i32
        %dma_start3A_169 = tpu.memref_slice %arg3[%mul3A_160, %dma_start3A_168] : memref<2500x128xi32, #tpu.memory_space<hbm>> -> memref<2x128xi32, #tpu.memory_space<hbm>>
        tpu.enqueue_dma source(%dma_start3A_169 : memref<2x128xi32, #tpu.memory_space<hbm>>) target(%arg14 : memref<2x128xi32, #tpu.memory_space<vmem>>) target_semaphore(%arg25 : memref<!tpu.dma_semaphore, #tpu.memory_space<semaphore_mem>>)
        %dma_start3A_170 = arith.constant 0 : i32
        %dma_start3A_171 = tpu.memref_slice %arg4[%mul3A_160, %dma_start3A_170] : memref<2500x128xf32, #tpu.memory_space<hbm>> -> memref<2x128xf32, #tpu.memory_space<hbm>>
        %dma_start3A_172 = arith.constant 0 : i32
        %dma_start3A_173 = tpu.memref_slice %arg4[%mul3A_160, %dma_start3A_172] : memref<2500x128xf32, #tpu.memory_space<hbm>> -> memref<2x128xf32, #tpu.memory_space<hbm>>
        tpu.enqueue_dma source(%dma_start3A_173 : memref<2x128xf32, #tpu.memory_space<hbm>>) target(%arg18 : memref<2x128xf32, #tpu.memory_space<vmem>>) target_semaphore(%arg25 : memref<!tpu.dma_semaphore, #tpu.memory_space<semaphore_mem>>)
        %dma_start3A_174 = arith.constant 0 : i32
        %dma_start3A_175 = arith.constant 0 : i32
        %dma_start3A_176 = arith.constant 0 : i32
        %dma_start3A_177 = tpu.memref_slice %arg10[%dma_start3A_175, %dma_start3A_176] : memref<256x64xf32, #tpu.memory_space<vmem>> -> memref<128x64xf32, #tpu.memory_space<vmem>>
        %dma_start3A_178 = arith.constant 0 : i32
        %dma_start3A_179 = tpu.memref_slice %arg12[%dma_start3A_174, %dma_start3A_178] : memref<2x128xi32, #tpu.memory_space<vmem>> -> memref<1x128xi32, #tpu.memory_space<vmem>>
        %dma_start3A_180 = tpu.memref_squeeze %dma_start3A_179 : memref<1x128xi32, #tpu.memory_space<vmem>> -> memref<128xi32, #tpu.memory_space<vmem>>
        %dma_start3A_181 = arith.constant 0 : i32
        %dma_start3A_182 = arith.constant 0 : i32
        %dma_start3A_183 = tpu.memref_slice %arg2[%dma_start3A_181, %dma_start3A_182] : memref<640000x64xf32, #tpu.memory_space<hbm>> -> memref<640000x64xf32, #tpu.memory_space<hbm>>
        tpu.enqueue_indirect_dma source(%dma_start3A_183 : memref<640000x64xf32, #tpu.memory_space<hbm>>) target(%dma_start3A_177 : memref<128x64xf32, #tpu.memory_space<vmem>>) offsets(%dma_start3A_180 : memref<128xi32, #tpu.memory_space<vmem>>) semaphore(%arg25 : memref<!tpu.dma_semaphore, #tpu.memory_space<semaphore_mem>>)
        %dma_start3A_184 = arith.constant 1 : i32
        %dma_start3A_185 = arith.constant 128 : i32
        %dma_start3A_186 = arith.constant 0 : i32
        %dma_start3A_187 = tpu.memref_slice %arg10[%dma_start3A_185, %dma_start3A_186] : memref<256x64xf32, #tpu.memory_space<vmem>> -> memref<128x64xf32, #tpu.memory_space<vmem>>
        %dma_start3A_188 = arith.constant 0 : i32
        %dma_start3A_189 = tpu.memref_slice %arg12[%dma_start3A_184, %dma_start3A_188] : memref<2x128xi32, #tpu.memory_space<vmem>> -> memref<1x128xi32, #tpu.memory_space<vmem>>
        %dma_start3A_190 = tpu.memref_squeeze %dma_start3A_189 : memref<1x128xi32, #tpu.memory_space<vmem>> -> memref<128xi32, #tpu.memory_space<vmem>>
        %dma_start3A_191 = arith.constant 0 : i32
        %dma_start3A_192 = arith.constant 0 : i32
        %dma_start3A_193 = tpu.memref_slice %arg2[%dma_start3A_191, %dma_start3A_192] : memref<640000x64xf32, #tpu.memory_space<hbm>> -> memref<640000x64xf32, #tpu.memory_space<hbm>>
        tpu.enqueue_indirect_dma source(%dma_start3A_193 : memref<640000x64xf32, #tpu.memory_space<hbm>>) target(%dma_start3A_187 : memref<128x64xf32, #tpu.memory_space<vmem>>) offsets(%dma_start3A_190 : memref<128xi32, #tpu.memory_space<vmem>>) semaphore(%arg25 : memref<!tpu.dma_semaphore, #tpu.memory_space<semaphore_mem>>)
      } else {
      }
      %ge3A_45 = arith.constant 1 : i32
      %ge3A_46 = arith.cmpi sge, %add3A_28, %ge3A_45 : i32
      %sub3A_47 = arith.constant 16 : i32
      %sub3A_48 = arith.subi %add3A_31, %sub3A_47 : i32
      %lt3A_49 = arith.constant 1250 : i32
      %lt3A_50 = arith.cmpi slt, %sub3A_48, %lt3A_49 : i32
      %and3A_51 = arith.andi %ge3A_46, %lt3A_50 : i1
      %convert_element_type3A_52 = arith.extui %and3A_51 : i1 to i32
      %cond3A_53 = arith.constant 0 : i32
      %cond3A_54 = arith.cmpi ne, %convert_element_type3A_52, %cond3A_53 : i32
      scf.if %cond3A_54 {
        %sub3A_154 = arith.constant 1 : i32
        %sub3A_155 = arith.subi %add3A_28, %sub3A_154 : i32
        %mul3A_156 = arith.constant 16 : i32
        %mul3A_157 = arith.muli %sub3A_155, %mul3A_156 : i32
        %add3A_158 = arith.addi %arg1, %mul3A_157 : i32
        %mul3A_159 = arith.constant 2 : i32
        %mul3A_160 = arith.muli %add3A_158, %mul3A_159 : i32
        %dma_wait3A = arith.constant 0 : i32
        %dma_wait3A_161 = tpu.memref_slice %arg3[%mul3A_160, %dma_wait3A] : memref<2500x128xi32, #tpu.memory_space<hbm>> -> memref<2x128xi32, #tpu.memory_space<hbm>>
        %dma_wait3A_162 = arith.constant 0 : i32
        %dma_wait3A_163 = tpu.memref_slice %arg3[%mul3A_160, %dma_wait3A_162] : memref<2500x128xi32, #tpu.memory_space<hbm>> -> memref<2x128xi32, #tpu.memory_space<hbm>>
        tpu.wait_dma2 semaphore(%arg26 : memref<!tpu.dma_semaphore, #tpu.memory_space<semaphore_mem>>) src(%dma_wait3A_163 : memref<2x128xi32, #tpu.memory_space<hbm>>) dst(%arg17 : memref<2x128xi32, #tpu.memory_space<vmem>>)
        %dma_wait3A_164 = arith.constant 0 : i32
        %dma_wait3A_165 = tpu.memref_slice %arg4[%mul3A_160, %dma_wait3A_164] : memref<2500x128xf32, #tpu.memory_space<hbm>> -> memref<2x128xf32, #tpu.memory_space<hbm>>
        %dma_wait3A_166 = arith.constant 0 : i32
        %dma_wait3A_167 = tpu.memref_slice %arg4[%mul3A_160, %dma_wait3A_166] : memref<2500x128xf32, #tpu.memory_space<hbm>> -> memref<2x128xf32, #tpu.memory_space<hbm>>
        tpu.wait_dma2 semaphore(%arg26 : memref<!tpu.dma_semaphore, #tpu.memory_space<semaphore_mem>>) src(%dma_wait3A_167 : memref<2x128xf32, #tpu.memory_space<hbm>>) dst(%arg19 : memref<2x128xf32, #tpu.memory_space<vmem>>)
        %dma_wait3A_168 = arith.constant 0 : i32
        %dma_wait3A_169 = arith.constant 0 : i32
        %dma_wait3A_170 = arith.constant 0 : i32
        %dma_wait3A_171 = tpu.memref_slice %arg11[%dma_wait3A_169, %dma_wait3A_170] : memref<256x64xf32, #tpu.memory_space<vmem>> -> memref<128x64xf32, #tpu.memory_space<vmem>>
        %dma_wait3A_172 = arith.constant 0 : i32
        %dma_wait3A_173 = tpu.memref_slice %arg13[%dma_wait3A_168, %dma_wait3A_172] : memref<2x128xi32, #tpu.memory_space<vmem>> -> memref<1x128xi32, #tpu.memory_space<vmem>>
        %dma_wait3A_174 = tpu.memref_squeeze %dma_wait3A_173 : memref<1x128xi32, #tpu.memory_space<vmem>> -> memref<128xi32, #tpu.memory_space<vmem>>
        %dma_wait3A_175 = arith.constant 0 : i32
        %dma_wait3A_176 = arith.constant 0 : i32
        %dma_wait3A_177 = tpu.memref_slice %arg2[%dma_wait3A_175, %dma_wait3A_176] : memref<640000x64xf32, #tpu.memory_space<hbm>> -> memref<640000x64xf32, #tpu.memory_space<hbm>>
        tpu.wait_indirect_dma semaphore(%arg26 : memref<!tpu.dma_semaphore, #tpu.memory_space<semaphore_mem>>) src(%dma_wait3A_177 : memref<640000x64xf32, #tpu.memory_space<hbm>>) dst(%dma_wait3A_171 : memref<128x64xf32, #tpu.memory_space<vmem>>)
        %dma_wait3A_178 = arith.constant 1 : i32
        %dma_wait3A_179 = arith.constant 128 : i32
        %dma_wait3A_180 = arith.constant 0 : i32
        %dma_wait3A_181 = tpu.memref_slice %arg11[%dma_wait3A_179, %dma_wait3A_180] : memref<256x64xf32, #tpu.memory_space<vmem>> -> memref<128x64xf32, #tpu.memory_space<vmem>>
        %dma_wait3A_182 = arith.constant 0 : i32
        %dma_wait3A_183 = tpu.memref_slice %arg13[%dma_wait3A_178, %dma_wait3A_182] : memref<2x128xi32, #tpu.memory_space<vmem>> -> memref<1x128xi32, #tpu.memory_space<vmem>>
        %dma_wait3A_184 = tpu.memref_squeeze %dma_wait3A_183 : memref<1x128xi32, #tpu.memory_space<vmem>> -> memref<128xi32, #tpu.memory_space<vmem>>
        %dma_wait3A_185 = arith.constant 0 : i32
        %dma_wait3A_186 = arith.constant 0 : i32
        %dma_wait3A_187 = tpu.memref_slice %arg2[%dma_wait3A_185, %dma_wait3A_186] : memref<640000x64xf32, #tpu.memory_space<hbm>> -> memref<640000x64xf32, #tpu.memory_space<hbm>>
        tpu.wait_indirect_dma semaphore(%arg26 : memref<!tpu.dma_semaphore, #tpu.memory_space<semaphore_mem>>) src(%dma_wait3A_187 : memref<640000x64xf32, #tpu.memory_space<hbm>>) dst(%dma_wait3A_181 : memref<128x64xf32, #tpu.memory_space<vmem>>)
        %scan3A_188 = arith.constant 0 : i32
        %scan3A_189 = arith.constant 0 : i32
        %scan3A_190 = arith.constant 16 : i32
        %scan3A_191 = arith.addi %scan3A_189, %scan3A_190 : i32
        %scan3A_192 = arith.constant 1 : i32
        scf.for %scan3A_218 = %scan3A_189 to %scan3A_191 step %scan3A_192  : i32 {
          %jit3A = arith.constant 8 : i32
          %div3A = arith.divsi %scan3A_218, %jit3A : i32
          %sign3A = arith.constant 0 : i32
          %sign3A_219 = arith.cmpi sgt, %scan3A_218, %sign3A : i32
          %sign3A_220 = arith.extui %sign3A_219 : i1 to i32
          %sign3A_221 = arith.constant 0 : i32
          %sign3A_222 = arith.cmpi slt, %scan3A_218, %sign3A_221 : i32
          %sign3A_223 = arith.extui %sign3A_222 : i1 to i32
          %sign3A_224 = arith.subi %sign3A_220, %sign3A_223 : i32
          %sign3A_225 = arith.constant 0 : i32
          %sign3A_226 = arith.cmpi sgt, %jit3A, %sign3A_225 : i32
          %sign3A_227 = arith.extui %sign3A_226 : i1 to i32
          %sign3A_228 = arith.constant 0 : i32
          %sign3A_229 = arith.cmpi slt, %jit3A, %sign3A_228 : i32
          %sign3A_230 = arith.extui %sign3A_229 : i1 to i32
          %sign3A_231 = arith.subi %sign3A_227, %sign3A_230 : i32
          %ne3A = arith.cmpi ne, %sign3A_224, %sign3A_231 : i32
          %rem3A = arith.remsi %scan3A_218, %jit3A : i32
          %ne3A_232 = arith.constant 0 : i32
          %ne3A_233 = arith.cmpi ne, %rem3A, %ne3A_232 : i32
          %and3A_234 = arith.andi %ne3A, %ne3A_233 : i1
          %sub3A_235 = arith.constant 1 : i32
          %sub3A_236 = arith.subi %div3A, %sub3A_235 : i32
          %select_n3A = arith.select %and3A_234, %sub3A_236, %div3A : i32
          %jit3A_237 = arith.constant 8 : i32
          %eq3A_238 = arith.constant 0 : i32
          %eq3A_239 = arith.cmpi eq, %jit3A_237, %eq3A_238 : i32
          %jit3A_240 = arith.constant 1 : i32
          %select_n3A_241 = arith.select %eq3A_239, %jit3A_240, %jit3A_237 : i32
          %rem3A_242 = arith.remsi %scan3A_218, %select_n3A_241 : i32
          %ne3A_243 = arith.constant 0 : i32
          %ne3A_244 = arith.cmpi ne, %rem3A_242, %ne3A_243 : i32
          %lt3A_245 = arith.constant 0 : i32
          %lt3A_246 = arith.cmpi slt, %rem3A_242, %lt3A_245 : i32
          %lt3A_247 = arith.constant 0 : i32
          %lt3A_248 = arith.cmpi slt, %select_n3A_241, %lt3A_247 : i32
          %ne3A_249 = arith.xori %lt3A_246, %lt3A_248 : i1
          %and3A_250 = arith.andi %ne3A_249, %ne3A_244 : i1
          %add3A_251 = arith.addi %rem3A_242, %select_n3A_241 : i32
          %select_n3A_252 = arith.select %and3A_250, %add3A_251, %rem3A_242 : i32
          %mul3A_253 = arith.constant 16 : i32
          %mul3A_254 = arith.muli %select_n3A_252, %mul3A_253 : i32
          %get3A = arith.index_cast %select_n3A : i32 to index
          %get3A_255 = arith.index_cast %mul3A_254 : i32 to index
          %get3A_256 = tpu.vector_load %arg19[%get3A, %get3A_255] {strides = array<i32>} : memref<2x128xf32, #tpu.memory_space<vmem>>, vector<1x16xf32>,
          %get3A_257 = vector.shape_cast %get3A_256 : vector<1x16xf32> to vector<16xf32>
          %mul3A_258 = arith.constant 16 : i32
          %mul3A_259 = arith.muli %scan3A_218, %mul3A_258 : i32
          %add3A_260 = arith.constant 0 : i32
          %add3A_261 = arith.addi %mul3A_259, %add3A_260 : i32
          %add3A_262 = arith.constant 1 : i32
          %add3A_263 = arith.addi %add3A_261, %add3A_262 : i32
          %slice3A = vector.extract_strided_slice %get3A_257 {offsets = [0], sizes = [1], strides = [1]} : vector<16xf32> to vector<1xf32>
          %squeeze3A = vector.extract %slice3A[0] : f32 from vector<1xf32>
          %slice3A_264 = vector.extract_strided_slice %get3A_257 {offsets = [1], sizes = [1], strides = [1]} : vector<16xf32> to vector<1xf32>
          %squeeze3A_265 = vector.extract %slice3A_264[0] : f32 from vector<1xf32>
          %get3A_266 = arith.index_cast %add3A_261 : i32 to index
          %get3A_267 = arith.constant 0 : index
          %get3A_268 = tpu.vector_load %arg11[%get3A_266, %get3A_267] {strides = array<i32>} : memref<256x64xf32, #tpu.memory_space<vmem>>, vector<1x16xf32>,
          %get3A_269 = vector.shape_cast %get3A_268 : vector<1x16xf32> to vector<16xf32>
          %get3A_270 = arith.index_cast %add3A_261 : i32 to index
          %get3A_271 = arith.constant 16 : index
          %get3A_272 = tpu.vector_load %arg11[%get3A_270, %get3A_271] {strides = array<i32>} : memref<256x64xf32, #tpu.memory_space<vmem>>, vector<1x16xf32>,
          %get3A_273 = vector.shape_cast %get3A_272 : vector<1x16xf32> to vector<16xf32>
          %get3A_274 = arith.index_cast %add3A_261 : i32 to index
          %get3A_275 = arith.constant 32 : index
          %get3A_276 = tpu.vector_load %arg11[%get3A_274, %get3A_275] {strides = array<i32>} : memref<256x64xf32, #tpu.memory_space<vmem>>, vector<1x16xf32>,
          %get3A_277 = vector.shape_cast %get3A_276 : vector<1x16xf32> to vector<16xf32>
          %get3A_278 = arith.index_cast %add3A_261 : i32 to index
          %get3A_279 = arith.constant 48 : index
          %get3A_280 = tpu.vector_load %arg11[%get3A_278, %get3A_279] {strides = array<i32>} : memref<256x64xf32, #tpu.memory_space<vmem>>, vector<1x16xf32>,
          %get3A_281 = vector.shape_cast %get3A_280 : vector<1x16xf32> to vector<16xf32>
          %get3A_282 = arith.index_cast %add3A_263 : i32 to index
          %get3A_283 = arith.constant 0 : index
          %get3A_284 = tpu.vector_load %arg11[%get3A_282, %get3A_283] {strides = array<i32>} : memref<256x64xf32, #tpu.memory_space<vmem>>, vector<1x16xf32>,
          %get3A_285 = vector.shape_cast %get3A_284 : vector<1x16xf32> to vector<16xf32>
          %get3A_286 = arith.index_cast %add3A_263 : i32 to index
          %get3A_287 = arith.constant 16 : index
          %get3A_288 = tpu.vector_load %arg11[%get3A_286, %get3A_287] {strides = array<i32>} : memref<256x64xf32, #tpu.memory_space<vmem>>, vector<1x16xf32>,
          %get3A_289 = vector.shape_cast %get3A_288 : vector<1x16xf32> to vector<16xf32>
          %get3A_290 = arith.index_cast %add3A_263 : i32 to index
          %get3A_291 = arith.constant 32 : index
          %get3A_292 = tpu.vector_load %arg11[%get3A_290, %get3A_291] {strides = array<i32>} : memref<256x64xf32, #tpu.memory_space<vmem>>, vector<1x16xf32>,
          %get3A_293 = vector.shape_cast %get3A_292 : vector<1x16xf32> to vector<16xf32>
          %get3A_294 = arith.index_cast %add3A_263 : i32 to index
          %get3A_295 = arith.constant 48 : index
          %get3A_296 = tpu.vector_load %arg11[%get3A_294, %get3A_295] {strides = array<i32>} : memref<256x64xf32, #tpu.memory_space<vmem>>, vector<1x16xf32>,
          %get3A_297 = vector.shape_cast %get3A_296 : vector<1x16xf32> to vector<16xf32>
          %mul3A_298 = vector.broadcast %squeeze3A : f32 to vector<16xf32>
          %mul3A_299 = arith.mulf %get3A_269, %mul3A_298 : vector<16xf32>
          %swap3A = arith.index_cast %add3A_261 : i32 to index
          %swap3A_300 = arith.constant 0 : index
          %swap3A_301 = tpu.vector_load %arg21[%swap3A, %swap3A_300] {strides = array<i32>} : memref<256x64xf32, #tpu.memory_space<vmem>>, vector<1x16xf32>,
          %swap3A_302 = vector.shape_cast %swap3A_301 : vector<1x16xf32> to vector<16xf32>
          %swap3A_303 = vector.shape_cast %mul3A_299 : vector<16xf32> to vector<1x16xf32>
          tpu.vector_store %arg21[%swap3A, %swap3A_300], %swap3A_303 {strides = array<i32>} : memref<256x64xf32, #tpu.memory_space<vmem>>, vector<1x16xf32>,
          %mul3A_304 = vector.broadcast %squeeze3A : f32 to vector<16xf32>
          %mul3A_305 = arith.mulf %get3A_273, %mul3A_304 : vector<16xf32>
          %swap3A_306 = arith.index_cast %add3A_261 : i32 to index
          %swap3A_307 = arith.constant 16 : index
          %swap3A_308 = tpu.vector_load %arg21[%swap3A_306, %swap3A_307] {strides = array<i32>} : memref<256x64xf32, #tpu.memory_space<vmem>>, vector<1x16xf32>,
          %swap3A_309 = vector.shape_cast %swap3A_308 : vector<1x16xf32> to vector<16xf32>
          %swap3A_310 = vector.shape_cast %mul3A_305 : vector<16xf32> to vector<1x16xf32>
          tpu.vector_store %arg21[%swap3A_306, %swap3A_307], %swap3A_310 {strides = array<i32>} : memref<256x64xf32, #tpu.memory_space<vmem>>, vector<1x16xf32>,
          %mul3A_311 = vector.broadcast %squeeze3A : f32 to vector<16xf32>
          %mul3A_312 = arith.mulf %get3A_277, %mul3A_311 : vector<16xf32>
          %swap3A_313 = arith.index_cast %add3A_261 : i32 to index
          %swap3A_314 = arith.constant 32 : index
          %swap3A_315 = tpu.vector_load %arg21[%swap3A_313, %swap3A_314] {strides = array<i32>} : memref<256x64xf32, #tpu.memory_space<vmem>>, vector<1x16xf32>,
          %swap3A_316 = vector.shape_cast %swap3A_315 : vector<1x16xf32> to vector<16xf32>
          %swap3A_317 = vector.shape_cast %mul3A_312 : vector<16xf32> to vector<1x16xf32>
          tpu.vector_store %arg21[%swap3A_313, %swap3A_314], %swap3A_317 {strides = array<i32>} : memref<256x64xf32, #tpu.memory_space<vmem>>, vector<1x16xf32>,
          %mul3A_318 = vector.broadcast %squeeze3A : f32 to vector<16xf32>
          %mul3A_319 = arith.mulf %get3A_281, %mul3A_318 : vector<16xf32>
          %swap3A_320 = arith.index_cast %add3A_261 : i32 to index
          %swap3A_321 = arith.constant 48 : index
          %swap3A_322 = tpu.vector_load %arg21[%swap3A_320, %swap3A_321] {strides = array<i32>} : memref<256x64xf32, #tpu.memory_space<vmem>>, vector<1x16xf32>,
          %swap3A_323 = vector.shape_cast %swap3A_322 : vector<1x16xf32> to vector<16xf32>
          %swap3A_324 = vector.shape_cast %mul3A_319 : vector<16xf32> to vector<1x16xf32>
          tpu.vector_store %arg21[%swap3A_320, %swap3A_321], %swap3A_324 {strides = array<i32>} : memref<256x64xf32, #tpu.memory_space<vmem>>, vector<1x16xf32>,
          %mul3A_325 = vector.broadcast %squeeze3A_265 : f32 to vector<16xf32>
          %mul3A_326 = arith.mulf %get3A_285, %mul3A_325 : vector<16xf32>
          %swap3A_327 = arith.index_cast %add3A_263 : i32 to index
          %swap3A_328 = arith.constant 0 : index
          %swap3A_329 = tpu.vector_load %arg21[%swap3A_327, %swap3A_328] {strides = array<i32>} : memref<256x64xf32, #tpu.memory_space<vmem>>, vector<1x16xf32>,
          %swap3A_330 = vector.shape_cast %swap3A_329 : vector<1x16xf32> to vector<16xf32>
          %swap3A_331 = vector.shape_cast %mul3A_326 : vector<16xf32> to vector<1x16xf32>
          tpu.vector_store %arg21[%swap3A_327, %swap3A_328], %swap3A_331 {strides = array<i32>} : memref<256x64xf32, #tpu.memory_space<vmem>>, vector<1x16xf32>,
          %mul3A_332 = vector.broadcast %squeeze3A_265 : f32 to vector<16xf32>
          %mul3A_333 = arith.mulf %get3A_289, %mul3A_332 : vector<16xf32>
          %swap3A_334 = arith.index_cast %add3A_263 : i32 to index
          %swap3A_335 = arith.constant 16 : index
          %swap3A_336 = tpu.vector_load %arg21[%swap3A_334, %swap3A_335] {strides = array<i32>} : memref<256x64xf32, #tpu.memory_space<vmem>>, vector<1x16xf32>,
          %swap3A_337 = vector.shape_cast %swap3A_336 : vector<1x16xf32> to vector<16xf32>
          %swap3A_338 = vector.shape_cast %mul3A_333 : vector<16xf32> to vector<1x16xf32>
          tpu.vector_store %arg21[%swap3A_334, %swap3A_335], %swap3A_338 {strides = array<i32>} : memref<256x64xf32, #tpu.memory_space<vmem>>, vector<1x16xf32>,
          %mul3A_339 = vector.broadcast %squeeze3A_265 : f32 to vector<16xf32>
          %mul3A_340 = arith.mulf %get3A_293, %mul3A_339 : vector<16xf32>
          %swap3A_341 = arith.index_cast %add3A_263 : i32 to index
          %swap3A_342 = arith.constant 32 : index
          %swap3A_343 = tpu.vector_load %arg21[%swap3A_341, %swap3A_342] {strides = array<i32>} : memref<256x64xf32, #tpu.memory_space<vmem>>, vector<1x16xf32>,
          %swap3A_344 = vector.shape_cast %swap3A_343 : vector<1x16xf32> to vector<16xf32>
          %swap3A_345 = vector.shape_cast %mul3A_340 : vector<16xf32> to vector<1x16xf32>
          tpu.vector_store %arg21[%swap3A_341, %swap3A_342], %swap3A_345 {strides = array<i32>} : memref<256x64xf32, #tpu.memory_space<vmem>>, vector<1x16xf32>,
          %mul3A_346 = vector.broadcast %squeeze3A_265 : f32 to vector<16xf32>
          %mul3A_347 = arith.mulf %get3A_297, %mul3A_346 : vector<16xf32>
          %swap3A_348 = arith.index_cast %add3A_263 : i32 to index
          %swap3A_349 = arith.constant 48 : index
          %swap3A_350 = tpu.vector_load %arg21[%swap3A_348, %swap3A_349] {strides = array<i32>} : memref<256x64xf32, #tpu.memory_space<vmem>>, vector<1x16xf32>,
          %swap3A_351 = vector.shape_cast %swap3A_350 : vector<1x16xf32> to vector<16xf32>
          %swap3A_352 = vector.shape_cast %mul3A_347 : vector<16xf32> to vector<1x16xf32>
          tpu.vector_store %arg21[%swap3A_348, %swap3A_349], %swap3A_352 {strides = array<i32>} : memref<256x64xf32, #tpu.memory_space<vmem>>, vector<1x16xf32>,
          %mul3A_353 = arith.constant 16 : i32
          %mul3A_354 = arith.muli %scan3A_218, %mul3A_353 : i32
          %add3A_355 = arith.constant 2 : i32
          %add3A_356 = arith.addi %mul3A_354, %add3A_355 : i32
          %add3A_357 = arith.constant 1 : i32
          %add3A_358 = arith.addi %add3A_356, %add3A_357 : i32
          %slice3A_359 = vector.extract_strided_slice %get3A_257 {offsets = [2], sizes = [1], strides = [1]} : vector<16xf32> to vector<1xf32>
          %squeeze3A_360 = vector.extract %slice3A_359[0] : f32 from vector<1xf32>
          %slice3A_361 = vector.extract_strided_slice %get3A_257 {offsets = [3], sizes = [1], strides = [1]} : vector<16xf32> to vector<1xf32>
          %squeeze3A_362 = vector.extract %slice3A_361[0] : f32 from vector<1xf32>
          %get3A_363 = arith.index_cast %add3A_356 : i32 to index
          %get3A_364 = arith.constant 0 : index
          %get3A_365 = tpu.vector_load %arg11[%get3A_363, %get3A_364] {strides = array<i32>} : memref<256x64xf32, #tpu.memory_space<vmem>>, vector<1x16xf32>,
          %get3A_366 = vector.shape_cast %get3A_365 : vector<1x16xf32> to vector<16xf32>
          %get3A_367 = arith.index_cast %add3A_356 : i32 to index
          %get3A_368 = arith.constant 16 : index
          %get3A_369 = tpu.vector_load %arg11[%get3A_367, %get3A_368] {strides = array<i32>} : memref<256x64xf32, #tpu.memory_space<vmem>>, vector<1x16xf32>,
          %get3A_370 = vector.shape_cast %get3A_369 : vector<1x16xf32> to vector<16xf32>
          %get3A_371 = arith.index_cast %add3A_356 : i32 to index
          %get3A_372 = arith.constant 32 : index
          %get3A_373 = tpu.vector_load %arg11[%get3A_371, %get3A_372] {strides = array<i32>} : memref<256x64xf32, #tpu.memory_space<vmem>>, vector<1x16xf32>,
          %get3A_374 = vector.shape_cast %get3A_373 : vector<1x16xf32> to vector<16xf32>
          %get3A_375 = arith.index_cast %add3A_356 : i32 to index
          %get3A_376 = arith.constant 48 : index
          %get3A_377 = tpu.vector_load %arg11[%get3A_375, %get3A_376] {strides = array<i32>} : memref<256x64xf32, #tpu.memory_space<vmem>>, vector<1x16xf32>,
          %get3A_378 = vector.shape_cast %get3A_377 : vector<1x16xf32> to vector<16xf32>
          %get3A_379 = arith.index_cast %add3A_358 : i32 to index
          %get3A_380 = arith.constant 0 : index
          %get3A_381 = tpu.vector_load %arg11[%get3A_379, %get3A_380] {strides = array<i32>} : memref<256x64xf32, #tpu.memory_space<vmem>>, vector<1x16xf32>,
          %get3A_382 = vector.shape_cast %get3A_381 : vector<1x16xf32> to vector<16xf32>
          %get3A_383 = arith.index_cast %add3A_358 : i32 to index
          %get3A_384 = arith.constant 16 : index
          %get3A_385 = tpu.vector_load %arg11[%get3A_383, %get3A_384] {strides = array<i32>} : memref<256x64xf32, #tpu.memory_space<vmem>>, vector<1x16xf32>,
          %get3A_386 = vector.shape_cast %get3A_385 : vector<1x16xf32> to vector<16xf32>
          %get3A_387 = arith.index_cast %add3A_358 : i32 to index
          %get3A_388 = arith.constant 32 : index
          %get3A_389 = tpu.vector_load %arg11[%get3A_387, %get3A_388] {strides = array<i32>} : memref<256x64xf32, #tpu.memory_space<vmem>>, vector<1x16xf32>,
          %get3A_390 = vector.shape_cast %get3A_389 : vector<1x16xf32> to vector<16xf32>
          %get3A_391 = arith.index_cast %add3A_358 : i32 to index
          %get3A_392 = arith.constant 48 : index
          %get3A_393 = tpu.vector_load %arg11[%get3A_391, %get3A_392] {strides = array<i32>} : memref<256x64xf32, #tpu.memory_space<vmem>>, vector<1x16xf32>,
          %get3A_394 = vector.shape_cast %get3A_393 : vector<1x16xf32> to vector<16xf32>
          %mul3A_395 = vector.broadcast %squeeze3A_360 : f32 to vector<16xf32>
          %mul3A_396 = arith.mulf %get3A_366, %mul3A_395 : vector<16xf32>
          %swap3A_397 = arith.index_cast %add3A_356 : i32 to index
          %swap3A_398 = arith.constant 0 : index
          %swap3A_399 = tpu.vector_load %arg21[%swap3A_397, %swap3A_398] {strides = array<i32>} : memref<256x64xf32, #tpu.memory_space<vmem>>, vector<1x16xf32>,
          %swap3A_400 = vector.shape_cast %swap3A_399 : vector<1x16xf32> to vector<16xf32>
          %swap3A_401 = vector.shape_cast %mul3A_396 : vector<16xf32> to vector<1x16xf32>
          tpu.vector_store %arg21[%swap3A_397, %swap3A_398], %swap3A_401 {strides = array<i32>} : memref<256x64xf32, #tpu.memory_space<vmem>>, vector<1x16xf32>,
          %mul3A_402 = vector.broadcast %squeeze3A_360 : f32 to vector<16xf32>
          %mul3A_403 = arith.mulf %get3A_370, %mul3A_402 : vector<16xf32>
          %swap3A_404 = arith.index_cast %add3A_356 : i32 to index
          %swap3A_405 = arith.constant 16 : index
          %swap3A_406 = tpu.vector_load %arg21[%swap3A_404, %swap3A_405] {strides = array<i32>} : memref<256x64xf32, #tpu.memory_space<vmem>>, vector<1x16xf32>,
          %swap3A_407 = vector.shape_cast %swap3A_406 : vector<1x16xf32> to vector<16xf32>
          %swap3A_408 = vector.shape_cast %mul3A_403 : vector<16xf32> to vector<1x16xf32>
          tpu.vector_store %arg21[%swap3A_404, %swap3A_405], %swap3A_408 {strides = array<i32>} : memref<256x64xf32, #tpu.memory_space<vmem>>, vector<1x16xf32>,
          %mul3A_409 = vector.broadcast %squeeze3A_360 : f32 to vector<16xf32>
          %mul3A_410 = arith.mulf %get3A_374, %mul3A_409 : vector<16xf32>
          %swap3A_411 = arith.index_cast %add3A_356 : i32 to index
          %swap3A_412 = arith.constant 32 : index
          %swap3A_413 = tpu.vector_load %arg21[%swap3A_411, %swap3A_412] {strides = array<i32>} : memref<256x64xf32, #tpu.memory_space<vmem>>, vector<1x16xf32>,
          %swap3A_414 = vector.shape_cast %swap3A_413 : vector<1x16xf32> to vector<16xf32>
          %swap3A_415 = vector.shape_cast %mul3A_410 : vector<16xf32> to vector<1x16xf32>
          tpu.vector_store %arg21[%swap3A_411, %swap3A_412], %swap3A_415 {strides = array<i32>} : memref<256x64xf32, #tpu.memory_space<vmem>>, vector<1x16xf32>,
          %mul3A_416 = vector.broadcast %squeeze3A_360 : f32 to vector<16xf32>
          %mul3A_417 = arith.mulf %get3A_378, %mul3A_416 : vector<16xf32>
          %swap3A_418 = arith.index_cast %add3A_356 : i32 to index
          %swap3A_419 = arith.constant 48 : index
          %swap3A_420 = tpu.vector_load %arg21[%swap3A_418, %swap3A_419] {strides = array<i32>} : memref<256x64xf32, #tpu.memory_space<vmem>>, vector<1x16xf32>,
          %swap3A_421 = vector.shape_cast %swap3A_420 : vector<1x16xf32> to vector<16xf32>
          %swap3A_422 = vector.shape_cast %mul3A_417 : vector<16xf32> to vector<1x16xf32>
          tpu.vector_store %arg21[%swap3A_418, %swap3A_419], %swap3A_422 {strides = array<i32>} : memref<256x64xf32, #tpu.memory_space<vmem>>, vector<1x16xf32>,
          %mul3A_423 = vector.broadcast %squeeze3A_362 : f32 to vector<16xf32>
          %mul3A_424 = arith.mulf %get3A_382, %mul3A_423 : vector<16xf32>
          %swap3A_425 = arith.index_cast %add3A_358 : i32 to index
          %swap3A_426 = arith.constant 0 : index
          %swap3A_427 = tpu.vector_load %arg21[%swap3A_425, %swap3A_426] {strides = array<i32>} : memref<256x64xf32, #tpu.memory_space<vmem>>, vector<1x16xf32>,
          %swap3A_428 = vector.shape_cast %swap3A_427 : vector<1x16xf32> to vector<16xf32>
          %swap3A_429 = vector.shape_cast %mul3A_424 : vector<16xf32> to vector<1x16xf32>
          tpu.vector_store %arg21[%swap3A_425, %swap3A_426], %swap3A_429 {strides = array<i32>} : memref<256x64xf32, #tpu.memory_space<vmem>>, vector<1x16xf32>,
          %mul3A_430 = vector.broadcast %squeeze3A_362 : f32 to vector<16xf32>
          %mul3A_431 = arith.mulf %get3A_386, %mul3A_430 : vector<16xf32>
          %swap3A_432 = arith.index_cast %add3A_358 : i32 to index
          %swap3A_433 = arith.constant 16 : index
          %swap3A_434 = tpu.vector_load %arg21[%swap3A_432, %swap3A_433] {strides = array<i32>} : memref<256x64xf32, #tpu.memory_space<vmem>>, vector<1x16xf32>,
          %swap3A_435 = vector.shape_cast %swap3A_434 : vector<1x16xf32> to vector<16xf32>
          %swap3A_436 = vector.shape_cast %mul3A_431 : vector<16xf32> to vector<1x16xf32>
          tpu.vector_store %arg21[%swap3A_432, %swap3A_433], %swap3A_436 {strides = array<i32>} : memref<256x64xf32, #tpu.memory_space<vmem>>, vector<1x16xf32>,
          %mul3A_437 = vector.broadcast %squeeze3A_362 : f32 to vector<16xf32>
          %mul3A_438 = arith.mulf %get3A_390, %mul3A_437 : vector<16xf32>
          %swap3A_439 = arith.index_cast %add3A_358 : i32 to index
          %swap3A_440 = arith.constant 32 : index
          %swap3A_441 = tpu.vector_load %arg21[%swap3A_439, %swap3A_440] {strides = array<i32>} : memref<256x64xf32, #tpu.memory_space<vmem>>, vector<1x16xf32>,
          %swap3A_442 = vector.shape_cast %swap3A_441 : vector<1x16xf32> to vector<16xf32>
          %swap3A_443 = vector.shape_cast %mul3A_438 : vector<16xf32> to vector<1x16xf32>
          tpu.vector_store %arg21[%swap3A_439, %swap3A_440], %swap3A_443 {strides = array<i32>} : memref<256x64xf32, #tpu.memory_space<vmem>>, vector<1x16xf32>,
          %mul3A_444 = vector.broadcast %squeeze3A_362 : f32 to vector<16xf32>
          %mul3A_445 = arith.mulf %get3A_394, %mul3A_444 : vector<16xf32>
          %swap3A_446 = arith.index_cast %add3A_358 : i32 to index
          %swap3A_447 = arith.constant 48 : index
          %swap3A_448 = tpu.vector_load %arg21[%swap3A_446, %swap3A_447] {strides = array<i32>} : memref<256x64xf32, #tpu.memory_space<vmem>>, vector<1x16xf32>,
          %swap3A_449 = vector.shape_cast %swap3A_448 : vector<1x16xf32> to vector<16xf32>
          %swap3A_450 = vector.shape_cast %mul3A_445 : vector<16xf32> to vector<1x16xf32>
          tpu.vector_store %arg21[%swap3A_446, %swap3A_447], %swap3A_450 {strides = array<i32>} : memref<256x64xf32, #tpu.memory_space<vmem>>, vector<1x16xf32>,
          %mul3A_451 = arith.constant 16 : i32
          %mul3A_452 = arith.muli %scan3A_218, %mul3A_451 : i32
          %add3A_453 = arith.constant 4 : i32
          %add3A_454 = arith.addi %mul3A_452, %add3A_453 : i32
          %add3A_455 = arith.constant 1 : i32
          %add3A_456 = arith.addi %add3A_454, %add3A_455 : i32
          %slice3A_457 = vector.extract_strided_slice %get3A_257 {offsets = [4], sizes = [1], strides = [1]} : vector<16xf32> to vector<1xf32>
          %squeeze3A_458 = vector.extract %slice3A_457[0] : f32 from vector<1xf32>
          %slice3A_459 = vector.extract_strided_slice %get3A_257 {offsets = [5], sizes = [1], strides = [1]} : vector<16xf32> to vector<1xf32>
          %squeeze3A_460 = vector.extract %slice3A_459[0] : f32 from vector<1xf32>
          %get3A_461 = arith.index_cast %add3A_454 : i32 to index
          %get3A_462 = arith.constant 0 : index
          %get3A_463 = tpu.vector_load %arg11[%get3A_461, %get3A_462] {strides = array<i32>} : memref<256x64xf32, #tpu.memory_space<vmem>>, vector<1x16xf32>,
          %get3A_464 = vector.shape_cast %get3A_463 : vector<1x16xf32> to vector<16xf32>
          %get3A_465 = arith.index_cast %add3A_454 : i32 to index
          %get3A_466 = arith.constant 16 : index
          %get3A_467 = tpu.vector_load %arg11[%get3A_465, %get3A_466] {strides = array<i32>} : memref<256x64xf32, #tpu.memory_space<vmem>>, vector<1x16xf32>,
          %get3A_468 = vector.shape_cast %get3A_467 : vector<1x16xf32> to vector<16xf32>
          %get3A_469 = arith.index_cast %add3A_454 : i32 to index
          %get3A_470 = arith.constant 32 : index
          %get3A_471 = tpu.vector_load %arg11[%get3A_469, %get3A_470] {strides = array<i32>} : memref<256x64xf32, #tpu.memory_space<vmem>>, vector<1x16xf32>,
          %get3A_472 = vector.shape_cast %get3A_471 : vector<1x16xf32> to vector<16xf32>
          %get3A_473 = arith.index_cast %add3A_454 : i32 to index
          %get3A_474 = arith.constant 48 : index
          %get3A_475 = tpu.vector_load %arg11[%get3A_473, %get3A_474] {strides = array<i32>} : memref<256x64xf32, #tpu.memory_space<vmem>>, vector<1x16xf32>,
          %get3A_476 = vector.shape_cast %get3A_475 : vector<1x16xf32> to vector<16xf32>
          %get3A_477 = arith.index_cast %add3A_456 : i32 to index
          %get3A_478 = arith.constant 0 : index
          %get3A_479 = tpu.vector_load %arg11[%get3A_477, %get3A_478] {strides = array<i32>} : memref<256x64xf32, #tpu.memory_space<vmem>>, vector<1x16xf32>,
          %get3A_480 = vector.shape_cast %get3A_479 : vector<1x16xf32> to vector<16xf32>
          %get3A_481 = arith.index_cast %add3A_456 : i32 to index
          %get3A_482 = arith.constant 16 : index
          %get3A_483 = tpu.vector_load %arg11[%get3A_481, %get3A_482] {strides = array<i32>} : memref<256x64xf32, #tpu.memory_space<vmem>>, vector<1x16xf32>,
          %get3A_484 = vector.shape_cast %get3A_483 : vector<1x16xf32> to vector<16xf32>
          %get3A_485 = arith.index_cast %add3A_456 : i32 to index
          %get3A_486 = arith.constant 32 : index
          %get3A_487 = tpu.vector_load %arg11[%get3A_485, %get3A_486] {strides = array<i32>} : memref<256x64xf32, #tpu.memory_space<vmem>>, vector<1x16xf32>,
          %get3A_488 = vector.shape_cast %get3A_487 : vector<1x16xf32> to vector<16xf32>
          %get3A_489 = arith.index_cast %add3A_456 : i32 to index
          %get3A_490 = arith.constant 48 : index
          %get3A_491 = tpu.vector_load %arg11[%get3A_489, %get3A_490] {strides = array<i32>} : memref<256x64xf32, #tpu.memory_space<vmem>>, vector<1x16xf32>,
          %get3A_492 = vector.shape_cast %get3A_491 : vector<1x16xf32> to vector<16xf32>
          %mul3A_493 = vector.broadcast %squeeze3A_458 : f32 to vector<16xf32>
          %mul3A_494 = arith.mulf %get3A_464, %mul3A_493 : vector<16xf32>
          %swap3A_495 = arith.index_cast %add3A_454 : i32 to index
          %swap3A_496 = arith.constant 0 : index
          %swap3A_497 = tpu.vector_load %arg21[%swap3A_495, %swap3A_496] {strides = array<i32>} : memref<256x64xf32, #tpu.memory_space<vmem>>, vector<1x16xf32>,
          %swap3A_498 = vector.shape_cast %swap3A_497 : vector<1x16xf32> to vector<16xf32>
          %swap3A_499 = vector.shape_cast %mul3A_494 : vector<16xf32> to vector<1x16xf32>
          tpu.vector_store %arg21[%swap3A_495, %swap3A_496], %swap3A_499 {strides = array<i32>} : memref<256x64xf32, #tpu.memory_space<vmem>>, vector<1x16xf32>,
          %mul3A_500 = vector.broadcast %squeeze3A_458 : f32 to vector<16xf32>
          %mul3A_501 = arith.mulf %get3A_468, %mul3A_500 : vector<16xf32>
          %swap3A_502 = arith.index_cast %add3A_454 : i32 to index
          %swap3A_503 = arith.constant 16 : index
          %swap3A_504 = tpu.vector_load %arg21[%swap3A_502, %swap3A_503] {strides = array<i32>} : memref<256x64xf32, #tpu.memory_space<vmem>>, vector<1x16xf32>,
          %swap3A_505 = vector.shape_cast %swap3A_504 : vector<1x16xf32> to vector<16xf32>
          %swap3A_506 = vector.shape_cast %mul3A_501 : vector<16xf32> to vector<1x16xf32>
          tpu.vector_store %arg21[%swap3A_502, %swap3A_503], %swap3A_506 {strides = array<i32>} : memref<256x64xf32, #tpu.memory_space<vmem>>, vector<1x16xf32>,
          %mul3A_507 = vector.broadcast %squeeze3A_458 : f32 to vector<16xf32>
          %mul3A_508 = arith.mulf %get3A_472, %mul3A_507 : vector<16xf32>
          %swap3A_509 = arith.index_cast %add3A_454 : i32 to index
          %swap3A_510 = arith.constant 32 : index
          %swap3A_511 = tpu.vector_load %arg21[%swap3A_509, %swap3A_510] {strides = array<i32>} : memref<256x64xf32, #tpu.memory_space<vmem>>, vector<1x16xf32>,
          %swap3A_512 = vector.shape_cast %swap3A_511 : vector<1x16xf32> to vector<16xf32>
          %swap3A_513 = vector.shape_cast %mul3A_508 : vector<16xf32> to vector<1x16xf32>
          tpu.vector_store %arg21[%swap3A_509, %swap3A_510], %swap3A_513 {strides = array<i32>} : memref<256x64xf32, #tpu.memory_space<vmem>>, vector<1x16xf32>,
          %mul3A_514 = vector.broadcast %squeeze3A_458 : f32 to vector<16xf32>
          %mul3A_515 = arith.mulf %get3A_476, %mul3A_514 : vector<16xf32>
          %swap3A_516 = arith.index_cast %add3A_454 : i32 to index
          %swap3A_517 = arith.constant 48 : index
          %swap3A_518 = tpu.vector_load %arg21[%swap3A_516, %swap3A_517] {strides = array<i32>} : memref<256x64xf32, #tpu.memory_space<vmem>>, vector<1x16xf32>,
          %swap3A_519 = vector.shape_cast %swap3A_518 : vector<1x16xf32> to vector<16xf32>
          %swap3A_520 = vector.shape_cast %mul3A_515 : vector<16xf32> to vector<1x16xf32>
          tpu.vector_store %arg21[%swap3A_516, %swap3A_517], %swap3A_520 {strides = array<i32>} : memref<256x64xf32, #tpu.memory_space<vmem>>, vector<1x16xf32>,
          %mul3A_521 = vector.broadcast %squeeze3A_460 : f32 to vector<16xf32>
          %mul3A_522 = arith.mulf %get3A_480, %mul3A_521 : vector<16xf32>
          %swap3A_523 = arith.index_cast %add3A_456 : i32 to index
          %swap3A_524 = arith.constant 0 : index
          %swap3A_525 = tpu.vector_load %arg21[%swap3A_523, %swap3A_524] {strides = array<i32>} : memref<256x64xf32, #tpu.memory_space<vmem>>, vector<1x16xf32>,
          %swap3A_526 = vector.shape_cast %swap3A_525 : vector<1x16xf32> to vector<16xf32>
          %swap3A_527 = vector.shape_cast %mul3A_522 : vector<16xf32> to vector<1x16xf32>
          tpu.vector_store %arg21[%swap3A_523, %swap3A_524], %swap3A_527 {strides = array<i32>} : memref<256x64xf32, #tpu.memory_space<vmem>>, vector<1x16xf32>,
          %mul3A_528 = vector.broadcast %squeeze3A_460 : f32 to vector<16xf32>
          %mul3A_529 = arith.mulf %get3A_484, %mul3A_528 : vector<16xf32>
          %swap3A_530 = arith.index_cast %add3A_456 : i32 to index
          %swap3A_531 = arith.constant 16 : index
          %swap3A_532 = tpu.vector_load %arg21[%swap3A_530, %swap3A_531] {strides = array<i32>} : memref<256x64xf32, #tpu.memory_space<vmem>>, vector<1x16xf32>,
          %swap3A_533 = vector.shape_cast %swap3A_532 : vector<1x16xf32> to vector<16xf32>
          %swap3A_534 = vector.shape_cast %mul3A_529 : vector<16xf32> to vector<1x16xf32>
          tpu.vector_store %arg21[%swap3A_530, %swap3A_531], %swap3A_534 {strides = array<i32>} : memref<256x64xf32, #tpu.memory_space<vmem>>, vector<1x16xf32>,
          %mul3A_535 = vector.broadcast %squeeze3A_460 : f32 to vector<16xf32>
          %mul3A_536 = arith.mulf %get3A_488, %mul3A_535 : vector<16xf32>
          %swap3A_537 = arith.index_cast %add3A_456 : i32 to index
          %swap3A_538 = arith.constant 32 : index
          %swap3A_539 = tpu.vector_load %arg21[%swap3A_537, %swap3A_538] {strides = array<i32>} : memref<256x64xf32, #tpu.memory_space<vmem>>, vector<1x16xf32>,
          %swap3A_540 = vector.shape_cast %swap3A_539 : vector<1x16xf32> to vector<16xf32>
          %swap3A_541 = vector.shape_cast %mul3A_536 : vector<16xf32> to vector<1x16xf32>
          tpu.vector_store %arg21[%swap3A_537, %swap3A_538], %swap3A_541 {strides = array<i32>} : memref<256x64xf32, #tpu.memory_space<vmem>>, vector<1x16xf32>,
          %mul3A_542 = vector.broadcast %squeeze3A_460 : f32 to vector<16xf32>
          %mul3A_543 = arith.mulf %get3A_492, %mul3A_542 : vector<16xf32>
          %swap3A_544 = arith.index_cast %add3A_456 : i32 to index
          %swap3A_545 = arith.constant 48 : index
          %swap3A_546 = tpu.vector_load %arg21[%swap3A_544, %swap3A_545] {strides = array<i32>} : memref<256x64xf32, #tpu.memory_space<vmem>>, vector<1x16xf32>,
          %swap3A_547 = vector.shape_cast %swap3A_546 : vector<1x16xf32> to vector<16xf32>
          %swap3A_548 = vector.shape_cast %mul3A_543 : vector<16xf32> to vector<1x16xf32>
          tpu.vector_store %arg21[%swap3A_544, %swap3A_545], %swap3A_548 {strides = array<i32>} : memref<256x64xf32, #tpu.memory_space<vmem>>, vector<1x16xf32>,
          %mul3A_549 = arith.constant 16 : i32
          %mul3A_550 = arith.muli %scan3A_218, %mul3A_549 : i32
          %add3A_551 = arith.constant 6 : i32
          %add3A_552 = arith.addi %mul3A_550, %add3A_551 : i32
          %add3A_553 = arith.constant 1 : i32
          %add3A_554 = arith.addi %add3A_552, %add3A_553 : i32
          %slice3A_555 = vector.extract_strided_slice %get3A_257 {offsets = [6], sizes = [1], strides = [1]} : vector<16xf32> to vector<1xf32>
          %squeeze3A_556 = vector.extract %slice3A_555[0] : f32 from vector<1xf32>
          %slice3A_557 = vector.extract_strided_slice %get3A_257 {offsets = [7], sizes = [1], strides = [1]} : vector<16xf32> to vector<1xf32>
          %squeeze3A_558 = vector.extract %slice3A_557[0] : f32 from vector<1xf32>
          %get3A_559 = arith.index_cast %add3A_552 : i32 to index
          %get3A_560 = arith.constant 0 : index
          %get3A_561 = tpu.vector_load %arg11[%get3A_559, %get3A_560] {strides = array<i32>} : memref<256x64xf32, #tpu.memory_space<vmem>>, vector<1x16xf32>,
          %get3A_562 = vector.shape_cast %get3A_561 : vector<1x16xf32> to vector<16xf32>
          %get3A_563 = arith.index_cast %add3A_552 : i32 to index
          %get3A_564 = arith.constant 16 : index
          %get3A_565 = tpu.vector_load %arg11[%get3A_563, %get3A_564] {strides = array<i32>} : memref<256x64xf32, #tpu.memory_space<vmem>>, vector<1x16xf32>,
          %get3A_566 = vector.shape_cast %get3A_565 : vector<1x16xf32> to vector<16xf32>
          %get3A_567 = arith.index_cast %add3A_552 : i32 to index
          %get3A_568 = arith.constant 32 : index
          %get3A_569 = tpu.vector_load %arg11[%get3A_567, %get3A_568] {strides = array<i32>} : memref<256x64xf32, #tpu.memory_space<vmem>>, vector<1x16xf32>,
          %get3A_570 = vector.shape_cast %get3A_569 : vector<1x16xf32> to vector<16xf32>
          %get3A_571 = arith.index_cast %add3A_552 : i32 to index
          %get3A_572 = arith.constant 48 : index
          %get3A_573 = tpu.vector_load %arg11[%get3A_571, %get3A_572] {strides = array<i32>} : memref<256x64xf32, #tpu.memory_space<vmem>>, vector<1x16xf32>,
          %get3A_574 = vector.shape_cast %get3A_573 : vector<1x16xf32> to vector<16xf32>
          %get3A_575 = arith.index_cast %add3A_554 : i32 to index
          %get3A_576 = arith.constant 0 : index
          %get3A_577 = tpu.vector_load %arg11[%get3A_575, %get3A_576] {strides = array<i32>} : memref<256x64xf32, #tpu.memory_space<vmem>>, vector<1x16xf32>,
          %get3A_578 = vector.shape_cast %get3A_577 : vector<1x16xf32> to vector<16xf32>
          %get3A_579 = arith.index_cast %add3A_554 : i32 to index
          %get3A_580 = arith.constant 16 : index
          %get3A_581 = tpu.vector_load %arg11[%get3A_579, %get3A_580] {strides = array<i32>} : memref<256x64xf32, #tpu.memory_space<vmem>>, vector<1x16xf32>,
          %get3A_582 = vector.shape_cast %get3A_581 : vector<1x16xf32> to vector<16xf32>
          %get3A_583 = arith.index_cast %add3A_554 : i32 to index
          %get3A_584 = arith.constant 32 : index
          %get3A_585 = tpu.vector_load %arg11[%get3A_583, %get3A_584] {strides = array<i32>} : memref<256x64xf32, #tpu.memory_space<vmem>>, vector<1x16xf32>,
          %get3A_586 = vector.shape_cast %get3A_585 : vector<1x16xf32> to vector<16xf32>
          %get3A_587 = arith.index_cast %add3A_554 : i32 to index
          %get3A_588 = arith.constant 48 : index
          %get3A_589 = tpu.vector_load %arg11[%get3A_587, %get3A_588] {strides = array<i32>} : memref<256x64xf32, #tpu.memory_space<vmem>>, vector<1x16xf32>,
          %get3A_590 = vector.shape_cast %get3A_589 : vector<1x16xf32> to vector<16xf32>
          %mul3A_591 = vector.broadcast %squeeze3A_556 : f32 to vector<16xf32>
          %mul3A_592 = arith.mulf %get3A_562, %mul3A_591 : vector<16xf32>
          %swap3A_593 = arith.index_cast %add3A_552 : i32 to index
          %swap3A_594 = arith.constant 0 : index
          %swap3A_595 = tpu.vector_load %arg21[%swap3A_593, %swap3A_594] {strides = array<i32>} : memref<256x64xf32, #tpu.memory_space<vmem>>, vector<1x16xf32>,
          %swap3A_596 = vector.shape_cast %swap3A_595 : vector<1x16xf32> to vector<16xf32>
          %swap3A_597 = vector.shape_cast %mul3A_592 : vector<16xf32> to vector<1x16xf32>
          tpu.vector_store %arg21[%swap3A_593, %swap3A_594], %swap3A_597 {strides = array<i32>} : memref<256x64xf32, #tpu.memory_space<vmem>>, vector<1x16xf32>,
          %mul3A_598 = vector.broadcast %squeeze3A_556 : f32 to vector<16xf32>
          %mul3A_599 = arith.mulf %get3A_566, %mul3A_598 : vector<16xf32>
          %swap3A_600 = arith.index_cast %add3A_552 : i32 to index
          %swap3A_601 = arith.constant 16 : index
          %swap3A_602 = tpu.vector_load %arg21[%swap3A_600, %swap3A_601] {strides = array<i32>} : memref<256x64xf32, #tpu.memory_space<vmem>>, vector<1x16xf32>,
          %swap3A_603 = vector.shape_cast %swap3A_602 : vector<1x16xf32> to vector<16xf32>
          %swap3A_604 = vector.shape_cast %mul3A_599 : vector<16xf32> to vector<1x16xf32>
          tpu.vector_store %arg21[%swap3A_600, %swap3A_601], %swap3A_604 {strides = array<i32>} : memref<256x64xf32, #tpu.memory_space<vmem>>, vector<1x16xf32>,
          %mul3A_605 = vector.broadcast %squeeze3A_556 : f32 to vector<16xf32>
          %mul3A_606 = arith.mulf %get3A_570, %mul3A_605 : vector<16xf32>
          %swap3A_607 = arith.index_cast %add3A_552 : i32 to index
          %swap3A_608 = arith.constant 32 : index
          %swap3A_609 = tpu.vector_load %arg21[%swap3A_607, %swap3A_608] {strides = array<i32>} : memref<256x64xf32, #tpu.memory_space<vmem>>, vector<1x16xf32>,
          %swap3A_610 = vector.shape_cast %swap3A_609 : vector<1x16xf32> to vector<16xf32>
          %swap3A_611 = vector.shape_cast %mul3A_606 : vector<16xf32> to vector<1x16xf32>
          tpu.vector_store %arg21[%swap3A_607, %swap3A_608], %swap3A_611 {strides = array<i32>} : memref<256x64xf32, #tpu.memory_space<vmem>>, vector<1x16xf32>,
          %mul3A_612 = vector.broadcast %squeeze3A_556 : f32 to vector<16xf32>
          %mul3A_613 = arith.mulf %get3A_574, %mul3A_612 : vector<16xf32>
          %swap3A_614 = arith.index_cast %add3A_552 : i32 to index
          %swap3A_615 = arith.constant 48 : index
          %swap3A_616 = tpu.vector_load %arg21[%swap3A_614, %swap3A_615] {strides = array<i32>} : memref<256x64xf32, #tpu.memory_space<vmem>>, vector<1x16xf32>,
          %swap3A_617 = vector.shape_cast %swap3A_616 : vector<1x16xf32> to vector<16xf32>
          %swap3A_618 = vector.shape_cast %mul3A_613 : vector<16xf32> to vector<1x16xf32>
          tpu.vector_store %arg21[%swap3A_614, %swap3A_615], %swap3A_618 {strides = array<i32>} : memref<256x64xf32, #tpu.memory_space<vmem>>, vector<1x16xf32>,
          %mul3A_619 = vector.broadcast %squeeze3A_558 : f32 to vector<16xf32>
          %mul3A_620 = arith.mulf %get3A_578, %mul3A_619 : vector<16xf32>
          %swap3A_621 = arith.index_cast %add3A_554 : i32 to index
          %swap3A_622 = arith.constant 0 : index
          %swap3A_623 = tpu.vector_load %arg21[%swap3A_621, %swap3A_622] {strides = array<i32>} : memref<256x64xf32, #tpu.memory_space<vmem>>, vector<1x16xf32>,
          %swap3A_624 = vector.shape_cast %swap3A_623 : vector<1x16xf32> to vector<16xf32>
          %swap3A_625 = vector.shape_cast %mul3A_620 : vector<16xf32> to vector<1x16xf32>
          tpu.vector_store %arg21[%swap3A_621, %swap3A_622], %swap3A_625 {strides = array<i32>} : memref<256x64xf32, #tpu.memory_space<vmem>>, vector<1x16xf32>,
          %mul3A_626 = vector.broadcast %squeeze3A_558 : f32 to vector<16xf32>
          %mul3A_627 = arith.mulf %get3A_582, %mul3A_626 : vector<16xf32>
          %swap3A_628 = arith.index_cast %add3A_554 : i32 to index
          %swap3A_629 = arith.constant 16 : index
          %swap3A_630 = tpu.vector_load %arg21[%swap3A_628, %swap3A_629] {strides = array<i32>} : memref<256x64xf32, #tpu.memory_space<vmem>>, vector<1x16xf32>,
          %swap3A_631 = vector.shape_cast %swap3A_630 : vector<1x16xf32> to vector<16xf32>
          %swap3A_632 = vector.shape_cast %mul3A_627 : vector<16xf32> to vector<1x16xf32>
          tpu.vector_store %arg21[%swap3A_628, %swap3A_629], %swap3A_632 {strides = array<i32>} : memref<256x64xf32, #tpu.memory_space<vmem>>, vector<1x16xf32>,
          %mul3A_633 = vector.broadcast %squeeze3A_558 : f32 to vector<16xf32>
          %mul3A_634 = arith.mulf %get3A_586, %mul3A_633 : vector<16xf32>
          %swap3A_635 = arith.index_cast %add3A_554 : i32 to index
          %swap3A_636 = arith.constant 32 : index
          %swap3A_637 = tpu.vector_load %arg21[%swap3A_635, %swap3A_636] {strides = array<i32>} : memref<256x64xf32, #tpu.memory_space<vmem>>, vector<1x16xf32>,
          %swap3A_638 = vector.shape_cast %swap3A_637 : vector<1x16xf32> to vector<16xf32>
          %swap3A_639 = vector.shape_cast %mul3A_634 : vector<16xf32> to vector<1x16xf32>
          tpu.vector_store %arg21[%swap3A_635, %swap3A_636], %swap3A_639 {strides = array<i32>} : memref<256x64xf32, #tpu.memory_space<vmem>>, vector<1x16xf32>,
          %mul3A_640 = vector.broadcast %squeeze3A_558 : f32 to vector<16xf32>
          %mul3A_641 = arith.mulf %get3A_590, %mul3A_640 : vector<16xf32>
          %swap3A_642 = arith.index_cast %add3A_554 : i32 to index
          %swap3A_643 = arith.constant 48 : index
          %swap3A_644 = tpu.vector_load %arg21[%swap3A_642, %swap3A_643] {strides = array<i32>} : memref<256x64xf32, #tpu.memory_space<vmem>>, vector<1x16xf32>,
          %swap3A_645 = vector.shape_cast %swap3A_644 : vector<1x16xf32> to vector<16xf32>
          %swap3A_646 = vector.shape_cast %mul3A_641 : vector<16xf32> to vector<1x16xf32>
          tpu.vector_store %arg21[%swap3A_642, %swap3A_643], %swap3A_646 {strides = array<i32>} : memref<256x64xf32, #tpu.memory_space<vmem>>, vector<1x16xf32>,
          %mul3A_647 = arith.constant 16 : i32
          %mul3A_648 = arith.muli %scan3A_218, %mul3A_647 : i32
          %add3A_649 = arith.constant 8 : i32
          %add3A_650 = arith.addi %mul3A_648, %add3A_649 : i32
          %add3A_651 = arith.constant 1 : i32
          %add3A_652 = arith.addi %add3A_650, %add3A_651 : i32
          %slice3A_653 = vector.extract_strided_slice %get3A_257 {offsets = [8], sizes = [1], strides = [1]} : vector<16xf32> to vector<1xf32>
          %squeeze3A_654 = vector.extract %slice3A_653[0] : f32 from vector<1xf32>
          %slice3A_655 = vector.extract_strided_slice %get3A_257 {offsets = [9], sizes = [1], strides = [1]} : vector<16xf32> to vector<1xf32>
          %squeeze3A_656 = vector.extract %slice3A_655[0] : f32 from vector<1xf32>
          %get3A_657 = arith.index_cast %add3A_650 : i32 to index
          %get3A_658 = arith.constant 0 : index
          %get3A_659 = tpu.vector_load %arg11[%get3A_657, %get3A_658] {strides = array<i32>} : memref<256x64xf32, #tpu.memory_space<vmem>>, vector<1x16xf32>,
          %get3A_660 = vector.shape_cast %get3A_659 : vector<1x16xf32> to vector<16xf32>
          %get3A_661 = arith.index_cast %add3A_650 : i32 to index
          %get3A_662 = arith.constant 16 : index
          %get3A_663 = tpu.vector_load %arg11[%get3A_661, %get3A_662] {strides = array<i32>} : memref<256x64xf32, #tpu.memory_space<vmem>>, vector<1x16xf32>,
          %get3A_664 = vector.shape_cast %get3A_663 : vector<1x16xf32> to vector<16xf32>
          %get3A_665 = arith.index_cast %add3A_650 : i32 to index
          %get3A_666 = arith.constant 32 : index
          %get3A_667 = tpu.vector_load %arg11[%get3A_665, %get3A_666] {strides = array<i32>} : memref<256x64xf32, #tpu.memory_space<vmem>>, vector<1x16xf32>,
          %get3A_668 = vector.shape_cast %get3A_667 : vector<1x16xf32> to vector<16xf32>
          %get3A_669 = arith.index_cast %add3A_650 : i32 to index
          %get3A_670 = arith.constant 48 : index
          %get3A_671 = tpu.vector_load %arg11[%get3A_669, %get3A_670] {strides = array<i32>} : memref<256x64xf32, #tpu.memory_space<vmem>>, vector<1x16xf32>,
          %get3A_672 = vector.shape_cast %get3A_671 : vector<1x16xf32> to vector<16xf32>
          %get3A_673 = arith.index_cast %add3A_652 : i32 to index
          %get3A_674 = arith.constant 0 : index
          %get3A_675 = tpu.vector_load %arg11[%get3A_673, %get3A_674] {strides = array<i32>} : memref<256x64xf32, #tpu.memory_space<vmem>>, vector<1x16xf32>,
          %get3A_676 = vector.shape_cast %get3A_675 : vector<1x16xf32> to vector<16xf32>
          %get3A_677 = arith.index_cast %add3A_652 : i32 to index
          %get3A_678 = arith.constant 16 : index
          %get3A_679 = tpu.vector_load %arg11[%get3A_677, %get3A_678] {strides = array<i32>} : memref<256x64xf32, #tpu.memory_space<vmem>>, vector<1x16xf32>,
          %get3A_680 = vector.shape_cast %get3A_679 : vector<1x16xf32> to vector<16xf32>
          %get3A_681 = arith.index_cast %add3A_652 : i32 to index
          %get3A_682 = arith.constant 32 : index
          %get3A_683 = tpu.vector_load %arg11[%get3A_681, %get3A_682] {strides = array<i32>} : memref<256x64xf32, #tpu.memory_space<vmem>>, vector<1x16xf32>,
          %get3A_684 = vector.shape_cast %get3A_683 : vector<1x16xf32> to vector<16xf32>
          %get3A_685 = arith.index_cast %add3A_652 : i32 to index
          %get3A_686 = arith.constant 48 : index
          %get3A_687 = tpu.vector_load %arg11[%get3A_685, %get3A_686] {strides = array<i32>} : memref<256x64xf32, #tpu.memory_space<vmem>>, vector<1x16xf32>,
          %get3A_688 = vector.shape_cast %get3A_687 : vector<1x16xf32> to vector<16xf32>
          %mul3A_689 = vector.broadcast %squeeze3A_654 : f32 to vector<16xf32>
          %mul3A_690 = arith.mulf %get3A_660, %mul3A_689 : vector<16xf32>
          %swap3A_691 = arith.index_cast %add3A_650 : i32 to index
          %swap3A_692 = arith.constant 0 : index
          %swap3A_693 = tpu.vector_load %arg21[%swap3A_691, %swap3A_692] {strides = array<i32>} : memref<256x64xf32, #tpu.memory_space<vmem>>, vector<1x16xf32>,
          %swap3A_694 = vector.shape_cast %swap3A_693 : vector<1x16xf32> to vector<16xf32>
          %swap3A_695 = vector.shape_cast %mul3A_690 : vector<16xf32> to vector<1x16xf32>
          tpu.vector_store %arg21[%swap3A_691, %swap3A_692], %swap3A_695 {strides = array<i32>} : memref<256x64xf32, #tpu.memory_space<vmem>>, vector<1x16xf32>,
          %mul3A_696 = vector.broadcast %squeeze3A_654 : f32 to vector<16xf32>
          %mul3A_697 = arith.mulf %get3A_664, %mul3A_696 : vector<16xf32>
          %swap3A_698 = arith.index_cast %add3A_650 : i32 to index
          %swap3A_699 = arith.constant 16 : index
          %swap3A_700 = tpu.vector_load %arg21[%swap3A_698, %swap3A_699] {strides = array<i32>} : memref<256x64xf32, #tpu.memory_space<vmem>>, vector<1x16xf32>,
          %swap3A_701 = vector.shape_cast %swap3A_700 : vector<1x16xf32> to vector<16xf32>
          %swap3A_702 = vector.shape_cast %mul3A_697 : vector<16xf32> to vector<1x16xf32>
          tpu.vector_store %arg21[%swap3A_698, %swap3A_699], %swap3A_702 {strides = array<i32>} : memref<256x64xf32, #tpu.memory_space<vmem>>, vector<1x16xf32>,
          %mul3A_703 = vector.broadcast %squeeze3A_654 : f32 to vector<16xf32>
          %mul3A_704 = arith.mulf %get3A_668, %mul3A_703 : vector<16xf32>
          %swap3A_705 = arith.index_cast %add3A_650 : i32 to index
          %swap3A_706 = arith.constant 32 : index
          %swap3A_707 = tpu.vector_load %arg21[%swap3A_705, %swap3A_706] {strides = array<i32>} : memref<256x64xf32, #tpu.memory_space<vmem>>, vector<1x16xf32>,
          %swap3A_708 = vector.shape_cast %swap3A_707 : vector<1x16xf32> to vector<16xf32>
          %swap3A_709 = vector.shape_cast %mul3A_704 : vector<16xf32> to vector<1x16xf32>
          tpu.vector_store %arg21[%swap3A_705, %swap3A_706], %swap3A_709 {strides = array<i32>} : memref<256x64xf32, #tpu.memory_space<vmem>>, vector<1x16xf32>,
          %mul3A_710 = vector.broadcast %squeeze3A_654 : f32 to vector<16xf32>
          %mul3A_711 = arith.mulf %get3A_672, %mul3A_710 : vector<16xf32>
          %swap3A_712 = arith.index_cast %add3A_650 : i32 to index
          %swap3A_713 = arith.constant 48 : index
          %swap3A_714 = tpu.vector_load %arg21[%swap3A_712, %swap3A_713] {strides = array<i32>} : memref<256x64xf32, #tpu.memory_space<vmem>>, vector<1x16xf32>,
          %swap3A_715 = vector.shape_cast %swap3A_714 : vector<1x16xf32> to vector<16xf32>
          %swap3A_716 = vector.shape_cast %mul3A_711 : vector<16xf32> to vector<1x16xf32>
          tpu.vector_store %arg21[%swap3A_712, %swap3A_713], %swap3A_716 {strides = array<i32>} : memref<256x64xf32, #tpu.memory_space<vmem>>, vector<1x16xf32>,
          %mul3A_717 = vector.broadcast %squeeze3A_656 : f32 to vector<16xf32>
          %mul3A_718 = arith.mulf %get3A_676, %mul3A_717 : vector<16xf32>
          %swap3A_719 = arith.index_cast %add3A_652 : i32 to index
          %swap3A_720 = arith.constant 0 : index
          %swap3A_721 = tpu.vector_load %arg21[%swap3A_719, %swap3A_720] {strides = array<i32>} : memref<256x64xf32, #tpu.memory_space<vmem>>, vector<1x16xf32>,
          %swap3A_722 = vector.shape_cast %swap3A_721 : vector<1x16xf32> to vector<16xf32>
          %swap3A_723 = vector.shape_cast %mul3A_718 : vector<16xf32> to vector<1x16xf32>
          tpu.vector_store %arg21[%swap3A_719, %swap3A_720], %swap3A_723 {strides = array<i32>} : memref<256x64xf32, #tpu.memory_space<vmem>>, vector<1x16xf32>,
          %mul3A_724 = vector.broadcast %squeeze3A_656 : f32 to vector<16xf32>
          %mul3A_725 = arith.mulf %get3A_680, %mul3A_724 : vector<16xf32>
          %swap3A_726 = arith.index_cast %add3A_652 : i32 to index
          %swap3A_727 = arith.constant 16 : index
          %swap3A_728 = tpu.vector_load %arg21[%swap3A_726, %swap3A_727] {strides = array<i32>} : memref<256x64xf32, #tpu.memory_space<vmem>>, vector<1x16xf32>,
          %swap3A_729 = vector.shape_cast %swap3A_728 : vector<1x16xf32> to vector<16xf32>
          %swap3A_730 = vector.shape_cast %mul3A_725 : vector<16xf32> to vector<1x16xf32>
          tpu.vector_store %arg21[%swap3A_726, %swap3A_727], %swap3A_730 {strides = array<i32>} : memref<256x64xf32, #tpu.memory_space<vmem>>, vector<1x16xf32>,
          %mul3A_731 = vector.broadcast %squeeze3A_656 : f32 to vector<16xf32>
          %mul3A_732 = arith.mulf %get3A_684, %mul3A_731 : vector<16xf32>
          %swap3A_733 = arith.index_cast %add3A_652 : i32 to index
          %swap3A_734 = arith.constant 32 : index
          %swap3A_735 = tpu.vector_load %arg21[%swap3A_733, %swap3A_734] {strides = array<i32>} : memref<256x64xf32, #tpu.memory_space<vmem>>, vector<1x16xf32>,
          %swap3A_736 = vector.shape_cast %swap3A_735 : vector<1x16xf32> to vector<16xf32>
          %swap3A_737 = vector.shape_cast %mul3A_732 : vector<16xf32> to vector<1x16xf32>
          tpu.vector_store %arg21[%swap3A_733, %swap3A_734], %swap3A_737 {strides = array<i32>} : memref<256x64xf32, #tpu.memory_space<vmem>>, vector<1x16xf32>,
          %mul3A_738 = vector.broadcast %squeeze3A_656 : f32 to vector<16xf32>
          %mul3A_739 = arith.mulf %get3A_688, %mul3A_738 : vector<16xf32>
          %swap3A_740 = arith.index_cast %add3A_652 : i32 to index
          %swap3A_741 = arith.constant 48 : index
          %swap3A_742 = tpu.vector_load %arg21[%swap3A_740, %swap3A_741] {strides = array<i32>} : memref<256x64xf32, #tpu.memory_space<vmem>>, vector<1x16xf32>,
          %swap3A_743 = vector.shape_cast %swap3A_742 : vector<1x16xf32> to vector<16xf32>
          %swap3A_744 = vector.shape_cast %mul3A_739 : vector<16xf32> to vector<1x16xf32>
          tpu.vector_store %arg21[%swap3A_740, %swap3A_741], %swap3A_744 {strides = array<i32>} : memref<256x64xf32, #tpu.memory_space<vmem>>, vector<1x16xf32>,
          %mul3A_745 = arith.constant 16 : i32
          %mul3A_746 = arith.muli %scan3A_218, %mul3A_745 : i32
          %add3A_747 = arith.constant 10 : i32
          %add3A_748 = arith.addi %mul3A_746, %add3A_747 : i32
          %add3A_749 = arith.constant 1 : i32
          %add3A_750 = arith.addi %add3A_748, %add3A_749 : i32
          %slice3A_751 = vector.extract_strided_slice %get3A_257 {offsets = [10], sizes = [1], strides = [1]} : vector<16xf32> to vector<1xf32>
          %squeeze3A_752 = vector.extract %slice3A_751[0] : f32 from vector<1xf32>
          %slice3A_753 = vector.extract_strided_slice %get3A_257 {offsets = [11], sizes = [1], strides = [1]} : vector<16xf32> to vector<1xf32>
          %squeeze3A_754 = vector.extract %slice3A_753[0] : f32 from vector<1xf32>
          %get3A_755 = arith.index_cast %add3A_748 : i32 to index
          %get3A_756 = arith.constant 0 : index
          %get3A_757 = tpu.vector_load %arg11[%get3A_755, %get3A_756] {strides = array<i32>} : memref<256x64xf32, #tpu.memory_space<vmem>>, vector<1x16xf32>,
          %get3A_758 = vector.shape_cast %get3A_757 : vector<1x16xf32> to vector<16xf32>
          %get3A_759 = arith.index_cast %add3A_748 : i32 to index
          %get3A_760 = arith.constant 16 : index
          %get3A_761 = tpu.vector_load %arg11[%get3A_759, %get3A_760] {strides = array<i32>} : memref<256x64xf32, #tpu.memory_space<vmem>>, vector<1x16xf32>,
          %get3A_762 = vector.shape_cast %get3A_761 : vector<1x16xf32> to vector<16xf32>
          %get3A_763 = arith.index_cast %add3A_748 : i32 to index
          %get3A_764 = arith.constant 32 : index
          %get3A_765 = tpu.vector_load %arg11[%get3A_763, %get3A_764] {strides = array<i32>} : memref<256x64xf32, #tpu.memory_space<vmem>>, vector<1x16xf32>,
          %get3A_766 = vector.shape_cast %get3A_765 : vector<1x16xf32> to vector<16xf32>
          %get3A_767 = arith.index_cast %add3A_748 : i32 to index
          %get3A_768 = arith.constant 48 : index
          %get3A_769 = tpu.vector_load %arg11[%get3A_767, %get3A_768] {strides = array<i32>} : memref<256x64xf32, #tpu.memory_space<vmem>>, vector<1x16xf32>,
          %get3A_770 = vector.shape_cast %get3A_769 : vector<1x16xf32> to vector<16xf32>
          %get3A_771 = arith.index_cast %add3A_750 : i32 to index
          %get3A_772 = arith.constant 0 : index
          %get3A_773 = tpu.vector_load %arg11[%get3A_771, %get3A_772] {strides = array<i32>} : memref<256x64xf32, #tpu.memory_space<vmem>>, vector<1x16xf32>,
          %get3A_774 = vector.shape_cast %get3A_773 : vector<1x16xf32> to vector<16xf32>
          %get3A_775 = arith.index_cast %add3A_750 : i32 to index
          %get3A_776 = arith.constant 16 : index
          %get3A_777 = tpu.vector_load %arg11[%get3A_775, %get3A_776] {strides = array<i32>} : memref<256x64xf32, #tpu.memory_space<vmem>>, vector<1x16xf32>,
          %get3A_778 = vector.shape_cast %get3A_777 : vector<1x16xf32> to vector<16xf32>
          %get3A_779 = arith.index_cast %add3A_750 : i32 to index
          %get3A_780 = arith.constant 32 : index
          %get3A_781 = tpu.vector_load %arg11[%get3A_779, %get3A_780] {strides = array<i32>} : memref<256x64xf32, #tpu.memory_space<vmem>>, vector<1x16xf32>,
          %get3A_782 = vector.shape_cast %get3A_781 : vector<1x16xf32> to vector<16xf32>
          %get3A_783 = arith.index_cast %add3A_750 : i32 to index
          %get3A_784 = arith.constant 48 : index
          %get3A_785 = tpu.vector_load %arg11[%get3A_783, %get3A_784] {strides = array<i32>} : memref<256x64xf32, #tpu.memory_space<vmem>>, vector<1x16xf32>,
          %get3A_786 = vector.shape_cast %get3A_785 : vector<1x16xf32> to vector<16xf32>
          %mul3A_787 = vector.broadcast %squeeze3A_752 : f32 to vector<16xf32>
          %mul3A_788 = arith.mulf %get3A_758, %mul3A_787 : vector<16xf32>
          %swap3A_789 = arith.index_cast %add3A_748 : i32 to index
          %swap3A_790 = arith.constant 0 : index
          %swap3A_791 = tpu.vector_load %arg21[%swap3A_789, %swap3A_790] {strides = array<i32>} : memref<256x64xf32, #tpu.memory_space<vmem>>, vector<1x16xf32>,
          %swap3A_792 = vector.shape_cast %swap3A_791 : vector<1x16xf32> to vector<16xf32>
          %swap3A_793 = vector.shape_cast %mul3A_788 : vector<16xf32> to vector<1x16xf32>
          tpu.vector_store %arg21[%swap3A_789, %swap3A_790], %swap3A_793 {strides = array<i32>} : memref<256x64xf32, #tpu.memory_space<vmem>>, vector<1x16xf32>,
          %mul3A_794 = vector.broadcast %squeeze3A_752 : f32 to vector<16xf32>
          %mul3A_795 = arith.mulf %get3A_762, %mul3A_794 : vector<16xf32>
          %swap3A_796 = arith.index_cast %add3A_748 : i32 to index
          %swap3A_797 = arith.constant 16 : index
          %swap3A_798 = tpu.vector_load %arg21[%swap3A_796, %swap3A_797] {strides = array<i32>} : memref<256x64xf32, #tpu.memory_space<vmem>>, vector<1x16xf32>,
          %swap3A_799 = vector.shape_cast %swap3A_798 : vector<1x16xf32> to vector<16xf32>
          %swap3A_800 = vector.shape_cast %mul3A_795 : vector<16xf32> to vector<1x16xf32>
          tpu.vector_store %arg21[%swap3A_796, %swap3A_797], %swap3A_800 {strides = array<i32>} : memref<256x64xf32, #tpu.memory_space<vmem>>, vector<1x16xf32>,
          %mul3A_801 = vector.broadcast %squeeze3A_752 : f32 to vector<16xf32>
          %mul3A_802 = arith.mulf %get3A_766, %mul3A_801 : vector<16xf32>
          %swap3A_803 = arith.index_cast %add3A_748 : i32 to index
          %swap3A_804 = arith.constant 32 : index
          %swap3A_805 = tpu.vector_load %arg21[%swap3A_803, %swap3A_804] {strides = array<i32>} : memref<256x64xf32, #tpu.memory_space<vmem>>, vector<1x16xf32>,
          %swap3A_806 = vector.shape_cast %swap3A_805 : vector<1x16xf32> to vector<16xf32>
          %swap3A_807 = vector.shape_cast %mul3A_802 : vector<16xf32> to vector<1x16xf32>
          tpu.vector_store %arg21[%swap3A_803, %swap3A_804], %swap3A_807 {strides = array<i32>} : memref<256x64xf32, #tpu.memory_space<vmem>>, vector<1x16xf32>,
          %mul3A_808 = vector.broadcast %squeeze3A_752 : f32 to vector<16xf32>
          %mul3A_809 = arith.mulf %get3A_770, %mul3A_808 : vector<16xf32>
          %swap3A_810 = arith.index_cast %add3A_748 : i32 to index
          %swap3A_811 = arith.constant 48 : index
          %swap3A_812 = tpu.vector_load %arg21[%swap3A_810, %swap3A_811] {strides = array<i32>} : memref<256x64xf32, #tpu.memory_space<vmem>>, vector<1x16xf32>,
          %swap3A_813 = vector.shape_cast %swap3A_812 : vector<1x16xf32> to vector<16xf32>
          %swap3A_814 = vector.shape_cast %mul3A_809 : vector<16xf32> to vector<1x16xf32>
          tpu.vector_store %arg21[%swap3A_810, %swap3A_811], %swap3A_814 {strides = array<i32>} : memref<256x64xf32, #tpu.memory_space<vmem>>, vector<1x16xf32>,
          %mul3A_815 = vector.broadcast %squeeze3A_754 : f32 to vector<16xf32>
          %mul3A_816 = arith.mulf %get3A_774, %mul3A_815 : vector<16xf32>
          %swap3A_817 = arith.index_cast %add3A_750 : i32 to index
          %swap3A_818 = arith.constant 0 : index
          %swap3A_819 = tpu.vector_load %arg21[%swap3A_817, %swap3A_818] {strides = array<i32>} : memref<256x64xf32, #tpu.memory_space<vmem>>, vector<1x16xf32>,
          %swap3A_820 = vector.shape_cast %swap3A_819 : vector<1x16xf32> to vector<16xf32>
          %swap3A_821 = vector.shape_cast %mul3A_816 : vector<16xf32> to vector<1x16xf32>
          tpu.vector_store %arg21[%swap3A_817, %swap3A_818], %swap3A_821 {strides = array<i32>} : memref<256x64xf32, #tpu.memory_space<vmem>>, vector<1x16xf32>,
          %mul3A_822 = vector.broadcast %squeeze3A_754 : f32 to vector<16xf32>
          %mul3A_823 = arith.mulf %get3A_778, %mul3A_822 : vector<16xf32>
          %swap3A_824 = arith.index_cast %add3A_750 : i32 to index
          %swap3A_825 = arith.constant 16 : index
          %swap3A_826 = tpu.vector_load %arg21[%swap3A_824, %swap3A_825] {strides = array<i32>} : memref<256x64xf32, #tpu.memory_space<vmem>>, vector<1x16xf32>,
          %swap3A_827 = vector.shape_cast %swap3A_826 : vector<1x16xf32> to vector<16xf32>
          %swap3A_828 = vector.shape_cast %mul3A_823 : vector<16xf32> to vector<1x16xf32>
          tpu.vector_store %arg21[%swap3A_824, %swap3A_825], %swap3A_828 {strides = array<i32>} : memref<256x64xf32, #tpu.memory_space<vmem>>, vector<1x16xf32>,
          %mul3A_829 = vector.broadcast %squeeze3A_754 : f32 to vector<16xf32>
          %mul3A_830 = arith.mulf %get3A_782, %mul3A_829 : vector<16xf32>
          %swap3A_831 = arith.index_cast %add3A_750 : i32 to index
          %swap3A_832 = arith.constant 32 : index
          %swap3A_833 = tpu.vector_load %arg21[%swap3A_831, %swap3A_832] {strides = array<i32>} : memref<256x64xf32, #tpu.memory_space<vmem>>, vector<1x16xf32>,
          %swap3A_834 = vector.shape_cast %swap3A_833 : vector<1x16xf32> to vector<16xf32>
          %swap3A_835 = vector.shape_cast %mul3A_830 : vector<16xf32> to vector<1x16xf32>
          tpu.vector_store %arg21[%swap3A_831, %swap3A_832], %swap3A_835 {strides = array<i32>} : memref<256x64xf32, #tpu.memory_space<vmem>>, vector<1x16xf32>,
          %mul3A_836 = vector.broadcast %squeeze3A_754 : f32 to vector<16xf32>
          %mul3A_837 = arith.mulf %get3A_786, %mul3A_836 : vector<16xf32>
          %swap3A_838 = arith.index_cast %add3A_750 : i32 to index
          %swap3A_839 = arith.constant 48 : index
          %swap3A_840 = tpu.vector_load %arg21[%swap3A_838, %swap3A_839] {strides = array<i32>} : memref<256x64xf32, #tpu.memory_space<vmem>>, vector<1x16xf32>,
          %swap3A_841 = vector.shape_cast %swap3A_840 : vector<1x16xf32> to vector<16xf32>
          %swap3A_842 = vector.shape_cast %mul3A_837 : vector<16xf32> to vector<1x16xf32>
          tpu.vector_store %arg21[%swap3A_838, %swap3A_839], %swap3A_842 {strides = array<i32>} : memref<256x64xf32, #tpu.memory_space<vmem>>, vector<1x16xf32>,
          %mul3A_843 = arith.constant 16 : i32
          %mul3A_844 = arith.muli %scan3A_218, %mul3A_843 : i32
          %add3A_845 = arith.constant 12 : i32
          %add3A_846 = arith.addi %mul3A_844, %add3A_845 : i32
          %add3A_847 = arith.constant 1 : i32
          %add3A_848 = arith.addi %add3A_846, %add3A_847 : i32
          %slice3A_849 = vector.extract_strided_slice %get3A_257 {offsets = [12], sizes = [1], strides = [1]} : vector<16xf32> to vector<1xf32>
          %squeeze3A_850 = vector.extract %slice3A_849[0] : f32 from vector<1xf32>
          %slice3A_851 = vector.extract_strided_slice %get3A_257 {offsets = [13], sizes = [1], strides = [1]} : vector<16xf32> to vector<1xf32>
          %squeeze3A_852 = vector.extract %slice3A_851[0] : f32 from vector<1xf32>
          %get3A_853 = arith.index_cast %add3A_846 : i32 to index
          %get3A_854 = arith.constant 0 : index
          %get3A_855 = tpu.vector_load %arg11[%get3A_853, %get3A_854] {strides = array<i32>} : memref<256x64xf32, #tpu.memory_space<vmem>>, vector<1x16xf32>,
          %get3A_856 = vector.shape_cast %get3A_855 : vector<1x16xf32> to vector<16xf32>
          %get3A_857 = arith.index_cast %add3A_846 : i32 to index
          %get3A_858 = arith.constant 16 : index
          %get3A_859 = tpu.vector_load %arg11[%get3A_857, %get3A_858] {strides = array<i32>} : memref<256x64xf32, #tpu.memory_space<vmem>>, vector<1x16xf32>,
          %get3A_860 = vector.shape_cast %get3A_859 : vector<1x16xf32> to vector<16xf32>
          %get3A_861 = arith.index_cast %add3A_846 : i32 to index
          %get3A_862 = arith.constant 32 : index
          %get3A_863 = tpu.vector_load %arg11[%get3A_861, %get3A_862] {strides = array<i32>} : memref<256x64xf32, #tpu.memory_space<vmem>>, vector<1x16xf32>,
          %get3A_864 = vector.shape_cast %get3A_863 : vector<1x16xf32> to vector<16xf32>
          %get3A_865 = arith.index_cast %add3A_846 : i32 to index
          %get3A_866 = arith.constant 48 : index
          %get3A_867 = tpu.vector_load %arg11[%get3A_865, %get3A_866] {strides = array<i32>} : memref<256x64xf32, #tpu.memory_space<vmem>>, vector<1x16xf32>,
          %get3A_868 = vector.shape_cast %get3A_867 : vector<1x16xf32> to vector<16xf32>
          %get3A_869 = arith.index_cast %add3A_848 : i32 to index
          %get3A_870 = arith.constant 0 : index
          %get3A_871 = tpu.vector_load %arg11[%get3A_869, %get3A_870] {strides = array<i32>} : memref<256x64xf32, #tpu.memory_space<vmem>>, vector<1x16xf32>,
          %get3A_872 = vector.shape_cast %get3A_871 : vector<1x16xf32> to vector<16xf32>
          %get3A_873 = arith.index_cast %add3A_848 : i32 to index
          %get3A_874 = arith.constant 16 : index
          %get3A_875 = tpu.vector_load %arg11[%get3A_873, %get3A_874] {strides = array<i32>} : memref<256x64xf32, #tpu.memory_space<vmem>>, vector<1x16xf32>,
          %get3A_876 = vector.shape_cast %get3A_875 : vector<1x16xf32> to vector<16xf32>
          %get3A_877 = arith.index_cast %add3A_848 : i32 to index
          %get3A_878 = arith.constant 32 : index
          %get3A_879 = tpu.vector_load %arg11[%get3A_877, %get3A_878] {strides = array<i32>} : memref<256x64xf32, #tpu.memory_space<vmem>>, vector<1x16xf32>,
          %get3A_880 = vector.shape_cast %get3A_879 : vector<1x16xf32> to vector<16xf32>
          %get3A_881 = arith.index_cast %add3A_848 : i32 to index
          %get3A_882 = arith.constant 48 : index
          %get3A_883 = tpu.vector_load %arg11[%get3A_881, %get3A_882] {strides = array<i32>} : memref<256x64xf32, #tpu.memory_space<vmem>>, vector<1x16xf32>,
          %get3A_884 = vector.shape_cast %get3A_883 : vector<1x16xf32> to vector<16xf32>
          %mul3A_885 = vector.broadcast %squeeze3A_850 : f32 to vector<16xf32>
          %mul3A_886 = arith.mulf %get3A_856, %mul3A_885 : vector<16xf32>
          %swap3A_887 = arith.index_cast %add3A_846 : i32 to index
          %swap3A_888 = arith.constant 0 : index
          %swap3A_889 = tpu.vector_load %arg21[%swap3A_887, %swap3A_888] {strides = array<i32>} : memref<256x64xf32, #tpu.memory_space<vmem>>, vector<1x16xf32>,
          %swap3A_890 = vector.shape_cast %swap3A_889 : vector<1x16xf32> to vector<16xf32>
          %swap3A_891 = vector.shape_cast %mul3A_886 : vector<16xf32> to vector<1x16xf32>
          tpu.vector_store %arg21[%swap3A_887, %swap3A_888], %swap3A_891 {strides = array<i32>} : memref<256x64xf32, #tpu.memory_space<vmem>>, vector<1x16xf32>,
          %mul3A_892 = vector.broadcast %squeeze3A_850 : f32 to vector<16xf32>
          %mul3A_893 = arith.mulf %get3A_860, %mul3A_892 : vector<16xf32>
          %swap3A_894 = arith.index_cast %add3A_846 : i32 to index
          %swap3A_895 = arith.constant 16 : index
          %swap3A_896 = tpu.vector_load %arg21[%swap3A_894, %swap3A_895] {strides = array<i32>} : memref<256x64xf32, #tpu.memory_space<vmem>>, vector<1x16xf32>,
          %swap3A_897 = vector.shape_cast %swap3A_896 : vector<1x16xf32> to vector<16xf32>
          %swap3A_898 = vector.shape_cast %mul3A_893 : vector<16xf32> to vector<1x16xf32>
          tpu.vector_store %arg21[%swap3A_894, %swap3A_895], %swap3A_898 {strides = array<i32>} : memref<256x64xf32, #tpu.memory_space<vmem>>, vector<1x16xf32>,
          %mul3A_899 = vector.broadcast %squeeze3A_850 : f32 to vector<16xf32>
          %mul3A_900 = arith.mulf %get3A_864, %mul3A_899 : vector<16xf32>
          %swap3A_901 = arith.index_cast %add3A_846 : i32 to index
          %swap3A_902 = arith.constant 32 : index
          %swap3A_903 = tpu.vector_load %arg21[%swap3A_901, %swap3A_902] {strides = array<i32>} : memref<256x64xf32, #tpu.memory_space<vmem>>, vector<1x16xf32>,
          %swap3A_904 = vector.shape_cast %swap3A_903 : vector<1x16xf32> to vector<16xf32>
          %swap3A_905 = vector.shape_cast %mul3A_900 : vector<16xf32> to vector<1x16xf32>
          tpu.vector_store %arg21[%swap3A_901, %swap3A_902], %swap3A_905 {strides = array<i32>} : memref<256x64xf32, #tpu.memory_space<vmem>>, vector<1x16xf32>,
          %mul3A_906 = vector.broadcast %squeeze3A_850 : f32 to vector<16xf32>
          %mul3A_907 = arith.mulf %get3A_868, %mul3A_906 : vector<16xf32>
          %swap3A_908 = arith.index_cast %add3A_846 : i32 to index
          %swap3A_909 = arith.constant 48 : index
          %swap3A_910 = tpu.vector_load %arg21[%swap3A_908, %swap3A_909] {strides = array<i32>} : memref<256x64xf32, #tpu.memory_space<vmem>>, vector<1x16xf32>,
          %swap3A_911 = vector.shape_cast %swap3A_910 : vector<1x16xf32> to vector<16xf32>
          %swap3A_912 = vector.shape_cast %mul3A_907 : vector<16xf32> to vector<1x16xf32>
          tpu.vector_store %arg21[%swap3A_908, %swap3A_909], %swap3A_912 {strides = array<i32>} : memref<256x64xf32, #tpu.memory_space<vmem>>, vector<1x16xf32>,
          %mul3A_913 = vector.broadcast %squeeze3A_852 : f32 to vector<16xf32>
          %mul3A_914 = arith.mulf %get3A_872, %mul3A_913 : vector<16xf32>
          %swap3A_915 = arith.index_cast %add3A_848 : i32 to index
          %swap3A_916 = arith.constant 0 : index
          %swap3A_917 = tpu.vector_load %arg21[%swap3A_915, %swap3A_916] {strides = array<i32>} : memref<256x64xf32, #tpu.memory_space<vmem>>, vector<1x16xf32>,
          %swap3A_918 = vector.shape_cast %swap3A_917 : vector<1x16xf32> to vector<16xf32>
          %swap3A_919 = vector.shape_cast %mul3A_914 : vector<16xf32> to vector<1x16xf32>
          tpu.vector_store %arg21[%swap3A_915, %swap3A_916], %swap3A_919 {strides = array<i32>} : memref<256x64xf32, #tpu.memory_space<vmem>>, vector<1x16xf32>,
          %mul3A_920 = vector.broadcast %squeeze3A_852 : f32 to vector<16xf32>
          %mul3A_921 = arith.mulf %get3A_876, %mul3A_920 : vector<16xf32>
          %swap3A_922 = arith.index_cast %add3A_848 : i32 to index
          %swap3A_923 = arith.constant 16 : index
          %swap3A_924 = tpu.vector_load %arg21[%swap3A_922, %swap3A_923] {strides = array<i32>} : memref<256x64xf32, #tpu.memory_space<vmem>>, vector<1x16xf32>,
          %swap3A_925 = vector.shape_cast %swap3A_924 : vector<1x16xf32> to vector<16xf32>
          %swap3A_926 = vector.shape_cast %mul3A_921 : vector<16xf32> to vector<1x16xf32>
          tpu.vector_store %arg21[%swap3A_922, %swap3A_923], %swap3A_926 {strides = array<i32>} : memref<256x64xf32, #tpu.memory_space<vmem>>, vector<1x16xf32>,
          %mul3A_927 = vector.broadcast %squeeze3A_852 : f32 to vector<16xf32>
          %mul3A_928 = arith.mulf %get3A_880, %mul3A_927 : vector<16xf32>
          %swap3A_929 = arith.index_cast %add3A_848 : i32 to index
          %swap3A_930 = arith.constant 32 : index
          %swap3A_931 = tpu.vector_load %arg21[%swap3A_929, %swap3A_930] {strides = array<i32>} : memref<256x64xf32, #tpu.memory_space<vmem>>, vector<1x16xf32>,
          %swap3A_932 = vector.shape_cast %swap3A_931 : vector<1x16xf32> to vector<16xf32>
          %swap3A_933 = vector.shape_cast %mul3A_928 : vector<16xf32> to vector<1x16xf32>
          tpu.vector_store %arg21[%swap3A_929, %swap3A_930], %swap3A_933 {strides = array<i32>} : memref<256x64xf32, #tpu.memory_space<vmem>>, vector<1x16xf32>,
          %mul3A_934 = vector.broadcast %squeeze3A_852 : f32 to vector<16xf32>
          %mul3A_935 = arith.mulf %get3A_884, %mul3A_934 : vector<16xf32>
          %swap3A_936 = arith.index_cast %add3A_848 : i32 to index
          %swap3A_937 = arith.constant 48 : index
          %swap3A_938 = tpu.vector_load %arg21[%swap3A_936, %swap3A_937] {strides = array<i32>} : memref<256x64xf32, #tpu.memory_space<vmem>>, vector<1x16xf32>,
          %swap3A_939 = vector.shape_cast %swap3A_938 : vector<1x16xf32> to vector<16xf32>
          %swap3A_940 = vector.shape_cast %mul3A_935 : vector<16xf32> to vector<1x16xf32>
          tpu.vector_store %arg21[%swap3A_936, %swap3A_937], %swap3A_940 {strides = array<i32>} : memref<256x64xf32, #tpu.memory_space<vmem>>, vector<1x16xf32>,
          %mul3A_941 = arith.constant 16 : i32
          %mul3A_942 = arith.muli %scan3A_218, %mul3A_941 : i32
          %add3A_943 = arith.constant 14 : i32
          %add3A_944 = arith.addi %mul3A_942, %add3A_943 : i32
          %add3A_945 = arith.constant 1 : i32
          %add3A_946 = arith.addi %add3A_944, %add3A_945 : i32
          %slice3A_947 = vector.extract_strided_slice %get3A_257 {offsets = [14], sizes = [1], strides = [1]} : vector<16xf32> to vector<1xf32>
          %squeeze3A_948 = vector.extract %slice3A_947[0] : f32 from vector<1xf32>
          %slice3A_949 = vector.extract_strided_slice %get3A_257 {offsets = [15], sizes = [1], strides = [1]} : vector<16xf32> to vector<1xf32>
          %squeeze3A_950 = vector.extract %slice3A_949[0] : f32 from vector<1xf32>
          %get3A_951 = arith.index_cast %add3A_944 : i32 to index
          %get3A_952 = arith.constant 0 : index
          %get3A_953 = tpu.vector_load %arg11[%get3A_951, %get3A_952] {strides = array<i32>} : memref<256x64xf32, #tpu.memory_space<vmem>>, vector<1x16xf32>,
          %get3A_954 = vector.shape_cast %get3A_953 : vector<1x16xf32> to vector<16xf32>
          %get3A_955 = arith.index_cast %add3A_944 : i32 to index
          %get3A_956 = arith.constant 16 : index
          %get3A_957 = tpu.vector_load %arg11[%get3A_955, %get3A_956] {strides = array<i32>} : memref<256x64xf32, #tpu.memory_space<vmem>>, vector<1x16xf32>,
          %get3A_958 = vector.shape_cast %get3A_957 : vector<1x16xf32> to vector<16xf32>
          %get3A_959 = arith.index_cast %add3A_944 : i32 to index
          %get3A_960 = arith.constant 32 : index
          %get3A_961 = tpu.vector_load %arg11[%get3A_959, %get3A_960] {strides = array<i32>} : memref<256x64xf32, #tpu.memory_space<vmem>>, vector<1x16xf32>,
          %get3A_962 = vector.shape_cast %get3A_961 : vector<1x16xf32> to vector<16xf32>
          %get3A_963 = arith.index_cast %add3A_944 : i32 to index
          %get3A_964 = arith.constant 48 : index
          %get3A_965 = tpu.vector_load %arg11[%get3A_963, %get3A_964] {strides = array<i32>} : memref<256x64xf32, #tpu.memory_space<vmem>>, vector<1x16xf32>,
          %get3A_966 = vector.shape_cast %get3A_965 : vector<1x16xf32> to vector<16xf32>
          %get3A_967 = arith.index_cast %add3A_946 : i32 to index
          %get3A_968 = arith.constant 0 : index
          %get3A_969 = tpu.vector_load %arg11[%get3A_967, %get3A_968] {strides = array<i32>} : memref<256x64xf32, #tpu.memory_space<vmem>>, vector<1x16xf32>,
          %get3A_970 = vector.shape_cast %get3A_969 : vector<1x16xf32> to vector<16xf32>
          %get3A_971 = arith.index_cast %add3A_946 : i32 to index
          %get3A_972 = arith.constant 16 : index
          %get3A_973 = tpu.vector_load %arg11[%get3A_971, %get3A_972] {strides = array<i32>} : memref<256x64xf32, #tpu.memory_space<vmem>>, vector<1x16xf32>,
          %get3A_974 = vector.shape_cast %get3A_973 : vector<1x16xf32> to vector<16xf32>
          %get3A_975 = arith.index_cast %add3A_946 : i32 to index
          %get3A_976 = arith.constant 32 : index
          %get3A_977 = tpu.vector_load %arg11[%get3A_975, %get3A_976] {strides = array<i32>} : memref<256x64xf32, #tpu.memory_space<vmem>>, vector<1x16xf32>,
          %get3A_978 = vector.shape_cast %get3A_977 : vector<1x16xf32> to vector<16xf32>
          %get3A_979 = arith.index_cast %add3A_946 : i32 to index
          %get3A_980 = arith.constant 48 : index
          %get3A_981 = tpu.vector_load %arg11[%get3A_979, %get3A_980] {strides = array<i32>} : memref<256x64xf32, #tpu.memory_space<vmem>>, vector<1x16xf32>,
          %get3A_982 = vector.shape_cast %get3A_981 : vector<1x16xf32> to vector<16xf32>
          %mul3A_983 = vector.broadcast %squeeze3A_948 : f32 to vector<16xf32>
          %mul3A_984 = arith.mulf %get3A_954, %mul3A_983 : vector<16xf32>
          %swap3A_985 = arith.index_cast %add3A_944 : i32 to index
          %swap3A_986 = arith.constant 0 : index
          %swap3A_987 = tpu.vector_load %arg21[%swap3A_985, %swap3A_986] {strides = array<i32>} : memref<256x64xf32, #tpu.memory_space<vmem>>, vector<1x16xf32>,
          %swap3A_988 = vector.shape_cast %swap3A_987 : vector<1x16xf32> to vector<16xf32>
          %swap3A_989 = vector.shape_cast %mul3A_984 : vector<16xf32> to vector<1x16xf32>
          tpu.vector_store %arg21[%swap3A_985, %swap3A_986], %swap3A_989 {strides = array<i32>} : memref<256x64xf32, #tpu.memory_space<vmem>>, vector<1x16xf32>,
          %mul3A_990 = vector.broadcast %squeeze3A_948 : f32 to vector<16xf32>
          %mul3A_991 = arith.mulf %get3A_958, %mul3A_990 : vector<16xf32>
          %swap3A_992 = arith.index_cast %add3A_944 : i32 to index
          %swap3A_993 = arith.constant 16 : index
          %swap3A_994 = tpu.vector_load %arg21[%swap3A_992, %swap3A_993] {strides = array<i32>} : memref<256x64xf32, #tpu.memory_space<vmem>>, vector<1x16xf32>,
          %swap3A_995 = vector.shape_cast %swap3A_994 : vector<1x16xf32> to vector<16xf32>
          %swap3A_996 = vector.shape_cast %mul3A_991 : vector<16xf32> to vector<1x16xf32>
          tpu.vector_store %arg21[%swap3A_992, %swap3A_993], %swap3A_996 {strides = array<i32>} : memref<256x64xf32, #tpu.memory_space<vmem>>, vector<1x16xf32>,
          %mul3A_997 = vector.broadcast %squeeze3A_948 : f32 to vector<16xf32>
          %mul3A_998 = arith.mulf %get3A_962, %mul3A_997 : vector<16xf32>
          %swap3A_999 = arith.index_cast %add3A_944 : i32 to index
          %swap3A_1000 = arith.constant 32 : index
          %swap3A_1001 = tpu.vector_load %arg21[%swap3A_999, %swap3A_1000] {strides = array<i32>} : memref<256x64xf32, #tpu.memory_space<vmem>>, vector<1x16xf32>,
          %swap3A_1002 = vector.shape_cast %swap3A_1001 : vector<1x16xf32> to vector<16xf32>
          %swap3A_1003 = vector.shape_cast %mul3A_998 : vector<16xf32> to vector<1x16xf32>
          tpu.vector_store %arg21[%swap3A_999, %swap3A_1000], %swap3A_1003 {strides = array<i32>} : memref<256x64xf32, #tpu.memory_space<vmem>>, vector<1x16xf32>,
          %mul3A_1004 = vector.broadcast %squeeze3A_948 : f32 to vector<16xf32>
          %mul3A_1005 = arith.mulf %get3A_966, %mul3A_1004 : vector<16xf32>
          %swap3A_1006 = arith.index_cast %add3A_944 : i32 to index
          %swap3A_1007 = arith.constant 48 : index
          %swap3A_1008 = tpu.vector_load %arg21[%swap3A_1006, %swap3A_1007] {strides = array<i32>} : memref<256x64xf32, #tpu.memory_space<vmem>>, vector<1x16xf32>,
          %swap3A_1009 = vector.shape_cast %swap3A_1008 : vector<1x16xf32> to vector<16xf32>
          %swap3A_1010 = vector.shape_cast %mul3A_1005 : vector<16xf32> to vector<1x16xf32>
          tpu.vector_store %arg21[%swap3A_1006, %swap3A_1007], %swap3A_1010 {strides = array<i32>} : memref<256x64xf32, #tpu.memory_space<vmem>>, vector<1x16xf32>,
          %mul3A_1011 = vector.broadcast %squeeze3A_950 : f32 to vector<16xf32>
          %mul3A_1012 = arith.mulf %get3A_970, %mul3A_1011 : vector<16xf32>
          %swap3A_1013 = arith.index_cast %add3A_946 : i32 to index
          %swap3A_1014 = arith.constant 0 : index
          %swap3A_1015 = tpu.vector_load %arg21[%swap3A_1013, %swap3A_1014] {strides = array<i32>} : memref<256x64xf32, #tpu.memory_space<vmem>>, vector<1x16xf32>,
          %swap3A_1016 = vector.shape_cast %swap3A_1015 : vector<1x16xf32> to vector<16xf32>
          %swap3A_1017 = vector.shape_cast %mul3A_1012 : vector<16xf32> to vector<1x16xf32>
          tpu.vector_store %arg21[%swap3A_1013, %swap3A_1014], %swap3A_1017 {strides = array<i32>} : memref<256x64xf32, #tpu.memory_space<vmem>>, vector<1x16xf32>,
          %mul3A_1018 = vector.broadcast %squeeze3A_950 : f32 to vector<16xf32>
          %mul3A_1019 = arith.mulf %get3A_974, %mul3A_1018 : vector<16xf32>
          %swap3A_1020 = arith.index_cast %add3A_946 : i32 to index
          %swap3A_1021 = arith.constant 16 : index
          %swap3A_1022 = tpu.vector_load %arg21[%swap3A_1020, %swap3A_1021] {strides = array<i32>} : memref<256x64xf32, #tpu.memory_space<vmem>>, vector<1x16xf32>,
          %swap3A_1023 = vector.shape_cast %swap3A_1022 : vector<1x16xf32> to vector<16xf32>
          %swap3A_1024 = vector.shape_cast %mul3A_1019 : vector<16xf32> to vector<1x16xf32>
          tpu.vector_store %arg21[%swap3A_1020, %swap3A_1021], %swap3A_1024 {strides = array<i32>} : memref<256x64xf32, #tpu.memory_space<vmem>>, vector<1x16xf32>,
          %mul3A_1025 = vector.broadcast %squeeze3A_950 : f32 to vector<16xf32>
          %mul3A_1026 = arith.mulf %get3A_978, %mul3A_1025 : vector<16xf32>
          %swap3A_1027 = arith.index_cast %add3A_946 : i32 to index
          %swap3A_1028 = arith.constant 32 : index
          %swap3A_1029 = tpu.vector_load %arg21[%swap3A_1027, %swap3A_1028] {strides = array<i32>} : memref<256x64xf32, #tpu.memory_space<vmem>>, vector<1x16xf32>,
          %swap3A_1030 = vector.shape_cast %swap3A_1029 : vector<1x16xf32> to vector<16xf32>
          %swap3A_1031 = vector.shape_cast %mul3A_1026 : vector<16xf32> to vector<1x16xf32>
          tpu.vector_store %arg21[%swap3A_1027, %swap3A_1028], %swap3A_1031 {strides = array<i32>} : memref<256x64xf32, #tpu.memory_space<vmem>>, vector<1x16xf32>,
          %mul3A_1032 = vector.broadcast %squeeze3A_950 : f32 to vector<16xf32>
          %mul3A_1033 = arith.mulf %get3A_982, %mul3A_1032 : vector<16xf32>
          %swap3A_1034 = arith.index_cast %add3A_946 : i32 to index
          %swap3A_1035 = arith.constant 48 : index
          %swap3A_1036 = tpu.vector_load %arg21[%swap3A_1034, %swap3A_1035] {strides = array<i32>} : memref<256x64xf32, #tpu.memory_space<vmem>>, vector<1x16xf32>,
          %swap3A_1037 = vector.shape_cast %swap3A_1036 : vector<1x16xf32> to vector<16xf32>
          %swap3A_1038 = vector.shape_cast %mul3A_1033 : vector<16xf32> to vector<1x16xf32>
          tpu.vector_store %arg21[%swap3A_1034, %swap3A_1035], %swap3A_1038 {strides = array<i32>} : memref<256x64xf32, #tpu.memory_space<vmem>>, vector<1x16xf32>,
        }
        %scan3A_193 = arith.constant 16 : i32
        %dma_start3A = arith.constant 0 : i32
        %dma_start3A_194 = arith.constant 0 : i32
        %dma_start3A_195 = arith.constant 0 : i32
        %dma_start3A_196 = tpu.memref_slice %arg21[%dma_start3A_194, %dma_start3A_195] : memref<256x64xf32, #tpu.memory_space<vmem>> -> memref<128x64xf32, #tpu.memory_space<vmem>>
        %dma_start3A_197 = arith.constant 0 : i32
        %dma_start3A_198 = tpu.memref_slice %arg17[%dma_start3A, %dma_start3A_197] : memref<2x128xi32, #tpu.memory_space<vmem>> -> memref<1x128xi32, #tpu.memory_space<vmem>>
        %dma_start3A_199 = tpu.memref_squeeze %dma_start3A_198 : memref<1x128xi32, #tpu.memory_space<vmem>> -> memref<128xi32, #tpu.memory_space<vmem>>
        %dma_start3A_200 = arith.constant 0 : i32
        %dma_start3A_201 = arith.constant 0 : i32
        %dma_start3A_202 = tpu.memref_slice %arg23[%dma_start3A_200, %dma_start3A_201] : memref<10112x64xf32, #tpu.memory_space<vmem_shared>> -> memref<10112x64xf32, #tpu.memory_space<vmem_shared>>
        tpu.enqueue_indirect_dma source(%dma_start3A_196 : memref<128x64xf32, #tpu.memory_space<vmem>>) target(%dma_start3A_202 : memref<10112x64xf32, #tpu.memory_space<vmem_shared>>) offsets(%dma_start3A_199 : memref<128xi32, #tpu.memory_space<vmem>>) semaphore(%arg28 : memref<!tpu.dma_semaphore, #tpu.memory_space<semaphore_mem>>) {add = true}
        %dma_start3A_203 = arith.constant 1 : i32
        %dma_start3A_204 = arith.constant 128 : i32
        %dma_start3A_205 = arith.constant 0 : i32
        %dma_start3A_206 = tpu.memref_slice %arg21[%dma_start3A_204, %dma_start3A_205] : memref<256x64xf32, #tpu.memory_space<vmem>> -> memref<128x64xf32, #tpu.memory_space<vmem>>
        %dma_start3A_207 = arith.constant 0 : i32
        %dma_start3A_208 = tpu.memref_slice %arg17[%dma_start3A_203, %dma_start3A_207] : memref<2x128xi32, #tpu.memory_space<vmem>> -> memref<1x128xi32, #tpu.memory_space<vmem>>
        %dma_start3A_209 = tpu.memref_squeeze %dma_start3A_208 : memref<1x128xi32, #tpu.memory_space<vmem>> -> memref<128xi32, #tpu.memory_space<vmem>>
        %dma_start3A_210 = arith.constant 0 : i32
        %dma_start3A_211 = arith.constant 0 : i32
        %dma_start3A_212 = tpu.memref_slice %arg23[%dma_start3A_210, %dma_start3A_211] : memref<10112x64xf32, #tpu.memory_space<vmem_shared>> -> memref<10112x64xf32, #tpu.memory_space<vmem_shared>>
        tpu.enqueue_indirect_dma source(%dma_start3A_206 : memref<128x64xf32, #tpu.memory_space<vmem>>) target(%dma_start3A_212 : memref<10112x64xf32, #tpu.memory_space<vmem_shared>>) offsets(%dma_start3A_209 : memref<128xi32, #tpu.memory_space<vmem>>) semaphore(%arg28 : memref<!tpu.dma_semaphore, #tpu.memory_space<semaphore_mem>>) {add = true}
        %eq3A_213 = arith.constant 0 : i32
        %eq3A_214 = arith.cmpi eq, %arg0, %eq3A_213 : i32
        %convert_element_type3A_215 = arith.extui %eq3A_214 : i1 to i32
        %cond3A_216 = arith.constant 0 : i32
        %cond3A_217 = arith.cmpi ne, %convert_element_type3A_215, %cond3A_216 : i32
        scf.if %cond3A_217 {
          %dma_start3A_218 = arith.constant 0 : i32
          %dma_start3A_219 = arith.constant 0 : i32
          %dma_start3A_220 = tpu.memref_slice %arg17[%dma_start3A_218, %dma_start3A_219] : memref<2x128xi32, #tpu.memory_space<vmem>> -> memref<1x128xi32, #tpu.memory_space<vmem>>
          %dma_start3A_221 = tpu.memref_squeeze %dma_start3A_220 : memref<1x128xi32, #tpu.memory_space<vmem>> -> memref<128xi32, #tpu.memory_space<vmem>>
          %dma_start3A_222 = arith.constant 0 : i32
          %dma_start3A_223 = arith.constant 0 : i32
          %dma_start3A_224 = tpu.memref_slice %arg24[%dma_start3A_222, %dma_start3A_223] : memref<10112x8xf32, #tpu.memory_space<vmem_shared>> -> memref<10112x8xf32, #tpu.memory_space<vmem_shared>>
          tpu.enqueue_indirect_dma source(%arg22 : memref<128x8xf32, #tpu.memory_space<vmem>>) target(%dma_start3A_224 : memref<10112x8xf32, #tpu.memory_space<vmem_shared>>) offsets(%dma_start3A_221 : memref<128xi32, #tpu.memory_space<vmem>>) semaphore(%arg28 : memref<!tpu.dma_semaphore, #tpu.memory_space<semaphore_mem>>) {add = true}
          %dma_start3A_225 = arith.constant 1 : i32
          %dma_start3A_226 = arith.constant 0 : i32
          %dma_start3A_227 = tpu.memref_slice %arg17[%dma_start3A_225, %dma_start3A_226] : memref<2x128xi32, #tpu.memory_space<vmem>> -> memref<1x128xi32, #tpu.memory_space<vmem>>
          %dma_start3A_228 = tpu.memref_squeeze %dma_start3A_227 : memref<1x128xi32, #tpu.memory_space<vmem>> -> memref<128xi32, #tpu.memory_space<vmem>>
          %dma_start3A_229 = arith.constant 0 : i32
          %dma_start3A_230 = arith.constant 0 : i32
          %dma_start3A_231 = tpu.memref_slice %arg24[%dma_start3A_229, %dma_start3A_230] : memref<10112x8xf32, #tpu.memory_space<vmem_shared>> -> memref<10112x8xf32, #tpu.memory_space<vmem_shared>>
          tpu.enqueue_indirect_dma source(%arg22 : memref<128x8xf32, #tpu.memory_space<vmem>>) target(%dma_start3A_231 : memref<10112x8xf32, #tpu.memory_space<vmem_shared>>) offsets(%dma_start3A_228 : memref<128xi32, #tpu.memory_space<vmem>>) semaphore(%arg28 : memref<!tpu.dma_semaphore, #tpu.memory_space<semaphore_mem>>) {add = true}
        } else {
        }
      } else {
      }
      %mul3A_55 = arith.constant 4 : i32
      %mul3A_56 = arith.muli %mul3A_55, %scan3A_24 : i32
      %add3A_57 = arith.constant 1 : i32
      %add3A_58 = arith.addi %mul3A_56, %add3A_57 : i32
      %mul3A_59 = arith.constant 16 : i32
      %mul3A_60 = arith.muli %add3A_58, %mul3A_59 : i32
      %add3A_61 = arith.addi %arg1, %mul3A_60 : i32
      %add3A_62 = arith.constant 48 : i32
      %add3A_63 = arith.addi %arg1, %add3A_62 : i32
      %ge3A_64 = arith.cmpi sge, %add3A_61, %add3A_63 : i32
      %sub3A_65 = arith.constant 48 : i32
      %sub3A_66 = arith.subi %add3A_61, %sub3A_65 : i32
      %lt3A_67 = arith.constant 1250 : i32
      %lt3A_68 = arith.cmpi slt, %sub3A_66, %lt3A_67 : i32
      %and3A_69 = arith.andi %ge3A_64, %lt3A_68 : i1
      %convert_element_type3A_70 = arith.extui %and3A_69 : i1 to i32
      %cond3A_71 = arith.constant 0 : i32
      %cond3A_72 = arith.cmpi ne, %convert_element_type3A_70, %cond3A_71 : i32
      scf.if %cond3A_72 {
        %dma_wait3A = arith.constant 0 : i32
        %dma_wait3A_154 = arith.constant 0 : i32
        %dma_wait3A_155 = arith.constant 0 : i32
        %dma_wait3A_156 = tpu.memref_slice %arg20[%dma_wait3A_154, %dma_wait3A_155] : memref<256x64xf32, #tpu.memory_space<vmem>> -> memref<128x64xf32, #tpu.memory_space<vmem>>
        %dma_wait3A_157 = arith.constant 0 : i32
        %dma_wait3A_158 = tpu.memref_slice %arg16[%dma_wait3A, %dma_wait3A_157] : memref<2x128xi32, #tpu.memory_space<vmem>> -> memref<1x128xi32, #tpu.memory_space<vmem>>
        %dma_wait3A_159 = tpu.memref_squeeze %dma_wait3A_158 : memref<1x128xi32, #tpu.memory_space<vmem>> -> memref<128xi32, #tpu.memory_space<vmem>>
        %dma_wait3A_160 = arith.constant 0 : i32
        %dma_wait3A_161 = arith.constant 0 : i32
        %dma_wait3A_162 = tpu.memref_slice %arg23[%dma_wait3A_160, %dma_wait3A_161] : memref<10112x64xf32, #tpu.memory_space<vmem_shared>> -> memref<10112x64xf32, #tpu.memory_space<vmem_shared>>
        tpu.wait_indirect_dma semaphore(%arg27 : memref<!tpu.dma_semaphore, #tpu.memory_space<semaphore_mem>>) src(%dma_wait3A_156 : memref<128x64xf32, #tpu.memory_space<vmem>>) dst(%dma_wait3A_162 : memref<10112x64xf32, #tpu.memory_space<vmem_shared>>)
        %dma_wait3A_163 = arith.constant 1 : i32
        %dma_wait3A_164 = arith.constant 128 : i32
        %dma_wait3A_165 = arith.constant 0 : i32
        %dma_wait3A_166 = tpu.memref_slice %arg20[%dma_wait3A_164, %dma_wait3A_165] : memref<256x64xf32, #tpu.memory_space<vmem>> -> memref<128x64xf32, #tpu.memory_space<vmem>>
        %dma_wait3A_167 = arith.constant 0 : i32
        %dma_wait3A_168 = tpu.memref_slice %arg16[%dma_wait3A_163, %dma_wait3A_167] : memref<2x128xi32, #tpu.memory_space<vmem>> -> memref<1x128xi32, #tpu.memory_space<vmem>>
        %dma_wait3A_169 = tpu.memref_squeeze %dma_wait3A_168 : memref<1x128xi32, #tpu.memory_space<vmem>> -> memref<128xi32, #tpu.memory_space<vmem>>
        %dma_wait3A_170 = arith.constant 0 : i32
        %dma_wait3A_171 = arith.constant 0 : i32
        %dma_wait3A_172 = tpu.memref_slice %arg23[%dma_wait3A_170, %dma_wait3A_171] : memref<10112x64xf32, #tpu.memory_space<vmem_shared>> -> memref<10112x64xf32, #tpu.memory_space<vmem_shared>>
        tpu.wait_indirect_dma semaphore(%arg27 : memref<!tpu.dma_semaphore, #tpu.memory_space<semaphore_mem>>) src(%dma_wait3A_166 : memref<128x64xf32, #tpu.memory_space<vmem>>) dst(%dma_wait3A_172 : memref<10112x64xf32, #tpu.memory_space<vmem_shared>>)
        %eq3A_173 = arith.constant 0 : i32
        %eq3A_174 = arith.cmpi eq, %arg0, %eq3A_173 : i32
        %convert_element_type3A_175 = arith.extui %eq3A_174 : i1 to i32
        %cond3A_176 = arith.constant 0 : i32
        %cond3A_177 = arith.cmpi ne, %convert_element_type3A_175, %cond3A_176 : i32
        scf.if %cond3A_177 {
          %dma_wait3A_178 = arith.constant 0 : i32
          %dma_wait3A_179 = arith.constant 0 : i32
          %dma_wait3A_180 = tpu.memref_slice %arg16[%dma_wait3A_178, %dma_wait3A_179] : memref<2x128xi32, #tpu.memory_space<vmem>> -> memref<1x128xi32, #tpu.memory_space<vmem>>
          %dma_wait3A_181 = tpu.memref_squeeze %dma_wait3A_180 : memref<1x128xi32, #tpu.memory_space<vmem>> -> memref<128xi32, #tpu.memory_space<vmem>>
          %dma_wait3A_182 = arith.constant 0 : i32
          %dma_wait3A_183 = arith.constant 0 : i32
          %dma_wait3A_184 = tpu.memref_slice %arg24[%dma_wait3A_182, %dma_wait3A_183] : memref<10112x8xf32, #tpu.memory_space<vmem_shared>> -> memref<10112x8xf32, #tpu.memory_space<vmem_shared>>
          tpu.wait_indirect_dma semaphore(%arg27 : memref<!tpu.dma_semaphore, #tpu.memory_space<semaphore_mem>>) src(%arg22 : memref<128x8xf32, #tpu.memory_space<vmem>>) dst(%dma_wait3A_184 : memref<10112x8xf32, #tpu.memory_space<vmem_shared>>)
          %dma_wait3A_185 = arith.constant 1 : i32
          %dma_wait3A_186 = arith.constant 0 : i32
          %dma_wait3A_187 = tpu.memref_slice %arg16[%dma_wait3A_185, %dma_wait3A_186] : memref<2x128xi32, #tpu.memory_space<vmem>> -> memref<1x128xi32, #tpu.memory_space<vmem>>
          %dma_wait3A_188 = tpu.memref_squeeze %dma_wait3A_187 : memref<1x128xi32, #tpu.memory_space<vmem>> -> memref<128xi32, #tpu.memory_space<vmem>>
          %dma_wait3A_189 = arith.constant 0 : i32
          %dma_wait3A_190 = arith.constant 0 : i32
          %dma_wait3A_191 = tpu.memref_slice %arg24[%dma_wait3A_189, %dma_wait3A_190] : memref<10112x8xf32, #tpu.memory_space<vmem_shared>> -> memref<10112x8xf32, #tpu.memory_space<vmem_shared>>
          tpu.wait_indirect_dma semaphore(%arg27 : memref<!tpu.dma_semaphore, #tpu.memory_space<semaphore_mem>>) src(%arg22 : memref<128x8xf32, #tpu.memory_space<vmem>>) dst(%dma_wait3A_191 : memref<10112x8xf32, #tpu.memory_space<vmem_shared>>)
        } else {
        }
      } else {
      }
      %lt3A_73 = arith.constant 1250 : i32
      %lt3A_74 = arith.cmpi slt, %add3A_61, %lt3A_73 : i32
      %convert_element_type3A_75 = arith.extui %lt3A_74 : i1 to i32
      %cond3A_76 = arith.constant 0 : i32
      %cond3A_77 = arith.cmpi ne, %convert_element_type3A_75, %cond3A_76 : i32
      scf.if %cond3A_77 {
        %mul3A_154 = arith.constant 16 : i32
        %mul3A_155 = arith.muli %add3A_58, %mul3A_154 : i32
        %add3A_156 = arith.addi %arg1, %mul3A_155 : i32
        %mul3A_157 = arith.constant 256 : i32
        %mul3A_158 = arith.muli %add3A_156, %mul3A_157 : i32
        %mul3A_159 = arith.constant 2 : i32
        %mul3A_160 = arith.muli %add3A_156, %mul3A_159 : i32
        %scan3A_161 = arith.constant 0 : i32
        %scan3A_162 = arith.constant 0 : i32
        %scan3A_163 = arith.constant 16 : i32
        %scan3A_164 = arith.addi %scan3A_162, %scan3A_163 : i32
        %scan3A_165 = arith.constant 1 : i32
        scf.for %scan3A_194 = %scan3A_162 to %scan3A_164 step %scan3A_165  : i32 {
          %mul3A_195 = arith.constant 16 : i32
          %mul3A_196 = arith.muli %scan3A_194, %mul3A_195 : i32
          %add3A_197 = arith.addi %mul3A_158, %mul3A_196 : i32
          %add3A_198 = vector.broadcast %add3A_197 : i32 to vector<16xi32>
          %add3A_199 = arith.addi %add3A_198, %iota3A : vector<16xi32>
          %mul3A_200 = arith.constant 2 : i32
          %mul3A_201 = vector.broadcast %mul3A_200 : i32 to vector<16xi32>
          %mul3A_202 = arith.muli %mul3A_201, %add3A_199 : vector<16xi32>
          %add3A_203 = vector.broadcast %arg0 : i32 to vector<16xi32>
          %add3A_204 = arith.addi %mul3A_202, %add3A_203 : vector<16xi32>
          %jit3A = arith.constant 8 : i32
          %div3A = arith.divsi %scan3A_194, %jit3A : i32
          %sign3A = arith.constant 0 : i32
          %sign3A_205 = arith.cmpi sgt, %scan3A_194, %sign3A : i32
          %sign3A_206 = arith.extui %sign3A_205 : i1 to i32
          %sign3A_207 = arith.constant 0 : i32
          %sign3A_208 = arith.cmpi slt, %scan3A_194, %sign3A_207 : i32
          %sign3A_209 = arith.extui %sign3A_208 : i1 to i32
          %sign3A_210 = arith.subi %sign3A_206, %sign3A_209 : i32
          %sign3A_211 = arith.constant 0 : i32
          %sign3A_212 = arith.cmpi sgt, %jit3A, %sign3A_211 : i32
          %sign3A_213 = arith.extui %sign3A_212 : i1 to i32
          %sign3A_214 = arith.constant 0 : i32
          %sign3A_215 = arith.cmpi slt, %jit3A, %sign3A_214 : i32
          %sign3A_216 = arith.extui %sign3A_215 : i1 to i32
          %sign3A_217 = arith.subi %sign3A_213, %sign3A_216 : i32
          %ne3A = arith.cmpi ne, %sign3A_210, %sign3A_217 : i32
          %rem3A = arith.remsi %scan3A_194, %jit3A : i32
          %ne3A_218 = arith.constant 0 : i32
          %ne3A_219 = arith.cmpi ne, %rem3A, %ne3A_218 : i32
          %and3A_220 = arith.andi %ne3A, %ne3A_219 : i1
          %sub3A_221 = arith.constant 1 : i32
          %sub3A_222 = arith.subi %div3A, %sub3A_221 : i32
          %select_n3A = arith.select %and3A_220, %sub3A_222, %div3A : i32
          %jit3A_223 = arith.constant 8 : i32
          %eq3A_224 = arith.constant 0 : i32
          %eq3A_225 = arith.cmpi eq, %jit3A_223, %eq3A_224 : i32
          %jit3A_226 = arith.constant 1 : i32
          %select_n3A_227 = arith.select %eq3A_225, %jit3A_226, %jit3A_223 : i32
          %rem3A_228 = arith.remsi %scan3A_194, %select_n3A_227 : i32
          %ne3A_229 = arith.constant 0 : i32
          %ne3A_230 = arith.cmpi ne, %rem3A_228, %ne3A_229 : i32
          %lt3A_231 = arith.constant 0 : i32
          %lt3A_232 = arith.cmpi slt, %rem3A_228, %lt3A_231 : i32
          %lt3A_233 = arith.constant 0 : i32
          %lt3A_234 = arith.cmpi slt, %select_n3A_227, %lt3A_233 : i32
          %ne3A_235 = arith.xori %lt3A_232, %lt3A_234 : i1
          %and3A_236 = arith.andi %ne3A_235, %ne3A_230 : i1
          %add3A_237 = arith.addi %rem3A_228, %select_n3A_227 : i32
          %select_n3A_238 = arith.select %and3A_236, %add3A_237, %rem3A_228 : i32
          %mul3A_239 = arith.constant 16 : i32
          %mul3A_240 = arith.muli %select_n3A_238, %mul3A_239 : i32
          %swap3A = arith.index_cast %select_n3A : i32 to index
          %swap3A_241 = arith.index_cast %mul3A_240 : i32 to index
          %swap3A_242 = tpu.vector_load %arg13[%swap3A, %swap3A_241] {strides = array<i32>} : memref<2x128xi32, #tpu.memory_space<vmem>>, vector<1x16xi32>,
          %swap3A_243 = vector.shape_cast %swap3A_242 : vector<1x16xi32> to vector<16xi32>
          %swap3A_244 = vector.shape_cast %add3A_204 : vector<16xi32> to vector<1x16xi32>
          tpu.vector_store %arg13[%swap3A, %swap3A_241], %swap3A_244 {strides = array<i32>} : memref<2x128xi32, #tpu.memory_space<vmem>>, vector<1x16xi32>,
        }
        %scan3A_166 = arith.constant 16 : i32
        %dma_start3A = arith.constant 0 : i32
        %dma_start3A_167 = tpu.memref_slice %arg3[%mul3A_160, %dma_start3A] : memref<2500x128xi32, #tpu.memory_space<hbm>> -> memref<2x128xi32, #tpu.memory_space<hbm>>
        %dma_start3A_168 = arith.constant 0 : i32
        %dma_start3A_169 = tpu.memref_slice %arg3[%mul3A_160, %dma_start3A_168] : memref<2500x128xi32, #tpu.memory_space<hbm>> -> memref<2x128xi32, #tpu.memory_space<hbm>>
        tpu.enqueue_dma source(%dma_start3A_169 : memref<2x128xi32, #tpu.memory_space<hbm>>) target(%arg15 : memref<2x128xi32, #tpu.memory_space<vmem>>) target_semaphore(%arg26 : memref<!tpu.dma_semaphore, #tpu.memory_space<semaphore_mem>>)
        %dma_start3A_170 = arith.constant 0 : i32
        %dma_start3A_171 = tpu.memref_slice %arg4[%mul3A_160, %dma_start3A_170] : memref<2500x128xf32, #tpu.memory_space<hbm>> -> memref<2x128xf32, #tpu.memory_space<hbm>>
        %dma_start3A_172 = arith.constant 0 : i32
        %dma_start3A_173 = tpu.memref_slice %arg4[%mul3A_160, %dma_start3A_172] : memref<2500x128xf32, #tpu.memory_space<hbm>> -> memref<2x128xf32, #tpu.memory_space<hbm>>
        tpu.enqueue_dma source(%dma_start3A_173 : memref<2x128xf32, #tpu.memory_space<hbm>>) target(%arg19 : memref<2x128xf32, #tpu.memory_space<vmem>>) target_semaphore(%arg26 : memref<!tpu.dma_semaphore, #tpu.memory_space<semaphore_mem>>)
        %dma_start3A_174 = arith.constant 0 : i32
        %dma_start3A_175 = arith.constant 0 : i32
        %dma_start3A_176 = arith.constant 0 : i32
        %dma_start3A_177 = tpu.memref_slice %arg11[%dma_start3A_175, %dma_start3A_176] : memref<256x64xf32, #tpu.memory_space<vmem>> -> memref<128x64xf32, #tpu.memory_space<vmem>>
        %dma_start3A_178 = arith.constant 0 : i32
        %dma_start3A_179 = tpu.memref_slice %arg13[%dma_start3A_174, %dma_start3A_178] : memref<2x128xi32, #tpu.memory_space<vmem>> -> memref<1x128xi32, #tpu.memory_space<vmem>>
        %dma_start3A_180 = tpu.memref_squeeze %dma_start3A_179 : memref<1x128xi32, #tpu.memory_space<vmem>> -> memref<128xi32, #tpu.memory_space<vmem>>
        %dma_start3A_181 = arith.constant 0 : i32
        %dma_start3A_182 = arith.constant 0 : i32
        %dma_start3A_183 = tpu.memref_slice %arg2[%dma_start3A_181, %dma_start3A_182] : memref<640000x64xf32, #tpu.memory_space<hbm>> -> memref<640000x64xf32, #tpu.memory_space<hbm>>
        tpu.enqueue_indirect_dma source(%dma_start3A_183 : memref<640000x64xf32, #tpu.memory_space<hbm>>) target(%dma_start3A_177 : memref<128x64xf32, #tpu.memory_space<vmem>>) offsets(%dma_start3A_180 : memref<128xi32, #tpu.memory_space<vmem>>) semaphore(%arg26 : memref<!tpu.dma_semaphore, #tpu.memory_space<semaphore_mem>>)
        %dma_start3A_184 = arith.constant 1 : i32
        %dma_start3A_185 = arith.constant 128 : i32
        %dma_start3A_186 = arith.constant 0 : i32
        %dma_start3A_187 = tpu.memref_slice %arg11[%dma_start3A_185, %dma_start3A_186] : memref<256x64xf32, #tpu.memory_space<vmem>> -> memref<128x64xf32, #tpu.memory_space<vmem>>
        %dma_start3A_188 = arith.constant 0 : i32
        %dma_start3A_189 = tpu.memref_slice %arg13[%dma_start3A_184, %dma_start3A_188] : memref<2x128xi32, #tpu.memory_space<vmem>> -> memref<1x128xi32, #tpu.memory_space<vmem>>
        %dma_start3A_190 = tpu.memref_squeeze %dma_start3A_189 : memref<1x128xi32, #tpu.memory_space<vmem>> -> memref<128xi32, #tpu.memory_space<vmem>>
        %dma_start3A_191 = arith.constant 0 : i32
        %dma_start3A_192 = arith.constant 0 : i32
        %dma_start3A_193 = tpu.memref_slice %arg2[%dma_start3A_191, %dma_start3A_192] : memref<640000x64xf32, #tpu.memory_space<hbm>> -> memref<640000x64xf32, #tpu.memory_space<hbm>>
        tpu.enqueue_indirect_dma source(%dma_start3A_193 : memref<640000x64xf32, #tpu.memory_space<hbm>>) target(%dma_start3A_187 : memref<128x64xf32, #tpu.memory_space<vmem>>) offsets(%dma_start3A_190 : memref<128xi32, #tpu.memory_space<vmem>>) semaphore(%arg26 : memref<!tpu.dma_semaphore, #tpu.memory_space<semaphore_mem>>)
      } else {
      }
      %ge3A_78 = arith.constant 1 : i32
      %ge3A_79 = arith.cmpi sge, %add3A_58, %ge3A_78 : i32
      %sub3A_80 = arith.constant 16 : i32
      %sub3A_81 = arith.subi %add3A_61, %sub3A_80 : i32
      %lt3A_82 = arith.constant 1250 : i32
      %lt3A_83 = arith.cmpi slt, %sub3A_81, %lt3A_82 : i32
      %and3A_84 = arith.andi %ge3A_79, %lt3A_83 : i1
      %convert_element_type3A_85 = arith.extui %and3A_84 : i1 to i32
      %cond3A_86 = arith.constant 0 : i32
      %cond3A_87 = arith.cmpi ne, %convert_element_type3A_85, %cond3A_86 : i32
      scf.if %cond3A_87 {
        %sub3A_154 = arith.constant 1 : i32
        %sub3A_155 = arith.subi %add3A_58, %sub3A_154 : i32
        %mul3A_156 = arith.constant 16 : i32
        %mul3A_157 = arith.muli %sub3A_155, %mul3A_156 : i32
        %add3A_158 = arith.addi %arg1, %mul3A_157 : i32
        %mul3A_159 = arith.constant 2 : i32
        %mul3A_160 = arith.muli %add3A_158, %mul3A_159 : i32
        %dma_wait3A = arith.constant 0 : i32
        %dma_wait3A_161 = tpu.memref_slice %arg3[%mul3A_160, %dma_wait3A] : memref<2500x128xi32, #tpu.memory_space<hbm>> -> memref<2x128xi32, #tpu.memory_space<hbm>>
        %dma_wait3A_162 = arith.constant 0 : i32
        %dma_wait3A_163 = tpu.memref_slice %arg3[%mul3A_160, %dma_wait3A_162] : memref<2500x128xi32, #tpu.memory_space<hbm>> -> memref<2x128xi32, #tpu.memory_space<hbm>>
        tpu.wait_dma2 semaphore(%arg25 : memref<!tpu.dma_semaphore, #tpu.memory_space<semaphore_mem>>) src(%dma_wait3A_163 : memref<2x128xi32, #tpu.memory_space<hbm>>) dst(%arg14 : memref<2x128xi32, #tpu.memory_space<vmem>>)
        %dma_wait3A_164 = arith.constant 0 : i32
        %dma_wait3A_165 = tpu.memref_slice %arg4[%mul3A_160, %dma_wait3A_164] : memref<2500x128xf32, #tpu.memory_space<hbm>> -> memref<2x128xf32, #tpu.memory_space<hbm>>
        %dma_wait3A_166 = arith.constant 0 : i32
        %dma_wait3A_167 = tpu.memref_slice %arg4[%mul3A_160, %dma_wait3A_166] : memref<2500x128xf32, #tpu.memory_space<hbm>> -> memref<2x128xf32, #tpu.memory_space<hbm>>
        tpu.wait_dma2 semaphore(%arg25 : memref<!tpu.dma_semaphore, #tpu.memory_space<semaphore_mem>>) src(%dma_wait3A_167 : memref<2x128xf32, #tpu.memory_space<hbm>>) dst(%arg18 : memref<2x128xf32, #tpu.memory_space<vmem>>)
        %dma_wait3A_168 = arith.constant 0 : i32
        %dma_wait3A_169 = arith.constant 0 : i32
        %dma_wait3A_170 = arith.constant 0 : i32
        %dma_wait3A_171 = tpu.memref_slice %arg10[%dma_wait3A_169, %dma_wait3A_170] : memref<256x64xf32, #tpu.memory_space<vmem>> -> memref<128x64xf32, #tpu.memory_space<vmem>>
        %dma_wait3A_172 = arith.constant 0 : i32
        %dma_wait3A_173 = tpu.memref_slice %arg12[%dma_wait3A_168, %dma_wait3A_172] : memref<2x128xi32, #tpu.memory_space<vmem>> -> memref<1x128xi32, #tpu.memory_space<vmem>>
        %dma_wait3A_174 = tpu.memref_squeeze %dma_wait3A_173 : memref<1x128xi32, #tpu.memory_space<vmem>> -> memref<128xi32, #tpu.memory_space<vmem>>
        %dma_wait3A_175 = arith.constant 0 : i32
        %dma_wait3A_176 = arith.constant 0 : i32
        %dma_wait3A_177 = tpu.memref_slice %arg2[%dma_wait3A_175, %dma_wait3A_176] : memref<640000x64xf32, #tpu.memory_space<hbm>> -> memref<640000x64xf32, #tpu.memory_space<hbm>>
        tpu.wait_indirect_dma semaphore(%arg25 : memref<!tpu.dma_semaphore, #tpu.memory_space<semaphore_mem>>) src(%dma_wait3A_177 : memref<640000x64xf32, #tpu.memory_space<hbm>>) dst(%dma_wait3A_171 : memref<128x64xf32, #tpu.memory_space<vmem>>)
        %dma_wait3A_178 = arith.constant 1 : i32
        %dma_wait3A_179 = arith.constant 128 : i32
        %dma_wait3A_180 = arith.constant 0 : i32
        %dma_wait3A_181 = tpu.memref_slice %arg10[%dma_wait3A_179, %dma_wait3A_180] : memref<256x64xf32, #tpu.memory_space<vmem>> -> memref<128x64xf32, #tpu.memory_space<vmem>>
        %dma_wait3A_182 = arith.constant 0 : i32
        %dma_wait3A_183 = tpu.memref_slice %arg12[%dma_wait3A_178, %dma_wait3A_182] : memref<2x128xi32, #tpu.memory_space<vmem>> -> memref<1x128xi32, #tpu.memory_space<vmem>>
        %dma_wait3A_184 = tpu.memref_squeeze %dma_wait3A_183 : memref<1x128xi32, #tpu.memory_space<vmem>> -> memref<128xi32, #tpu.memory_space<vmem>>
        %dma_wait3A_185 = arith.constant 0 : i32
        %dma_wait3A_186 = arith.constant 0 : i32
        %dma_wait3A_187 = tpu.memref_slice %arg2[%dma_wait3A_185, %dma_wait3A_186] : memref<640000x64xf32, #tpu.memory_space<hbm>> -> memref<640000x64xf32, #tpu.memory_space<hbm>>
        tpu.wait_indirect_dma semaphore(%arg25 : memref<!tpu.dma_semaphore, #tpu.memory_space<semaphore_mem>>) src(%dma_wait3A_187 : memref<640000x64xf32, #tpu.memory_space<hbm>>) dst(%dma_wait3A_181 : memref<128x64xf32, #tpu.memory_space<vmem>>)
        %scan3A_188 = arith.constant 0 : i32
        %scan3A_189 = arith.constant 0 : i32
        %scan3A_190 = arith.constant 16 : i32
        %scan3A_191 = arith.addi %scan3A_189, %scan3A_190 : i32
        %scan3A_192 = arith.constant 1 : i32
        scf.for %scan3A_218 = %scan3A_189 to %scan3A_191 step %scan3A_192  : i32 {
          %jit3A = arith.constant 8 : i32
          %div3A = arith.divsi %scan3A_218, %jit3A : i32
          %sign3A = arith.constant 0 : i32
          %sign3A_219 = arith.cmpi sgt, %scan3A_218, %sign3A : i32
          %sign3A_220 = arith.extui %sign3A_219 : i1 to i32
          %sign3A_221 = arith.constant 0 : i32
          %sign3A_222 = arith.cmpi slt, %scan3A_218, %sign3A_221 : i32
          %sign3A_223 = arith.extui %sign3A_222 : i1 to i32
          %sign3A_224 = arith.subi %sign3A_220, %sign3A_223 : i32
          %sign3A_225 = arith.constant 0 : i32
          %sign3A_226 = arith.cmpi sgt, %jit3A, %sign3A_225 : i32
          %sign3A_227 = arith.extui %sign3A_226 : i1 to i32
          %sign3A_228 = arith.constant 0 : i32
          %sign3A_229 = arith.cmpi slt, %jit3A, %sign3A_228 : i32
          %sign3A_230 = arith.extui %sign3A_229 : i1 to i32
          %sign3A_231 = arith.subi %sign3A_227, %sign3A_230 : i32
          %ne3A = arith.cmpi ne, %sign3A_224, %sign3A_231 : i32
          %rem3A = arith.remsi %scan3A_218, %jit3A : i32
          %ne3A_232 = arith.constant 0 : i32
          %ne3A_233 = arith.cmpi ne, %rem3A, %ne3A_232 : i32
          %and3A_234 = arith.andi %ne3A, %ne3A_233 : i1
          %sub3A_235 = arith.constant 1 : i32
          %sub3A_236 = arith.subi %div3A, %sub3A_235 : i32
          %select_n3A = arith.select %and3A_234, %sub3A_236, %div3A : i32
          %jit3A_237 = arith.constant 8 : i32
          %eq3A_238 = arith.constant 0 : i32
          %eq3A_239 = arith.cmpi eq, %jit3A_237, %eq3A_238 : i32
          %jit3A_240 = arith.constant 1 : i32
          %select_n3A_241 = arith.select %eq3A_239, %jit3A_240, %jit3A_237 : i32
          %rem3A_242 = arith.remsi %scan3A_218, %select_n3A_241 : i32
          %ne3A_243 = arith.constant 0 : i32
          %ne3A_244 = arith.cmpi ne, %rem3A_242, %ne3A_243 : i32
          %lt3A_245 = arith.constant 0 : i32
          %lt3A_246 = arith.cmpi slt, %rem3A_242, %lt3A_245 : i32
          %lt3A_247 = arith.constant 0 : i32
          %lt3A_248 = arith.cmpi slt, %select_n3A_241, %lt3A_247 : i32
          %ne3A_249 = arith.xori %lt3A_246, %lt3A_248 : i1
          %and3A_250 = arith.andi %ne3A_249, %ne3A_244 : i1
          %add3A_251 = arith.addi %rem3A_242, %select_n3A_241 : i32
          %select_n3A_252 = arith.select %and3A_250, %add3A_251, %rem3A_242 : i32
          %mul3A_253 = arith.constant 16 : i32
          %mul3A_254 = arith.muli %select_n3A_252, %mul3A_253 : i32
          %get3A = arith.index_cast %select_n3A : i32 to index
          %get3A_255 = arith.index_cast %mul3A_254 : i32 to index
          %get3A_256 = tpu.vector_load %arg18[%get3A, %get3A_255] {strides = array<i32>} : memref<2x128xf32, #tpu.memory_space<vmem>>, vector<1x16xf32>,
          %get3A_257 = vector.shape_cast %get3A_256 : vector<1x16xf32> to vector<16xf32>
          %mul3A_258 = arith.constant 16 : i32
          %mul3A_259 = arith.muli %scan3A_218, %mul3A_258 : i32
          %add3A_260 = arith.constant 0 : i32
          %add3A_261 = arith.addi %mul3A_259, %add3A_260 : i32
          %add3A_262 = arith.constant 1 : i32
          %add3A_263 = arith.addi %add3A_261, %add3A_262 : i32
          %slice3A = vector.extract_strided_slice %get3A_257 {offsets = [0], sizes = [1], strides = [1]} : vector<16xf32> to vector<1xf32>
          %squeeze3A = vector.extract %slice3A[0] : f32 from vector<1xf32>
          %slice3A_264 = vector.extract_strided_slice %get3A_257 {offsets = [1], sizes = [1], strides = [1]} : vector<16xf32> to vector<1xf32>
          %squeeze3A_265 = vector.extract %slice3A_264[0] : f32 from vector<1xf32>
          %get3A_266 = arith.index_cast %add3A_261 : i32 to index
          %get3A_267 = arith.constant 0 : index
          %get3A_268 = tpu.vector_load %arg10[%get3A_266, %get3A_267] {strides = array<i32>} : memref<256x64xf32, #tpu.memory_space<vmem>>, vector<1x16xf32>,
          %get3A_269 = vector.shape_cast %get3A_268 : vector<1x16xf32> to vector<16xf32>
          %get3A_270 = arith.index_cast %add3A_261 : i32 to index
          %get3A_271 = arith.constant 16 : index
          %get3A_272 = tpu.vector_load %arg10[%get3A_270, %get3A_271] {strides = array<i32>} : memref<256x64xf32, #tpu.memory_space<vmem>>, vector<1x16xf32>,
          %get3A_273 = vector.shape_cast %get3A_272 : vector<1x16xf32> to vector<16xf32>
          %get3A_274 = arith.index_cast %add3A_261 : i32 to index
          %get3A_275 = arith.constant 32 : index
          %get3A_276 = tpu.vector_load %arg10[%get3A_274, %get3A_275] {strides = array<i32>} : memref<256x64xf32, #tpu.memory_space<vmem>>, vector<1x16xf32>,
          %get3A_277 = vector.shape_cast %get3A_276 : vector<1x16xf32> to vector<16xf32>
          %get3A_278 = arith.index_cast %add3A_261 : i32 to index
          %get3A_279 = arith.constant 48 : index
          %get3A_280 = tpu.vector_load %arg10[%get3A_278, %get3A_279] {strides = array<i32>} : memref<256x64xf32, #tpu.memory_space<vmem>>, vector<1x16xf32>,
          %get3A_281 = vector.shape_cast %get3A_280 : vector<1x16xf32> to vector<16xf32>
          %get3A_282 = arith.index_cast %add3A_263 : i32 to index
          %get3A_283 = arith.constant 0 : index
          %get3A_284 = tpu.vector_load %arg10[%get3A_282, %get3A_283] {strides = array<i32>} : memref<256x64xf32, #tpu.memory_space<vmem>>, vector<1x16xf32>,
          %get3A_285 = vector.shape_cast %get3A_284 : vector<1x16xf32> to vector<16xf32>
          %get3A_286 = arith.index_cast %add3A_263 : i32 to index
          %get3A_287 = arith.constant 16 : index
          %get3A_288 = tpu.vector_load %arg10[%get3A_286, %get3A_287] {strides = array<i32>} : memref<256x64xf32, #tpu.memory_space<vmem>>, vector<1x16xf32>,
          %get3A_289 = vector.shape_cast %get3A_288 : vector<1x16xf32> to vector<16xf32>
          %get3A_290 = arith.index_cast %add3A_263 : i32 to index
          %get3A_291 = arith.constant 32 : index
          %get3A_292 = tpu.vector_load %arg10[%get3A_290, %get3A_291] {strides = array<i32>} : memref<256x64xf32, #tpu.memory_space<vmem>>, vector<1x16xf32>,
          %get3A_293 = vector.shape_cast %get3A_292 : vector<1x16xf32> to vector<16xf32>
          %get3A_294 = arith.index_cast %add3A_263 : i32 to index
          %get3A_295 = arith.constant 48 : index
          %get3A_296 = tpu.vector_load %arg10[%get3A_294, %get3A_295] {strides = array<i32>} : memref<256x64xf32, #tpu.memory_space<vmem>>, vector<1x16xf32>,
          %get3A_297 = vector.shape_cast %get3A_296 : vector<1x16xf32> to vector<16xf32>
          %mul3A_298 = vector.broadcast %squeeze3A : f32 to vector<16xf32>
          %mul3A_299 = arith.mulf %get3A_269, %mul3A_298 : vector<16xf32>
          %swap3A = arith.index_cast %add3A_261 : i32 to index
          %swap3A_300 = arith.constant 0 : index
          %swap3A_301 = tpu.vector_load %arg20[%swap3A, %swap3A_300] {strides = array<i32>} : memref<256x64xf32, #tpu.memory_space<vmem>>, vector<1x16xf32>,
          %swap3A_302 = vector.shape_cast %swap3A_301 : vector<1x16xf32> to vector<16xf32>
          %swap3A_303 = vector.shape_cast %mul3A_299 : vector<16xf32> to vector<1x16xf32>
          tpu.vector_store %arg20[%swap3A, %swap3A_300], %swap3A_303 {strides = array<i32>} : memref<256x64xf32, #tpu.memory_space<vmem>>, vector<1x16xf32>,
          %mul3A_304 = vector.broadcast %squeeze3A : f32 to vector<16xf32>
          %mul3A_305 = arith.mulf %get3A_273, %mul3A_304 : vector<16xf32>
          %swap3A_306 = arith.index_cast %add3A_261 : i32 to index
          %swap3A_307 = arith.constant 16 : index
          %swap3A_308 = tpu.vector_load %arg20[%swap3A_306, %swap3A_307] {strides = array<i32>} : memref<256x64xf32, #tpu.memory_space<vmem>>, vector<1x16xf32>,
          %swap3A_309 = vector.shape_cast %swap3A_308 : vector<1x16xf32> to vector<16xf32>
          %swap3A_310 = vector.shape_cast %mul3A_305 : vector<16xf32> to vector<1x16xf32>
          tpu.vector_store %arg20[%swap3A_306, %swap3A_307], %swap3A_310 {strides = array<i32>} : memref<256x64xf32, #tpu.memory_space<vmem>>, vector<1x16xf32>,
          %mul3A_311 = vector.broadcast %squeeze3A : f32 to vector<16xf32>
          %mul3A_312 = arith.mulf %get3A_277, %mul3A_311 : vector<16xf32>
          %swap3A_313 = arith.index_cast %add3A_261 : i32 to index
          %swap3A_314 = arith.constant 32 : index
          %swap3A_315 = tpu.vector_load %arg20[%swap3A_313, %swap3A_314] {strides = array<i32>} : memref<256x64xf32, #tpu.memory_space<vmem>>, vector<1x16xf32>,
          %swap3A_316 = vector.shape_cast %swap3A_315 : vector<1x16xf32> to vector<16xf32>
          %swap3A_317 = vector.shape_cast %mul3A_312 : vector<16xf32> to vector<1x16xf32>
          tpu.vector_store %arg20[%swap3A_313, %swap3A_314], %swap3A_317 {strides = array<i32>} : memref<256x64xf32, #tpu.memory_space<vmem>>, vector<1x16xf32>,
          %mul3A_318 = vector.broadcast %squeeze3A : f32 to vector<16xf32>
          %mul3A_319 = arith.mulf %get3A_281, %mul3A_318 : vector<16xf32>
          %swap3A_320 = arith.index_cast %add3A_261 : i32 to index
          %swap3A_321 = arith.constant 48 : index
          %swap3A_322 = tpu.vector_load %arg20[%swap3A_320, %swap3A_321] {strides = array<i32>} : memref<256x64xf32, #tpu.memory_space<vmem>>, vector<1x16xf32>,
          %swap3A_323 = vector.shape_cast %swap3A_322 : vector<1x16xf32> to vector<16xf32>
          %swap3A_324 = vector.shape_cast %mul3A_319 : vector<16xf32> to vector<1x16xf32>
          tpu.vector_store %arg20[%swap3A_320, %swap3A_321], %swap3A_324 {strides = array<i32>} : memref<256x64xf32, #tpu.memory_space<vmem>>, vector<1x16xf32>,
          %mul3A_325 = vector.broadcast %squeeze3A_265 : f32 to vector<16xf32>
          %mul3A_326 = arith.mulf %get3A_285, %mul3A_325 : vector<16xf32>
          %swap3A_327 = arith.index_cast %add3A_263 : i32 to index
          %swap3A_328 = arith.constant 0 : index
          %swap3A_329 = tpu.vector_load %arg20[%swap3A_327, %swap3A_328] {strides = array<i32>} : memref<256x64xf32, #tpu.memory_space<vmem>>, vector<1x16xf32>,
          %swap3A_330 = vector.shape_cast %swap3A_329 : vector<1x16xf32> to vector<16xf32>
          %swap3A_331 = vector.shape_cast %mul3A_326 : vector<16xf32> to vector<1x16xf32>
          tpu.vector_store %arg20[%swap3A_327, %swap3A_328], %swap3A_331 {strides = array<i32>} : memref<256x64xf32, #tpu.memory_space<vmem>>, vector<1x16xf32>,
          %mul3A_332 = vector.broadcast %squeeze3A_265 : f32 to vector<16xf32>
          %mul3A_333 = arith.mulf %get3A_289, %mul3A_332 : vector<16xf32>
          %swap3A_334 = arith.index_cast %add3A_263 : i32 to index
          %swap3A_335 = arith.constant 16 : index
          %swap3A_336 = tpu.vector_load %arg20[%swap3A_334, %swap3A_335] {strides = array<i32>} : memref<256x64xf32, #tpu.memory_space<vmem>>, vector<1x16xf32>,
          %swap3A_337 = vector.shape_cast %swap3A_336 : vector<1x16xf32> to vector<16xf32>
          %swap3A_338 = vector.shape_cast %mul3A_333 : vector<16xf32> to vector<1x16xf32>
          tpu.vector_store %arg20[%swap3A_334, %swap3A_335], %swap3A_338 {strides = array<i32>} : memref<256x64xf32, #tpu.memory_space<vmem>>, vector<1x16xf32>,
          %mul3A_339 = vector.broadcast %squeeze3A_265 : f32 to vector<16xf32>
          %mul3A_340 = arith.mulf %get3A_293, %mul3A_339 : vector<16xf32>
          %swap3A_341 = arith.index_cast %add3A_263 : i32 to index
          %swap3A_342 = arith.constant 32 : index
          %swap3A_343 = tpu.vector_load %arg20[%swap3A_341, %swap3A_342] {strides = array<i32>} : memref<256x64xf32, #tpu.memory_space<vmem>>, vector<1x16xf32>,
          %swap3A_344 = vector.shape_cast %swap3A_343 : vector<1x16xf32> to vector<16xf32>
          %swap3A_345 = vector.shape_cast %mul3A_340 : vector<16xf32> to vector<1x16xf32>
          tpu.vector_store %arg20[%swap3A_341, %swap3A_342], %swap3A_345 {strides = array<i32>} : memref<256x64xf32, #tpu.memory_space<vmem>>, vector<1x16xf32>,
          %mul3A_346 = vector.broadcast %squeeze3A_265 : f32 to vector<16xf32>
          %mul3A_347 = arith.mulf %get3A_297, %mul3A_346 : vector<16xf32>
          %swap3A_348 = arith.index_cast %add3A_263 : i32 to index
          %swap3A_349 = arith.constant 48 : index
          %swap3A_350 = tpu.vector_load %arg20[%swap3A_348, %swap3A_349] {strides = array<i32>} : memref<256x64xf32, #tpu.memory_space<vmem>>, vector<1x16xf32>,
          %swap3A_351 = vector.shape_cast %swap3A_350 : vector<1x16xf32> to vector<16xf32>
          %swap3A_352 = vector.shape_cast %mul3A_347 : vector<16xf32> to vector<1x16xf32>
          tpu.vector_store %arg20[%swap3A_348, %swap3A_349], %swap3A_352 {strides = array<i32>} : memref<256x64xf32, #tpu.memory_space<vmem>>, vector<1x16xf32>,
          %mul3A_353 = arith.constant 16 : i32
          %mul3A_354 = arith.muli %scan3A_218, %mul3A_353 : i32
          %add3A_355 = arith.constant 2 : i32
          %add3A_356 = arith.addi %mul3A_354, %add3A_355 : i32
          %add3A_357 = arith.constant 1 : i32
          %add3A_358 = arith.addi %add3A_356, %add3A_357 : i32
          %slice3A_359 = vector.extract_strided_slice %get3A_257 {offsets = [2], sizes = [1], strides = [1]} : vector<16xf32> to vector<1xf32>
          %squeeze3A_360 = vector.extract %slice3A_359[0] : f32 from vector<1xf32>
          %slice3A_361 = vector.extract_strided_slice %get3A_257 {offsets = [3], sizes = [1], strides = [1]} : vector<16xf32> to vector<1xf32>
          %squeeze3A_362 = vector.extract %slice3A_361[0] : f32 from vector<1xf32>
          %get3A_363 = arith.index_cast %add3A_356 : i32 to index
          %get3A_364 = arith.constant 0 : index
          %get3A_365 = tpu.vector_load %arg10[%get3A_363, %get3A_364] {strides = array<i32>} : memref<256x64xf32, #tpu.memory_space<vmem>>, vector<1x16xf32>,
          %get3A_366 = vector.shape_cast %get3A_365 : vector<1x16xf32> to vector<16xf32>
          %get3A_367 = arith.index_cast %add3A_356 : i32 to index
          %get3A_368 = arith.constant 16 : index
          %get3A_369 = tpu.vector_load %arg10[%get3A_367, %get3A_368] {strides = array<i32>} : memref<256x64xf32, #tpu.memory_space<vmem>>, vector<1x16xf32>,
          %get3A_370 = vector.shape_cast %get3A_369 : vector<1x16xf32> to vector<16xf32>
          %get3A_371 = arith.index_cast %add3A_356 : i32 to index
          %get3A_372 = arith.constant 32 : index
          %get3A_373 = tpu.vector_load %arg10[%get3A_371, %get3A_372] {strides = array<i32>} : memref<256x64xf32, #tpu.memory_space<vmem>>, vector<1x16xf32>,
          %get3A_374 = vector.shape_cast %get3A_373 : vector<1x16xf32> to vector<16xf32>
          %get3A_375 = arith.index_cast %add3A_356 : i32 to index
          %get3A_376 = arith.constant 48 : index
          %get3A_377 = tpu.vector_load %arg10[%get3A_375, %get3A_376] {strides = array<i32>} : memref<256x64xf32, #tpu.memory_space<vmem>>, vector<1x16xf32>,
          %get3A_378 = vector.shape_cast %get3A_377 : vector<1x16xf32> to vector<16xf32>
          %get3A_379 = arith.index_cast %add3A_358 : i32 to index
          %get3A_380 = arith.constant 0 : index
          %get3A_381 = tpu.vector_load %arg10[%get3A_379, %get3A_380] {strides = array<i32>} : memref<256x64xf32, #tpu.memory_space<vmem>>, vector<1x16xf32>,
          %get3A_382 = vector.shape_cast %get3A_381 : vector<1x16xf32> to vector<16xf32>
          %get3A_383 = arith.index_cast %add3A_358 : i32 to index
          %get3A_384 = arith.constant 16 : index
          %get3A_385 = tpu.vector_load %arg10[%get3A_383, %get3A_384] {strides = array<i32>} : memref<256x64xf32, #tpu.memory_space<vmem>>, vector<1x16xf32>,
          %get3A_386 = vector.shape_cast %get3A_385 : vector<1x16xf32> to vector<16xf32>
          %get3A_387 = arith.index_cast %add3A_358 : i32 to index
          %get3A_388 = arith.constant 32 : index
          %get3A_389 = tpu.vector_load %arg10[%get3A_387, %get3A_388] {strides = array<i32>} : memref<256x64xf32, #tpu.memory_space<vmem>>, vector<1x16xf32>,
          %get3A_390 = vector.shape_cast %get3A_389 : vector<1x16xf32> to vector<16xf32>
          %get3A_391 = arith.index_cast %add3A_358 : i32 to index
          %get3A_392 = arith.constant 48 : index
          %get3A_393 = tpu.vector_load %arg10[%get3A_391, %get3A_392] {strides = array<i32>} : memref<256x64xf32, #tpu.memory_space<vmem>>, vector<1x16xf32>,
          %get3A_394 = vector.shape_cast %get3A_393 : vector<1x16xf32> to vector<16xf32>
          %mul3A_395 = vector.broadcast %squeeze3A_360 : f32 to vector<16xf32>
          %mul3A_396 = arith.mulf %get3A_366, %mul3A_395 : vector<16xf32>
          %swap3A_397 = arith.index_cast %add3A_356 : i32 to index
          %swap3A_398 = arith.constant 0 : index
          %swap3A_399 = tpu.vector_load %arg20[%swap3A_397, %swap3A_398] {strides = array<i32>} : memref<256x64xf32, #tpu.memory_space<vmem>>, vector<1x16xf32>,
          %swap3A_400 = vector.shape_cast %swap3A_399 : vector<1x16xf32> to vector<16xf32>
          %swap3A_401 = vector.shape_cast %mul3A_396 : vector<16xf32> to vector<1x16xf32>
          tpu.vector_store %arg20[%swap3A_397, %swap3A_398], %swap3A_401 {strides = array<i32>} : memref<256x64xf32, #tpu.memory_space<vmem>>, vector<1x16xf32>,
          %mul3A_402 = vector.broadcast %squeeze3A_360 : f32 to vector<16xf32>
          %mul3A_403 = arith.mulf %get3A_370, %mul3A_402 : vector<16xf32>
          %swap3A_404 = arith.index_cast %add3A_356 : i32 to index
          %swap3A_405 = arith.constant 16 : index
          %swap3A_406 = tpu.vector_load %arg20[%swap3A_404, %swap3A_405] {strides = array<i32>} : memref<256x64xf32, #tpu.memory_space<vmem>>, vector<1x16xf32>,
          %swap3A_407 = vector.shape_cast %swap3A_406 : vector<1x16xf32> to vector<16xf32>
          %swap3A_408 = vector.shape_cast %mul3A_403 : vector<16xf32> to vector<1x16xf32>
          tpu.vector_store %arg20[%swap3A_404, %swap3A_405], %swap3A_408 {strides = array<i32>} : memref<256x64xf32, #tpu.memory_space<vmem>>, vector<1x16xf32>,
          %mul3A_409 = vector.broadcast %squeeze3A_360 : f32 to vector<16xf32>
          %mul3A_410 = arith.mulf %get3A_374, %mul3A_409 : vector<16xf32>
          %swap3A_411 = arith.index_cast %add3A_356 : i32 to index
          %swap3A_412 = arith.constant 32 : index
          %swap3A_413 = tpu.vector_load %arg20[%swap3A_411, %swap3A_412] {strides = array<i32>} : memref<256x64xf32, #tpu.memory_space<vmem>>, vector<1x16xf32>,
          %swap3A_414 = vector.shape_cast %swap3A_413 : vector<1x16xf32> to vector<16xf32>
          %swap3A_415 = vector.shape_cast %mul3A_410 : vector<16xf32> to vector<1x16xf32>
          tpu.vector_store %arg20[%swap3A_411, %swap3A_412], %swap3A_415 {strides = array<i32>} : memref<256x64xf32, #tpu.memory_space<vmem>>, vector<1x16xf32>,
          %mul3A_416 = vector.broadcast %squeeze3A_360 : f32 to vector<16xf32>
          %mul3A_417 = arith.mulf %get3A_378, %mul3A_416 : vector<16xf32>
          %swap3A_418 = arith.index_cast %add3A_356 : i32 to index
          %swap3A_419 = arith.constant 48 : index
          %swap3A_420 = tpu.vector_load %arg20[%swap3A_418, %swap3A_419] {strides = array<i32>} : memref<256x64xf32, #tpu.memory_space<vmem>>, vector<1x16xf32>,
          %swap3A_421 = vector.shape_cast %swap3A_420 : vector<1x16xf32> to vector<16xf32>
          %swap3A_422 = vector.shape_cast %mul3A_417 : vector<16xf32> to vector<1x16xf32>
          tpu.vector_store %arg20[%swap3A_418, %swap3A_419], %swap3A_422 {strides = array<i32>} : memref<256x64xf32, #tpu.memory_space<vmem>>, vector<1x16xf32>,
          %mul3A_423 = vector.broadcast %squeeze3A_362 : f32 to vector<16xf32>
          %mul3A_424 = arith.mulf %get3A_382, %mul3A_423 : vector<16xf32>
          %swap3A_425 = arith.index_cast %add3A_358 : i32 to index
          %swap3A_426 = arith.constant 0 : index
          %swap3A_427 = tpu.vector_load %arg20[%swap3A_425, %swap3A_426] {strides = array<i32>} : memref<256x64xf32, #tpu.memory_space<vmem>>, vector<1x16xf32>,
          %swap3A_428 = vector.shape_cast %swap3A_427 : vector<1x16xf32> to vector<16xf32>
          %swap3A_429 = vector.shape_cast %mul3A_424 : vector<16xf32> to vector<1x16xf32>
          tpu.vector_store %arg20[%swap3A_425, %swap3A_426], %swap3A_429 {strides = array<i32>} : memref<256x64xf32, #tpu.memory_space<vmem>>, vector<1x16xf32>,
          %mul3A_430 = vector.broadcast %squeeze3A_362 : f32 to vector<16xf32>
          %mul3A_431 = arith.mulf %get3A_386, %mul3A_430 : vector<16xf32>
          %swap3A_432 = arith.index_cast %add3A_358 : i32 to index
          %swap3A_433 = arith.constant 16 : index
          %swap3A_434 = tpu.vector_load %arg20[%swap3A_432, %swap3A_433] {strides = array<i32>} : memref<256x64xf32, #tpu.memory_space<vmem>>, vector<1x16xf32>,
          %swap3A_435 = vector.shape_cast %swap3A_434 : vector<1x16xf32> to vector<16xf32>
          %swap3A_436 = vector.shape_cast %mul3A_431 : vector<16xf32> to vector<1x16xf32>
          tpu.vector_store %arg20[%swap3A_432, %swap3A_433], %swap3A_436 {strides = array<i32>} : memref<256x64xf32, #tpu.memory_space<vmem>>, vector<1x16xf32>,
          %mul3A_437 = vector.broadcast %squeeze3A_362 : f32 to vector<16xf32>
          %mul3A_438 = arith.mulf %get3A_390, %mul3A_437 : vector<16xf32>
          %swap3A_439 = arith.index_cast %add3A_358 : i32 to index
          %swap3A_440 = arith.constant 32 : index
          %swap3A_441 = tpu.vector_load %arg20[%swap3A_439, %swap3A_440] {strides = array<i32>} : memref<256x64xf32, #tpu.memory_space<vmem>>, vector<1x16xf32>,
          %swap3A_442 = vector.shape_cast %swap3A_441 : vector<1x16xf32> to vector<16xf32>
          %swap3A_443 = vector.shape_cast %mul3A_438 : vector<16xf32> to vector<1x16xf32>
          tpu.vector_store %arg20[%swap3A_439, %swap3A_440], %swap3A_443 {strides = array<i32>} : memref<256x64xf32, #tpu.memory_space<vmem>>, vector<1x16xf32>,
          %mul3A_444 = vector.broadcast %squeeze3A_362 : f32 to vector<16xf32>
          %mul3A_445 = arith.mulf %get3A_394, %mul3A_444 : vector<16xf32>
          %swap3A_446 = arith.index_cast %add3A_358 : i32 to index
          %swap3A_447 = arith.constant 48 : index
          %swap3A_448 = tpu.vector_load %arg20[%swap3A_446, %swap3A_447] {strides = array<i32>} : memref<256x64xf32, #tpu.memory_space<vmem>>, vector<1x16xf32>,
          %swap3A_449 = vector.shape_cast %swap3A_448 : vector<1x16xf32> to vector<16xf32>
          %swap3A_450 = vector.shape_cast %mul3A_445 : vector<16xf32> to vector<1x16xf32>
          tpu.vector_store %arg20[%swap3A_446, %swap3A_447], %swap3A_450 {strides = array<i32>} : memref<256x64xf32, #tpu.memory_space<vmem>>, vector<1x16xf32>,
          %mul3A_451 = arith.constant 16 : i32
          %mul3A_452 = arith.muli %scan3A_218, %mul3A_451 : i32
          %add3A_453 = arith.constant 4 : i32
          %add3A_454 = arith.addi %mul3A_452, %add3A_453 : i32
          %add3A_455 = arith.constant 1 : i32
          %add3A_456 = arith.addi %add3A_454, %add3A_455 : i32
          %slice3A_457 = vector.extract_strided_slice %get3A_257 {offsets = [4], sizes = [1], strides = [1]} : vector<16xf32> to vector<1xf32>
          %squeeze3A_458 = vector.extract %slice3A_457[0] : f32 from vector<1xf32>
          %slice3A_459 = vector.extract_strided_slice %get3A_257 {offsets = [5], sizes = [1], strides = [1]} : vector<16xf32> to vector<1xf32>
          %squeeze3A_460 = vector.extract %slice3A_459[0] : f32 from vector<1xf32>
          %get3A_461 = arith.index_cast %add3A_454 : i32 to index
          %get3A_462 = arith.constant 0 : index
          %get3A_463 = tpu.vector_load %arg10[%get3A_461, %get3A_462] {strides = array<i32>} : memref<256x64xf32, #tpu.memory_space<vmem>>, vector<1x16xf32>,
          %get3A_464 = vector.shape_cast %get3A_463 : vector<1x16xf32> to vector<16xf32>
          %get3A_465 = arith.index_cast %add3A_454 : i32 to index
          %get3A_466 = arith.constant 16 : index
          %get3A_467 = tpu.vector_load %arg10[%get3A_465, %get3A_466] {strides = array<i32>} : memref<256x64xf32, #tpu.memory_space<vmem>>, vector<1x16xf32>,
          %get3A_468 = vector.shape_cast %get3A_467 : vector<1x16xf32> to vector<16xf32>
          %get3A_469 = arith.index_cast %add3A_454 : i32 to index
          %get3A_470 = arith.constant 32 : index
          %get3A_471 = tpu.vector_load %arg10[%get3A_469, %get3A_470] {strides = array<i32>} : memref<256x64xf32, #tpu.memory_space<vmem>>, vector<1x16xf32>,
          %get3A_472 = vector.shape_cast %get3A_471 : vector<1x16xf32> to vector<16xf32>
          %get3A_473 = arith.index_cast %add3A_454 : i32 to index
          %get3A_474 = arith.constant 48 : index
          %get3A_475 = tpu.vector_load %arg10[%get3A_473, %get3A_474] {strides = array<i32>} : memref<256x64xf32, #tpu.memory_space<vmem>>, vector<1x16xf32>,
          %get3A_476 = vector.shape_cast %get3A_475 : vector<1x16xf32> to vector<16xf32>
          %get3A_477 = arith.index_cast %add3A_456 : i32 to index
          %get3A_478 = arith.constant 0 : index
          %get3A_479 = tpu.vector_load %arg10[%get3A_477, %get3A_478] {strides = array<i32>} : memref<256x64xf32, #tpu.memory_space<vmem>>, vector<1x16xf32>,
          %get3A_480 = vector.shape_cast %get3A_479 : vector<1x16xf32> to vector<16xf32>
          %get3A_481 = arith.index_cast %add3A_456 : i32 to index
          %get3A_482 = arith.constant 16 : index
          %get3A_483 = tpu.vector_load %arg10[%get3A_481, %get3A_482] {strides = array<i32>} : memref<256x64xf32, #tpu.memory_space<vmem>>, vector<1x16xf32>,
          %get3A_484 = vector.shape_cast %get3A_483 : vector<1x16xf32> to vector<16xf32>
          %get3A_485 = arith.index_cast %add3A_456 : i32 to index
          %get3A_486 = arith.constant 32 : index
          %get3A_487 = tpu.vector_load %arg10[%get3A_485, %get3A_486] {strides = array<i32>} : memref<256x64xf32, #tpu.memory_space<vmem>>, vector<1x16xf32>,
          %get3A_488 = vector.shape_cast %get3A_487 : vector<1x16xf32> to vector<16xf32>
          %get3A_489 = arith.index_cast %add3A_456 : i32 to index
          %get3A_490 = arith.constant 48 : index
          %get3A_491 = tpu.vector_load %arg10[%get3A_489, %get3A_490] {strides = array<i32>} : memref<256x64xf32, #tpu.memory_space<vmem>>, vector<1x16xf32>,
          %get3A_492 = vector.shape_cast %get3A_491 : vector<1x16xf32> to vector<16xf32>
          %mul3A_493 = vector.broadcast %squeeze3A_458 : f32 to vector<16xf32>
          %mul3A_494 = arith.mulf %get3A_464, %mul3A_493 : vector<16xf32>
          %swap3A_495 = arith.index_cast %add3A_454 : i32 to index
          %swap3A_496 = arith.constant 0 : index
          %swap3A_497 = tpu.vector_load %arg20[%swap3A_495, %swap3A_496] {strides = array<i32>} : memref<256x64xf32, #tpu.memory_space<vmem>>, vector<1x16xf32>,
          %swap3A_498 = vector.shape_cast %swap3A_497 : vector<1x16xf32> to vector<16xf32>
          %swap3A_499 = vector.shape_cast %mul3A_494 : vector<16xf32> to vector<1x16xf32>
          tpu.vector_store %arg20[%swap3A_495, %swap3A_496], %swap3A_499 {strides = array<i32>} : memref<256x64xf32, #tpu.memory_space<vmem>>, vector<1x16xf32>,
          %mul3A_500 = vector.broadcast %squeeze3A_458 : f32 to vector<16xf32>
          %mul3A_501 = arith.mulf %get3A_468, %mul3A_500 : vector<16xf32>
          %swap3A_502 = arith.index_cast %add3A_454 : i32 to index
          %swap3A_503 = arith.constant 16 : index
          %swap3A_504 = tpu.vector_load %arg20[%swap3A_502, %swap3A_503] {strides = array<i32>} : memref<256x64xf32, #tpu.memory_space<vmem>>, vector<1x16xf32>,
          %swap3A_505 = vector.shape_cast %swap3A_504 : vector<1x16xf32> to vector<16xf32>
          %swap3A_506 = vector.shape_cast %mul3A_501 : vector<16xf32> to vector<1x16xf32>
          tpu.vector_store %arg20[%swap3A_502, %swap3A_503], %swap3A_506 {strides = array<i32>} : memref<256x64xf32, #tpu.memory_space<vmem>>, vector<1x16xf32>,
          %mul3A_507 = vector.broadcast %squeeze3A_458 : f32 to vector<16xf32>
          %mul3A_508 = arith.mulf %get3A_472, %mul3A_507 : vector<16xf32>
          %swap3A_509 = arith.index_cast %add3A_454 : i32 to index
          %swap3A_510 = arith.constant 32 : index
          %swap3A_511 = tpu.vector_load %arg20[%swap3A_509, %swap3A_510] {strides = array<i32>} : memref<256x64xf32, #tpu.memory_space<vmem>>, vector<1x16xf32>,
          %swap3A_512 = vector.shape_cast %swap3A_511 : vector<1x16xf32> to vector<16xf32>
          %swap3A_513 = vector.shape_cast %mul3A_508 : vector<16xf32> to vector<1x16xf32>
          tpu.vector_store %arg20[%swap3A_509, %swap3A_510], %swap3A_513 {strides = array<i32>} : memref<256x64xf32, #tpu.memory_space<vmem>>, vector<1x16xf32>,
          %mul3A_514 = vector.broadcast %squeeze3A_458 : f32 to vector<16xf32>
          %mul3A_515 = arith.mulf %get3A_476, %mul3A_514 : vector<16xf32>
          %swap3A_516 = arith.index_cast %add3A_454 : i32 to index
          %swap3A_517 = arith.constant 48 : index
          %swap3A_518 = tpu.vector_load %arg20[%swap3A_516, %swap3A_517] {strides = array<i32>} : memref<256x64xf32, #tpu.memory_space<vmem>>, vector<1x16xf32>,
          %swap3A_519 = vector.shape_cast %swap3A_518 : vector<1x16xf32> to vector<16xf32>
          %swap3A_520 = vector.shape_cast %mul3A_515 : vector<16xf32> to vector<1x16xf32>
          tpu.vector_store %arg20[%swap3A_516, %swap3A_517], %swap3A_520 {strides = array<i32>} : memref<256x64xf32, #tpu.memory_space<vmem>>, vector<1x16xf32>,
          %mul3A_521 = vector.broadcast %squeeze3A_460 : f32 to vector<16xf32>
          %mul3A_522 = arith.mulf %get3A_480, %mul3A_521 : vector<16xf32>
          %swap3A_523 = arith.index_cast %add3A_456 : i32 to index
          %swap3A_524 = arith.constant 0 : index
          %swap3A_525 = tpu.vector_load %arg20[%swap3A_523, %swap3A_524] {strides = array<i32>} : memref<256x64xf32, #tpu.memory_space<vmem>>, vector<1x16xf32>,
          %swap3A_526 = vector.shape_cast %swap3A_525 : vector<1x16xf32> to vector<16xf32>
          %swap3A_527 = vector.shape_cast %mul3A_522 : vector<16xf32> to vector<1x16xf32>
          tpu.vector_store %arg20[%swap3A_523, %swap3A_524], %swap3A_527 {strides = array<i32>} : memref<256x64xf32, #tpu.memory_space<vmem>>, vector<1x16xf32>,
          %mul3A_528 = vector.broadcast %squeeze3A_460 : f32 to vector<16xf32>
          %mul3A_529 = arith.mulf %get3A_484, %mul3A_528 : vector<16xf32>
          %swap3A_530 = arith.index_cast %add3A_456 : i32 to index
          %swap3A_531 = arith.constant 16 : index
          %swap3A_532 = tpu.vector_load %arg20[%swap3A_530, %swap3A_531] {strides = array<i32>} : memref<256x64xf32, #tpu.memory_space<vmem>>, vector<1x16xf32>,
          %swap3A_533 = vector.shape_cast %swap3A_532 : vector<1x16xf32> to vector<16xf32>
          %swap3A_534 = vector.shape_cast %mul3A_529 : vector<16xf32> to vector<1x16xf32>
          tpu.vector_store %arg20[%swap3A_530, %swap3A_531], %swap3A_534 {strides = array<i32>} : memref<256x64xf32, #tpu.memory_space<vmem>>, vector<1x16xf32>,
          %mul3A_535 = vector.broadcast %squeeze3A_460 : f32 to vector<16xf32>
          %mul3A_536 = arith.mulf %get3A_488, %mul3A_535 : vector<16xf32>
          %swap3A_537 = arith.index_cast %add3A_456 : i32 to index
          %swap3A_538 = arith.constant 32 : index
          %swap3A_539 = tpu.vector_load %arg20[%swap3A_537, %swap3A_538] {strides = array<i32>} : memref<256x64xf32, #tpu.memory_space<vmem>>, vector<1x16xf32>,
          %swap3A_540 = vector.shape_cast %swap3A_539 : vector<1x16xf32> to vector<16xf32>
          %swap3A_541 = vector.shape_cast %mul3A_536 : vector<16xf32> to vector<1x16xf32>
          tpu.vector_store %arg20[%swap3A_537, %swap3A_538], %swap3A_541 {strides = array<i32>} : memref<256x64xf32, #tpu.memory_space<vmem>>, vector<1x16xf32>,
          %mul3A_542 = vector.broadcast %squeeze3A_460 : f32 to vector<16xf32>
          %mul3A_543 = arith.mulf %get3A_492, %mul3A_542 : vector<16xf32>
          %swap3A_544 = arith.index_cast %add3A_456 : i32 to index
          %swap3A_545 = arith.constant 48 : index
          %swap3A_546 = tpu.vector_load %arg20[%swap3A_544, %swap3A_545] {strides = array<i32>} : memref<256x64xf32, #tpu.memory_space<vmem>>, vector<1x16xf32>,
          %swap3A_547 = vector.shape_cast %swap3A_546 : vector<1x16xf32> to vector<16xf32>
          %swap3A_548 = vector.shape_cast %mul3A_543 : vector<16xf32> to vector<1x16xf32>
          tpu.vector_store %arg20[%swap3A_544, %swap3A_545], %swap3A_548 {strides = array<i32>} : memref<256x64xf32, #tpu.memory_space<vmem>>, vector<1x16xf32>,
          %mul3A_549 = arith.constant 16 : i32
          %mul3A_550 = arith.muli %scan3A_218, %mul3A_549 : i32
          %add3A_551 = arith.constant 6 : i32
          %add3A_552 = arith.addi %mul3A_550, %add3A_551 : i32
          %add3A_553 = arith.constant 1 : i32
          %add3A_554 = arith.addi %add3A_552, %add3A_553 : i32
          %slice3A_555 = vector.extract_strided_slice %get3A_257 {offsets = [6], sizes = [1], strides = [1]} : vector<16xf32> to vector<1xf32>
          %squeeze3A_556 = vector.extract %slice3A_555[0] : f32 from vector<1xf32>
          %slice3A_557 = vector.extract_strided_slice %get3A_257 {offsets = [7], sizes = [1], strides = [1]} : vector<16xf32> to vector<1xf32>
          %squeeze3A_558 = vector.extract %slice3A_557[0] : f32 from vector<1xf32>
          %get3A_559 = arith.index_cast %add3A_552 : i32 to index
          %get3A_560 = arith.constant 0 : index
          %get3A_561 = tpu.vector_load %arg10[%get3A_559, %get3A_560] {strides = array<i32>} : memref<256x64xf32, #tpu.memory_space<vmem>>, vector<1x16xf32>,
          %get3A_562 = vector.shape_cast %get3A_561 : vector<1x16xf32> to vector<16xf32>
          %get3A_563 = arith.index_cast %add3A_552 : i32 to index
          %get3A_564 = arith.constant 16 : index
          %get3A_565 = tpu.vector_load %arg10[%get3A_563, %get3A_564] {strides = array<i32>} : memref<256x64xf32, #tpu.memory_space<vmem>>, vector<1x16xf32>,
          %get3A_566 = vector.shape_cast %get3A_565 : vector<1x16xf32> to vector<16xf32>
          %get3A_567 = arith.index_cast %add3A_552 : i32 to index
          %get3A_568 = arith.constant 32 : index
          %get3A_569 = tpu.vector_load %arg10[%get3A_567, %get3A_568] {strides = array<i32>} : memref<256x64xf32, #tpu.memory_space<vmem>>, vector<1x16xf32>,
          %get3A_570 = vector.shape_cast %get3A_569 : vector<1x16xf32> to vector<16xf32>
          %get3A_571 = arith.index_cast %add3A_552 : i32 to index
          %get3A_572 = arith.constant 48 : index
          %get3A_573 = tpu.vector_load %arg10[%get3A_571, %get3A_572] {strides = array<i32>} : memref<256x64xf32, #tpu.memory_space<vmem>>, vector<1x16xf32>,
          %get3A_574 = vector.shape_cast %get3A_573 : vector<1x16xf32> to vector<16xf32>
          %get3A_575 = arith.index_cast %add3A_554 : i32 to index
          %get3A_576 = arith.constant 0 : index
          %get3A_577 = tpu.vector_load %arg10[%get3A_575, %get3A_576] {strides = array<i32>} : memref<256x64xf32, #tpu.memory_space<vmem>>, vector<1x16xf32>,
          %get3A_578 = vector.shape_cast %get3A_577 : vector<1x16xf32> to vector<16xf32>
          %get3A_579 = arith.index_cast %add3A_554 : i32 to index
          %get3A_580 = arith.constant 16 : index
          %get3A_581 = tpu.vector_load %arg10[%get3A_579, %get3A_580] {strides = array<i32>} : memref<256x64xf32, #tpu.memory_space<vmem>>, vector<1x16xf32>,
          %get3A_582 = vector.shape_cast %get3A_581 : vector<1x16xf32> to vector<16xf32>
          %get3A_583 = arith.index_cast %add3A_554 : i32 to index
          %get3A_584 = arith.constant 32 : index
          %get3A_585 = tpu.vector_load %arg10[%get3A_583, %get3A_584] {strides = array<i32>} : memref<256x64xf32, #tpu.memory_space<vmem>>, vector<1x16xf32>,
          %get3A_586 = vector.shape_cast %get3A_585 : vector<1x16xf32> to vector<16xf32>
          %get3A_587 = arith.index_cast %add3A_554 : i32 to index
          %get3A_588 = arith.constant 48 : index
          %get3A_589 = tpu.vector_load %arg10[%get3A_587, %get3A_588] {strides = array<i32>} : memref<256x64xf32, #tpu.memory_space<vmem>>, vector<1x16xf32>,
          %get3A_590 = vector.shape_cast %get3A_589 : vector<1x16xf32> to vector<16xf32>
          %mul3A_591 = vector.broadcast %squeeze3A_556 : f32 to vector<16xf32>
          %mul3A_592 = arith.mulf %get3A_562, %mul3A_591 : vector<16xf32>
          %swap3A_593 = arith.index_cast %add3A_552 : i32 to index
          %swap3A_594 = arith.constant 0 : index
          %swap3A_595 = tpu.vector_load %arg20[%swap3A_593, %swap3A_594] {strides = array<i32>} : memref<256x64xf32, #tpu.memory_space<vmem>>, vector<1x16xf32>,
          %swap3A_596 = vector.shape_cast %swap3A_595 : vector<1x16xf32> to vector<16xf32>
          %swap3A_597 = vector.shape_cast %mul3A_592 : vector<16xf32> to vector<1x16xf32>
          tpu.vector_store %arg20[%swap3A_593, %swap3A_594], %swap3A_597 {strides = array<i32>} : memref<256x64xf32, #tpu.memory_space<vmem>>, vector<1x16xf32>,
          %mul3A_598 = vector.broadcast %squeeze3A_556 : f32 to vector<16xf32>
          %mul3A_599 = arith.mulf %get3A_566, %mul3A_598 : vector<16xf32>
          %swap3A_600 = arith.index_cast %add3A_552 : i32 to index
          %swap3A_601 = arith.constant 16 : index
          %swap3A_602 = tpu.vector_load %arg20[%swap3A_600, %swap3A_601] {strides = array<i32>} : memref<256x64xf32, #tpu.memory_space<vmem>>, vector<1x16xf32>,
          %swap3A_603 = vector.shape_cast %swap3A_602 : vector<1x16xf32> to vector<16xf32>
          %swap3A_604 = vector.shape_cast %mul3A_599 : vector<16xf32> to vector<1x16xf32>
          tpu.vector_store %arg20[%swap3A_600, %swap3A_601], %swap3A_604 {strides = array<i32>} : memref<256x64xf32, #tpu.memory_space<vmem>>, vector<1x16xf32>,
          %mul3A_605 = vector.broadcast %squeeze3A_556 : f32 to vector<16xf32>
          %mul3A_606 = arith.mulf %get3A_570, %mul3A_605 : vector<16xf32>
          %swap3A_607 = arith.index_cast %add3A_552 : i32 to index
          %swap3A_608 = arith.constant 32 : index
          %swap3A_609 = tpu.vector_load %arg20[%swap3A_607, %swap3A_608] {strides = array<i32>} : memref<256x64xf32, #tpu.memory_space<vmem>>, vector<1x16xf32>,
          %swap3A_610 = vector.shape_cast %swap3A_609 : vector<1x16xf32> to vector<16xf32>
          %swap3A_611 = vector.shape_cast %mul3A_606 : vector<16xf32> to vector<1x16xf32>
          tpu.vector_store %arg20[%swap3A_607, %swap3A_608], %swap3A_611 {strides = array<i32>} : memref<256x64xf32, #tpu.memory_space<vmem>>, vector<1x16xf32>,
          %mul3A_612 = vector.broadcast %squeeze3A_556 : f32 to vector<16xf32>
          %mul3A_613 = arith.mulf %get3A_574, %mul3A_612 : vector<16xf32>
          %swap3A_614 = arith.index_cast %add3A_552 : i32 to index
          %swap3A_615 = arith.constant 48 : index
          %swap3A_616 = tpu.vector_load %arg20[%swap3A_614, %swap3A_615] {strides = array<i32>} : memref<256x64xf32, #tpu.memory_space<vmem>>, vector<1x16xf32>,
          %swap3A_617 = vector.shape_cast %swap3A_616 : vector<1x16xf32> to vector<16xf32>
          %swap3A_618 = vector.shape_cast %mul3A_613 : vector<16xf32> to vector<1x16xf32>
          tpu.vector_store %arg20[%swap3A_614, %swap3A_615], %swap3A_618 {strides = array<i32>} : memref<256x64xf32, #tpu.memory_space<vmem>>, vector<1x16xf32>,
          %mul3A_619 = vector.broadcast %squeeze3A_558 : f32 to vector<16xf32>
          %mul3A_620 = arith.mulf %get3A_578, %mul3A_619 : vector<16xf32>
          %swap3A_621 = arith.index_cast %add3A_554 : i32 to index
          %swap3A_622 = arith.constant 0 : index
          %swap3A_623 = tpu.vector_load %arg20[%swap3A_621, %swap3A_622] {strides = array<i32>} : memref<256x64xf32, #tpu.memory_space<vmem>>, vector<1x16xf32>,
          %swap3A_624 = vector.shape_cast %swap3A_623 : vector<1x16xf32> to vector<16xf32>
          %swap3A_625 = vector.shape_cast %mul3A_620 : vector<16xf32> to vector<1x16xf32>
          tpu.vector_store %arg20[%swap3A_621, %swap3A_622], %swap3A_625 {strides = array<i32>} : memref<256x64xf32, #tpu.memory_space<vmem>>, vector<1x16xf32>,
          %mul3A_626 = vector.broadcast %squeeze3A_558 : f32 to vector<16xf32>
          %mul3A_627 = arith.mulf %get3A_582, %mul3A_626 : vector<16xf32>
          %swap3A_628 = arith.index_cast %add3A_554 : i32 to index
          %swap3A_629 = arith.constant 16 : index
          %swap3A_630 = tpu.vector_load %arg20[%swap3A_628, %swap3A_629] {strides = array<i32>} : memref<256x64xf32, #tpu.memory_space<vmem>>, vector<1x16xf32>,
          %swap3A_631 = vector.shape_cast %swap3A_630 : vector<1x16xf32> to vector<16xf32>
          %swap3A_632 = vector.shape_cast %mul3A_627 : vector<16xf32> to vector<1x16xf32>
          tpu.vector_store %arg20[%swap3A_628, %swap3A_629], %swap3A_632 {strides = array<i32>} : memref<256x64xf32, #tpu.memory_space<vmem>>, vector<1x16xf32>,
          %mul3A_633 = vector.broadcast %squeeze3A_558 : f32 to vector<16xf32>
          %mul3A_634 = arith.mulf %get3A_586, %mul3A_633 : vector<16xf32>
          %swap3A_635 = arith.index_cast %add3A_554 : i32 to index
          %swap3A_636 = arith.constant 32 : index
          %swap3A_637 = tpu.vector_load %arg20[%swap3A_635, %swap3A_636] {strides = array<i32>} : memref<256x64xf32, #tpu.memory_space<vmem>>, vector<1x16xf32>,
          %swap3A_638 = vector.shape_cast %swap3A_637 : vector<1x16xf32> to vector<16xf32>
          %swap3A_639 = vector.shape_cast %mul3A_634 : vector<16xf32> to vector<1x16xf32>
          tpu.vector_store %arg20[%swap3A_635, %swap3A_636], %swap3A_639 {strides = array<i32>} : memref<256x64xf32, #tpu.memory_space<vmem>>, vector<1x16xf32>,
          %mul3A_640 = vector.broadcast %squeeze3A_558 : f32 to vector<16xf32>
          %mul3A_641 = arith.mulf %get3A_590, %mul3A_640 : vector<16xf32>
          %swap3A_642 = arith.index_cast %add3A_554 : i32 to index
          %swap3A_643 = arith.constant 48 : index
          %swap3A_644 = tpu.vector_load %arg20[%swap3A_642, %swap3A_643] {strides = array<i32>} : memref<256x64xf32, #tpu.memory_space<vmem>>, vector<1x16xf32>,
          %swap3A_645 = vector.shape_cast %swap3A_644 : vector<1x16xf32> to vector<16xf32>
          %swap3A_646 = vector.shape_cast %mul3A_641 : vector<16xf32> to vector<1x16xf32>
          tpu.vector_store %arg20[%swap3A_642, %swap3A_643], %swap3A_646 {strides = array<i32>} : memref<256x64xf32, #tpu.memory_space<vmem>>, vector<1x16xf32>,
          %mul3A_647 = arith.constant 16 : i32
          %mul3A_648 = arith.muli %scan3A_218, %mul3A_647 : i32
          %add3A_649 = arith.constant 8 : i32
          %add3A_650 = arith.addi %mul3A_648, %add3A_649 : i32
          %add3A_651 = arith.constant 1 : i32
          %add3A_652 = arith.addi %add3A_650, %add3A_651 : i32
          %slice3A_653 = vector.extract_strided_slice %get3A_257 {offsets = [8], sizes = [1], strides = [1]} : vector<16xf32> to vector<1xf32>
          %squeeze3A_654 = vector.extract %slice3A_653[0] : f32 from vector<1xf32>
          %slice3A_655 = vector.extract_strided_slice %get3A_257 {offsets = [9], sizes = [1], strides = [1]} : vector<16xf32> to vector<1xf32>
          %squeeze3A_656 = vector.extract %slice3A_655[0] : f32 from vector<1xf32>
          %get3A_657 = arith.index_cast %add3A_650 : i32 to index
          %get3A_658 = arith.constant 0 : index
          %get3A_659 = tpu.vector_load %arg10[%get3A_657, %get3A_658] {strides = array<i32>} : memref<256x64xf32, #tpu.memory_space<vmem>>, vector<1x16xf32>,
          %get3A_660 = vector.shape_cast %get3A_659 : vector<1x16xf32> to vector<16xf32>
          %get3A_661 = arith.index_cast %add3A_650 : i32 to index
          %get3A_662 = arith.constant 16 : index
          %get3A_663 = tpu.vector_load %arg10[%get3A_661, %get3A_662] {strides = array<i32>} : memref<256x64xf32, #tpu.memory_space<vmem>>, vector<1x16xf32>,
          %get3A_664 = vector.shape_cast %get3A_663 : vector<1x16xf32> to vector<16xf32>
          %get3A_665 = arith.index_cast %add3A_650 : i32 to index
          %get3A_666 = arith.constant 32 : index
          %get3A_667 = tpu.vector_load %arg10[%get3A_665, %get3A_666] {strides = array<i32>} : memref<256x64xf32, #tpu.memory_space<vmem>>, vector<1x16xf32>,
          %get3A_668 = vector.shape_cast %get3A_667 : vector<1x16xf32> to vector<16xf32>
          %get3A_669 = arith.index_cast %add3A_650 : i32 to index
          %get3A_670 = arith.constant 48 : index
          %get3A_671 = tpu.vector_load %arg10[%get3A_669, %get3A_670] {strides = array<i32>} : memref<256x64xf32, #tpu.memory_space<vmem>>, vector<1x16xf32>,
          %get3A_672 = vector.shape_cast %get3A_671 : vector<1x16xf32> to vector<16xf32>
          %get3A_673 = arith.index_cast %add3A_652 : i32 to index
          %get3A_674 = arith.constant 0 : index
          %get3A_675 = tpu.vector_load %arg10[%get3A_673, %get3A_674] {strides = array<i32>} : memref<256x64xf32, #tpu.memory_space<vmem>>, vector<1x16xf32>,
          %get3A_676 = vector.shape_cast %get3A_675 : vector<1x16xf32> to vector<16xf32>
          %get3A_677 = arith.index_cast %add3A_652 : i32 to index
          %get3A_678 = arith.constant 16 : index
          %get3A_679 = tpu.vector_load %arg10[%get3A_677, %get3A_678] {strides = array<i32>} : memref<256x64xf32, #tpu.memory_space<vmem>>, vector<1x16xf32>,
          %get3A_680 = vector.shape_cast %get3A_679 : vector<1x16xf32> to vector<16xf32>
          %get3A_681 = arith.index_cast %add3A_652 : i32 to index
          %get3A_682 = arith.constant 32 : index
          %get3A_683 = tpu.vector_load %arg10[%get3A_681, %get3A_682] {strides = array<i32>} : memref<256x64xf32, #tpu.memory_space<vmem>>, vector<1x16xf32>,
          %get3A_684 = vector.shape_cast %get3A_683 : vector<1x16xf32> to vector<16xf32>
          %get3A_685 = arith.index_cast %add3A_652 : i32 to index
          %get3A_686 = arith.constant 48 : index
          %get3A_687 = tpu.vector_load %arg10[%get3A_685, %get3A_686] {strides = array<i32>} : memref<256x64xf32, #tpu.memory_space<vmem>>, vector<1x16xf32>,
          %get3A_688 = vector.shape_cast %get3A_687 : vector<1x16xf32> to vector<16xf32>
          %mul3A_689 = vector.broadcast %squeeze3A_654 : f32 to vector<16xf32>
          %mul3A_690 = arith.mulf %get3A_660, %mul3A_689 : vector<16xf32>
          %swap3A_691 = arith.index_cast %add3A_650 : i32 to index
          %swap3A_692 = arith.constant 0 : index
          %swap3A_693 = tpu.vector_load %arg20[%swap3A_691, %swap3A_692] {strides = array<i32>} : memref<256x64xf32, #tpu.memory_space<vmem>>, vector<1x16xf32>,
          %swap3A_694 = vector.shape_cast %swap3A_693 : vector<1x16xf32> to vector<16xf32>
          %swap3A_695 = vector.shape_cast %mul3A_690 : vector<16xf32> to vector<1x16xf32>
          tpu.vector_store %arg20[%swap3A_691, %swap3A_692], %swap3A_695 {strides = array<i32>} : memref<256x64xf32, #tpu.memory_space<vmem>>, vector<1x16xf32>,
          %mul3A_696 = vector.broadcast %squeeze3A_654 : f32 to vector<16xf32>
          %mul3A_697 = arith.mulf %get3A_664, %mul3A_696 : vector<16xf32>
          %swap3A_698 = arith.index_cast %add3A_650 : i32 to index
          %swap3A_699 = arith.constant 16 : index
          %swap3A_700 = tpu.vector_load %arg20[%swap3A_698, %swap3A_699] {strides = array<i32>} : memref<256x64xf32, #tpu.memory_space<vmem>>, vector<1x16xf32>,
          %swap3A_701 = vector.shape_cast %swap3A_700 : vector<1x16xf32> to vector<16xf32>
          %swap3A_702 = vector.shape_cast %mul3A_697 : vector<16xf32> to vector<1x16xf32>
          tpu.vector_store %arg20[%swap3A_698, %swap3A_699], %swap3A_702 {strides = array<i32>} : memref<256x64xf32, #tpu.memory_space<vmem>>, vector<1x16xf32>,
          %mul3A_703 = vector.broadcast %squeeze3A_654 : f32 to vector<16xf32>
          %mul3A_704 = arith.mulf %get3A_668, %mul3A_703 : vector<16xf32>
          %swap3A_705 = arith.index_cast %add3A_650 : i32 to index
          %swap3A_706 = arith.constant 32 : index
          %swap3A_707 = tpu.vector_load %arg20[%swap3A_705, %swap3A_706] {strides = array<i32>} : memref<256x64xf32, #tpu.memory_space<vmem>>, vector<1x16xf32>,
          %swap3A_708 = vector.shape_cast %swap3A_707 : vector<1x16xf32> to vector<16xf32>
          %swap3A_709 = vector.shape_cast %mul3A_704 : vector<16xf32> to vector<1x16xf32>
          tpu.vector_store %arg20[%swap3A_705, %swap3A_706], %swap3A_709 {strides = array<i32>} : memref<256x64xf32, #tpu.memory_space<vmem>>, vector<1x16xf32>,
          %mul3A_710 = vector.broadcast %squeeze3A_654 : f32 to vector<16xf32>
          %mul3A_711 = arith.mulf %get3A_672, %mul3A_710 : vector<16xf32>
          %swap3A_712 = arith.index_cast %add3A_650 : i32 to index
          %swap3A_713 = arith.constant 48 : index
          %swap3A_714 = tpu.vector_load %arg20[%swap3A_712, %swap3A_713] {strides = array<i32>} : memref<256x64xf32, #tpu.memory_space<vmem>>, vector<1x16xf32>,
          %swap3A_715 = vector.shape_cast %swap3A_714 : vector<1x16xf32> to vector<16xf32>
          %swap3A_716 = vector.shape_cast %mul3A_711 : vector<16xf32> to vector<1x16xf32>
          tpu.vector_store %arg20[%swap3A_712, %swap3A_713], %swap3A_716 {strides = array<i32>} : memref<256x64xf32, #tpu.memory_space<vmem>>, vector<1x16xf32>,
          %mul3A_717 = vector.broadcast %squeeze3A_656 : f32 to vector<16xf32>
          %mul3A_718 = arith.mulf %get3A_676, %mul3A_717 : vector<16xf32>
          %swap3A_719 = arith.index_cast %add3A_652 : i32 to index
          %swap3A_720 = arith.constant 0 : index
          %swap3A_721 = tpu.vector_load %arg20[%swap3A_719, %swap3A_720] {strides = array<i32>} : memref<256x64xf32, #tpu.memory_space<vmem>>, vector<1x16xf32>,
          %swap3A_722 = vector.shape_cast %swap3A_721 : vector<1x16xf32> to vector<16xf32>
          %swap3A_723 = vector.shape_cast %mul3A_718 : vector<16xf32> to vector<1x16xf32>
          tpu.vector_store %arg20[%swap3A_719, %swap3A_720], %swap3A_723 {strides = array<i32>} : memref<256x64xf32, #tpu.memory_space<vmem>>, vector<1x16xf32>,
          %mul3A_724 = vector.broadcast %squeeze3A_656 : f32 to vector<16xf32>
          %mul3A_725 = arith.mulf %get3A_680, %mul3A_724 : vector<16xf32>
          %swap3A_726 = arith.index_cast %add3A_652 : i32 to index
          %swap3A_727 = arith.constant 16 : index
          %swap3A_728 = tpu.vector_load %arg20[%swap3A_726, %swap3A_727] {strides = array<i32>} : memref<256x64xf32, #tpu.memory_space<vmem>>, vector<1x16xf32>,
          %swap3A_729 = vector.shape_cast %swap3A_728 : vector<1x16xf32> to vector<16xf32>
          %swap3A_730 = vector.shape_cast %mul3A_725 : vector<16xf32> to vector<1x16xf32>
          tpu.vector_store %arg20[%swap3A_726, %swap3A_727], %swap3A_730 {strides = array<i32>} : memref<256x64xf32, #tpu.memory_space<vmem>>, vector<1x16xf32>,
          %mul3A_731 = vector.broadcast %squeeze3A_656 : f32 to vector<16xf32>
          %mul3A_732 = arith.mulf %get3A_684, %mul3A_731 : vector<16xf32>
          %swap3A_733 = arith.index_cast %add3A_652 : i32 to index
          %swap3A_734 = arith.constant 32 : index
          %swap3A_735 = tpu.vector_load %arg20[%swap3A_733, %swap3A_734] {strides = array<i32>} : memref<256x64xf32, #tpu.memory_space<vmem>>, vector<1x16xf32>,
          %swap3A_736 = vector.shape_cast %swap3A_735 : vector<1x16xf32> to vector<16xf32>
          %swap3A_737 = vector.shape_cast %mul3A_732 : vector<16xf32> to vector<1x16xf32>
          tpu.vector_store %arg20[%swap3A_733, %swap3A_734], %swap3A_737 {strides = array<i32>} : memref<256x64xf32, #tpu.memory_space<vmem>>, vector<1x16xf32>,
          %mul3A_738 = vector.broadcast %squeeze3A_656 : f32 to vector<16xf32>
          %mul3A_739 = arith.mulf %get3A_688, %mul3A_738 : vector<16xf32>
          %swap3A_740 = arith.index_cast %add3A_652 : i32 to index
          %swap3A_741 = arith.constant 48 : index
          %swap3A_742 = tpu.vector_load %arg20[%swap3A_740, %swap3A_741] {strides = array<i32>} : memref<256x64xf32, #tpu.memory_space<vmem>>, vector<1x16xf32>,
          %swap3A_743 = vector.shape_cast %swap3A_742 : vector<1x16xf32> to vector<16xf32>
          %swap3A_744 = vector.shape_cast %mul3A_739 : vector<16xf32> to vector<1x16xf32>
          tpu.vector_store %arg20[%swap3A_740, %swap3A_741], %swap3A_744 {strides = array<i32>} : memref<256x64xf32, #tpu.memory_space<vmem>>, vector<1x16xf32>,
          %mul3A_745 = arith.constant 16 : i32
          %mul3A_746 = arith.muli %scan3A_218, %mul3A_745 : i32
          %add3A_747 = arith.constant 10 : i32
          %add3A_748 = arith.addi %mul3A_746, %add3A_747 : i32
          %add3A_749 = arith.constant 1 : i32
          %add3A_750 = arith.addi %add3A_748, %add3A_749 : i32
          %slice3A_751 = vector.extract_strided_slice %get3A_257 {offsets = [10], sizes = [1], strides = [1]} : vector<16xf32> to vector<1xf32>
          %squeeze3A_752 = vector.extract %slice3A_751[0] : f32 from vector<1xf32>
          %slice3A_753 = vector.extract_strided_slice %get3A_257 {offsets = [11], sizes = [1], strides = [1]} : vector<16xf32> to vector<1xf32>
          %squeeze3A_754 = vector.extract %slice3A_753[0] : f32 from vector<1xf32>
          %get3A_755 = arith.index_cast %add3A_748 : i32 to index
          %get3A_756 = arith.constant 0 : index
          %get3A_757 = tpu.vector_load %arg10[%get3A_755, %get3A_756] {strides = array<i32>} : memref<256x64xf32, #tpu.memory_space<vmem>>, vector<1x16xf32>,
          %get3A_758 = vector.shape_cast %get3A_757 : vector<1x16xf32> to vector<16xf32>
          %get3A_759 = arith.index_cast %add3A_748 : i32 to index
          %get3A_760 = arith.constant 16 : index
          %get3A_761 = tpu.vector_load %arg10[%get3A_759, %get3A_760] {strides = array<i32>} : memref<256x64xf32, #tpu.memory_space<vmem>>, vector<1x16xf32>,
          %get3A_762 = vector.shape_cast %get3A_761 : vector<1x16xf32> to vector<16xf32>
          %get3A_763 = arith.index_cast %add3A_748 : i32 to index
          %get3A_764 = arith.constant 32 : index
          %get3A_765 = tpu.vector_load %arg10[%get3A_763, %get3A_764] {strides = array<i32>} : memref<256x64xf32, #tpu.memory_space<vmem>>, vector<1x16xf32>,
          %get3A_766 = vector.shape_cast %get3A_765 : vector<1x16xf32> to vector<16xf32>
          %get3A_767 = arith.index_cast %add3A_748 : i32 to index
          %get3A_768 = arith.constant 48 : index
          %get3A_769 = tpu.vector_load %arg10[%get3A_767, %get3A_768] {strides = array<i32>} : memref<256x64xf32, #tpu.memory_space<vmem>>, vector<1x16xf32>,
          %get3A_770 = vector.shape_cast %get3A_769 : vector<1x16xf32> to vector<16xf32>
          %get3A_771 = arith.index_cast %add3A_750 : i32 to index
          %get3A_772 = arith.constant 0 : index
          %get3A_773 = tpu.vector_load %arg10[%get3A_771, %get3A_772] {strides = array<i32>} : memref<256x64xf32, #tpu.memory_space<vmem>>, vector<1x16xf32>,
          %get3A_774 = vector.shape_cast %get3A_773 : vector<1x16xf32> to vector<16xf32>
          %get3A_775 = arith.index_cast %add3A_750 : i32 to index
          %get3A_776 = arith.constant 16 : index
          %get3A_777 = tpu.vector_load %arg10[%get3A_775, %get3A_776] {strides = array<i32>} : memref<256x64xf32, #tpu.memory_space<vmem>>, vector<1x16xf32>,
          %get3A_778 = vector.shape_cast %get3A_777 : vector<1x16xf32> to vector<16xf32>
          %get3A_779 = arith.index_cast %add3A_750 : i32 to index
          %get3A_780 = arith.constant 32 : index
          %get3A_781 = tpu.vector_load %arg10[%get3A_779, %get3A_780] {strides = array<i32>} : memref<256x64xf32, #tpu.memory_space<vmem>>, vector<1x16xf32>,
          %get3A_782 = vector.shape_cast %get3A_781 : vector<1x16xf32> to vector<16xf32>
          %get3A_783 = arith.index_cast %add3A_750 : i32 to index
          %get3A_784 = arith.constant 48 : index
          %get3A_785 = tpu.vector_load %arg10[%get3A_783, %get3A_784] {strides = array<i32>} : memref<256x64xf32, #tpu.memory_space<vmem>>, vector<1x16xf32>,
          %get3A_786 = vector.shape_cast %get3A_785 : vector<1x16xf32> to vector<16xf32>
          %mul3A_787 = vector.broadcast %squeeze3A_752 : f32 to vector<16xf32>
          %mul3A_788 = arith.mulf %get3A_758, %mul3A_787 : vector<16xf32>
          %swap3A_789 = arith.index_cast %add3A_748 : i32 to index
          %swap3A_790 = arith.constant 0 : index
          %swap3A_791 = tpu.vector_load %arg20[%swap3A_789, %swap3A_790] {strides = array<i32>} : memref<256x64xf32, #tpu.memory_space<vmem>>, vector<1x16xf32>,
          %swap3A_792 = vector.shape_cast %swap3A_791 : vector<1x16xf32> to vector<16xf32>
          %swap3A_793 = vector.shape_cast %mul3A_788 : vector<16xf32> to vector<1x16xf32>
          tpu.vector_store %arg20[%swap3A_789, %swap3A_790], %swap3A_793 {strides = array<i32>} : memref<256x64xf32, #tpu.memory_space<vmem>>, vector<1x16xf32>,
          %mul3A_794 = vector.broadcast %squeeze3A_752 : f32 to vector<16xf32>
          %mul3A_795 = arith.mulf %get3A_762, %mul3A_794 : vector<16xf32>
          %swap3A_796 = arith.index_cast %add3A_748 : i32 to index
          %swap3A_797 = arith.constant 16 : index
          %swap3A_798 = tpu.vector_load %arg20[%swap3A_796, %swap3A_797] {strides = array<i32>} : memref<256x64xf32, #tpu.memory_space<vmem>>, vector<1x16xf32>,
          %swap3A_799 = vector.shape_cast %swap3A_798 : vector<1x16xf32> to vector<16xf32>
          %swap3A_800 = vector.shape_cast %mul3A_795 : vector<16xf32> to vector<1x16xf32>
          tpu.vector_store %arg20[%swap3A_796, %swap3A_797], %swap3A_800 {strides = array<i32>} : memref<256x64xf32, #tpu.memory_space<vmem>>, vector<1x16xf32>,
          %mul3A_801 = vector.broadcast %squeeze3A_752 : f32 to vector<16xf32>
          %mul3A_802 = arith.mulf %get3A_766, %mul3A_801 : vector<16xf32>
          %swap3A_803 = arith.index_cast %add3A_748 : i32 to index
          %swap3A_804 = arith.constant 32 : index
          %swap3A_805 = tpu.vector_load %arg20[%swap3A_803, %swap3A_804] {strides = array<i32>} : memref<256x64xf32, #tpu.memory_space<vmem>>, vector<1x16xf32>,
          %swap3A_806 = vector.shape_cast %swap3A_805 : vector<1x16xf32> to vector<16xf32>
          %swap3A_807 = vector.shape_cast %mul3A_802 : vector<16xf32> to vector<1x16xf32>
          tpu.vector_store %arg20[%swap3A_803, %swap3A_804], %swap3A_807 {strides = array<i32>} : memref<256x64xf32, #tpu.memory_space<vmem>>, vector<1x16xf32>,
          %mul3A_808 = vector.broadcast %squeeze3A_752 : f32 to vector<16xf32>
          %mul3A_809 = arith.mulf %get3A_770, %mul3A_808 : vector<16xf32>
          %swap3A_810 = arith.index_cast %add3A_748 : i32 to index
          %swap3A_811 = arith.constant 48 : index
          %swap3A_812 = tpu.vector_load %arg20[%swap3A_810, %swap3A_811] {strides = array<i32>} : memref<256x64xf32, #tpu.memory_space<vmem>>, vector<1x16xf32>,
          %swap3A_813 = vector.shape_cast %swap3A_812 : vector<1x16xf32> to vector<16xf32>
          %swap3A_814 = vector.shape_cast %mul3A_809 : vector<16xf32> to vector<1x16xf32>
          tpu.vector_store %arg20[%swap3A_810, %swap3A_811], %swap3A_814 {strides = array<i32>} : memref<256x64xf32, #tpu.memory_space<vmem>>, vector<1x16xf32>,
          %mul3A_815 = vector.broadcast %squeeze3A_754 : f32 to vector<16xf32>
          %mul3A_816 = arith.mulf %get3A_774, %mul3A_815 : vector<16xf32>
          %swap3A_817 = arith.index_cast %add3A_750 : i32 to index
          %swap3A_818 = arith.constant 0 : index
          %swap3A_819 = tpu.vector_load %arg20[%swap3A_817, %swap3A_818] {strides = array<i32>} : memref<256x64xf32, #tpu.memory_space<vmem>>, vector<1x16xf32>,
          %swap3A_820 = vector.shape_cast %swap3A_819 : vector<1x16xf32> to vector<16xf32>
          %swap3A_821 = vector.shape_cast %mul3A_816 : vector<16xf32> to vector<1x16xf32>
          tpu.vector_store %arg20[%swap3A_817, %swap3A_818], %swap3A_821 {strides = array<i32>} : memref<256x64xf32, #tpu.memory_space<vmem>>, vector<1x16xf32>,
          %mul3A_822 = vector.broadcast %squeeze3A_754 : f32 to vector<16xf32>
          %mul3A_823 = arith.mulf %get3A_778, %mul3A_822 : vector<16xf32>
          %swap3A_824 = arith.index_cast %add3A_750 : i32 to index
          %swap3A_825 = arith.constant 16 : index
          %swap3A_826 = tpu.vector_load %arg20[%swap3A_824, %swap3A_825] {strides = array<i32>} : memref<256x64xf32, #tpu.memory_space<vmem>>, vector<1x16xf32>,
          %swap3A_827 = vector.shape_cast %swap3A_826 : vector<1x16xf32> to vector<16xf32>
          %swap3A_828 = vector.shape_cast %mul3A_823 : vector<16xf32> to vector<1x16xf32>
          tpu.vector_store %arg20[%swap3A_824, %swap3A_825], %swap3A_828 {strides = array<i32>} : memref<256x64xf32, #tpu.memory_space<vmem>>, vector<1x16xf32>,
          %mul3A_829 = vector.broadcast %squeeze3A_754 : f32 to vector<16xf32>
          %mul3A_830 = arith.mulf %get3A_782, %mul3A_829 : vector<16xf32>
          %swap3A_831 = arith.index_cast %add3A_750 : i32 to index
          %swap3A_832 = arith.constant 32 : index
          %swap3A_833 = tpu.vector_load %arg20[%swap3A_831, %swap3A_832] {strides = array<i32>} : memref<256x64xf32, #tpu.memory_space<vmem>>, vector<1x16xf32>,
          %swap3A_834 = vector.shape_cast %swap3A_833 : vector<1x16xf32> to vector<16xf32>
          %swap3A_835 = vector.shape_cast %mul3A_830 : vector<16xf32> to vector<1x16xf32>
          tpu.vector_store %arg20[%swap3A_831, %swap3A_832], %swap3A_835 {strides = array<i32>} : memref<256x64xf32, #tpu.memory_space<vmem>>, vector<1x16xf32>,
          %mul3A_836 = vector.broadcast %squeeze3A_754 : f32 to vector<16xf32>
          %mul3A_837 = arith.mulf %get3A_786, %mul3A_836 : vector<16xf32>
          %swap3A_838 = arith.index_cast %add3A_750 : i32 to index
          %swap3A_839 = arith.constant 48 : index
          %swap3A_840 = tpu.vector_load %arg20[%swap3A_838, %swap3A_839] {strides = array<i32>} : memref<256x64xf32, #tpu.memory_space<vmem>>, vector<1x16xf32>,
          %swap3A_841 = vector.shape_cast %swap3A_840 : vector<1x16xf32> to vector<16xf32>
          %swap3A_842 = vector.shape_cast %mul3A_837 : vector<16xf32> to vector<1x16xf32>
          tpu.vector_store %arg20[%swap3A_838, %swap3A_839], %swap3A_842 {strides = array<i32>} : memref<256x64xf32, #tpu.memory_space<vmem>>, vector<1x16xf32>,
          %mul3A_843 = arith.constant 16 : i32
          %mul3A_844 = arith.muli %scan3A_218, %mul3A_843 : i32
          %add3A_845 = arith.constant 12 : i32
          %add3A_846 = arith.addi %mul3A_844, %add3A_845 : i32
          %add3A_847 = arith.constant 1 : i32
          %add3A_848 = arith.addi %add3A_846, %add3A_847 : i32
          %slice3A_849 = vector.extract_strided_slice %get3A_257 {offsets = [12], sizes = [1], strides = [1]} : vector<16xf32> to vector<1xf32>
          %squeeze3A_850 = vector.extract %slice3A_849[0] : f32 from vector<1xf32>
          %slice3A_851 = vector.extract_strided_slice %get3A_257 {offsets = [13], sizes = [1], strides = [1]} : vector<16xf32> to vector<1xf32>
          %squeeze3A_852 = vector.extract %slice3A_851[0] : f32 from vector<1xf32>
          %get3A_853 = arith.index_cast %add3A_846 : i32 to index
          %get3A_854 = arith.constant 0 : index
          %get3A_855 = tpu.vector_load %arg10[%get3A_853, %get3A_854] {strides = array<i32>} : memref<256x64xf32, #tpu.memory_space<vmem>>, vector<1x16xf32>,
          %get3A_856 = vector.shape_cast %get3A_855 : vector<1x16xf32> to vector<16xf32>
          %get3A_857 = arith.index_cast %add3A_846 : i32 to index
          %get3A_858 = arith.constant 16 : index
          %get3A_859 = tpu.vector_load %arg10[%get3A_857, %get3A_858] {strides = array<i32>} : memref<256x64xf32, #tpu.memory_space<vmem>>, vector<1x16xf32>,
          %get3A_860 = vector.shape_cast %get3A_859 : vector<1x16xf32> to vector<16xf32>
          %get3A_861 = arith.index_cast %add3A_846 : i32 to index
          %get3A_862 = arith.constant 32 : index
          %get3A_863 = tpu.vector_load %arg10[%get3A_861, %get3A_862] {strides = array<i32>} : memref<256x64xf32, #tpu.memory_space<vmem>>, vector<1x16xf32>,
          %get3A_864 = vector.shape_cast %get3A_863 : vector<1x16xf32> to vector<16xf32>
          %get3A_865 = arith.index_cast %add3A_846 : i32 to index
          %get3A_866 = arith.constant 48 : index
          %get3A_867 = tpu.vector_load %arg10[%get3A_865, %get3A_866] {strides = array<i32>} : memref<256x64xf32, #tpu.memory_space<vmem>>, vector<1x16xf32>,
          %get3A_868 = vector.shape_cast %get3A_867 : vector<1x16xf32> to vector<16xf32>
          %get3A_869 = arith.index_cast %add3A_848 : i32 to index
          %get3A_870 = arith.constant 0 : index
          %get3A_871 = tpu.vector_load %arg10[%get3A_869, %get3A_870] {strides = array<i32>} : memref<256x64xf32, #tpu.memory_space<vmem>>, vector<1x16xf32>,
          %get3A_872 = vector.shape_cast %get3A_871 : vector<1x16xf32> to vector<16xf32>
          %get3A_873 = arith.index_cast %add3A_848 : i32 to index
          %get3A_874 = arith.constant 16 : index
          %get3A_875 = tpu.vector_load %arg10[%get3A_873, %get3A_874] {strides = array<i32>} : memref<256x64xf32, #tpu.memory_space<vmem>>, vector<1x16xf32>,
          %get3A_876 = vector.shape_cast %get3A_875 : vector<1x16xf32> to vector<16xf32>
          %get3A_877 = arith.index_cast %add3A_848 : i32 to index
          %get3A_878 = arith.constant 32 : index
          %get3A_879 = tpu.vector_load %arg10[%get3A_877, %get3A_878] {strides = array<i32>} : memref<256x64xf32, #tpu.memory_space<vmem>>, vector<1x16xf32>,
          %get3A_880 = vector.shape_cast %get3A_879 : vector<1x16xf32> to vector<16xf32>
          %get3A_881 = arith.index_cast %add3A_848 : i32 to index
          %get3A_882 = arith.constant 48 : index
          %get3A_883 = tpu.vector_load %arg10[%get3A_881, %get3A_882] {strides = array<i32>} : memref<256x64xf32, #tpu.memory_space<vmem>>, vector<1x16xf32>,
          %get3A_884 = vector.shape_cast %get3A_883 : vector<1x16xf32> to vector<16xf32>
          %mul3A_885 = vector.broadcast %squeeze3A_850 : f32 to vector<16xf32>
          %mul3A_886 = arith.mulf %get3A_856, %mul3A_885 : vector<16xf32>
          %swap3A_887 = arith.index_cast %add3A_846 : i32 to index
          %swap3A_888 = arith.constant 0 : index
          %swap3A_889 = tpu.vector_load %arg20[%swap3A_887, %swap3A_888] {strides = array<i32>} : memref<256x64xf32, #tpu.memory_space<vmem>>, vector<1x16xf32>,
          %swap3A_890 = vector.shape_cast %swap3A_889 : vector<1x16xf32> to vector<16xf32>
          %swap3A_891 = vector.shape_cast %mul3A_886 : vector<16xf32> to vector<1x16xf32>
          tpu.vector_store %arg20[%swap3A_887, %swap3A_888], %swap3A_891 {strides = array<i32>} : memref<256x64xf32, #tpu.memory_space<vmem>>, vector<1x16xf32>,
          %mul3A_892 = vector.broadcast %squeeze3A_850 : f32 to vector<16xf32>
          %mul3A_893 = arith.mulf %get3A_860, %mul3A_892 : vector<16xf32>
          %swap3A_894 = arith.index_cast %add3A_846 : i32 to index
          %swap3A_895 = arith.constant 16 : index
          %swap3A_896 = tpu.vector_load %arg20[%swap3A_894, %swap3A_895] {strides = array<i32>} : memref<256x64xf32, #tpu.memory_space<vmem>>, vector<1x16xf32>,
          %swap3A_897 = vector.shape_cast %swap3A_896 : vector<1x16xf32> to vector<16xf32>
          %swap3A_898 = vector.shape_cast %mul3A_893 : vector<16xf32> to vector<1x16xf32>
          tpu.vector_store %arg20[%swap3A_894, %swap3A_895], %swap3A_898 {strides = array<i32>} : memref<256x64xf32, #tpu.memory_space<vmem>>, vector<1x16xf32>,
          %mul3A_899 = vector.broadcast %squeeze3A_850 : f32 to vector<16xf32>
          %mul3A_900 = arith.mulf %get3A_864, %mul3A_899 : vector<16xf32>
          %swap3A_901 = arith.index_cast %add3A_846 : i32 to index
          %swap3A_902 = arith.constant 32 : index
          %swap3A_903 = tpu.vector_load %arg20[%swap3A_901, %swap3A_902] {strides = array<i32>} : memref<256x64xf32, #tpu.memory_space<vmem>>, vector<1x16xf32>,
          %swap3A_904 = vector.shape_cast %swap3A_903 : vector<1x16xf32> to vector<16xf32>
          %swap3A_905 = vector.shape_cast %mul3A_900 : vector<16xf32> to vector<1x16xf32>
          tpu.vector_store %arg20[%swap3A_901, %swap3A_902], %swap3A_905 {strides = array<i32>} : memref<256x64xf32, #tpu.memory_space<vmem>>, vector<1x16xf32>,
          %mul3A_906 = vector.broadcast %squeeze3A_850 : f32 to vector<16xf32>
          %mul3A_907 = arith.mulf %get3A_868, %mul3A_906 : vector<16xf32>
          %swap3A_908 = arith.index_cast %add3A_846 : i32 to index
          %swap3A_909 = arith.constant 48 : index
          %swap3A_910 = tpu.vector_load %arg20[%swap3A_908, %swap3A_909] {strides = array<i32>} : memref<256x64xf32, #tpu.memory_space<vmem>>, vector<1x16xf32>,
          %swap3A_911 = vector.shape_cast %swap3A_910 : vector<1x16xf32> to vector<16xf32>
          %swap3A_912 = vector.shape_cast %mul3A_907 : vector<16xf32> to vector<1x16xf32>
          tpu.vector_store %arg20[%swap3A_908, %swap3A_909], %swap3A_912 {strides = array<i32>} : memref<256x64xf32, #tpu.memory_space<vmem>>, vector<1x16xf32>,
          %mul3A_913 = vector.broadcast %squeeze3A_852 : f32 to vector<16xf32>
          %mul3A_914 = arith.mulf %get3A_872, %mul3A_913 : vector<16xf32>
          %swap3A_915 = arith.index_cast %add3A_848 : i32 to index
          %swap3A_916 = arith.constant 0 : index
          %swap3A_917 = tpu.vector_load %arg20[%swap3A_915, %swap3A_916] {strides = array<i32>} : memref<256x64xf32, #tpu.memory_space<vmem>>, vector<1x16xf32>,
          %swap3A_918 = vector.shape_cast %swap3A_917 : vector<1x16xf32> to vector<16xf32>
          %swap3A_919 = vector.shape_cast %mul3A_914 : vector<16xf32> to vector<1x16xf32>
          tpu.vector_store %arg20[%swap3A_915, %swap3A_916], %swap3A_919 {strides = array<i32>} : memref<256x64xf32, #tpu.memory_space<vmem>>, vector<1x16xf32>,
          %mul3A_920 = vector.broadcast %squeeze3A_852 : f32 to vector<16xf32>
          %mul3A_921 = arith.mulf %get3A_876, %mul3A_920 : vector<16xf32>
          %swap3A_922 = arith.index_cast %add3A_848 : i32 to index
          %swap3A_923 = arith.constant 16 : index
          %swap3A_924 = tpu.vector_load %arg20[%swap3A_922, %swap3A_923] {strides = array<i32>} : memref<256x64xf32, #tpu.memory_space<vmem>>, vector<1x16xf32>,
          %swap3A_925 = vector.shape_cast %swap3A_924 : vector<1x16xf32> to vector<16xf32>
          %swap3A_926 = vector.shape_cast %mul3A_921 : vector<16xf32> to vector<1x16xf32>
          tpu.vector_store %arg20[%swap3A_922, %swap3A_923], %swap3A_926 {strides = array<i32>} : memref<256x64xf32, #tpu.memory_space<vmem>>, vector<1x16xf32>,
          %mul3A_927 = vector.broadcast %squeeze3A_852 : f32 to vector<16xf32>
          %mul3A_928 = arith.mulf %get3A_880, %mul3A_927 : vector<16xf32>
          %swap3A_929 = arith.index_cast %add3A_848 : i32 to index
          %swap3A_930 = arith.constant 32 : index
          %swap3A_931 = tpu.vector_load %arg20[%swap3A_929, %swap3A_930] {strides = array<i32>} : memref<256x64xf32, #tpu.memory_space<vmem>>, vector<1x16xf32>,
          %swap3A_932 = vector.shape_cast %swap3A_931 : vector<1x16xf32> to vector<16xf32>
          %swap3A_933 = vector.shape_cast %mul3A_928 : vector<16xf32> to vector<1x16xf32>
          tpu.vector_store %arg20[%swap3A_929, %swap3A_930], %swap3A_933 {strides = array<i32>} : memref<256x64xf32, #tpu.memory_space<vmem>>, vector<1x16xf32>,
          %mul3A_934 = vector.broadcast %squeeze3A_852 : f32 to vector<16xf32>
          %mul3A_935 = arith.mulf %get3A_884, %mul3A_934 : vector<16xf32>
          %swap3A_936 = arith.index_cast %add3A_848 : i32 to index
          %swap3A_937 = arith.constant 48 : index
          %swap3A_938 = tpu.vector_load %arg20[%swap3A_936, %swap3A_937] {strides = array<i32>} : memref<256x64xf32, #tpu.memory_space<vmem>>, vector<1x16xf32>,
          %swap3A_939 = vector.shape_cast %swap3A_938 : vector<1x16xf32> to vector<16xf32>
          %swap3A_940 = vector.shape_cast %mul3A_935 : vector<16xf32> to vector<1x16xf32>
          tpu.vector_store %arg20[%swap3A_936, %swap3A_937], %swap3A_940 {strides = array<i32>} : memref<256x64xf32, #tpu.memory_space<vmem>>, vector<1x16xf32>,
          %mul3A_941 = arith.constant 16 : i32
          %mul3A_942 = arith.muli %scan3A_218, %mul3A_941 : i32
          %add3A_943 = arith.constant 14 : i32
          %add3A_944 = arith.addi %mul3A_942, %add3A_943 : i32
          %add3A_945 = arith.constant 1 : i32
          %add3A_946 = arith.addi %add3A_944, %add3A_945 : i32
          %slice3A_947 = vector.extract_strided_slice %get3A_257 {offsets = [14], sizes = [1], strides = [1]} : vector<16xf32> to vector<1xf32>
          %squeeze3A_948 = vector.extract %slice3A_947[0] : f32 from vector<1xf32>
          %slice3A_949 = vector.extract_strided_slice %get3A_257 {offsets = [15], sizes = [1], strides = [1]} : vector<16xf32> to vector<1xf32>
          %squeeze3A_950 = vector.extract %slice3A_949[0] : f32 from vector<1xf32>
          %get3A_951 = arith.index_cast %add3A_944 : i32 to index
          %get3A_952 = arith.constant 0 : index
          %get3A_953 = tpu.vector_load %arg10[%get3A_951, %get3A_952] {strides = array<i32>} : memref<256x64xf32, #tpu.memory_space<vmem>>, vector<1x16xf32>,
          %get3A_954 = vector.shape_cast %get3A_953 : vector<1x16xf32> to vector<16xf32>
          %get3A_955 = arith.index_cast %add3A_944 : i32 to index
          %get3A_956 = arith.constant 16 : index
          %get3A_957 = tpu.vector_load %arg10[%get3A_955, %get3A_956] {strides = array<i32>} : memref<256x64xf32, #tpu.memory_space<vmem>>, vector<1x16xf32>,
          %get3A_958 = vector.shape_cast %get3A_957 : vector<1x16xf32> to vector<16xf32>
          %get3A_959 = arith.index_cast %add3A_944 : i32 to index
          %get3A_960 = arith.constant 32 : index
          %get3A_961 = tpu.vector_load %arg10[%get3A_959, %get3A_960] {strides = array<i32>} : memref<256x64xf32, #tpu.memory_space<vmem>>, vector<1x16xf32>,
          %get3A_962 = vector.shape_cast %get3A_961 : vector<1x16xf32> to vector<16xf32>
          %get3A_963 = arith.index_cast %add3A_944 : i32 to index
          %get3A_964 = arith.constant 48 : index
          %get3A_965 = tpu.vector_load %arg10[%get3A_963, %get3A_964] {strides = array<i32>} : memref<256x64xf32, #tpu.memory_space<vmem>>, vector<1x16xf32>,
          %get3A_966 = vector.shape_cast %get3A_965 : vector<1x16xf32> to vector<16xf32>
          %get3A_967 = arith.index_cast %add3A_946 : i32 to index
          %get3A_968 = arith.constant 0 : index
          %get3A_969 = tpu.vector_load %arg10[%get3A_967, %get3A_968] {strides = array<i32>} : memref<256x64xf32, #tpu.memory_space<vmem>>, vector<1x16xf32>,
          %get3A_970 = vector.shape_cast %get3A_969 : vector<1x16xf32> to vector<16xf32>
          %get3A_971 = arith.index_cast %add3A_946 : i32 to index
          %get3A_972 = arith.constant 16 : index
          %get3A_973 = tpu.vector_load %arg10[%get3A_971, %get3A_972] {strides = array<i32>} : memref<256x64xf32, #tpu.memory_space<vmem>>, vector<1x16xf32>,
          %get3A_974 = vector.shape_cast %get3A_973 : vector<1x16xf32> to vector<16xf32>
          %get3A_975 = arith.index_cast %add3A_946 : i32 to index
          %get3A_976 = arith.constant 32 : index
          %get3A_977 = tpu.vector_load %arg10[%get3A_975, %get3A_976] {strides = array<i32>} : memref<256x64xf32, #tpu.memory_space<vmem>>, vector<1x16xf32>,
          %get3A_978 = vector.shape_cast %get3A_977 : vector<1x16xf32> to vector<16xf32>
          %get3A_979 = arith.index_cast %add3A_946 : i32 to index
          %get3A_980 = arith.constant 48 : index
          %get3A_981 = tpu.vector_load %arg10[%get3A_979, %get3A_980] {strides = array<i32>} : memref<256x64xf32, #tpu.memory_space<vmem>>, vector<1x16xf32>,
          %get3A_982 = vector.shape_cast %get3A_981 : vector<1x16xf32> to vector<16xf32>
          %mul3A_983 = vector.broadcast %squeeze3A_948 : f32 to vector<16xf32>
          %mul3A_984 = arith.mulf %get3A_954, %mul3A_983 : vector<16xf32>
          %swap3A_985 = arith.index_cast %add3A_944 : i32 to index
          %swap3A_986 = arith.constant 0 : index
          %swap3A_987 = tpu.vector_load %arg20[%swap3A_985, %swap3A_986] {strides = array<i32>} : memref<256x64xf32, #tpu.memory_space<vmem>>, vector<1x16xf32>,
          %swap3A_988 = vector.shape_cast %swap3A_987 : vector<1x16xf32> to vector<16xf32>
          %swap3A_989 = vector.shape_cast %mul3A_984 : vector<16xf32> to vector<1x16xf32>
          tpu.vector_store %arg20[%swap3A_985, %swap3A_986], %swap3A_989 {strides = array<i32>} : memref<256x64xf32, #tpu.memory_space<vmem>>, vector<1x16xf32>,
          %mul3A_990 = vector.broadcast %squeeze3A_948 : f32 to vector<16xf32>
          %mul3A_991 = arith.mulf %get3A_958, %mul3A_990 : vector<16xf32>
          %swap3A_992 = arith.index_cast %add3A_944 : i32 to index
          %swap3A_993 = arith.constant 16 : index
          %swap3A_994 = tpu.vector_load %arg20[%swap3A_992, %swap3A_993] {strides = array<i32>} : memref<256x64xf32, #tpu.memory_space<vmem>>, vector<1x16xf32>,
          %swap3A_995 = vector.shape_cast %swap3A_994 : vector<1x16xf32> to vector<16xf32>
          %swap3A_996 = vector.shape_cast %mul3A_991 : vector<16xf32> to vector<1x16xf32>
          tpu.vector_store %arg20[%swap3A_992, %swap3A_993], %swap3A_996 {strides = array<i32>} : memref<256x64xf32, #tpu.memory_space<vmem>>, vector<1x16xf32>,
          %mul3A_997 = vector.broadcast %squeeze3A_948 : f32 to vector<16xf32>
          %mul3A_998 = arith.mulf %get3A_962, %mul3A_997 : vector<16xf32>
          %swap3A_999 = arith.index_cast %add3A_944 : i32 to index
          %swap3A_1000 = arith.constant 32 : index
          %swap3A_1001 = tpu.vector_load %arg20[%swap3A_999, %swap3A_1000] {strides = array<i32>} : memref<256x64xf32, #tpu.memory_space<vmem>>, vector<1x16xf32>,
          %swap3A_1002 = vector.shape_cast %swap3A_1001 : vector<1x16xf32> to vector<16xf32>
          %swap3A_1003 = vector.shape_cast %mul3A_998 : vector<16xf32> to vector<1x16xf32>
          tpu.vector_store %arg20[%swap3A_999, %swap3A_1000], %swap3A_1003 {strides = array<i32>} : memref<256x64xf32, #tpu.memory_space<vmem>>, vector<1x16xf32>,
          %mul3A_1004 = vector.broadcast %squeeze3A_948 : f32 to vector<16xf32>
          %mul3A_1005 = arith.mulf %get3A_966, %mul3A_1004 : vector<16xf32>
          %swap3A_1006 = arith.index_cast %add3A_944 : i32 to index
          %swap3A_1007 = arith.constant 48 : index
          %swap3A_1008 = tpu.vector_load %arg20[%swap3A_1006, %swap3A_1007] {strides = array<i32>} : memref<256x64xf32, #tpu.memory_space<vmem>>, vector<1x16xf32>,
          %swap3A_1009 = vector.shape_cast %swap3A_1008 : vector<1x16xf32> to vector<16xf32>
          %swap3A_1010 = vector.shape_cast %mul3A_1005 : vector<16xf32> to vector<1x16xf32>
          tpu.vector_store %arg20[%swap3A_1006, %swap3A_1007], %swap3A_1010 {strides = array<i32>} : memref<256x64xf32, #tpu.memory_space<vmem>>, vector<1x16xf32>,
          %mul3A_1011 = vector.broadcast %squeeze3A_950 : f32 to vector<16xf32>
          %mul3A_1012 = arith.mulf %get3A_970, %mul3A_1011 : vector<16xf32>
          %swap3A_1013 = arith.index_cast %add3A_946 : i32 to index
          %swap3A_1014 = arith.constant 0 : index
          %swap3A_1015 = tpu.vector_load %arg20[%swap3A_1013, %swap3A_1014] {strides = array<i32>} : memref<256x64xf32, #tpu.memory_space<vmem>>, vector<1x16xf32>,
          %swap3A_1016 = vector.shape_cast %swap3A_1015 : vector<1x16xf32> to vector<16xf32>
          %swap3A_1017 = vector.shape_cast %mul3A_1012 : vector<16xf32> to vector<1x16xf32>
          tpu.vector_store %arg20[%swap3A_1013, %swap3A_1014], %swap3A_1017 {strides = array<i32>} : memref<256x64xf32, #tpu.memory_space<vmem>>, vector<1x16xf32>,
          %mul3A_1018 = vector.broadcast %squeeze3A_950 : f32 to vector<16xf32>
          %mul3A_1019 = arith.mulf %get3A_974, %mul3A_1018 : vector<16xf32>
          %swap3A_1020 = arith.index_cast %add3A_946 : i32 to index
          %swap3A_1021 = arith.constant 16 : index
          %swap3A_1022 = tpu.vector_load %arg20[%swap3A_1020, %swap3A_1021] {strides = array<i32>} : memref<256x64xf32, #tpu.memory_space<vmem>>, vector<1x16xf32>,
          %swap3A_1023 = vector.shape_cast %swap3A_1022 : vector<1x16xf32> to vector<16xf32>
          %swap3A_1024 = vector.shape_cast %mul3A_1019 : vector<16xf32> to vector<1x16xf32>
          tpu.vector_store %arg20[%swap3A_1020, %swap3A_1021], %swap3A_1024 {strides = array<i32>} : memref<256x64xf32, #tpu.memory_space<vmem>>, vector<1x16xf32>,
          %mul3A_1025 = vector.broadcast %squeeze3A_950 : f32 to vector<16xf32>
          %mul3A_1026 = arith.mulf %get3A_978, %mul3A_1025 : vector<16xf32>
          %swap3A_1027 = arith.index_cast %add3A_946 : i32 to index
          %swap3A_1028 = arith.constant 32 : index
          %swap3A_1029 = tpu.vector_load %arg20[%swap3A_1027, %swap3A_1028] {strides = array<i32>} : memref<256x64xf32, #tpu.memory_space<vmem>>, vector<1x16xf32>,
          %swap3A_1030 = vector.shape_cast %swap3A_1029 : vector<1x16xf32> to vector<16xf32>
          %swap3A_1031 = vector.shape_cast %mul3A_1026 : vector<16xf32> to vector<1x16xf32>
          tpu.vector_store %arg20[%swap3A_1027, %swap3A_1028], %swap3A_1031 {strides = array<i32>} : memref<256x64xf32, #tpu.memory_space<vmem>>, vector<1x16xf32>,
          %mul3A_1032 = vector.broadcast %squeeze3A_950 : f32 to vector<16xf32>
          %mul3A_1033 = arith.mulf %get3A_982, %mul3A_1032 : vector<16xf32>
          %swap3A_1034 = arith.index_cast %add3A_946 : i32 to index
          %swap3A_1035 = arith.constant 48 : index
          %swap3A_1036 = tpu.vector_load %arg20[%swap3A_1034, %swap3A_1035] {strides = array<i32>} : memref<256x64xf32, #tpu.memory_space<vmem>>, vector<1x16xf32>,
          %swap3A_1037 = vector.shape_cast %swap3A_1036 : vector<1x16xf32> to vector<16xf32>
          %swap3A_1038 = vector.shape_cast %mul3A_1033 : vector<16xf32> to vector<1x16xf32>
          tpu.vector_store %arg20[%swap3A_1034, %swap3A_1035], %swap3A_1038 {strides = array<i32>} : memref<256x64xf32, #tpu.memory_space<vmem>>, vector<1x16xf32>,
        }
        %scan3A_193 = arith.constant 16 : i32
        %dma_start3A = arith.constant 0 : i32
        %dma_start3A_194 = arith.constant 0 : i32
        %dma_start3A_195 = arith.constant 0 : i32
        %dma_start3A_196 = tpu.memref_slice %arg20[%dma_start3A_194, %dma_start3A_195] : memref<256x64xf32, #tpu.memory_space<vmem>> -> memref<128x64xf32, #tpu.memory_space<vmem>>
        %dma_start3A_197 = arith.constant 0 : i32
        %dma_start3A_198 = tpu.memref_slice %arg14[%dma_start3A, %dma_start3A_197] : memref<2x128xi32, #tpu.memory_space<vmem>> -> memref<1x128xi32, #tpu.memory_space<vmem>>
        %dma_start3A_199 = tpu.memref_squeeze %dma_start3A_198 : memref<1x128xi32, #tpu.memory_space<vmem>> -> memref<128xi32, #tpu.memory_space<vmem>>
        %dma_start3A_200 = arith.constant 0 : i32
        %dma_start3A_201 = arith.constant 0 : i32
        %dma_start3A_202 = tpu.memref_slice %arg23[%dma_start3A_200, %dma_start3A_201] : memref<10112x64xf32, #tpu.memory_space<vmem_shared>> -> memref<10112x64xf32, #tpu.memory_space<vmem_shared>>
        tpu.enqueue_indirect_dma source(%dma_start3A_196 : memref<128x64xf32, #tpu.memory_space<vmem>>) target(%dma_start3A_202 : memref<10112x64xf32, #tpu.memory_space<vmem_shared>>) offsets(%dma_start3A_199 : memref<128xi32, #tpu.memory_space<vmem>>) semaphore(%arg27 : memref<!tpu.dma_semaphore, #tpu.memory_space<semaphore_mem>>) {add = true}
        %dma_start3A_203 = arith.constant 1 : i32
        %dma_start3A_204 = arith.constant 128 : i32
        %dma_start3A_205 = arith.constant 0 : i32
        %dma_start3A_206 = tpu.memref_slice %arg20[%dma_start3A_204, %dma_start3A_205] : memref<256x64xf32, #tpu.memory_space<vmem>> -> memref<128x64xf32, #tpu.memory_space<vmem>>
        %dma_start3A_207 = arith.constant 0 : i32
        %dma_start3A_208 = tpu.memref_slice %arg14[%dma_start3A_203, %dma_start3A_207] : memref<2x128xi32, #tpu.memory_space<vmem>> -> memref<1x128xi32, #tpu.memory_space<vmem>>
        %dma_start3A_209 = tpu.memref_squeeze %dma_start3A_208 : memref<1x128xi32, #tpu.memory_space<vmem>> -> memref<128xi32, #tpu.memory_space<vmem>>
        %dma_start3A_210 = arith.constant 0 : i32
        %dma_start3A_211 = arith.constant 0 : i32
        %dma_start3A_212 = tpu.memref_slice %arg23[%dma_start3A_210, %dma_start3A_211] : memref<10112x64xf32, #tpu.memory_space<vmem_shared>> -> memref<10112x64xf32, #tpu.memory_space<vmem_shared>>
        tpu.enqueue_indirect_dma source(%dma_start3A_206 : memref<128x64xf32, #tpu.memory_space<vmem>>) target(%dma_start3A_212 : memref<10112x64xf32, #tpu.memory_space<vmem_shared>>) offsets(%dma_start3A_209 : memref<128xi32, #tpu.memory_space<vmem>>) semaphore(%arg27 : memref<!tpu.dma_semaphore, #tpu.memory_space<semaphore_mem>>) {add = true}
        %eq3A_213 = arith.constant 0 : i32
        %eq3A_214 = arith.cmpi eq, %arg0, %eq3A_213 : i32
        %convert_element_type3A_215 = arith.extui %eq3A_214 : i1 to i32
        %cond3A_216 = arith.constant 0 : i32
        %cond3A_217 = arith.cmpi ne, %convert_element_type3A_215, %cond3A_216 : i32
        scf.if %cond3A_217 {
          %dma_start3A_218 = arith.constant 0 : i32
          %dma_start3A_219 = arith.constant 0 : i32
          %dma_start3A_220 = tpu.memref_slice %arg14[%dma_start3A_218, %dma_start3A_219] : memref<2x128xi32, #tpu.memory_space<vmem>> -> memref<1x128xi32, #tpu.memory_space<vmem>>
          %dma_start3A_221 = tpu.memref_squeeze %dma_start3A_220 : memref<1x128xi32, #tpu.memory_space<vmem>> -> memref<128xi32, #tpu.memory_space<vmem>>
          %dma_start3A_222 = arith.constant 0 : i32
          %dma_start3A_223 = arith.constant 0 : i32
          %dma_start3A_224 = tpu.memref_slice %arg24[%dma_start3A_222, %dma_start3A_223] : memref<10112x8xf32, #tpu.memory_space<vmem_shared>> -> memref<10112x8xf32, #tpu.memory_space<vmem_shared>>
          tpu.enqueue_indirect_dma source(%arg22 : memref<128x8xf32, #tpu.memory_space<vmem>>) target(%dma_start3A_224 : memref<10112x8xf32, #tpu.memory_space<vmem_shared>>) offsets(%dma_start3A_221 : memref<128xi32, #tpu.memory_space<vmem>>) semaphore(%arg27 : memref<!tpu.dma_semaphore, #tpu.memory_space<semaphore_mem>>) {add = true}
          %dma_start3A_225 = arith.constant 1 : i32
          %dma_start3A_226 = arith.constant 0 : i32
          %dma_start3A_227 = tpu.memref_slice %arg14[%dma_start3A_225, %dma_start3A_226] : memref<2x128xi32, #tpu.memory_space<vmem>> -> memref<1x128xi32, #tpu.memory_space<vmem>>
          %dma_start3A_228 = tpu.memref_squeeze %dma_start3A_227 : memref<1x128xi32, #tpu.memory_space<vmem>> -> memref<128xi32, #tpu.memory_space<vmem>>
          %dma_start3A_229 = arith.constant 0 : i32
          %dma_start3A_230 = arith.constant 0 : i32
          %dma_start3A_231 = tpu.memref_slice %arg24[%dma_start3A_229, %dma_start3A_230] : memref<10112x8xf32, #tpu.memory_space<vmem_shared>> -> memref<10112x8xf32, #tpu.memory_space<vmem_shared>>
          tpu.enqueue_indirect_dma source(%arg22 : memref<128x8xf32, #tpu.memory_space<vmem>>) target(%dma_start3A_231 : memref<10112x8xf32, #tpu.memory_space<vmem_shared>>) offsets(%dma_start3A_228 : memref<128xi32, #tpu.memory_space<vmem>>) semaphore(%arg27 : memref<!tpu.dma_semaphore, #tpu.memory_space<semaphore_mem>>) {add = true}
        } else {
        }
      } else {
      }
      %mul3A_88 = arith.constant 4 : i32
      %mul3A_89 = arith.muli %mul3A_88, %scan3A_24 : i32
      %add3A_90 = arith.constant 2 : i32
      %add3A_91 = arith.addi %mul3A_89, %add3A_90 : i32
      %mul3A_92 = arith.constant 16 : i32
      %mul3A_93 = arith.muli %add3A_91, %mul3A_92 : i32
      %add3A_94 = arith.addi %arg1, %mul3A_93 : i32
      %add3A_95 = arith.constant 48 : i32
      %add3A_96 = arith.addi %arg1, %add3A_95 : i32
      %ge3A_97 = arith.cmpi sge, %add3A_94, %add3A_96 : i32
      %sub3A_98 = arith.constant 48 : i32
      %sub3A_99 = arith.subi %add3A_94, %sub3A_98 : i32
      %lt3A_100 = arith.constant 1250 : i32
      %lt3A_101 = arith.cmpi slt, %sub3A_99, %lt3A_100 : i32
      %and3A_102 = arith.andi %ge3A_97, %lt3A_101 : i1
      %convert_element_type3A_103 = arith.extui %and3A_102 : i1 to i32
      %cond3A_104 = arith.constant 0 : i32
      %cond3A_105 = arith.cmpi ne, %convert_element_type3A_103, %cond3A_104 : i32
      scf.if %cond3A_105 {
        %dma_wait3A = arith.constant 0 : i32
        %dma_wait3A_154 = arith.constant 0 : i32
        %dma_wait3A_155 = arith.constant 0 : i32
        %dma_wait3A_156 = tpu.memref_slice %arg21[%dma_wait3A_154, %dma_wait3A_155] : memref<256x64xf32, #tpu.memory_space<vmem>> -> memref<128x64xf32, #tpu.memory_space<vmem>>
        %dma_wait3A_157 = arith.constant 0 : i32
        %dma_wait3A_158 = tpu.memref_slice %arg17[%dma_wait3A, %dma_wait3A_157] : memref<2x128xi32, #tpu.memory_space<vmem>> -> memref<1x128xi32, #tpu.memory_space<vmem>>
        %dma_wait3A_159 = tpu.memref_squeeze %dma_wait3A_158 : memref<1x128xi32, #tpu.memory_space<vmem>> -> memref<128xi32, #tpu.memory_space<vmem>>
        %dma_wait3A_160 = arith.constant 0 : i32
        %dma_wait3A_161 = arith.constant 0 : i32
        %dma_wait3A_162 = tpu.memref_slice %arg23[%dma_wait3A_160, %dma_wait3A_161] : memref<10112x64xf32, #tpu.memory_space<vmem_shared>> -> memref<10112x64xf32, #tpu.memory_space<vmem_shared>>
        tpu.wait_indirect_dma semaphore(%arg28 : memref<!tpu.dma_semaphore, #tpu.memory_space<semaphore_mem>>) src(%dma_wait3A_156 : memref<128x64xf32, #tpu.memory_space<vmem>>) dst(%dma_wait3A_162 : memref<10112x64xf32, #tpu.memory_space<vmem_shared>>)
        %dma_wait3A_163 = arith.constant 1 : i32
        %dma_wait3A_164 = arith.constant 128 : i32
        %dma_wait3A_165 = arith.constant 0 : i32
        %dma_wait3A_166 = tpu.memref_slice %arg21[%dma_wait3A_164, %dma_wait3A_165] : memref<256x64xf32, #tpu.memory_space<vmem>> -> memref<128x64xf32, #tpu.memory_space<vmem>>
        %dma_wait3A_167 = arith.constant 0 : i32
        %dma_wait3A_168 = tpu.memref_slice %arg17[%dma_wait3A_163, %dma_wait3A_167] : memref<2x128xi32, #tpu.memory_space<vmem>> -> memref<1x128xi32, #tpu.memory_space<vmem>>
        %dma_wait3A_169 = tpu.memref_squeeze %dma_wait3A_168 : memref<1x128xi32, #tpu.memory_space<vmem>> -> memref<128xi32, #tpu.memory_space<vmem>>
        %dma_wait3A_170 = arith.constant 0 : i32
        %dma_wait3A_171 = arith.constant 0 : i32
        %dma_wait3A_172 = tpu.memref_slice %arg23[%dma_wait3A_170, %dma_wait3A_171] : memref<10112x64xf32, #tpu.memory_space<vmem_shared>> -> memref<10112x64xf32, #tpu.memory_space<vmem_shared>>
        tpu.wait_indirect_dma semaphore(%arg28 : memref<!tpu.dma_semaphore, #tpu.memory_space<semaphore_mem>>) src(%dma_wait3A_166 : memref<128x64xf32, #tpu.memory_space<vmem>>) dst(%dma_wait3A_172 : memref<10112x64xf32, #tpu.memory_space<vmem_shared>>)
        %eq3A_173 = arith.constant 0 : i32
        %eq3A_174 = arith.cmpi eq, %arg0, %eq3A_173 : i32
        %convert_element_type3A_175 = arith.extui %eq3A_174 : i1 to i32
        %cond3A_176 = arith.constant 0 : i32
        %cond3A_177 = arith.cmpi ne, %convert_element_type3A_175, %cond3A_176 : i32
        scf.if %cond3A_177 {
          %dma_wait3A_178 = arith.constant 0 : i32
          %dma_wait3A_179 = arith.constant 0 : i32
          %dma_wait3A_180 = tpu.memref_slice %arg17[%dma_wait3A_178, %dma_wait3A_179] : memref<2x128xi32, #tpu.memory_space<vmem>> -> memref<1x128xi32, #tpu.memory_space<vmem>>
          %dma_wait3A_181 = tpu.memref_squeeze %dma_wait3A_180 : memref<1x128xi32, #tpu.memory_space<vmem>> -> memref<128xi32, #tpu.memory_space<vmem>>
          %dma_wait3A_182 = arith.constant 0 : i32
          %dma_wait3A_183 = arith.constant 0 : i32
          %dma_wait3A_184 = tpu.memref_slice %arg24[%dma_wait3A_182, %dma_wait3A_183] : memref<10112x8xf32, #tpu.memory_space<vmem_shared>> -> memref<10112x8xf32, #tpu.memory_space<vmem_shared>>
          tpu.wait_indirect_dma semaphore(%arg28 : memref<!tpu.dma_semaphore, #tpu.memory_space<semaphore_mem>>) src(%arg22 : memref<128x8xf32, #tpu.memory_space<vmem>>) dst(%dma_wait3A_184 : memref<10112x8xf32, #tpu.memory_space<vmem_shared>>)
          %dma_wait3A_185 = arith.constant 1 : i32
          %dma_wait3A_186 = arith.constant 0 : i32
          %dma_wait3A_187 = tpu.memref_slice %arg17[%dma_wait3A_185, %dma_wait3A_186] : memref<2x128xi32, #tpu.memory_space<vmem>> -> memref<1x128xi32, #tpu.memory_space<vmem>>
          %dma_wait3A_188 = tpu.memref_squeeze %dma_wait3A_187 : memref<1x128xi32, #tpu.memory_space<vmem>> -> memref<128xi32, #tpu.memory_space<vmem>>
          %dma_wait3A_189 = arith.constant 0 : i32
          %dma_wait3A_190 = arith.constant 0 : i32
          %dma_wait3A_191 = tpu.memref_slice %arg24[%dma_wait3A_189, %dma_wait3A_190] : memref<10112x8xf32, #tpu.memory_space<vmem_shared>> -> memref<10112x8xf32, #tpu.memory_space<vmem_shared>>
          tpu.wait_indirect_dma semaphore(%arg28 : memref<!tpu.dma_semaphore, #tpu.memory_space<semaphore_mem>>) src(%arg22 : memref<128x8xf32, #tpu.memory_space<vmem>>) dst(%dma_wait3A_191 : memref<10112x8xf32, #tpu.memory_space<vmem_shared>>)
        } else {
        }
      } else {
      }
      %lt3A_106 = arith.constant 1250 : i32
      %lt3A_107 = arith.cmpi slt, %add3A_94, %lt3A_106 : i32
      %convert_element_type3A_108 = arith.extui %lt3A_107 : i1 to i32
      %cond3A_109 = arith.constant 0 : i32
      %cond3A_110 = arith.cmpi ne, %convert_element_type3A_108, %cond3A_109 : i32
      scf.if %cond3A_110 {
        %mul3A_154 = arith.constant 16 : i32
        %mul3A_155 = arith.muli %add3A_91, %mul3A_154 : i32
        %add3A_156 = arith.addi %arg1, %mul3A_155 : i32
        %mul3A_157 = arith.constant 256 : i32
        %mul3A_158 = arith.muli %add3A_156, %mul3A_157 : i32
        %mul3A_159 = arith.constant 2 : i32
        %mul3A_160 = arith.muli %add3A_156, %mul3A_159 : i32
        %scan3A_161 = arith.constant 0 : i32
        %scan3A_162 = arith.constant 0 : i32
        %scan3A_163 = arith.constant 16 : i32
        %scan3A_164 = arith.addi %scan3A_162, %scan3A_163 : i32
        %scan3A_165 = arith.constant 1 : i32
        scf.for %scan3A_194 = %scan3A_162 to %scan3A_164 step %scan3A_165  : i32 {
          %mul3A_195 = arith.constant 16 : i32
          %mul3A_196 = arith.muli %scan3A_194, %mul3A_195 : i32
          %add3A_197 = arith.addi %mul3A_158, %mul3A_196 : i32
          %add3A_198 = vector.broadcast %add3A_197 : i32 to vector<16xi32>
          %add3A_199 = arith.addi %add3A_198, %iota3A : vector<16xi32>
          %mul3A_200 = arith.constant 2 : i32
          %mul3A_201 = vector.broadcast %mul3A_200 : i32 to vector<16xi32>
          %mul3A_202 = arith.muli %mul3A_201, %add3A_199 : vector<16xi32>
          %add3A_203 = vector.broadcast %arg0 : i32 to vector<16xi32>
          %add3A_204 = arith.addi %mul3A_202, %add3A_203 : vector<16xi32>
          %jit3A = arith.constant 8 : i32
          %div3A = arith.divsi %scan3A_194, %jit3A : i32
          %sign3A = arith.constant 0 : i32
          %sign3A_205 = arith.cmpi sgt, %scan3A_194, %sign3A : i32
          %sign3A_206 = arith.extui %sign3A_205 : i1 to i32
          %sign3A_207 = arith.constant 0 : i32
          %sign3A_208 = arith.cmpi slt, %scan3A_194, %sign3A_207 : i32
          %sign3A_209 = arith.extui %sign3A_208 : i1 to i32
          %sign3A_210 = arith.subi %sign3A_206, %sign3A_209 : i32
          %sign3A_211 = arith.constant 0 : i32
          %sign3A_212 = arith.cmpi sgt, %jit3A, %sign3A_211 : i32
          %sign3A_213 = arith.extui %sign3A_212 : i1 to i32
          %sign3A_214 = arith.constant 0 : i32
          %sign3A_215 = arith.cmpi slt, %jit3A, %sign3A_214 : i32
          %sign3A_216 = arith.extui %sign3A_215 : i1 to i32
          %sign3A_217 = arith.subi %sign3A_213, %sign3A_216 : i32
          %ne3A = arith.cmpi ne, %sign3A_210, %sign3A_217 : i32
          %rem3A = arith.remsi %scan3A_194, %jit3A : i32
          %ne3A_218 = arith.constant 0 : i32
          %ne3A_219 = arith.cmpi ne, %rem3A, %ne3A_218 : i32
          %and3A_220 = arith.andi %ne3A, %ne3A_219 : i1
          %sub3A_221 = arith.constant 1 : i32
          %sub3A_222 = arith.subi %div3A, %sub3A_221 : i32
          %select_n3A = arith.select %and3A_220, %sub3A_222, %div3A : i32
          %jit3A_223 = arith.constant 8 : i32
          %eq3A_224 = arith.constant 0 : i32
          %eq3A_225 = arith.cmpi eq, %jit3A_223, %eq3A_224 : i32
          %jit3A_226 = arith.constant 1 : i32
          %select_n3A_227 = arith.select %eq3A_225, %jit3A_226, %jit3A_223 : i32
          %rem3A_228 = arith.remsi %scan3A_194, %select_n3A_227 : i32
          %ne3A_229 = arith.constant 0 : i32
          %ne3A_230 = arith.cmpi ne, %rem3A_228, %ne3A_229 : i32
          %lt3A_231 = arith.constant 0 : i32
          %lt3A_232 = arith.cmpi slt, %rem3A_228, %lt3A_231 : i32
          %lt3A_233 = arith.constant 0 : i32
          %lt3A_234 = arith.cmpi slt, %select_n3A_227, %lt3A_233 : i32
          %ne3A_235 = arith.xori %lt3A_232, %lt3A_234 : i1
          %and3A_236 = arith.andi %ne3A_235, %ne3A_230 : i1
          %add3A_237 = arith.addi %rem3A_228, %select_n3A_227 : i32
          %select_n3A_238 = arith.select %and3A_236, %add3A_237, %rem3A_228 : i32
          %mul3A_239 = arith.constant 16 : i32
          %mul3A_240 = arith.muli %select_n3A_238, %mul3A_239 : i32
          %swap3A = arith.index_cast %select_n3A : i32 to index
          %swap3A_241 = arith.index_cast %mul3A_240 : i32 to index
          %swap3A_242 = tpu.vector_load %arg12[%swap3A, %swap3A_241] {strides = array<i32>} : memref<2x128xi32, #tpu.memory_space<vmem>>, vector<1x16xi32>,
          %swap3A_243 = vector.shape_cast %swap3A_242 : vector<1x16xi32> to vector<16xi32>
          %swap3A_244 = vector.shape_cast %add3A_204 : vector<16xi32> to vector<1x16xi32>
          tpu.vector_store %arg12[%swap3A, %swap3A_241], %swap3A_244 {strides = array<i32>} : memref<2x128xi32, #tpu.memory_space<vmem>>, vector<1x16xi32>,
        }
        %scan3A_166 = arith.constant 16 : i32
        %dma_start3A = arith.constant 0 : i32
        %dma_start3A_167 = tpu.memref_slice %arg3[%mul3A_160, %dma_start3A] : memref<2500x128xi32, #tpu.memory_space<hbm>> -> memref<2x128xi32, #tpu.memory_space<hbm>>
        %dma_start3A_168 = arith.constant 0 : i32
        %dma_start3A_169 = tpu.memref_slice %arg3[%mul3A_160, %dma_start3A_168] : memref<2500x128xi32, #tpu.memory_space<hbm>> -> memref<2x128xi32, #tpu.memory_space<hbm>>
        tpu.enqueue_dma source(%dma_start3A_169 : memref<2x128xi32, #tpu.memory_space<hbm>>) target(%arg16 : memref<2x128xi32, #tpu.memory_space<vmem>>) target_semaphore(%arg25 : memref<!tpu.dma_semaphore, #tpu.memory_space<semaphore_mem>>)
        %dma_start3A_170 = arith.constant 0 : i32
        %dma_start3A_171 = tpu.memref_slice %arg4[%mul3A_160, %dma_start3A_170] : memref<2500x128xf32, #tpu.memory_space<hbm>> -> memref<2x128xf32, #tpu.memory_space<hbm>>
        %dma_start3A_172 = arith.constant 0 : i32
        %dma_start3A_173 = tpu.memref_slice %arg4[%mul3A_160, %dma_start3A_172] : memref<2500x128xf32, #tpu.memory_space<hbm>> -> memref<2x128xf32, #tpu.memory_space<hbm>>
        tpu.enqueue_dma source(%dma_start3A_173 : memref<2x128xf32, #tpu.memory_space<hbm>>) target(%arg18 : memref<2x128xf32, #tpu.memory_space<vmem>>) target_semaphore(%arg25 : memref<!tpu.dma_semaphore, #tpu.memory_space<semaphore_mem>>)
        %dma_start3A_174 = arith.constant 0 : i32
        %dma_start3A_175 = arith.constant 0 : i32
        %dma_start3A_176 = arith.constant 0 : i32
        %dma_start3A_177 = tpu.memref_slice %arg10[%dma_start3A_175, %dma_start3A_176] : memref<256x64xf32, #tpu.memory_space<vmem>> -> memref<128x64xf32, #tpu.memory_space<vmem>>
        %dma_start3A_178 = arith.constant 0 : i32
        %dma_start3A_179 = tpu.memref_slice %arg12[%dma_start3A_174, %dma_start3A_178] : memref<2x128xi32, #tpu.memory_space<vmem>> -> memref<1x128xi32, #tpu.memory_space<vmem>>
        %dma_start3A_180 = tpu.memref_squeeze %dma_start3A_179 : memref<1x128xi32, #tpu.memory_space<vmem>> -> memref<128xi32, #tpu.memory_space<vmem>>
        %dma_start3A_181 = arith.constant 0 : i32
        %dma_start3A_182 = arith.constant 0 : i32
        %dma_start3A_183 = tpu.memref_slice %arg2[%dma_start3A_181, %dma_start3A_182] : memref<640000x64xf32, #tpu.memory_space<hbm>> -> memref<640000x64xf32, #tpu.memory_space<hbm>>
        tpu.enqueue_indirect_dma source(%dma_start3A_183 : memref<640000x64xf32, #tpu.memory_space<hbm>>) target(%dma_start3A_177 : memref<128x64xf32, #tpu.memory_space<vmem>>) offsets(%dma_start3A_180 : memref<128xi32, #tpu.memory_space<vmem>>) semaphore(%arg25 : memref<!tpu.dma_semaphore, #tpu.memory_space<semaphore_mem>>)
        %dma_start3A_184 = arith.constant 1 : i32
        %dma_start3A_185 = arith.constant 128 : i32
        %dma_start3A_186 = arith.constant 0 : i32
        %dma_start3A_187 = tpu.memref_slice %arg10[%dma_start3A_185, %dma_start3A_186] : memref<256x64xf32, #tpu.memory_space<vmem>> -> memref<128x64xf32, #tpu.memory_space<vmem>>
        %dma_start3A_188 = arith.constant 0 : i32
        %dma_start3A_189 = tpu.memref_slice %arg12[%dma_start3A_184, %dma_start3A_188] : memref<2x128xi32, #tpu.memory_space<vmem>> -> memref<1x128xi32, #tpu.memory_space<vmem>>
        %dma_start3A_190 = tpu.memref_squeeze %dma_start3A_189 : memref<1x128xi32, #tpu.memory_space<vmem>> -> memref<128xi32, #tpu.memory_space<vmem>>
        %dma_start3A_191 = arith.constant 0 : i32
        %dma_start3A_192 = arith.constant 0 : i32
        %dma_start3A_193 = tpu.memref_slice %arg2[%dma_start3A_191, %dma_start3A_192] : memref<640000x64xf32, #tpu.memory_space<hbm>> -> memref<640000x64xf32, #tpu.memory_space<hbm>>
        tpu.enqueue_indirect_dma source(%dma_start3A_193 : memref<640000x64xf32, #tpu.memory_space<hbm>>) target(%dma_start3A_187 : memref<128x64xf32, #tpu.memory_space<vmem>>) offsets(%dma_start3A_190 : memref<128xi32, #tpu.memory_space<vmem>>) semaphore(%arg25 : memref<!tpu.dma_semaphore, #tpu.memory_space<semaphore_mem>>)
      } else {
      }
      %ge3A_111 = arith.constant 1 : i32
      %ge3A_112 = arith.cmpi sge, %add3A_91, %ge3A_111 : i32
      %sub3A_113 = arith.constant 16 : i32
      %sub3A_114 = arith.subi %add3A_94, %sub3A_113 : i32
      %lt3A_115 = arith.constant 1250 : i32
      %lt3A_116 = arith.cmpi slt, %sub3A_114, %lt3A_115 : i32
      %and3A_117 = arith.andi %ge3A_112, %lt3A_116 : i1
      %convert_element_type3A_118 = arith.extui %and3A_117 : i1 to i32
      %cond3A_119 = arith.constant 0 : i32
      %cond3A_120 = arith.cmpi ne, %convert_element_type3A_118, %cond3A_119 : i32
      scf.if %cond3A_120 {
        %sub3A_154 = arith.constant 1 : i32
        %sub3A_155 = arith.subi %add3A_91, %sub3A_154 : i32
        %mul3A_156 = arith.constant 16 : i32
        %mul3A_157 = arith.muli %sub3A_155, %mul3A_156 : i32
        %add3A_158 = arith.addi %arg1, %mul3A_157 : i32
        %mul3A_159 = arith.constant 2 : i32
        %mul3A_160 = arith.muli %add3A_158, %mul3A_159 : i32
        %dma_wait3A = arith.constant 0 : i32
        %dma_wait3A_161 = tpu.memref_slice %arg3[%mul3A_160, %dma_wait3A] : memref<2500x128xi32, #tpu.memory_space<hbm>> -> memref<2x128xi32, #tpu.memory_space<hbm>>
        %dma_wait3A_162 = arith.constant 0 : i32
        %dma_wait3A_163 = tpu.memref_slice %arg3[%mul3A_160, %dma_wait3A_162] : memref<2500x128xi32, #tpu.memory_space<hbm>> -> memref<2x128xi32, #tpu.memory_space<hbm>>
        tpu.wait_dma2 semaphore(%arg26 : memref<!tpu.dma_semaphore, #tpu.memory_space<semaphore_mem>>) src(%dma_wait3A_163 : memref<2x128xi32, #tpu.memory_space<hbm>>) dst(%arg15 : memref<2x128xi32, #tpu.memory_space<vmem>>)
        %dma_wait3A_164 = arith.constant 0 : i32
        %dma_wait3A_165 = tpu.memref_slice %arg4[%mul3A_160, %dma_wait3A_164] : memref<2500x128xf32, #tpu.memory_space<hbm>> -> memref<2x128xf32, #tpu.memory_space<hbm>>
        %dma_wait3A_166 = arith.constant 0 : i32
        %dma_wait3A_167 = tpu.memref_slice %arg4[%mul3A_160, %dma_wait3A_166] : memref<2500x128xf32, #tpu.memory_space<hbm>> -> memref<2x128xf32, #tpu.memory_space<hbm>>
        tpu.wait_dma2 semaphore(%arg26 : memref<!tpu.dma_semaphore, #tpu.memory_space<semaphore_mem>>) src(%dma_wait3A_167 : memref<2x128xf32, #tpu.memory_space<hbm>>) dst(%arg19 : memref<2x128xf32, #tpu.memory_space<vmem>>)
        %dma_wait3A_168 = arith.constant 0 : i32
        %dma_wait3A_169 = arith.constant 0 : i32
        %dma_wait3A_170 = arith.constant 0 : i32
        %dma_wait3A_171 = tpu.memref_slice %arg11[%dma_wait3A_169, %dma_wait3A_170] : memref<256x64xf32, #tpu.memory_space<vmem>> -> memref<128x64xf32, #tpu.memory_space<vmem>>
        %dma_wait3A_172 = arith.constant 0 : i32
        %dma_wait3A_173 = tpu.memref_slice %arg13[%dma_wait3A_168, %dma_wait3A_172] : memref<2x128xi32, #tpu.memory_space<vmem>> -> memref<1x128xi32, #tpu.memory_space<vmem>>
        %dma_wait3A_174 = tpu.memref_squeeze %dma_wait3A_173 : memref<1x128xi32, #tpu.memory_space<vmem>> -> memref<128xi32, #tpu.memory_space<vmem>>
        %dma_wait3A_175 = arith.constant 0 : i32
        %dma_wait3A_176 = arith.constant 0 : i32
        %dma_wait3A_177 = tpu.memref_slice %arg2[%dma_wait3A_175, %dma_wait3A_176] : memref<640000x64xf32, #tpu.memory_space<hbm>> -> memref<640000x64xf32, #tpu.memory_space<hbm>>
        tpu.wait_indirect_dma semaphore(%arg26 : memref<!tpu.dma_semaphore, #tpu.memory_space<semaphore_mem>>) src(%dma_wait3A_177 : memref<640000x64xf32, #tpu.memory_space<hbm>>) dst(%dma_wait3A_171 : memref<128x64xf32, #tpu.memory_space<vmem>>)
        %dma_wait3A_178 = arith.constant 1 : i32
        %dma_wait3A_179 = arith.constant 128 : i32
        %dma_wait3A_180 = arith.constant 0 : i32
        %dma_wait3A_181 = tpu.memref_slice %arg11[%dma_wait3A_179, %dma_wait3A_180] : memref<256x64xf32, #tpu.memory_space<vmem>> -> memref<128x64xf32, #tpu.memory_space<vmem>>
        %dma_wait3A_182 = arith.constant 0 : i32
        %dma_wait3A_183 = tpu.memref_slice %arg13[%dma_wait3A_178, %dma_wait3A_182] : memref<2x128xi32, #tpu.memory_space<vmem>> -> memref<1x128xi32, #tpu.memory_space<vmem>>
        %dma_wait3A_184 = tpu.memref_squeeze %dma_wait3A_183 : memref<1x128xi32, #tpu.memory_space<vmem>> -> memref<128xi32, #tpu.memory_space<vmem>>
        %dma_wait3A_185 = arith.constant 0 : i32
        %dma_wait3A_186 = arith.constant 0 : i32
        %dma_wait3A_187 = tpu.memref_slice %arg2[%dma_wait3A_185, %dma_wait3A_186] : memref<640000x64xf32, #tpu.memory_space<hbm>> -> memref<640000x64xf32, #tpu.memory_space<hbm>>
        tpu.wait_indirect_dma semaphore(%arg26 : memref<!tpu.dma_semaphore, #tpu.memory_space<semaphore_mem>>) src(%dma_wait3A_187 : memref<640000x64xf32, #tpu.memory_space<hbm>>) dst(%dma_wait3A_181 : memref<128x64xf32, #tpu.memory_space<vmem>>)
        %scan3A_188 = arith.constant 0 : i32
        %scan3A_189 = arith.constant 0 : i32
        %scan3A_190 = arith.constant 16 : i32
        %scan3A_191 = arith.addi %scan3A_189, %scan3A_190 : i32
        %scan3A_192 = arith.constant 1 : i32
        scf.for %scan3A_218 = %scan3A_189 to %scan3A_191 step %scan3A_192  : i32 {
          %jit3A = arith.constant 8 : i32
          %div3A = arith.divsi %scan3A_218, %jit3A : i32
          %sign3A = arith.constant 0 : i32
          %sign3A_219 = arith.cmpi sgt, %scan3A_218, %sign3A : i32
          %sign3A_220 = arith.extui %sign3A_219 : i1 to i32
          %sign3A_221 = arith.constant 0 : i32
          %sign3A_222 = arith.cmpi slt, %scan3A_218, %sign3A_221 : i32
          %sign3A_223 = arith.extui %sign3A_222 : i1 to i32
          %sign3A_224 = arith.subi %sign3A_220, %sign3A_223 : i32
          %sign3A_225 = arith.constant 0 : i32
          %sign3A_226 = arith.cmpi sgt, %jit3A, %sign3A_225 : i32
          %sign3A_227 = arith.extui %sign3A_226 : i1 to i32
          %sign3A_228 = arith.constant 0 : i32
          %sign3A_229 = arith.cmpi slt, %jit3A, %sign3A_228 : i32
          %sign3A_230 = arith.extui %sign3A_229 : i1 to i32
          %sign3A_231 = arith.subi %sign3A_227, %sign3A_230 : i32
          %ne3A = arith.cmpi ne, %sign3A_224, %sign3A_231 : i32
          %rem3A = arith.remsi %scan3A_218, %jit3A : i32
          %ne3A_232 = arith.constant 0 : i32
          %ne3A_233 = arith.cmpi ne, %rem3A, %ne3A_232 : i32
          %and3A_234 = arith.andi %ne3A, %ne3A_233 : i1
          %sub3A_235 = arith.constant 1 : i32
          %sub3A_236 = arith.subi %div3A, %sub3A_235 : i32
          %select_n3A = arith.select %and3A_234, %sub3A_236, %div3A : i32
          %jit3A_237 = arith.constant 8 : i32
          %eq3A_238 = arith.constant 0 : i32
          %eq3A_239 = arith.cmpi eq, %jit3A_237, %eq3A_238 : i32
          %jit3A_240 = arith.constant 1 : i32
          %select_n3A_241 = arith.select %eq3A_239, %jit3A_240, %jit3A_237 : i32
          %rem3A_242 = arith.remsi %scan3A_218, %select_n3A_241 : i32
          %ne3A_243 = arith.constant 0 : i32
          %ne3A_244 = arith.cmpi ne, %rem3A_242, %ne3A_243 : i32
          %lt3A_245 = arith.constant 0 : i32
          %lt3A_246 = arith.cmpi slt, %rem3A_242, %lt3A_245 : i32
          %lt3A_247 = arith.constant 0 : i32
          %lt3A_248 = arith.cmpi slt, %select_n3A_241, %lt3A_247 : i32
          %ne3A_249 = arith.xori %lt3A_246, %lt3A_248 : i1
          %and3A_250 = arith.andi %ne3A_249, %ne3A_244 : i1
          %add3A_251 = arith.addi %rem3A_242, %select_n3A_241 : i32
          %select_n3A_252 = arith.select %and3A_250, %add3A_251, %rem3A_242 : i32
          %mul3A_253 = arith.constant 16 : i32
          %mul3A_254 = arith.muli %select_n3A_252, %mul3A_253 : i32
          %get3A = arith.index_cast %select_n3A : i32 to index
          %get3A_255 = arith.index_cast %mul3A_254 : i32 to index
          %get3A_256 = tpu.vector_load %arg19[%get3A, %get3A_255] {strides = array<i32>} : memref<2x128xf32, #tpu.memory_space<vmem>>, vector<1x16xf32>,
          %get3A_257 = vector.shape_cast %get3A_256 : vector<1x16xf32> to vector<16xf32>
          %mul3A_258 = arith.constant 16 : i32
          %mul3A_259 = arith.muli %scan3A_218, %mul3A_258 : i32
          %add3A_260 = arith.constant 0 : i32
          %add3A_261 = arith.addi %mul3A_259, %add3A_260 : i32
          %add3A_262 = arith.constant 1 : i32
          %add3A_263 = arith.addi %add3A_261, %add3A_262 : i32
          %slice3A = vector.extract_strided_slice %get3A_257 {offsets = [0], sizes = [1], strides = [1]} : vector<16xf32> to vector<1xf32>
          %squeeze3A = vector.extract %slice3A[0] : f32 from vector<1xf32>
          %slice3A_264 = vector.extract_strided_slice %get3A_257 {offsets = [1], sizes = [1], strides = [1]} : vector<16xf32> to vector<1xf32>
          %squeeze3A_265 = vector.extract %slice3A_264[0] : f32 from vector<1xf32>
          %get3A_266 = arith.index_cast %add3A_261 : i32 to index
          %get3A_267 = arith.constant 0 : index
          %get3A_268 = tpu.vector_load %arg11[%get3A_266, %get3A_267] {strides = array<i32>} : memref<256x64xf32, #tpu.memory_space<vmem>>, vector<1x16xf32>,
          %get3A_269 = vector.shape_cast %get3A_268 : vector<1x16xf32> to vector<16xf32>
          %get3A_270 = arith.index_cast %add3A_261 : i32 to index
          %get3A_271 = arith.constant 16 : index
          %get3A_272 = tpu.vector_load %arg11[%get3A_270, %get3A_271] {strides = array<i32>} : memref<256x64xf32, #tpu.memory_space<vmem>>, vector<1x16xf32>,
          %get3A_273 = vector.shape_cast %get3A_272 : vector<1x16xf32> to vector<16xf32>
          %get3A_274 = arith.index_cast %add3A_261 : i32 to index
          %get3A_275 = arith.constant 32 : index
          %get3A_276 = tpu.vector_load %arg11[%get3A_274, %get3A_275] {strides = array<i32>} : memref<256x64xf32, #tpu.memory_space<vmem>>, vector<1x16xf32>,
          %get3A_277 = vector.shape_cast %get3A_276 : vector<1x16xf32> to vector<16xf32>
          %get3A_278 = arith.index_cast %add3A_261 : i32 to index
          %get3A_279 = arith.constant 48 : index
          %get3A_280 = tpu.vector_load %arg11[%get3A_278, %get3A_279] {strides = array<i32>} : memref<256x64xf32, #tpu.memory_space<vmem>>, vector<1x16xf32>,
          %get3A_281 = vector.shape_cast %get3A_280 : vector<1x16xf32> to vector<16xf32>
          %get3A_282 = arith.index_cast %add3A_263 : i32 to index
          %get3A_283 = arith.constant 0 : index
          %get3A_284 = tpu.vector_load %arg11[%get3A_282, %get3A_283] {strides = array<i32>} : memref<256x64xf32, #tpu.memory_space<vmem>>, vector<1x16xf32>,
          %get3A_285 = vector.shape_cast %get3A_284 : vector<1x16xf32> to vector<16xf32>
          %get3A_286 = arith.index_cast %add3A_263 : i32 to index
          %get3A_287 = arith.constant 16 : index
          %get3A_288 = tpu.vector_load %arg11[%get3A_286, %get3A_287] {strides = array<i32>} : memref<256x64xf32, #tpu.memory_space<vmem>>, vector<1x16xf32>,
          %get3A_289 = vector.shape_cast %get3A_288 : vector<1x16xf32> to vector<16xf32>
          %get3A_290 = arith.index_cast %add3A_263 : i32 to index
          %get3A_291 = arith.constant 32 : index
          %get3A_292 = tpu.vector_load %arg11[%get3A_290, %get3A_291] {strides = array<i32>} : memref<256x64xf32, #tpu.memory_space<vmem>>, vector<1x16xf32>,
          %get3A_293 = vector.shape_cast %get3A_292 : vector<1x16xf32> to vector<16xf32>
          %get3A_294 = arith.index_cast %add3A_263 : i32 to index
          %get3A_295 = arith.constant 48 : index
          %get3A_296 = tpu.vector_load %arg11[%get3A_294, %get3A_295] {strides = array<i32>} : memref<256x64xf32, #tpu.memory_space<vmem>>, vector<1x16xf32>,
          %get3A_297 = vector.shape_cast %get3A_296 : vector<1x16xf32> to vector<16xf32>
          %mul3A_298 = vector.broadcast %squeeze3A : f32 to vector<16xf32>
          %mul3A_299 = arith.mulf %get3A_269, %mul3A_298 : vector<16xf32>
          %swap3A = arith.index_cast %add3A_261 : i32 to index
          %swap3A_300 = arith.constant 0 : index
          %swap3A_301 = tpu.vector_load %arg21[%swap3A, %swap3A_300] {strides = array<i32>} : memref<256x64xf32, #tpu.memory_space<vmem>>, vector<1x16xf32>,
          %swap3A_302 = vector.shape_cast %swap3A_301 : vector<1x16xf32> to vector<16xf32>
          %swap3A_303 = vector.shape_cast %mul3A_299 : vector<16xf32> to vector<1x16xf32>
          tpu.vector_store %arg21[%swap3A, %swap3A_300], %swap3A_303 {strides = array<i32>} : memref<256x64xf32, #tpu.memory_space<vmem>>, vector<1x16xf32>,
          %mul3A_304 = vector.broadcast %squeeze3A : f32 to vector<16xf32>
          %mul3A_305 = arith.mulf %get3A_273, %mul3A_304 : vector<16xf32>
          %swap3A_306 = arith.index_cast %add3A_261 : i32 to index
          %swap3A_307 = arith.constant 16 : index
          %swap3A_308 = tpu.vector_load %arg21[%swap3A_306, %swap3A_307] {strides = array<i32>} : memref<256x64xf32, #tpu.memory_space<vmem>>, vector<1x16xf32>,
          %swap3A_309 = vector.shape_cast %swap3A_308 : vector<1x16xf32> to vector<16xf32>
          %swap3A_310 = vector.shape_cast %mul3A_305 : vector<16xf32> to vector<1x16xf32>
          tpu.vector_store %arg21[%swap3A_306, %swap3A_307], %swap3A_310 {strides = array<i32>} : memref<256x64xf32, #tpu.memory_space<vmem>>, vector<1x16xf32>,
          %mul3A_311 = vector.broadcast %squeeze3A : f32 to vector<16xf32>
          %mul3A_312 = arith.mulf %get3A_277, %mul3A_311 : vector<16xf32>
          %swap3A_313 = arith.index_cast %add3A_261 : i32 to index
          %swap3A_314 = arith.constant 32 : index
          %swap3A_315 = tpu.vector_load %arg21[%swap3A_313, %swap3A_314] {strides = array<i32>} : memref<256x64xf32, #tpu.memory_space<vmem>>, vector<1x16xf32>,
          %swap3A_316 = vector.shape_cast %swap3A_315 : vector<1x16xf32> to vector<16xf32>
          %swap3A_317 = vector.shape_cast %mul3A_312 : vector<16xf32> to vector<1x16xf32>
          tpu.vector_store %arg21[%swap3A_313, %swap3A_314], %swap3A_317 {strides = array<i32>} : memref<256x64xf32, #tpu.memory_space<vmem>>, vector<1x16xf32>,
          %mul3A_318 = vector.broadcast %squeeze3A : f32 to vector<16xf32>
          %mul3A_319 = arith.mulf %get3A_281, %mul3A_318 : vector<16xf32>
          %swap3A_320 = arith.index_cast %add3A_261 : i32 to index
          %swap3A_321 = arith.constant 48 : index
          %swap3A_322 = tpu.vector_load %arg21[%swap3A_320, %swap3A_321] {strides = array<i32>} : memref<256x64xf32, #tpu.memory_space<vmem>>, vector<1x16xf32>,
          %swap3A_323 = vector.shape_cast %swap3A_322 : vector<1x16xf32> to vector<16xf32>
          %swap3A_324 = vector.shape_cast %mul3A_319 : vector<16xf32> to vector<1x16xf32>
          tpu.vector_store %arg21[%swap3A_320, %swap3A_321], %swap3A_324 {strides = array<i32>} : memref<256x64xf32, #tpu.memory_space<vmem>>, vector<1x16xf32>,
          %mul3A_325 = vector.broadcast %squeeze3A_265 : f32 to vector<16xf32>
          %mul3A_326 = arith.mulf %get3A_285, %mul3A_325 : vector<16xf32>
          %swap3A_327 = arith.index_cast %add3A_263 : i32 to index
          %swap3A_328 = arith.constant 0 : index
          %swap3A_329 = tpu.vector_load %arg21[%swap3A_327, %swap3A_328] {strides = array<i32>} : memref<256x64xf32, #tpu.memory_space<vmem>>, vector<1x16xf32>,
          %swap3A_330 = vector.shape_cast %swap3A_329 : vector<1x16xf32> to vector<16xf32>
          %swap3A_331 = vector.shape_cast %mul3A_326 : vector<16xf32> to vector<1x16xf32>
          tpu.vector_store %arg21[%swap3A_327, %swap3A_328], %swap3A_331 {strides = array<i32>} : memref<256x64xf32, #tpu.memory_space<vmem>>, vector<1x16xf32>,
          %mul3A_332 = vector.broadcast %squeeze3A_265 : f32 to vector<16xf32>
          %mul3A_333 = arith.mulf %get3A_289, %mul3A_332 : vector<16xf32>
          %swap3A_334 = arith.index_cast %add3A_263 : i32 to index
          %swap3A_335 = arith.constant 16 : index
          %swap3A_336 = tpu.vector_load %arg21[%swap3A_334, %swap3A_335] {strides = array<i32>} : memref<256x64xf32, #tpu.memory_space<vmem>>, vector<1x16xf32>,
          %swap3A_337 = vector.shape_cast %swap3A_336 : vector<1x16xf32> to vector<16xf32>
          %swap3A_338 = vector.shape_cast %mul3A_333 : vector<16xf32> to vector<1x16xf32>
          tpu.vector_store %arg21[%swap3A_334, %swap3A_335], %swap3A_338 {strides = array<i32>} : memref<256x64xf32, #tpu.memory_space<vmem>>, vector<1x16xf32>,
          %mul3A_339 = vector.broadcast %squeeze3A_265 : f32 to vector<16xf32>
          %mul3A_340 = arith.mulf %get3A_293, %mul3A_339 : vector<16xf32>
          %swap3A_341 = arith.index_cast %add3A_263 : i32 to index
          %swap3A_342 = arith.constant 32 : index
          %swap3A_343 = tpu.vector_load %arg21[%swap3A_341, %swap3A_342] {strides = array<i32>} : memref<256x64xf32, #tpu.memory_space<vmem>>, vector<1x16xf32>,
          %swap3A_344 = vector.shape_cast %swap3A_343 : vector<1x16xf32> to vector<16xf32>
          %swap3A_345 = vector.shape_cast %mul3A_340 : vector<16xf32> to vector<1x16xf32>
          tpu.vector_store %arg21[%swap3A_341, %swap3A_342], %swap3A_345 {strides = array<i32>} : memref<256x64xf32, #tpu.memory_space<vmem>>, vector<1x16xf32>,
          %mul3A_346 = vector.broadcast %squeeze3A_265 : f32 to vector<16xf32>
          %mul3A_347 = arith.mulf %get3A_297, %mul3A_346 : vector<16xf32>
          %swap3A_348 = arith.index_cast %add3A_263 : i32 to index
          %swap3A_349 = arith.constant 48 : index
          %swap3A_350 = tpu.vector_load %arg21[%swap3A_348, %swap3A_349] {strides = array<i32>} : memref<256x64xf32, #tpu.memory_space<vmem>>, vector<1x16xf32>,
          %swap3A_351 = vector.shape_cast %swap3A_350 : vector<1x16xf32> to vector<16xf32>
          %swap3A_352 = vector.shape_cast %mul3A_347 : vector<16xf32> to vector<1x16xf32>
          tpu.vector_store %arg21[%swap3A_348, %swap3A_349], %swap3A_352 {strides = array<i32>} : memref<256x64xf32, #tpu.memory_space<vmem>>, vector<1x16xf32>,
          %mul3A_353 = arith.constant 16 : i32
          %mul3A_354 = arith.muli %scan3A_218, %mul3A_353 : i32
          %add3A_355 = arith.constant 2 : i32
          %add3A_356 = arith.addi %mul3A_354, %add3A_355 : i32
          %add3A_357 = arith.constant 1 : i32
          %add3A_358 = arith.addi %add3A_356, %add3A_357 : i32
          %slice3A_359 = vector.extract_strided_slice %get3A_257 {offsets = [2], sizes = [1], strides = [1]} : vector<16xf32> to vector<1xf32>
          %squeeze3A_360 = vector.extract %slice3A_359[0] : f32 from vector<1xf32>
          %slice3A_361 = vector.extract_strided_slice %get3A_257 {offsets = [3], sizes = [1], strides = [1]} : vector<16xf32> to vector<1xf32>
          %squeeze3A_362 = vector.extract %slice3A_361[0] : f32 from vector<1xf32>
          %get3A_363 = arith.index_cast %add3A_356 : i32 to index
          %get3A_364 = arith.constant 0 : index
          %get3A_365 = tpu.vector_load %arg11[%get3A_363, %get3A_364] {strides = array<i32>} : memref<256x64xf32, #tpu.memory_space<vmem>>, vector<1x16xf32>,
          %get3A_366 = vector.shape_cast %get3A_365 : vector<1x16xf32> to vector<16xf32>
          %get3A_367 = arith.index_cast %add3A_356 : i32 to index
          %get3A_368 = arith.constant 16 : index
          %get3A_369 = tpu.vector_load %arg11[%get3A_367, %get3A_368] {strides = array<i32>} : memref<256x64xf32, #tpu.memory_space<vmem>>, vector<1x16xf32>,
          %get3A_370 = vector.shape_cast %get3A_369 : vector<1x16xf32> to vector<16xf32>
          %get3A_371 = arith.index_cast %add3A_356 : i32 to index
          %get3A_372 = arith.constant 32 : index
          %get3A_373 = tpu.vector_load %arg11[%get3A_371, %get3A_372] {strides = array<i32>} : memref<256x64xf32, #tpu.memory_space<vmem>>, vector<1x16xf32>,
          %get3A_374 = vector.shape_cast %get3A_373 : vector<1x16xf32> to vector<16xf32>
          %get3A_375 = arith.index_cast %add3A_356 : i32 to index
          %get3A_376 = arith.constant 48 : index
          %get3A_377 = tpu.vector_load %arg11[%get3A_375, %get3A_376] {strides = array<i32>} : memref<256x64xf32, #tpu.memory_space<vmem>>, vector<1x16xf32>,
          %get3A_378 = vector.shape_cast %get3A_377 : vector<1x16xf32> to vector<16xf32>
          %get3A_379 = arith.index_cast %add3A_358 : i32 to index
          %get3A_380 = arith.constant 0 : index
          %get3A_381 = tpu.vector_load %arg11[%get3A_379, %get3A_380] {strides = array<i32>} : memref<256x64xf32, #tpu.memory_space<vmem>>, vector<1x16xf32>,
          %get3A_382 = vector.shape_cast %get3A_381 : vector<1x16xf32> to vector<16xf32>
          %get3A_383 = arith.index_cast %add3A_358 : i32 to index
          %get3A_384 = arith.constant 16 : index
          %get3A_385 = tpu.vector_load %arg11[%get3A_383, %get3A_384] {strides = array<i32>} : memref<256x64xf32, #tpu.memory_space<vmem>>, vector<1x16xf32>,
          %get3A_386 = vector.shape_cast %get3A_385 : vector<1x16xf32> to vector<16xf32>
          %get3A_387 = arith.index_cast %add3A_358 : i32 to index
          %get3A_388 = arith.constant 32 : index
          %get3A_389 = tpu.vector_load %arg11[%get3A_387, %get3A_388] {strides = array<i32>} : memref<256x64xf32, #tpu.memory_space<vmem>>, vector<1x16xf32>,
          %get3A_390 = vector.shape_cast %get3A_389 : vector<1x16xf32> to vector<16xf32>
          %get3A_391 = arith.index_cast %add3A_358 : i32 to index
          %get3A_392 = arith.constant 48 : index
          %get3A_393 = tpu.vector_load %arg11[%get3A_391, %get3A_392] {strides = array<i32>} : memref<256x64xf32, #tpu.memory_space<vmem>>, vector<1x16xf32>,
          %get3A_394 = vector.shape_cast %get3A_393 : vector<1x16xf32> to vector<16xf32>
          %mul3A_395 = vector.broadcast %squeeze3A_360 : f32 to vector<16xf32>
          %mul3A_396 = arith.mulf %get3A_366, %mul3A_395 : vector<16xf32>
          %swap3A_397 = arith.index_cast %add3A_356 : i32 to index
          %swap3A_398 = arith.constant 0 : index
          %swap3A_399 = tpu.vector_load %arg21[%swap3A_397, %swap3A_398] {strides = array<i32>} : memref<256x64xf32, #tpu.memory_space<vmem>>, vector<1x16xf32>,
          %swap3A_400 = vector.shape_cast %swap3A_399 : vector<1x16xf32> to vector<16xf32>
          %swap3A_401 = vector.shape_cast %mul3A_396 : vector<16xf32> to vector<1x16xf32>
          tpu.vector_store %arg21[%swap3A_397, %swap3A_398], %swap3A_401 {strides = array<i32>} : memref<256x64xf32, #tpu.memory_space<vmem>>, vector<1x16xf32>,
          %mul3A_402 = vector.broadcast %squeeze3A_360 : f32 to vector<16xf32>
          %mul3A_403 = arith.mulf %get3A_370, %mul3A_402 : vector<16xf32>
          %swap3A_404 = arith.index_cast %add3A_356 : i32 to index
          %swap3A_405 = arith.constant 16 : index
          %swap3A_406 = tpu.vector_load %arg21[%swap3A_404, %swap3A_405] {strides = array<i32>} : memref<256x64xf32, #tpu.memory_space<vmem>>, vector<1x16xf32>,
          %swap3A_407 = vector.shape_cast %swap3A_406 : vector<1x16xf32> to vector<16xf32>
          %swap3A_408 = vector.shape_cast %mul3A_403 : vector<16xf32> to vector<1x16xf32>
          tpu.vector_store %arg21[%swap3A_404, %swap3A_405], %swap3A_408 {strides = array<i32>} : memref<256x64xf32, #tpu.memory_space<vmem>>, vector<1x16xf32>,
          %mul3A_409 = vector.broadcast %squeeze3A_360 : f32 to vector<16xf32>
          %mul3A_410 = arith.mulf %get3A_374, %mul3A_409 : vector<16xf32>
          %swap3A_411 = arith.index_cast %add3A_356 : i32 to index
          %swap3A_412 = arith.constant 32 : index
          %swap3A_413 = tpu.vector_load %arg21[%swap3A_411, %swap3A_412] {strides = array<i32>} : memref<256x64xf32, #tpu.memory_space<vmem>>, vector<1x16xf32>,
          %swap3A_414 = vector.shape_cast %swap3A_413 : vector<1x16xf32> to vector<16xf32>
          %swap3A_415 = vector.shape_cast %mul3A_410 : vector<16xf32> to vector<1x16xf32>
          tpu.vector_store %arg21[%swap3A_411, %swap3A_412], %swap3A_415 {strides = array<i32>} : memref<256x64xf32, #tpu.memory_space<vmem>>, vector<1x16xf32>,
          %mul3A_416 = vector.broadcast %squeeze3A_360 : f32 to vector<16xf32>
          %mul3A_417 = arith.mulf %get3A_378, %mul3A_416 : vector<16xf32>
          %swap3A_418 = arith.index_cast %add3A_356 : i32 to index
          %swap3A_419 = arith.constant 48 : index
          %swap3A_420 = tpu.vector_load %arg21[%swap3A_418, %swap3A_419] {strides = array<i32>} : memref<256x64xf32, #tpu.memory_space<vmem>>, vector<1x16xf32>,
          %swap3A_421 = vector.shape_cast %swap3A_420 : vector<1x16xf32> to vector<16xf32>
          %swap3A_422 = vector.shape_cast %mul3A_417 : vector<16xf32> to vector<1x16xf32>
          tpu.vector_store %arg21[%swap3A_418, %swap3A_419], %swap3A_422 {strides = array<i32>} : memref<256x64xf32, #tpu.memory_space<vmem>>, vector<1x16xf32>,
          %mul3A_423 = vector.broadcast %squeeze3A_362 : f32 to vector<16xf32>
          %mul3A_424 = arith.mulf %get3A_382, %mul3A_423 : vector<16xf32>
          %swap3A_425 = arith.index_cast %add3A_358 : i32 to index
          %swap3A_426 = arith.constant 0 : index
          %swap3A_427 = tpu.vector_load %arg21[%swap3A_425, %swap3A_426] {strides = array<i32>} : memref<256x64xf32, #tpu.memory_space<vmem>>, vector<1x16xf32>,
          %swap3A_428 = vector.shape_cast %swap3A_427 : vector<1x16xf32> to vector<16xf32>
          %swap3A_429 = vector.shape_cast %mul3A_424 : vector<16xf32> to vector<1x16xf32>
          tpu.vector_store %arg21[%swap3A_425, %swap3A_426], %swap3A_429 {strides = array<i32>} : memref<256x64xf32, #tpu.memory_space<vmem>>, vector<1x16xf32>,
          %mul3A_430 = vector.broadcast %squeeze3A_362 : f32 to vector<16xf32>
          %mul3A_431 = arith.mulf %get3A_386, %mul3A_430 : vector<16xf32>
          %swap3A_432 = arith.index_cast %add3A_358 : i32 to index
          %swap3A_433 = arith.constant 16 : index
          %swap3A_434 = tpu.vector_load %arg21[%swap3A_432, %swap3A_433] {strides = array<i32>} : memref<256x64xf32, #tpu.memory_space<vmem>>, vector<1x16xf32>,
          %swap3A_435 = vector.shape_cast %swap3A_434 : vector<1x16xf32> to vector<16xf32>
          %swap3A_436 = vector.shape_cast %mul3A_431 : vector<16xf32> to vector<1x16xf32>
          tpu.vector_store %arg21[%swap3A_432, %swap3A_433], %swap3A_436 {strides = array<i32>} : memref<256x64xf32, #tpu.memory_space<vmem>>, vector<1x16xf32>,
          %mul3A_437 = vector.broadcast %squeeze3A_362 : f32 to vector<16xf32>
          %mul3A_438 = arith.mulf %get3A_390, %mul3A_437 : vector<16xf32>
          %swap3A_439 = arith.index_cast %add3A_358 : i32 to index
          %swap3A_440 = arith.constant 32 : index
          %swap3A_441 = tpu.vector_load %arg21[%swap3A_439, %swap3A_440] {strides = array<i32>} : memref<256x64xf32, #tpu.memory_space<vmem>>, vector<1x16xf32>,
          %swap3A_442 = vector.shape_cast %swap3A_441 : vector<1x16xf32> to vector<16xf32>
          %swap3A_443 = vector.shape_cast %mul3A_438 : vector<16xf32> to vector<1x16xf32>
          tpu.vector_store %arg21[%swap3A_439, %swap3A_440], %swap3A_443 {strides = array<i32>} : memref<256x64xf32, #tpu.memory_space<vmem>>, vector<1x16xf32>,
          %mul3A_444 = vector.broadcast %squeeze3A_362 : f32 to vector<16xf32>
          %mul3A_445 = arith.mulf %get3A_394, %mul3A_444 : vector<16xf32>
          %swap3A_446 = arith.index_cast %add3A_358 : i32 to index
          %swap3A_447 = arith.constant 48 : index
          %swap3A_448 = tpu.vector_load %arg21[%swap3A_446, %swap3A_447] {strides = array<i32>} : memref<256x64xf32, #tpu.memory_space<vmem>>, vector<1x16xf32>,
          %swap3A_449 = vector.shape_cast %swap3A_448 : vector<1x16xf32> to vector<16xf32>
          %swap3A_450 = vector.shape_cast %mul3A_445 : vector<16xf32> to vector<1x16xf32>
          tpu.vector_store %arg21[%swap3A_446, %swap3A_447], %swap3A_450 {strides = array<i32>} : memref<256x64xf32, #tpu.memory_space<vmem>>, vector<1x16xf32>,
          %mul3A_451 = arith.constant 16 : i32
          %mul3A_452 = arith.muli %scan3A_218, %mul3A_451 : i32
          %add3A_453 = arith.constant 4 : i32
          %add3A_454 = arith.addi %mul3A_452, %add3A_453 : i32
          %add3A_455 = arith.constant 1 : i32
          %add3A_456 = arith.addi %add3A_454, %add3A_455 : i32
          %slice3A_457 = vector.extract_strided_slice %get3A_257 {offsets = [4], sizes = [1], strides = [1]} : vector<16xf32> to vector<1xf32>
          %squeeze3A_458 = vector.extract %slice3A_457[0] : f32 from vector<1xf32>
          %slice3A_459 = vector.extract_strided_slice %get3A_257 {offsets = [5], sizes = [1], strides = [1]} : vector<16xf32> to vector<1xf32>
          %squeeze3A_460 = vector.extract %slice3A_459[0] : f32 from vector<1xf32>
          %get3A_461 = arith.index_cast %add3A_454 : i32 to index
          %get3A_462 = arith.constant 0 : index
          %get3A_463 = tpu.vector_load %arg11[%get3A_461, %get3A_462] {strides = array<i32>} : memref<256x64xf32, #tpu.memory_space<vmem>>, vector<1x16xf32>,
          %get3A_464 = vector.shape_cast %get3A_463 : vector<1x16xf32> to vector<16xf32>
          %get3A_465 = arith.index_cast %add3A_454 : i32 to index
          %get3A_466 = arith.constant 16 : index
          %get3A_467 = tpu.vector_load %arg11[%get3A_465, %get3A_466] {strides = array<i32>} : memref<256x64xf32, #tpu.memory_space<vmem>>, vector<1x16xf32>,
          %get3A_468 = vector.shape_cast %get3A_467 : vector<1x16xf32> to vector<16xf32>
          %get3A_469 = arith.index_cast %add3A_454 : i32 to index
          %get3A_470 = arith.constant 32 : index
          %get3A_471 = tpu.vector_load %arg11[%get3A_469, %get3A_470] {strides = array<i32>} : memref<256x64xf32, #tpu.memory_space<vmem>>, vector<1x16xf32>,
          %get3A_472 = vector.shape_cast %get3A_471 : vector<1x16xf32> to vector<16xf32>
          %get3A_473 = arith.index_cast %add3A_454 : i32 to index
          %get3A_474 = arith.constant 48 : index
          %get3A_475 = tpu.vector_load %arg11[%get3A_473, %get3A_474] {strides = array<i32>} : memref<256x64xf32, #tpu.memory_space<vmem>>, vector<1x16xf32>,
          %get3A_476 = vector.shape_cast %get3A_475 : vector<1x16xf32> to vector<16xf32>
          %get3A_477 = arith.index_cast %add3A_456 : i32 to index
          %get3A_478 = arith.constant 0 : index
          %get3A_479 = tpu.vector_load %arg11[%get3A_477, %get3A_478] {strides = array<i32>} : memref<256x64xf32, #tpu.memory_space<vmem>>, vector<1x16xf32>,
          %get3A_480 = vector.shape_cast %get3A_479 : vector<1x16xf32> to vector<16xf32>
          %get3A_481 = arith.index_cast %add3A_456 : i32 to index
          %get3A_482 = arith.constant 16 : index
          %get3A_483 = tpu.vector_load %arg11[%get3A_481, %get3A_482] {strides = array<i32>} : memref<256x64xf32, #tpu.memory_space<vmem>>, vector<1x16xf32>,
          %get3A_484 = vector.shape_cast %get3A_483 : vector<1x16xf32> to vector<16xf32>
          %get3A_485 = arith.index_cast %add3A_456 : i32 to index
          %get3A_486 = arith.constant 32 : index
          %get3A_487 = tpu.vector_load %arg11[%get3A_485, %get3A_486] {strides = array<i32>} : memref<256x64xf32, #tpu.memory_space<vmem>>, vector<1x16xf32>,
          %get3A_488 = vector.shape_cast %get3A_487 : vector<1x16xf32> to vector<16xf32>
          %get3A_489 = arith.index_cast %add3A_456 : i32 to index
          %get3A_490 = arith.constant 48 : index
          %get3A_491 = tpu.vector_load %arg11[%get3A_489, %get3A_490] {strides = array<i32>} : memref<256x64xf32, #tpu.memory_space<vmem>>, vector<1x16xf32>,
          %get3A_492 = vector.shape_cast %get3A_491 : vector<1x16xf32> to vector<16xf32>
          %mul3A_493 = vector.broadcast %squeeze3A_458 : f32 to vector<16xf32>
          %mul3A_494 = arith.mulf %get3A_464, %mul3A_493 : vector<16xf32>
          %swap3A_495 = arith.index_cast %add3A_454 : i32 to index
          %swap3A_496 = arith.constant 0 : index
          %swap3A_497 = tpu.vector_load %arg21[%swap3A_495, %swap3A_496] {strides = array<i32>} : memref<256x64xf32, #tpu.memory_space<vmem>>, vector<1x16xf32>,
          %swap3A_498 = vector.shape_cast %swap3A_497 : vector<1x16xf32> to vector<16xf32>
          %swap3A_499 = vector.shape_cast %mul3A_494 : vector<16xf32> to vector<1x16xf32>
          tpu.vector_store %arg21[%swap3A_495, %swap3A_496], %swap3A_499 {strides = array<i32>} : memref<256x64xf32, #tpu.memory_space<vmem>>, vector<1x16xf32>,
          %mul3A_500 = vector.broadcast %squeeze3A_458 : f32 to vector<16xf32>
          %mul3A_501 = arith.mulf %get3A_468, %mul3A_500 : vector<16xf32>
          %swap3A_502 = arith.index_cast %add3A_454 : i32 to index
          %swap3A_503 = arith.constant 16 : index
          %swap3A_504 = tpu.vector_load %arg21[%swap3A_502, %swap3A_503] {strides = array<i32>} : memref<256x64xf32, #tpu.memory_space<vmem>>, vector<1x16xf32>,
          %swap3A_505 = vector.shape_cast %swap3A_504 : vector<1x16xf32> to vector<16xf32>
          %swap3A_506 = vector.shape_cast %mul3A_501 : vector<16xf32> to vector<1x16xf32>
          tpu.vector_store %arg21[%swap3A_502, %swap3A_503], %swap3A_506 {strides = array<i32>} : memref<256x64xf32, #tpu.memory_space<vmem>>, vector<1x16xf32>,
          %mul3A_507 = vector.broadcast %squeeze3A_458 : f32 to vector<16xf32>
          %mul3A_508 = arith.mulf %get3A_472, %mul3A_507 : vector<16xf32>
          %swap3A_509 = arith.index_cast %add3A_454 : i32 to index
          %swap3A_510 = arith.constant 32 : index
          %swap3A_511 = tpu.vector_load %arg21[%swap3A_509, %swap3A_510] {strides = array<i32>} : memref<256x64xf32, #tpu.memory_space<vmem>>, vector<1x16xf32>,
          %swap3A_512 = vector.shape_cast %swap3A_511 : vector<1x16xf32> to vector<16xf32>
          %swap3A_513 = vector.shape_cast %mul3A_508 : vector<16xf32> to vector<1x16xf32>
          tpu.vector_store %arg21[%swap3A_509, %swap3A_510], %swap3A_513 {strides = array<i32>} : memref<256x64xf32, #tpu.memory_space<vmem>>, vector<1x16xf32>,
          %mul3A_514 = vector.broadcast %squeeze3A_458 : f32 to vector<16xf32>
          %mul3A_515 = arith.mulf %get3A_476, %mul3A_514 : vector<16xf32>
          %swap3A_516 = arith.index_cast %add3A_454 : i32 to index
          %swap3A_517 = arith.constant 48 : index
          %swap3A_518 = tpu.vector_load %arg21[%swap3A_516, %swap3A_517] {strides = array<i32>} : memref<256x64xf32, #tpu.memory_space<vmem>>, vector<1x16xf32>,
          %swap3A_519 = vector.shape_cast %swap3A_518 : vector<1x16xf32> to vector<16xf32>
          %swap3A_520 = vector.shape_cast %mul3A_515 : vector<16xf32> to vector<1x16xf32>
          tpu.vector_store %arg21[%swap3A_516, %swap3A_517], %swap3A_520 {strides = array<i32>} : memref<256x64xf32, #tpu.memory_space<vmem>>, vector<1x16xf32>,
          %mul3A_521 = vector.broadcast %squeeze3A_460 : f32 to vector<16xf32>
          %mul3A_522 = arith.mulf %get3A_480, %mul3A_521 : vector<16xf32>
          %swap3A_523 = arith.index_cast %add3A_456 : i32 to index
          %swap3A_524 = arith.constant 0 : index
          %swap3A_525 = tpu.vector_load %arg21[%swap3A_523, %swap3A_524] {strides = array<i32>} : memref<256x64xf32, #tpu.memory_space<vmem>>, vector<1x16xf32>,
          %swap3A_526 = vector.shape_cast %swap3A_525 : vector<1x16xf32> to vector<16xf32>
          %swap3A_527 = vector.shape_cast %mul3A_522 : vector<16xf32> to vector<1x16xf32>
          tpu.vector_store %arg21[%swap3A_523, %swap3A_524], %swap3A_527 {strides = array<i32>} : memref<256x64xf32, #tpu.memory_space<vmem>>, vector<1x16xf32>,
          %mul3A_528 = vector.broadcast %squeeze3A_460 : f32 to vector<16xf32>
          %mul3A_529 = arith.mulf %get3A_484, %mul3A_528 : vector<16xf32>
          %swap3A_530 = arith.index_cast %add3A_456 : i32 to index
          %swap3A_531 = arith.constant 16 : index
          %swap3A_532 = tpu.vector_load %arg21[%swap3A_530, %swap3A_531] {strides = array<i32>} : memref<256x64xf32, #tpu.memory_space<vmem>>, vector<1x16xf32>,
          %swap3A_533 = vector.shape_cast %swap3A_532 : vector<1x16xf32> to vector<16xf32>
          %swap3A_534 = vector.shape_cast %mul3A_529 : vector<16xf32> to vector<1x16xf32>
          tpu.vector_store %arg21[%swap3A_530, %swap3A_531], %swap3A_534 {strides = array<i32>} : memref<256x64xf32, #tpu.memory_space<vmem>>, vector<1x16xf32>,
          %mul3A_535 = vector.broadcast %squeeze3A_460 : f32 to vector<16xf32>
          %mul3A_536 = arith.mulf %get3A_488, %mul3A_535 : vector<16xf32>
          %swap3A_537 = arith.index_cast %add3A_456 : i32 to index
          %swap3A_538 = arith.constant 32 : index
          %swap3A_539 = tpu.vector_load %arg21[%swap3A_537, %swap3A_538] {strides = array<i32>} : memref<256x64xf32, #tpu.memory_space<vmem>>, vector<1x16xf32>,
          %swap3A_540 = vector.shape_cast %swap3A_539 : vector<1x16xf32> to vector<16xf32>
          %swap3A_541 = vector.shape_cast %mul3A_536 : vector<16xf32> to vector<1x16xf32>
          tpu.vector_store %arg21[%swap3A_537, %swap3A_538], %swap3A_541 {strides = array<i32>} : memref<256x64xf32, #tpu.memory_space<vmem>>, vector<1x16xf32>,
          %mul3A_542 = vector.broadcast %squeeze3A_460 : f32 to vector<16xf32>
          %mul3A_543 = arith.mulf %get3A_492, %mul3A_542 : vector<16xf32>
          %swap3A_544 = arith.index_cast %add3A_456 : i32 to index
          %swap3A_545 = arith.constant 48 : index
          %swap3A_546 = tpu.vector_load %arg21[%swap3A_544, %swap3A_545] {strides = array<i32>} : memref<256x64xf32, #tpu.memory_space<vmem>>, vector<1x16xf32>,
          %swap3A_547 = vector.shape_cast %swap3A_546 : vector<1x16xf32> to vector<16xf32>
          %swap3A_548 = vector.shape_cast %mul3A_543 : vector<16xf32> to vector<1x16xf32>
          tpu.vector_store %arg21[%swap3A_544, %swap3A_545], %swap3A_548 {strides = array<i32>} : memref<256x64xf32, #tpu.memory_space<vmem>>, vector<1x16xf32>,
          %mul3A_549 = arith.constant 16 : i32
          %mul3A_550 = arith.muli %scan3A_218, %mul3A_549 : i32
          %add3A_551 = arith.constant 6 : i32
          %add3A_552 = arith.addi %mul3A_550, %add3A_551 : i32
          %add3A_553 = arith.constant 1 : i32
          %add3A_554 = arith.addi %add3A_552, %add3A_553 : i32
          %slice3A_555 = vector.extract_strided_slice %get3A_257 {offsets = [6], sizes = [1], strides = [1]} : vector<16xf32> to vector<1xf32>
          %squeeze3A_556 = vector.extract %slice3A_555[0] : f32 from vector<1xf32>
          %slice3A_557 = vector.extract_strided_slice %get3A_257 {offsets = [7], sizes = [1], strides = [1]} : vector<16xf32> to vector<1xf32>
          %squeeze3A_558 = vector.extract %slice3A_557[0] : f32 from vector<1xf32>
          %get3A_559 = arith.index_cast %add3A_552 : i32 to index
          %get3A_560 = arith.constant 0 : index
          %get3A_561 = tpu.vector_load %arg11[%get3A_559, %get3A_560] {strides = array<i32>} : memref<256x64xf32, #tpu.memory_space<vmem>>, vector<1x16xf32>,
          %get3A_562 = vector.shape_cast %get3A_561 : vector<1x16xf32> to vector<16xf32>
          %get3A_563 = arith.index_cast %add3A_552 : i32 to index
          %get3A_564 = arith.constant 16 : index
          %get3A_565 = tpu.vector_load %arg11[%get3A_563, %get3A_564] {strides = array<i32>} : memref<256x64xf32, #tpu.memory_space<vmem>>, vector<1x16xf32>,
          %get3A_566 = vector.shape_cast %get3A_565 : vector<1x16xf32> to vector<16xf32>
          %get3A_567 = arith.index_cast %add3A_552 : i32 to index
          %get3A_568 = arith.constant 32 : index
          %get3A_569 = tpu.vector_load %arg11[%get3A_567, %get3A_568] {strides = array<i32>} : memref<256x64xf32, #tpu.memory_space<vmem>>, vector<1x16xf32>,
          %get3A_570 = vector.shape_cast %get3A_569 : vector<1x16xf32> to vector<16xf32>
          %get3A_571 = arith.index_cast %add3A_552 : i32 to index
          %get3A_572 = arith.constant 48 : index
          %get3A_573 = tpu.vector_load %arg11[%get3A_571, %get3A_572] {strides = array<i32>} : memref<256x64xf32, #tpu.memory_space<vmem>>, vector<1x16xf32>,
          %get3A_574 = vector.shape_cast %get3A_573 : vector<1x16xf32> to vector<16xf32>
          %get3A_575 = arith.index_cast %add3A_554 : i32 to index
          %get3A_576 = arith.constant 0 : index
          %get3A_577 = tpu.vector_load %arg11[%get3A_575, %get3A_576] {strides = array<i32>} : memref<256x64xf32, #tpu.memory_space<vmem>>, vector<1x16xf32>,
          %get3A_578 = vector.shape_cast %get3A_577 : vector<1x16xf32> to vector<16xf32>
          %get3A_579 = arith.index_cast %add3A_554 : i32 to index
          %get3A_580 = arith.constant 16 : index
          %get3A_581 = tpu.vector_load %arg11[%get3A_579, %get3A_580] {strides = array<i32>} : memref<256x64xf32, #tpu.memory_space<vmem>>, vector<1x16xf32>,
          %get3A_582 = vector.shape_cast %get3A_581 : vector<1x16xf32> to vector<16xf32>
          %get3A_583 = arith.index_cast %add3A_554 : i32 to index
          %get3A_584 = arith.constant 32 : index
          %get3A_585 = tpu.vector_load %arg11[%get3A_583, %get3A_584] {strides = array<i32>} : memref<256x64xf32, #tpu.memory_space<vmem>>, vector<1x16xf32>,
          %get3A_586 = vector.shape_cast %get3A_585 : vector<1x16xf32> to vector<16xf32>
          %get3A_587 = arith.index_cast %add3A_554 : i32 to index
          %get3A_588 = arith.constant 48 : index
          %get3A_589 = tpu.vector_load %arg11[%get3A_587, %get3A_588] {strides = array<i32>} : memref<256x64xf32, #tpu.memory_space<vmem>>, vector<1x16xf32>,
          %get3A_590 = vector.shape_cast %get3A_589 : vector<1x16xf32> to vector<16xf32>
          %mul3A_591 = vector.broadcast %squeeze3A_556 : f32 to vector<16xf32>
          %mul3A_592 = arith.mulf %get3A_562, %mul3A_591 : vector<16xf32>
          %swap3A_593 = arith.index_cast %add3A_552 : i32 to index
          %swap3A_594 = arith.constant 0 : index
          %swap3A_595 = tpu.vector_load %arg21[%swap3A_593, %swap3A_594] {strides = array<i32>} : memref<256x64xf32, #tpu.memory_space<vmem>>, vector<1x16xf32>,
          %swap3A_596 = vector.shape_cast %swap3A_595 : vector<1x16xf32> to vector<16xf32>
          %swap3A_597 = vector.shape_cast %mul3A_592 : vector<16xf32> to vector<1x16xf32>
          tpu.vector_store %arg21[%swap3A_593, %swap3A_594], %swap3A_597 {strides = array<i32>} : memref<256x64xf32, #tpu.memory_space<vmem>>, vector<1x16xf32>,
          %mul3A_598 = vector.broadcast %squeeze3A_556 : f32 to vector<16xf32>
          %mul3A_599 = arith.mulf %get3A_566, %mul3A_598 : vector<16xf32>
          %swap3A_600 = arith.index_cast %add3A_552 : i32 to index
          %swap3A_601 = arith.constant 16 : index
          %swap3A_602 = tpu.vector_load %arg21[%swap3A_600, %swap3A_601] {strides = array<i32>} : memref<256x64xf32, #tpu.memory_space<vmem>>, vector<1x16xf32>,
          %swap3A_603 = vector.shape_cast %swap3A_602 : vector<1x16xf32> to vector<16xf32>
          %swap3A_604 = vector.shape_cast %mul3A_599 : vector<16xf32> to vector<1x16xf32>
          tpu.vector_store %arg21[%swap3A_600, %swap3A_601], %swap3A_604 {strides = array<i32>} : memref<256x64xf32, #tpu.memory_space<vmem>>, vector<1x16xf32>,
          %mul3A_605 = vector.broadcast %squeeze3A_556 : f32 to vector<16xf32>
          %mul3A_606 = arith.mulf %get3A_570, %mul3A_605 : vector<16xf32>
          %swap3A_607 = arith.index_cast %add3A_552 : i32 to index
          %swap3A_608 = arith.constant 32 : index
          %swap3A_609 = tpu.vector_load %arg21[%swap3A_607, %swap3A_608] {strides = array<i32>} : memref<256x64xf32, #tpu.memory_space<vmem>>, vector<1x16xf32>,
          %swap3A_610 = vector.shape_cast %swap3A_609 : vector<1x16xf32> to vector<16xf32>
          %swap3A_611 = vector.shape_cast %mul3A_606 : vector<16xf32> to vector<1x16xf32>
          tpu.vector_store %arg21[%swap3A_607, %swap3A_608], %swap3A_611 {strides = array<i32>} : memref<256x64xf32, #tpu.memory_space<vmem>>, vector<1x16xf32>,
          %mul3A_612 = vector.broadcast %squeeze3A_556 : f32 to vector<16xf32>
          %mul3A_613 = arith.mulf %get3A_574, %mul3A_612 : vector<16xf32>
          %swap3A_614 = arith.index_cast %add3A_552 : i32 to index
          %swap3A_615 = arith.constant 48 : index
          %swap3A_616 = tpu.vector_load %arg21[%swap3A_614, %swap3A_615] {strides = array<i32>} : memref<256x64xf32, #tpu.memory_space<vmem>>, vector<1x16xf32>,
          %swap3A_617 = vector.shape_cast %swap3A_616 : vector<1x16xf32> to vector<16xf32>
          %swap3A_618 = vector.shape_cast %mul3A_613 : vector<16xf32> to vector<1x16xf32>
          tpu.vector_store %arg21[%swap3A_614, %swap3A_615], %swap3A_618 {strides = array<i32>} : memref<256x64xf32, #tpu.memory_space<vmem>>, vector<1x16xf32>,
          %mul3A_619 = vector.broadcast %squeeze3A_558 : f32 to vector<16xf32>
          %mul3A_620 = arith.mulf %get3A_578, %mul3A_619 : vector<16xf32>
          %swap3A_621 = arith.index_cast %add3A_554 : i32 to index
          %swap3A_622 = arith.constant 0 : index
          %swap3A_623 = tpu.vector_load %arg21[%swap3A_621, %swap3A_622] {strides = array<i32>} : memref<256x64xf32, #tpu.memory_space<vmem>>, vector<1x16xf32>,
          %swap3A_624 = vector.shape_cast %swap3A_623 : vector<1x16xf32> to vector<16xf32>
          %swap3A_625 = vector.shape_cast %mul3A_620 : vector<16xf32> to vector<1x16xf32>
          tpu.vector_store %arg21[%swap3A_621, %swap3A_622], %swap3A_625 {strides = array<i32>} : memref<256x64xf32, #tpu.memory_space<vmem>>, vector<1x16xf32>,
          %mul3A_626 = vector.broadcast %squeeze3A_558 : f32 to vector<16xf32>
          %mul3A_627 = arith.mulf %get3A_582, %mul3A_626 : vector<16xf32>
          %swap3A_628 = arith.index_cast %add3A_554 : i32 to index
          %swap3A_629 = arith.constant 16 : index
          %swap3A_630 = tpu.vector_load %arg21[%swap3A_628, %swap3A_629] {strides = array<i32>} : memref<256x64xf32, #tpu.memory_space<vmem>>, vector<1x16xf32>,
          %swap3A_631 = vector.shape_cast %swap3A_630 : vector<1x16xf32> to vector<16xf32>
          %swap3A_632 = vector.shape_cast %mul3A_627 : vector<16xf32> to vector<1x16xf32>
          tpu.vector_store %arg21[%swap3A_628, %swap3A_629], %swap3A_632 {strides = array<i32>} : memref<256x64xf32, #tpu.memory_space<vmem>>, vector<1x16xf32>,
          %mul3A_633 = vector.broadcast %squeeze3A_558 : f32 to vector<16xf32>
          %mul3A_634 = arith.mulf %get3A_586, %mul3A_633 : vector<16xf32>
          %swap3A_635 = arith.index_cast %add3A_554 : i32 to index
          %swap3A_636 = arith.constant 32 : index
          %swap3A_637 = tpu.vector_load %arg21[%swap3A_635, %swap3A_636] {strides = array<i32>} : memref<256x64xf32, #tpu.memory_space<vmem>>, vector<1x16xf32>,
          %swap3A_638 = vector.shape_cast %swap3A_637 : vector<1x16xf32> to vector<16xf32>
          %swap3A_639 = vector.shape_cast %mul3A_634 : vector<16xf32> to vector<1x16xf32>
          tpu.vector_store %arg21[%swap3A_635, %swap3A_636], %swap3A_639 {strides = array<i32>} : memref<256x64xf32, #tpu.memory_space<vmem>>, vector<1x16xf32>,
          %mul3A_640 = vector.broadcast %squeeze3A_558 : f32 to vector<16xf32>
          %mul3A_641 = arith.mulf %get3A_590, %mul3A_640 : vector<16xf32>
          %swap3A_642 = arith.index_cast %add3A_554 : i32 to index
          %swap3A_643 = arith.constant 48 : index
          %swap3A_644 = tpu.vector_load %arg21[%swap3A_642, %swap3A_643] {strides = array<i32>} : memref<256x64xf32, #tpu.memory_space<vmem>>, vector<1x16xf32>,
          %swap3A_645 = vector.shape_cast %swap3A_644 : vector<1x16xf32> to vector<16xf32>
          %swap3A_646 = vector.shape_cast %mul3A_641 : vector<16xf32> to vector<1x16xf32>
          tpu.vector_store %arg21[%swap3A_642, %swap3A_643], %swap3A_646 {strides = array<i32>} : memref<256x64xf32, #tpu.memory_space<vmem>>, vector<1x16xf32>,
          %mul3A_647 = arith.constant 16 : i32
          %mul3A_648 = arith.muli %scan3A_218, %mul3A_647 : i32
          %add3A_649 = arith.constant 8 : i32
          %add3A_650 = arith.addi %mul3A_648, %add3A_649 : i32
          %add3A_651 = arith.constant 1 : i32
          %add3A_652 = arith.addi %add3A_650, %add3A_651 : i32
          %slice3A_653 = vector.extract_strided_slice %get3A_257 {offsets = [8], sizes = [1], strides = [1]} : vector<16xf32> to vector<1xf32>
          %squeeze3A_654 = vector.extract %slice3A_653[0] : f32 from vector<1xf32>
          %slice3A_655 = vector.extract_strided_slice %get3A_257 {offsets = [9], sizes = [1], strides = [1]} : vector<16xf32> to vector<1xf32>
          %squeeze3A_656 = vector.extract %slice3A_655[0] : f32 from vector<1xf32>
          %get3A_657 = arith.index_cast %add3A_650 : i32 to index
          %get3A_658 = arith.constant 0 : index
          %get3A_659 = tpu.vector_load %arg11[%get3A_657, %get3A_658] {strides = array<i32>} : memref<256x64xf32, #tpu.memory_space<vmem>>, vector<1x16xf32>,
          %get3A_660 = vector.shape_cast %get3A_659 : vector<1x16xf32> to vector<16xf32>
          %get3A_661 = arith.index_cast %add3A_650 : i32 to index
          %get3A_662 = arith.constant 16 : index
          %get3A_663 = tpu.vector_load %arg11[%get3A_661, %get3A_662] {strides = array<i32>} : memref<256x64xf32, #tpu.memory_space<vmem>>, vector<1x16xf32>,
          %get3A_664 = vector.shape_cast %get3A_663 : vector<1x16xf32> to vector<16xf32>
          %get3A_665 = arith.index_cast %add3A_650 : i32 to index
          %get3A_666 = arith.constant 32 : index
          %get3A_667 = tpu.vector_load %arg11[%get3A_665, %get3A_666] {strides = array<i32>} : memref<256x64xf32, #tpu.memory_space<vmem>>, vector<1x16xf32>,
          %get3A_668 = vector.shape_cast %get3A_667 : vector<1x16xf32> to vector<16xf32>
          %get3A_669 = arith.index_cast %add3A_650 : i32 to index
          %get3A_670 = arith.constant 48 : index
          %get3A_671 = tpu.vector_load %arg11[%get3A_669, %get3A_670] {strides = array<i32>} : memref<256x64xf32, #tpu.memory_space<vmem>>, vector<1x16xf32>,
          %get3A_672 = vector.shape_cast %get3A_671 : vector<1x16xf32> to vector<16xf32>
          %get3A_673 = arith.index_cast %add3A_652 : i32 to index
          %get3A_674 = arith.constant 0 : index
          %get3A_675 = tpu.vector_load %arg11[%get3A_673, %get3A_674] {strides = array<i32>} : memref<256x64xf32, #tpu.memory_space<vmem>>, vector<1x16xf32>,
          %get3A_676 = vector.shape_cast %get3A_675 : vector<1x16xf32> to vector<16xf32>
          %get3A_677 = arith.index_cast %add3A_652 : i32 to index
          %get3A_678 = arith.constant 16 : index
          %get3A_679 = tpu.vector_load %arg11[%get3A_677, %get3A_678] {strides = array<i32>} : memref<256x64xf32, #tpu.memory_space<vmem>>, vector<1x16xf32>,
          %get3A_680 = vector.shape_cast %get3A_679 : vector<1x16xf32> to vector<16xf32>
          %get3A_681 = arith.index_cast %add3A_652 : i32 to index
          %get3A_682 = arith.constant 32 : index
          %get3A_683 = tpu.vector_load %arg11[%get3A_681, %get3A_682] {strides = array<i32>} : memref<256x64xf32, #tpu.memory_space<vmem>>, vector<1x16xf32>,
          %get3A_684 = vector.shape_cast %get3A_683 : vector<1x16xf32> to vector<16xf32>
          %get3A_685 = arith.index_cast %add3A_652 : i32 to index
          %get3A_686 = arith.constant 48 : index
          %get3A_687 = tpu.vector_load %arg11[%get3A_685, %get3A_686] {strides = array<i32>} : memref<256x64xf32, #tpu.memory_space<vmem>>, vector<1x16xf32>,
          %get3A_688 = vector.shape_cast %get3A_687 : vector<1x16xf32> to vector<16xf32>
          %mul3A_689 = vector.broadcast %squeeze3A_654 : f32 to vector<16xf32>
          %mul3A_690 = arith.mulf %get3A_660, %mul3A_689 : vector<16xf32>
          %swap3A_691 = arith.index_cast %add3A_650 : i32 to index
          %swap3A_692 = arith.constant 0 : index
          %swap3A_693 = tpu.vector_load %arg21[%swap3A_691, %swap3A_692] {strides = array<i32>} : memref<256x64xf32, #tpu.memory_space<vmem>>, vector<1x16xf32>,
          %swap3A_694 = vector.shape_cast %swap3A_693 : vector<1x16xf32> to vector<16xf32>
          %swap3A_695 = vector.shape_cast %mul3A_690 : vector<16xf32> to vector<1x16xf32>
          tpu.vector_store %arg21[%swap3A_691, %swap3A_692], %swap3A_695 {strides = array<i32>} : memref<256x64xf32, #tpu.memory_space<vmem>>, vector<1x16xf32>,
          %mul3A_696 = vector.broadcast %squeeze3A_654 : f32 to vector<16xf32>
          %mul3A_697 = arith.mulf %get3A_664, %mul3A_696 : vector<16xf32>
          %swap3A_698 = arith.index_cast %add3A_650 : i32 to index
          %swap3A_699 = arith.constant 16 : index
          %swap3A_700 = tpu.vector_load %arg21[%swap3A_698, %swap3A_699] {strides = array<i32>} : memref<256x64xf32, #tpu.memory_space<vmem>>, vector<1x16xf32>,
          %swap3A_701 = vector.shape_cast %swap3A_700 : vector<1x16xf32> to vector<16xf32>
          %swap3A_702 = vector.shape_cast %mul3A_697 : vector<16xf32> to vector<1x16xf32>
          tpu.vector_store %arg21[%swap3A_698, %swap3A_699], %swap3A_702 {strides = array<i32>} : memref<256x64xf32, #tpu.memory_space<vmem>>, vector<1x16xf32>,
          %mul3A_703 = vector.broadcast %squeeze3A_654 : f32 to vector<16xf32>
          %mul3A_704 = arith.mulf %get3A_668, %mul3A_703 : vector<16xf32>
          %swap3A_705 = arith.index_cast %add3A_650 : i32 to index
          %swap3A_706 = arith.constant 32 : index
          %swap3A_707 = tpu.vector_load %arg21[%swap3A_705, %swap3A_706] {strides = array<i32>} : memref<256x64xf32, #tpu.memory_space<vmem>>, vector<1x16xf32>,
          %swap3A_708 = vector.shape_cast %swap3A_707 : vector<1x16xf32> to vector<16xf32>
          %swap3A_709 = vector.shape_cast %mul3A_704 : vector<16xf32> to vector<1x16xf32>
          tpu.vector_store %arg21[%swap3A_705, %swap3A_706], %swap3A_709 {strides = array<i32>} : memref<256x64xf32, #tpu.memory_space<vmem>>, vector<1x16xf32>,
          %mul3A_710 = vector.broadcast %squeeze3A_654 : f32 to vector<16xf32>
          %mul3A_711 = arith.mulf %get3A_672, %mul3A_710 : vector<16xf32>
          %swap3A_712 = arith.index_cast %add3A_650 : i32 to index
          %swap3A_713 = arith.constant 48 : index
          %swap3A_714 = tpu.vector_load %arg21[%swap3A_712, %swap3A_713] {strides = array<i32>} : memref<256x64xf32, #tpu.memory_space<vmem>>, vector<1x16xf32>,
          %swap3A_715 = vector.shape_cast %swap3A_714 : vector<1x16xf32> to vector<16xf32>
          %swap3A_716 = vector.shape_cast %mul3A_711 : vector<16xf32> to vector<1x16xf32>
          tpu.vector_store %arg21[%swap3A_712, %swap3A_713], %swap3A_716 {strides = array<i32>} : memref<256x64xf32, #tpu.memory_space<vmem>>, vector<1x16xf32>,
          %mul3A_717 = vector.broadcast %squeeze3A_656 : f32 to vector<16xf32>
          %mul3A_718 = arith.mulf %get3A_676, %mul3A_717 : vector<16xf32>
          %swap3A_719 = arith.index_cast %add3A_652 : i32 to index
          %swap3A_720 = arith.constant 0 : index
          %swap3A_721 = tpu.vector_load %arg21[%swap3A_719, %swap3A_720] {strides = array<i32>} : memref<256x64xf32, #tpu.memory_space<vmem>>, vector<1x16xf32>,
          %swap3A_722 = vector.shape_cast %swap3A_721 : vector<1x16xf32> to vector<16xf32>
          %swap3A_723 = vector.shape_cast %mul3A_718 : vector<16xf32> to vector<1x16xf32>
          tpu.vector_store %arg21[%swap3A_719, %swap3A_720], %swap3A_723 {strides = array<i32>} : memref<256x64xf32, #tpu.memory_space<vmem>>, vector<1x16xf32>,
          %mul3A_724 = vector.broadcast %squeeze3A_656 : f32 to vector<16xf32>
          %mul3A_725 = arith.mulf %get3A_680, %mul3A_724 : vector<16xf32>
          %swap3A_726 = arith.index_cast %add3A_652 : i32 to index
          %swap3A_727 = arith.constant 16 : index
          %swap3A_728 = tpu.vector_load %arg21[%swap3A_726, %swap3A_727] {strides = array<i32>} : memref<256x64xf32, #tpu.memory_space<vmem>>, vector<1x16xf32>,
          %swap3A_729 = vector.shape_cast %swap3A_728 : vector<1x16xf32> to vector<16xf32>
          %swap3A_730 = vector.shape_cast %mul3A_725 : vector<16xf32> to vector<1x16xf32>
          tpu.vector_store %arg21[%swap3A_726, %swap3A_727], %swap3A_730 {strides = array<i32>} : memref<256x64xf32, #tpu.memory_space<vmem>>, vector<1x16xf32>,
          %mul3A_731 = vector.broadcast %squeeze3A_656 : f32 to vector<16xf32>
          %mul3A_732 = arith.mulf %get3A_684, %mul3A_731 : vector<16xf32>
          %swap3A_733 = arith.index_cast %add3A_652 : i32 to index
          %swap3A_734 = arith.constant 32 : index
          %swap3A_735 = tpu.vector_load %arg21[%swap3A_733, %swap3A_734] {strides = array<i32>} : memref<256x64xf32, #tpu.memory_space<vmem>>, vector<1x16xf32>,
          %swap3A_736 = vector.shape_cast %swap3A_735 : vector<1x16xf32> to vector<16xf32>
          %swap3A_737 = vector.shape_cast %mul3A_732 : vector<16xf32> to vector<1x16xf32>
          tpu.vector_store %arg21[%swap3A_733, %swap3A_734], %swap3A_737 {strides = array<i32>} : memref<256x64xf32, #tpu.memory_space<vmem>>, vector<1x16xf32>,
          %mul3A_738 = vector.broadcast %squeeze3A_656 : f32 to vector<16xf32>
          %mul3A_739 = arith.mulf %get3A_688, %mul3A_738 : vector<16xf32>
          %swap3A_740 = arith.index_cast %add3A_652 : i32 to index
          %swap3A_741 = arith.constant 48 : index
          %swap3A_742 = tpu.vector_load %arg21[%swap3A_740, %swap3A_741] {strides = array<i32>} : memref<256x64xf32, #tpu.memory_space<vmem>>, vector<1x16xf32>,
          %swap3A_743 = vector.shape_cast %swap3A_742 : vector<1x16xf32> to vector<16xf32>
          %swap3A_744 = vector.shape_cast %mul3A_739 : vector<16xf32> to vector<1x16xf32>
          tpu.vector_store %arg21[%swap3A_740, %swap3A_741], %swap3A_744 {strides = array<i32>} : memref<256x64xf32, #tpu.memory_space<vmem>>, vector<1x16xf32>,
          %mul3A_745 = arith.constant 16 : i32
          %mul3A_746 = arith.muli %scan3A_218, %mul3A_745 : i32
          %add3A_747 = arith.constant 10 : i32
          %add3A_748 = arith.addi %mul3A_746, %add3A_747 : i32
          %add3A_749 = arith.constant 1 : i32
          %add3A_750 = arith.addi %add3A_748, %add3A_749 : i32
          %slice3A_751 = vector.extract_strided_slice %get3A_257 {offsets = [10], sizes = [1], strides = [1]} : vector<16xf32> to vector<1xf32>
          %squeeze3A_752 = vector.extract %slice3A_751[0] : f32 from vector<1xf32>
          %slice3A_753 = vector.extract_strided_slice %get3A_257 {offsets = [11], sizes = [1], strides = [1]} : vector<16xf32> to vector<1xf32>
          %squeeze3A_754 = vector.extract %slice3A_753[0] : f32 from vector<1xf32>
          %get3A_755 = arith.index_cast %add3A_748 : i32 to index
          %get3A_756 = arith.constant 0 : index
          %get3A_757 = tpu.vector_load %arg11[%get3A_755, %get3A_756] {strides = array<i32>} : memref<256x64xf32, #tpu.memory_space<vmem>>, vector<1x16xf32>,
          %get3A_758 = vector.shape_cast %get3A_757 : vector<1x16xf32> to vector<16xf32>
          %get3A_759 = arith.index_cast %add3A_748 : i32 to index
          %get3A_760 = arith.constant 16 : index
          %get3A_761 = tpu.vector_load %arg11[%get3A_759, %get3A_760] {strides = array<i32>} : memref<256x64xf32, #tpu.memory_space<vmem>>, vector<1x16xf32>,
          %get3A_762 = vector.shape_cast %get3A_761 : vector<1x16xf32> to vector<16xf32>
          %get3A_763 = arith.index_cast %add3A_748 : i32 to index
          %get3A_764 = arith.constant 32 : index
          %get3A_765 = tpu.vector_load %arg11[%get3A_763, %get3A_764] {strides = array<i32>} : memref<256x64xf32, #tpu.memory_space<vmem>>, vector<1x16xf32>,
          %get3A_766 = vector.shape_cast %get3A_765 : vector<1x16xf32> to vector<16xf32>
          %get3A_767 = arith.index_cast %add3A_748 : i32 to index
          %get3A_768 = arith.constant 48 : index
          %get3A_769 = tpu.vector_load %arg11[%get3A_767, %get3A_768] {strides = array<i32>} : memref<256x64xf32, #tpu.memory_space<vmem>>, vector<1x16xf32>,
          %get3A_770 = vector.shape_cast %get3A_769 : vector<1x16xf32> to vector<16xf32>
          %get3A_771 = arith.index_cast %add3A_750 : i32 to index
          %get3A_772 = arith.constant 0 : index
          %get3A_773 = tpu.vector_load %arg11[%get3A_771, %get3A_772] {strides = array<i32>} : memref<256x64xf32, #tpu.memory_space<vmem>>, vector<1x16xf32>,
          %get3A_774 = vector.shape_cast %get3A_773 : vector<1x16xf32> to vector<16xf32>
          %get3A_775 = arith.index_cast %add3A_750 : i32 to index
          %get3A_776 = arith.constant 16 : index
          %get3A_777 = tpu.vector_load %arg11[%get3A_775, %get3A_776] {strides = array<i32>} : memref<256x64xf32, #tpu.memory_space<vmem>>, vector<1x16xf32>,
          %get3A_778 = vector.shape_cast %get3A_777 : vector<1x16xf32> to vector<16xf32>
          %get3A_779 = arith.index_cast %add3A_750 : i32 to index
          %get3A_780 = arith.constant 32 : index
          %get3A_781 = tpu.vector_load %arg11[%get3A_779, %get3A_780] {strides = array<i32>} : memref<256x64xf32, #tpu.memory_space<vmem>>, vector<1x16xf32>,
          %get3A_782 = vector.shape_cast %get3A_781 : vector<1x16xf32> to vector<16xf32>
          %get3A_783 = arith.index_cast %add3A_750 : i32 to index
          %get3A_784 = arith.constant 48 : index
          %get3A_785 = tpu.vector_load %arg11[%get3A_783, %get3A_784] {strides = array<i32>} : memref<256x64xf32, #tpu.memory_space<vmem>>, vector<1x16xf32>,
          %get3A_786 = vector.shape_cast %get3A_785 : vector<1x16xf32> to vector<16xf32>
          %mul3A_787 = vector.broadcast %squeeze3A_752 : f32 to vector<16xf32>
          %mul3A_788 = arith.mulf %get3A_758, %mul3A_787 : vector<16xf32>
          %swap3A_789 = arith.index_cast %add3A_748 : i32 to index
          %swap3A_790 = arith.constant 0 : index
          %swap3A_791 = tpu.vector_load %arg21[%swap3A_789, %swap3A_790] {strides = array<i32>} : memref<256x64xf32, #tpu.memory_space<vmem>>, vector<1x16xf32>,
          %swap3A_792 = vector.shape_cast %swap3A_791 : vector<1x16xf32> to vector<16xf32>
          %swap3A_793 = vector.shape_cast %mul3A_788 : vector<16xf32> to vector<1x16xf32>
          tpu.vector_store %arg21[%swap3A_789, %swap3A_790], %swap3A_793 {strides = array<i32>} : memref<256x64xf32, #tpu.memory_space<vmem>>, vector<1x16xf32>,
          %mul3A_794 = vector.broadcast %squeeze3A_752 : f32 to vector<16xf32>
          %mul3A_795 = arith.mulf %get3A_762, %mul3A_794 : vector<16xf32>
          %swap3A_796 = arith.index_cast %add3A_748 : i32 to index
          %swap3A_797 = arith.constant 16 : index
          %swap3A_798 = tpu.vector_load %arg21[%swap3A_796, %swap3A_797] {strides = array<i32>} : memref<256x64xf32, #tpu.memory_space<vmem>>, vector<1x16xf32>,
          %swap3A_799 = vector.shape_cast %swap3A_798 : vector<1x16xf32> to vector<16xf32>
          %swap3A_800 = vector.shape_cast %mul3A_795 : vector<16xf32> to vector<1x16xf32>
          tpu.vector_store %arg21[%swap3A_796, %swap3A_797], %swap3A_800 {strides = array<i32>} : memref<256x64xf32, #tpu.memory_space<vmem>>, vector<1x16xf32>,
          %mul3A_801 = vector.broadcast %squeeze3A_752 : f32 to vector<16xf32>
          %mul3A_802 = arith.mulf %get3A_766, %mul3A_801 : vector<16xf32>
          %swap3A_803 = arith.index_cast %add3A_748 : i32 to index
          %swap3A_804 = arith.constant 32 : index
          %swap3A_805 = tpu.vector_load %arg21[%swap3A_803, %swap3A_804] {strides = array<i32>} : memref<256x64xf32, #tpu.memory_space<vmem>>, vector<1x16xf32>,
          %swap3A_806 = vector.shape_cast %swap3A_805 : vector<1x16xf32> to vector<16xf32>
          %swap3A_807 = vector.shape_cast %mul3A_802 : vector<16xf32> to vector<1x16xf32>
          tpu.vector_store %arg21[%swap3A_803, %swap3A_804], %swap3A_807 {strides = array<i32>} : memref<256x64xf32, #tpu.memory_space<vmem>>, vector<1x16xf32>,
          %mul3A_808 = vector.broadcast %squeeze3A_752 : f32 to vector<16xf32>
          %mul3A_809 = arith.mulf %get3A_770, %mul3A_808 : vector<16xf32>
          %swap3A_810 = arith.index_cast %add3A_748 : i32 to index
          %swap3A_811 = arith.constant 48 : index
          %swap3A_812 = tpu.vector_load %arg21[%swap3A_810, %swap3A_811] {strides = array<i32>} : memref<256x64xf32, #tpu.memory_space<vmem>>, vector<1x16xf32>,
          %swap3A_813 = vector.shape_cast %swap3A_812 : vector<1x16xf32> to vector<16xf32>
          %swap3A_814 = vector.shape_cast %mul3A_809 : vector<16xf32> to vector<1x16xf32>
          tpu.vector_store %arg21[%swap3A_810, %swap3A_811], %swap3A_814 {strides = array<i32>} : memref<256x64xf32, #tpu.memory_space<vmem>>, vector<1x16xf32>,
          %mul3A_815 = vector.broadcast %squeeze3A_754 : f32 to vector<16xf32>
          %mul3A_816 = arith.mulf %get3A_774, %mul3A_815 : vector<16xf32>
          %swap3A_817 = arith.index_cast %add3A_750 : i32 to index
          %swap3A_818 = arith.constant 0 : index
          %swap3A_819 = tpu.vector_load %arg21[%swap3A_817, %swap3A_818] {strides = array<i32>} : memref<256x64xf32, #tpu.memory_space<vmem>>, vector<1x16xf32>,
          %swap3A_820 = vector.shape_cast %swap3A_819 : vector<1x16xf32> to vector<16xf32>
          %swap3A_821 = vector.shape_cast %mul3A_816 : vector<16xf32> to vector<1x16xf32>
          tpu.vector_store %arg21[%swap3A_817, %swap3A_818], %swap3A_821 {strides = array<i32>} : memref<256x64xf32, #tpu.memory_space<vmem>>, vector<1x16xf32>,
          %mul3A_822 = vector.broadcast %squeeze3A_754 : f32 to vector<16xf32>
          %mul3A_823 = arith.mulf %get3A_778, %mul3A_822 : vector<16xf32>
          %swap3A_824 = arith.index_cast %add3A_750 : i32 to index
          %swap3A_825 = arith.constant 16 : index
          %swap3A_826 = tpu.vector_load %arg21[%swap3A_824, %swap3A_825] {strides = array<i32>} : memref<256x64xf32, #tpu.memory_space<vmem>>, vector<1x16xf32>,
          %swap3A_827 = vector.shape_cast %swap3A_826 : vector<1x16xf32> to vector<16xf32>
          %swap3A_828 = vector.shape_cast %mul3A_823 : vector<16xf32> to vector<1x16xf32>
          tpu.vector_store %arg21[%swap3A_824, %swap3A_825], %swap3A_828 {strides = array<i32>} : memref<256x64xf32, #tpu.memory_space<vmem>>, vector<1x16xf32>,
          %mul3A_829 = vector.broadcast %squeeze3A_754 : f32 to vector<16xf32>
          %mul3A_830 = arith.mulf %get3A_782, %mul3A_829 : vector<16xf32>
          %swap3A_831 = arith.index_cast %add3A_750 : i32 to index
          %swap3A_832 = arith.constant 32 : index
          %swap3A_833 = tpu.vector_load %arg21[%swap3A_831, %swap3A_832] {strides = array<i32>} : memref<256x64xf32, #tpu.memory_space<vmem>>, vector<1x16xf32>,
          %swap3A_834 = vector.shape_cast %swap3A_833 : vector<1x16xf32> to vector<16xf32>
          %swap3A_835 = vector.shape_cast %mul3A_830 : vector<16xf32> to vector<1x16xf32>
          tpu.vector_store %arg21[%swap3A_831, %swap3A_832], %swap3A_835 {strides = array<i32>} : memref<256x64xf32, #tpu.memory_space<vmem>>, vector<1x16xf32>,
          %mul3A_836 = vector.broadcast %squeeze3A_754 : f32 to vector<16xf32>
          %mul3A_837 = arith.mulf %get3A_786, %mul3A_836 : vector<16xf32>
          %swap3A_838 = arith.index_cast %add3A_750 : i32 to index
          %swap3A_839 = arith.constant 48 : index
          %swap3A_840 = tpu.vector_load %arg21[%swap3A_838, %swap3A_839] {strides = array<i32>} : memref<256x64xf32, #tpu.memory_space<vmem>>, vector<1x16xf32>,
          %swap3A_841 = vector.shape_cast %swap3A_840 : vector<1x16xf32> to vector<16xf32>
          %swap3A_842 = vector.shape_cast %mul3A_837 : vector<16xf32> to vector<1x16xf32>
          tpu.vector_store %arg21[%swap3A_838, %swap3A_839], %swap3A_842 {strides = array<i32>} : memref<256x64xf32, #tpu.memory_space<vmem>>, vector<1x16xf32>,
          %mul3A_843 = arith.constant 16 : i32
          %mul3A_844 = arith.muli %scan3A_218, %mul3A_843 : i32
          %add3A_845 = arith.constant 12 : i32
          %add3A_846 = arith.addi %mul3A_844, %add3A_845 : i32
          %add3A_847 = arith.constant 1 : i32
          %add3A_848 = arith.addi %add3A_846, %add3A_847 : i32
          %slice3A_849 = vector.extract_strided_slice %get3A_257 {offsets = [12], sizes = [1], strides = [1]} : vector<16xf32> to vector<1xf32>
          %squeeze3A_850 = vector.extract %slice3A_849[0] : f32 from vector<1xf32>
          %slice3A_851 = vector.extract_strided_slice %get3A_257 {offsets = [13], sizes = [1], strides = [1]} : vector<16xf32> to vector<1xf32>
          %squeeze3A_852 = vector.extract %slice3A_851[0] : f32 from vector<1xf32>
          %get3A_853 = arith.index_cast %add3A_846 : i32 to index
          %get3A_854 = arith.constant 0 : index
          %get3A_855 = tpu.vector_load %arg11[%get3A_853, %get3A_854] {strides = array<i32>} : memref<256x64xf32, #tpu.memory_space<vmem>>, vector<1x16xf32>,
          %get3A_856 = vector.shape_cast %get3A_855 : vector<1x16xf32> to vector<16xf32>
          %get3A_857 = arith.index_cast %add3A_846 : i32 to index
          %get3A_858 = arith.constant 16 : index
          %get3A_859 = tpu.vector_load %arg11[%get3A_857, %get3A_858] {strides = array<i32>} : memref<256x64xf32, #tpu.memory_space<vmem>>, vector<1x16xf32>,
          %get3A_860 = vector.shape_cast %get3A_859 : vector<1x16xf32> to vector<16xf32>
          %get3A_861 = arith.index_cast %add3A_846 : i32 to index
          %get3A_862 = arith.constant 32 : index
          %get3A_863 = tpu.vector_load %arg11[%get3A_861, %get3A_862] {strides = array<i32>} : memref<256x64xf32, #tpu.memory_space<vmem>>, vector<1x16xf32>,
          %get3A_864 = vector.shape_cast %get3A_863 : vector<1x16xf32> to vector<16xf32>
          %get3A_865 = arith.index_cast %add3A_846 : i32 to index
          %get3A_866 = arith.constant 48 : index
          %get3A_867 = tpu.vector_load %arg11[%get3A_865, %get3A_866] {strides = array<i32>} : memref<256x64xf32, #tpu.memory_space<vmem>>, vector<1x16xf32>,
          %get3A_868 = vector.shape_cast %get3A_867 : vector<1x16xf32> to vector<16xf32>
          %get3A_869 = arith.index_cast %add3A_848 : i32 to index
          %get3A_870 = arith.constant 0 : index
          %get3A_871 = tpu.vector_load %arg11[%get3A_869, %get3A_870] {strides = array<i32>} : memref<256x64xf32, #tpu.memory_space<vmem>>, vector<1x16xf32>,
          %get3A_872 = vector.shape_cast %get3A_871 : vector<1x16xf32> to vector<16xf32>
          %get3A_873 = arith.index_cast %add3A_848 : i32 to index
          %get3A_874 = arith.constant 16 : index
          %get3A_875 = tpu.vector_load %arg11[%get3A_873, %get3A_874] {strides = array<i32>} : memref<256x64xf32, #tpu.memory_space<vmem>>, vector<1x16xf32>,
          %get3A_876 = vector.shape_cast %get3A_875 : vector<1x16xf32> to vector<16xf32>
          %get3A_877 = arith.index_cast %add3A_848 : i32 to index
          %get3A_878 = arith.constant 32 : index
          %get3A_879 = tpu.vector_load %arg11[%get3A_877, %get3A_878] {strides = array<i32>} : memref<256x64xf32, #tpu.memory_space<vmem>>, vector<1x16xf32>,
          %get3A_880 = vector.shape_cast %get3A_879 : vector<1x16xf32> to vector<16xf32>
          %get3A_881 = arith.index_cast %add3A_848 : i32 to index
          %get3A_882 = arith.constant 48 : index
          %get3A_883 = tpu.vector_load %arg11[%get3A_881, %get3A_882] {strides = array<i32>} : memref<256x64xf32, #tpu.memory_space<vmem>>, vector<1x16xf32>,
          %get3A_884 = vector.shape_cast %get3A_883 : vector<1x16xf32> to vector<16xf32>
          %mul3A_885 = vector.broadcast %squeeze3A_850 : f32 to vector<16xf32>
          %mul3A_886 = arith.mulf %get3A_856, %mul3A_885 : vector<16xf32>
          %swap3A_887 = arith.index_cast %add3A_846 : i32 to index
          %swap3A_888 = arith.constant 0 : index
          %swap3A_889 = tpu.vector_load %arg21[%swap3A_887, %swap3A_888] {strides = array<i32>} : memref<256x64xf32, #tpu.memory_space<vmem>>, vector<1x16xf32>,
          %swap3A_890 = vector.shape_cast %swap3A_889 : vector<1x16xf32> to vector<16xf32>
          %swap3A_891 = vector.shape_cast %mul3A_886 : vector<16xf32> to vector<1x16xf32>
          tpu.vector_store %arg21[%swap3A_887, %swap3A_888], %swap3A_891 {strides = array<i32>} : memref<256x64xf32, #tpu.memory_space<vmem>>, vector<1x16xf32>,
          %mul3A_892 = vector.broadcast %squeeze3A_850 : f32 to vector<16xf32>
          %mul3A_893 = arith.mulf %get3A_860, %mul3A_892 : vector<16xf32>
          %swap3A_894 = arith.index_cast %add3A_846 : i32 to index
          %swap3A_895 = arith.constant 16 : index
          %swap3A_896 = tpu.vector_load %arg21[%swap3A_894, %swap3A_895] {strides = array<i32>} : memref<256x64xf32, #tpu.memory_space<vmem>>, vector<1x16xf32>,
          %swap3A_897 = vector.shape_cast %swap3A_896 : vector<1x16xf32> to vector<16xf32>
          %swap3A_898 = vector.shape_cast %mul3A_893 : vector<16xf32> to vector<1x16xf32>
          tpu.vector_store %arg21[%swap3A_894, %swap3A_895], %swap3A_898 {strides = array<i32>} : memref<256x64xf32, #tpu.memory_space<vmem>>, vector<1x16xf32>,
          %mul3A_899 = vector.broadcast %squeeze3A_850 : f32 to vector<16xf32>
          %mul3A_900 = arith.mulf %get3A_864, %mul3A_899 : vector<16xf32>
          %swap3A_901 = arith.index_cast %add3A_846 : i32 to index
          %swap3A_902 = arith.constant 32 : index
          %swap3A_903 = tpu.vector_load %arg21[%swap3A_901, %swap3A_902] {strides = array<i32>} : memref<256x64xf32, #tpu.memory_space<vmem>>, vector<1x16xf32>,
          %swap3A_904 = vector.shape_cast %swap3A_903 : vector<1x16xf32> to vector<16xf32>
          %swap3A_905 = vector.shape_cast %mul3A_900 : vector<16xf32> to vector<1x16xf32>
          tpu.vector_store %arg21[%swap3A_901, %swap3A_902], %swap3A_905 {strides = array<i32>} : memref<256x64xf32, #tpu.memory_space<vmem>>, vector<1x16xf32>,
          %mul3A_906 = vector.broadcast %squeeze3A_850 : f32 to vector<16xf32>
          %mul3A_907 = arith.mulf %get3A_868, %mul3A_906 : vector<16xf32>
          %swap3A_908 = arith.index_cast %add3A_846 : i32 to index
          %swap3A_909 = arith.constant 48 : index
          %swap3A_910 = tpu.vector_load %arg21[%swap3A_908, %swap3A_909] {strides = array<i32>} : memref<256x64xf32, #tpu.memory_space<vmem>>, vector<1x16xf32>,
          %swap3A_911 = vector.shape_cast %swap3A_910 : vector<1x16xf32> to vector<16xf32>
          %swap3A_912 = vector.shape_cast %mul3A_907 : vector<16xf32> to vector<1x16xf32>
          tpu.vector_store %arg21[%swap3A_908, %swap3A_909], %swap3A_912 {strides = array<i32>} : memref<256x64xf32, #tpu.memory_space<vmem>>, vector<1x16xf32>,
          %mul3A_913 = vector.broadcast %squeeze3A_852 : f32 to vector<16xf32>
          %mul3A_914 = arith.mulf %get3A_872, %mul3A_913 : vector<16xf32>
          %swap3A_915 = arith.index_cast %add3A_848 : i32 to index
          %swap3A_916 = arith.constant 0 : index
          %swap3A_917 = tpu.vector_load %arg21[%swap3A_915, %swap3A_916] {strides = array<i32>} : memref<256x64xf32, #tpu.memory_space<vmem>>, vector<1x16xf32>,
          %swap3A_918 = vector.shape_cast %swap3A_917 : vector<1x16xf32> to vector<16xf32>
          %swap3A_919 = vector.shape_cast %mul3A_914 : vector<16xf32> to vector<1x16xf32>
          tpu.vector_store %arg21[%swap3A_915, %swap3A_916], %swap3A_919 {strides = array<i32>} : memref<256x64xf32, #tpu.memory_space<vmem>>, vector<1x16xf32>,
          %mul3A_920 = vector.broadcast %squeeze3A_852 : f32 to vector<16xf32>
          %mul3A_921 = arith.mulf %get3A_876, %mul3A_920 : vector<16xf32>
          %swap3A_922 = arith.index_cast %add3A_848 : i32 to index
          %swap3A_923 = arith.constant 16 : index
          %swap3A_924 = tpu.vector_load %arg21[%swap3A_922, %swap3A_923] {strides = array<i32>} : memref<256x64xf32, #tpu.memory_space<vmem>>, vector<1x16xf32>,
          %swap3A_925 = vector.shape_cast %swap3A_924 : vector<1x16xf32> to vector<16xf32>
          %swap3A_926 = vector.shape_cast %mul3A_921 : vector<16xf32> to vector<1x16xf32>
          tpu.vector_store %arg21[%swap3A_922, %swap3A_923], %swap3A_926 {strides = array<i32>} : memref<256x64xf32, #tpu.memory_space<vmem>>, vector<1x16xf32>,
          %mul3A_927 = vector.broadcast %squeeze3A_852 : f32 to vector<16xf32>
          %mul3A_928 = arith.mulf %get3A_880, %mul3A_927 : vector<16xf32>
          %swap3A_929 = arith.index_cast %add3A_848 : i32 to index
          %swap3A_930 = arith.constant 32 : index
          %swap3A_931 = tpu.vector_load %arg21[%swap3A_929, %swap3A_930] {strides = array<i32>} : memref<256x64xf32, #tpu.memory_space<vmem>>, vector<1x16xf32>,
          %swap3A_932 = vector.shape_cast %swap3A_931 : vector<1x16xf32> to vector<16xf32>
          %swap3A_933 = vector.shape_cast %mul3A_928 : vector<16xf32> to vector<1x16xf32>
          tpu.vector_store %arg21[%swap3A_929, %swap3A_930], %swap3A_933 {strides = array<i32>} : memref<256x64xf32, #tpu.memory_space<vmem>>, vector<1x16xf32>,
          %mul3A_934 = vector.broadcast %squeeze3A_852 : f32 to vector<16xf32>
          %mul3A_935 = arith.mulf %get3A_884, %mul3A_934 : vector<16xf32>
          %swap3A_936 = arith.index_cast %add3A_848 : i32 to index
          %swap3A_937 = arith.constant 48 : index
          %swap3A_938 = tpu.vector_load %arg21[%swap3A_936, %swap3A_937] {strides = array<i32>} : memref<256x64xf32, #tpu.memory_space<vmem>>, vector<1x16xf32>,
          %swap3A_939 = vector.shape_cast %swap3A_938 : vector<1x16xf32> to vector<16xf32>
          %swap3A_940 = vector.shape_cast %mul3A_935 : vector<16xf32> to vector<1x16xf32>
          tpu.vector_store %arg21[%swap3A_936, %swap3A_937], %swap3A_940 {strides = array<i32>} : memref<256x64xf32, #tpu.memory_space<vmem>>, vector<1x16xf32>,
          %mul3A_941 = arith.constant 16 : i32
          %mul3A_942 = arith.muli %scan3A_218, %mul3A_941 : i32
          %add3A_943 = arith.constant 14 : i32
          %add3A_944 = arith.addi %mul3A_942, %add3A_943 : i32
          %add3A_945 = arith.constant 1 : i32
          %add3A_946 = arith.addi %add3A_944, %add3A_945 : i32
          %slice3A_947 = vector.extract_strided_slice %get3A_257 {offsets = [14], sizes = [1], strides = [1]} : vector<16xf32> to vector<1xf32>
          %squeeze3A_948 = vector.extract %slice3A_947[0] : f32 from vector<1xf32>
          %slice3A_949 = vector.extract_strided_slice %get3A_257 {offsets = [15], sizes = [1], strides = [1]} : vector<16xf32> to vector<1xf32>
          %squeeze3A_950 = vector.extract %slice3A_949[0] : f32 from vector<1xf32>
          %get3A_951 = arith.index_cast %add3A_944 : i32 to index
          %get3A_952 = arith.constant 0 : index
          %get3A_953 = tpu.vector_load %arg11[%get3A_951, %get3A_952] {strides = array<i32>} : memref<256x64xf32, #tpu.memory_space<vmem>>, vector<1x16xf32>,
          %get3A_954 = vector.shape_cast %get3A_953 : vector<1x16xf32> to vector<16xf32>
          %get3A_955 = arith.index_cast %add3A_944 : i32 to index
          %get3A_956 = arith.constant 16 : index
          %get3A_957 = tpu.vector_load %arg11[%get3A_955, %get3A_956] {strides = array<i32>} : memref<256x64xf32, #tpu.memory_space<vmem>>, vector<1x16xf32>,
          %get3A_958 = vector.shape_cast %get3A_957 : vector<1x16xf32> to vector<16xf32>
          %get3A_959 = arith.index_cast %add3A_944 : i32 to index
          %get3A_960 = arith.constant 32 : index
          %get3A_961 = tpu.vector_load %arg11[%get3A_959, %get3A_960] {strides = array<i32>} : memref<256x64xf32, #tpu.memory_space<vmem>>, vector<1x16xf32>,
          %get3A_962 = vector.shape_cast %get3A_961 : vector<1x16xf32> to vector<16xf32>
          %get3A_963 = arith.index_cast %add3A_944 : i32 to index
          %get3A_964 = arith.constant 48 : index
          %get3A_965 = tpu.vector_load %arg11[%get3A_963, %get3A_964] {strides = array<i32>} : memref<256x64xf32, #tpu.memory_space<vmem>>, vector<1x16xf32>,
          %get3A_966 = vector.shape_cast %get3A_965 : vector<1x16xf32> to vector<16xf32>
          %get3A_967 = arith.index_cast %add3A_946 : i32 to index
          %get3A_968 = arith.constant 0 : index
          %get3A_969 = tpu.vector_load %arg11[%get3A_967, %get3A_968] {strides = array<i32>} : memref<256x64xf32, #tpu.memory_space<vmem>>, vector<1x16xf32>,
          %get3A_970 = vector.shape_cast %get3A_969 : vector<1x16xf32> to vector<16xf32>
          %get3A_971 = arith.index_cast %add3A_946 : i32 to index
          %get3A_972 = arith.constant 16 : index
          %get3A_973 = tpu.vector_load %arg11[%get3A_971, %get3A_972] {strides = array<i32>} : memref<256x64xf32, #tpu.memory_space<vmem>>, vector<1x16xf32>,
          %get3A_974 = vector.shape_cast %get3A_973 : vector<1x16xf32> to vector<16xf32>
          %get3A_975 = arith.index_cast %add3A_946 : i32 to index
          %get3A_976 = arith.constant 32 : index
          %get3A_977 = tpu.vector_load %arg11[%get3A_975, %get3A_976] {strides = array<i32>} : memref<256x64xf32, #tpu.memory_space<vmem>>, vector<1x16xf32>,
          %get3A_978 = vector.shape_cast %get3A_977 : vector<1x16xf32> to vector<16xf32>
          %get3A_979 = arith.index_cast %add3A_946 : i32 to index
          %get3A_980 = arith.constant 48 : index
          %get3A_981 = tpu.vector_load %arg11[%get3A_979, %get3A_980] {strides = array<i32>} : memref<256x64xf32, #tpu.memory_space<vmem>>, vector<1x16xf32>,
          %get3A_982 = vector.shape_cast %get3A_981 : vector<1x16xf32> to vector<16xf32>
          %mul3A_983 = vector.broadcast %squeeze3A_948 : f32 to vector<16xf32>
          %mul3A_984 = arith.mulf %get3A_954, %mul3A_983 : vector<16xf32>
          %swap3A_985 = arith.index_cast %add3A_944 : i32 to index
          %swap3A_986 = arith.constant 0 : index
          %swap3A_987 = tpu.vector_load %arg21[%swap3A_985, %swap3A_986] {strides = array<i32>} : memref<256x64xf32, #tpu.memory_space<vmem>>, vector<1x16xf32>,
          %swap3A_988 = vector.shape_cast %swap3A_987 : vector<1x16xf32> to vector<16xf32>
          %swap3A_989 = vector.shape_cast %mul3A_984 : vector<16xf32> to vector<1x16xf32>
          tpu.vector_store %arg21[%swap3A_985, %swap3A_986], %swap3A_989 {strides = array<i32>} : memref<256x64xf32, #tpu.memory_space<vmem>>, vector<1x16xf32>,
          %mul3A_990 = vector.broadcast %squeeze3A_948 : f32 to vector<16xf32>
          %mul3A_991 = arith.mulf %get3A_958, %mul3A_990 : vector<16xf32>
          %swap3A_992 = arith.index_cast %add3A_944 : i32 to index
          %swap3A_993 = arith.constant 16 : index
          %swap3A_994 = tpu.vector_load %arg21[%swap3A_992, %swap3A_993] {strides = array<i32>} : memref<256x64xf32, #tpu.memory_space<vmem>>, vector<1x16xf32>,
          %swap3A_995 = vector.shape_cast %swap3A_994 : vector<1x16xf32> to vector<16xf32>
          %swap3A_996 = vector.shape_cast %mul3A_991 : vector<16xf32> to vector<1x16xf32>
          tpu.vector_store %arg21[%swap3A_992, %swap3A_993], %swap3A_996 {strides = array<i32>} : memref<256x64xf32, #tpu.memory_space<vmem>>, vector<1x16xf32>,
          %mul3A_997 = vector.broadcast %squeeze3A_948 : f32 to vector<16xf32>
          %mul3A_998 = arith.mulf %get3A_962, %mul3A_997 : vector<16xf32>
          %swap3A_999 = arith.index_cast %add3A_944 : i32 to index
          %swap3A_1000 = arith.constant 32 : index
          %swap3A_1001 = tpu.vector_load %arg21[%swap3A_999, %swap3A_1000] {strides = array<i32>} : memref<256x64xf32, #tpu.memory_space<vmem>>, vector<1x16xf32>,
          %swap3A_1002 = vector.shape_cast %swap3A_1001 : vector<1x16xf32> to vector<16xf32>
          %swap3A_1003 = vector.shape_cast %mul3A_998 : vector<16xf32> to vector<1x16xf32>
          tpu.vector_store %arg21[%swap3A_999, %swap3A_1000], %swap3A_1003 {strides = array<i32>} : memref<256x64xf32, #tpu.memory_space<vmem>>, vector<1x16xf32>,
          %mul3A_1004 = vector.broadcast %squeeze3A_948 : f32 to vector<16xf32>
          %mul3A_1005 = arith.mulf %get3A_966, %mul3A_1004 : vector<16xf32>
          %swap3A_1006 = arith.index_cast %add3A_944 : i32 to index
          %swap3A_1007 = arith.constant 48 : index
          %swap3A_1008 = tpu.vector_load %arg21[%swap3A_1006, %swap3A_1007] {strides = array<i32>} : memref<256x64xf32, #tpu.memory_space<vmem>>, vector<1x16xf32>,
          %swap3A_1009 = vector.shape_cast %swap3A_1008 : vector<1x16xf32> to vector<16xf32>
          %swap3A_1010 = vector.shape_cast %mul3A_1005 : vector<16xf32> to vector<1x16xf32>
          tpu.vector_store %arg21[%swap3A_1006, %swap3A_1007], %swap3A_1010 {strides = array<i32>} : memref<256x64xf32, #tpu.memory_space<vmem>>, vector<1x16xf32>,
          %mul3A_1011 = vector.broadcast %squeeze3A_950 : f32 to vector<16xf32>
          %mul3A_1012 = arith.mulf %get3A_970, %mul3A_1011 : vector<16xf32>
          %swap3A_1013 = arith.index_cast %add3A_946 : i32 to index
          %swap3A_1014 = arith.constant 0 : index
          %swap3A_1015 = tpu.vector_load %arg21[%swap3A_1013, %swap3A_1014] {strides = array<i32>} : memref<256x64xf32, #tpu.memory_space<vmem>>, vector<1x16xf32>,
          %swap3A_1016 = vector.shape_cast %swap3A_1015 : vector<1x16xf32> to vector<16xf32>
          %swap3A_1017 = vector.shape_cast %mul3A_1012 : vector<16xf32> to vector<1x16xf32>
          tpu.vector_store %arg21[%swap3A_1013, %swap3A_1014], %swap3A_1017 {strides = array<i32>} : memref<256x64xf32, #tpu.memory_space<vmem>>, vector<1x16xf32>,
          %mul3A_1018 = vector.broadcast %squeeze3A_950 : f32 to vector<16xf32>
          %mul3A_1019 = arith.mulf %get3A_974, %mul3A_1018 : vector<16xf32>
          %swap3A_1020 = arith.index_cast %add3A_946 : i32 to index
          %swap3A_1021 = arith.constant 16 : index
          %swap3A_1022 = tpu.vector_load %arg21[%swap3A_1020, %swap3A_1021] {strides = array<i32>} : memref<256x64xf32, #tpu.memory_space<vmem>>, vector<1x16xf32>,
          %swap3A_1023 = vector.shape_cast %swap3A_1022 : vector<1x16xf32> to vector<16xf32>
          %swap3A_1024 = vector.shape_cast %mul3A_1019 : vector<16xf32> to vector<1x16xf32>
          tpu.vector_store %arg21[%swap3A_1020, %swap3A_1021], %swap3A_1024 {strides = array<i32>} : memref<256x64xf32, #tpu.memory_space<vmem>>, vector<1x16xf32>,
          %mul3A_1025 = vector.broadcast %squeeze3A_950 : f32 to vector<16xf32>
          %mul3A_1026 = arith.mulf %get3A_978, %mul3A_1025 : vector<16xf32>
          %swap3A_1027 = arith.index_cast %add3A_946 : i32 to index
          %swap3A_1028 = arith.constant 32 : index
          %swap3A_1029 = tpu.vector_load %arg21[%swap3A_1027, %swap3A_1028] {strides = array<i32>} : memref<256x64xf32, #tpu.memory_space<vmem>>, vector<1x16xf32>,
          %swap3A_1030 = vector.shape_cast %swap3A_1029 : vector<1x16xf32> to vector<16xf32>
          %swap3A_1031 = vector.shape_cast %mul3A_1026 : vector<16xf32> to vector<1x16xf32>
          tpu.vector_store %arg21[%swap3A_1027, %swap3A_1028], %swap3A_1031 {strides = array<i32>} : memref<256x64xf32, #tpu.memory_space<vmem>>, vector<1x16xf32>,
          %mul3A_1032 = vector.broadcast %squeeze3A_950 : f32 to vector<16xf32>
          %mul3A_1033 = arith.mulf %get3A_982, %mul3A_1032 : vector<16xf32>
          %swap3A_1034 = arith.index_cast %add3A_946 : i32 to index
          %swap3A_1035 = arith.constant 48 : index
          %swap3A_1036 = tpu.vector_load %arg21[%swap3A_1034, %swap3A_1035] {strides = array<i32>} : memref<256x64xf32, #tpu.memory_space<vmem>>, vector<1x16xf32>,
          %swap3A_1037 = vector.shape_cast %swap3A_1036 : vector<1x16xf32> to vector<16xf32>
          %swap3A_1038 = vector.shape_cast %mul3A_1033 : vector<16xf32> to vector<1x16xf32>
          tpu.vector_store %arg21[%swap3A_1034, %swap3A_1035], %swap3A_1038 {strides = array<i32>} : memref<256x64xf32, #tpu.memory_space<vmem>>, vector<1x16xf32>,
        }
        %scan3A_193 = arith.constant 16 : i32
        %dma_start3A = arith.constant 0 : i32
        %dma_start3A_194 = arith.constant 0 : i32
        %dma_start3A_195 = arith.constant 0 : i32
        %dma_start3A_196 = tpu.memref_slice %arg21[%dma_start3A_194, %dma_start3A_195] : memref<256x64xf32, #tpu.memory_space<vmem>> -> memref<128x64xf32, #tpu.memory_space<vmem>>
        %dma_start3A_197 = arith.constant 0 : i32
        %dma_start3A_198 = tpu.memref_slice %arg15[%dma_start3A, %dma_start3A_197] : memref<2x128xi32, #tpu.memory_space<vmem>> -> memref<1x128xi32, #tpu.memory_space<vmem>>
        %dma_start3A_199 = tpu.memref_squeeze %dma_start3A_198 : memref<1x128xi32, #tpu.memory_space<vmem>> -> memref<128xi32, #tpu.memory_space<vmem>>
        %dma_start3A_200 = arith.constant 0 : i32
        %dma_start3A_201 = arith.constant 0 : i32
        %dma_start3A_202 = tpu.memref_slice %arg23[%dma_start3A_200, %dma_start3A_201] : memref<10112x64xf32, #tpu.memory_space<vmem_shared>> -> memref<10112x64xf32, #tpu.memory_space<vmem_shared>>
        tpu.enqueue_indirect_dma source(%dma_start3A_196 : memref<128x64xf32, #tpu.memory_space<vmem>>) target(%dma_start3A_202 : memref<10112x64xf32, #tpu.memory_space<vmem_shared>>) offsets(%dma_start3A_199 : memref<128xi32, #tpu.memory_space<vmem>>) semaphore(%arg28 : memref<!tpu.dma_semaphore, #tpu.memory_space<semaphore_mem>>) {add = true}
        %dma_start3A_203 = arith.constant 1 : i32
        %dma_start3A_204 = arith.constant 128 : i32
        %dma_start3A_205 = arith.constant 0 : i32
        %dma_start3A_206 = tpu.memref_slice %arg21[%dma_start3A_204, %dma_start3A_205] : memref<256x64xf32, #tpu.memory_space<vmem>> -> memref<128x64xf32, #tpu.memory_space<vmem>>
        %dma_start3A_207 = arith.constant 0 : i32
        %dma_start3A_208 = tpu.memref_slice %arg15[%dma_start3A_203, %dma_start3A_207] : memref<2x128xi32, #tpu.memory_space<vmem>> -> memref<1x128xi32, #tpu.memory_space<vmem>>
        %dma_start3A_209 = tpu.memref_squeeze %dma_start3A_208 : memref<1x128xi32, #tpu.memory_space<vmem>> -> memref<128xi32, #tpu.memory_space<vmem>>
        %dma_start3A_210 = arith.constant 0 : i32
        %dma_start3A_211 = arith.constant 0 : i32
        %dma_start3A_212 = tpu.memref_slice %arg23[%dma_start3A_210, %dma_start3A_211] : memref<10112x64xf32, #tpu.memory_space<vmem_shared>> -> memref<10112x64xf32, #tpu.memory_space<vmem_shared>>
        tpu.enqueue_indirect_dma source(%dma_start3A_206 : memref<128x64xf32, #tpu.memory_space<vmem>>) target(%dma_start3A_212 : memref<10112x64xf32, #tpu.memory_space<vmem_shared>>) offsets(%dma_start3A_209 : memref<128xi32, #tpu.memory_space<vmem>>) semaphore(%arg28 : memref<!tpu.dma_semaphore, #tpu.memory_space<semaphore_mem>>) {add = true}
        %eq3A_213 = arith.constant 0 : i32
        %eq3A_214 = arith.cmpi eq, %arg0, %eq3A_213 : i32
        %convert_element_type3A_215 = arith.extui %eq3A_214 : i1 to i32
        %cond3A_216 = arith.constant 0 : i32
        %cond3A_217 = arith.cmpi ne, %convert_element_type3A_215, %cond3A_216 : i32
        scf.if %cond3A_217 {
          %dma_start3A_218 = arith.constant 0 : i32
          %dma_start3A_219 = arith.constant 0 : i32
          %dma_start3A_220 = tpu.memref_slice %arg15[%dma_start3A_218, %dma_start3A_219] : memref<2x128xi32, #tpu.memory_space<vmem>> -> memref<1x128xi32, #tpu.memory_space<vmem>>
          %dma_start3A_221 = tpu.memref_squeeze %dma_start3A_220 : memref<1x128xi32, #tpu.memory_space<vmem>> -> memref<128xi32, #tpu.memory_space<vmem>>
          %dma_start3A_222 = arith.constant 0 : i32
          %dma_start3A_223 = arith.constant 0 : i32
          %dma_start3A_224 = tpu.memref_slice %arg24[%dma_start3A_222, %dma_start3A_223] : memref<10112x8xf32, #tpu.memory_space<vmem_shared>> -> memref<10112x8xf32, #tpu.memory_space<vmem_shared>>
          tpu.enqueue_indirect_dma source(%arg22 : memref<128x8xf32, #tpu.memory_space<vmem>>) target(%dma_start3A_224 : memref<10112x8xf32, #tpu.memory_space<vmem_shared>>) offsets(%dma_start3A_221 : memref<128xi32, #tpu.memory_space<vmem>>) semaphore(%arg28 : memref<!tpu.dma_semaphore, #tpu.memory_space<semaphore_mem>>) {add = true}
          %dma_start3A_225 = arith.constant 1 : i32
          %dma_start3A_226 = arith.constant 0 : i32
          %dma_start3A_227 = tpu.memref_slice %arg15[%dma_start3A_225, %dma_start3A_226] : memref<2x128xi32, #tpu.memory_space<vmem>> -> memref<1x128xi32, #tpu.memory_space<vmem>>
          %dma_start3A_228 = tpu.memref_squeeze %dma_start3A_227 : memref<1x128xi32, #tpu.memory_space<vmem>> -> memref<128xi32, #tpu.memory_space<vmem>>
          %dma_start3A_229 = arith.constant 0 : i32
          %dma_start3A_230 = arith.constant 0 : i32
          %dma_start3A_231 = tpu.memref_slice %arg24[%dma_start3A_229, %dma_start3A_230] : memref<10112x8xf32, #tpu.memory_space<vmem_shared>> -> memref<10112x8xf32, #tpu.memory_space<vmem_shared>>
          tpu.enqueue_indirect_dma source(%arg22 : memref<128x8xf32, #tpu.memory_space<vmem>>) target(%dma_start3A_231 : memref<10112x8xf32, #tpu.memory_space<vmem_shared>>) offsets(%dma_start3A_228 : memref<128xi32, #tpu.memory_space<vmem>>) semaphore(%arg28 : memref<!tpu.dma_semaphore, #tpu.memory_space<semaphore_mem>>) {add = true}
        } else {
        }
      } else {
      }
      %mul3A_121 = arith.constant 4 : i32
      %mul3A_122 = arith.muli %mul3A_121, %scan3A_24 : i32
      %add3A_123 = arith.constant 3 : i32
      %add3A_124 = arith.addi %mul3A_122, %add3A_123 : i32
      %mul3A_125 = arith.constant 16 : i32
      %mul3A_126 = arith.muli %add3A_124, %mul3A_125 : i32
      %add3A_127 = arith.addi %arg1, %mul3A_126 : i32
      %add3A_128 = arith.constant 48 : i32
      %add3A_129 = arith.addi %arg1, %add3A_128 : i32
      %ge3A_130 = arith.cmpi sge, %add3A_127, %add3A_129 : i32
      %sub3A_131 = arith.constant 48 : i32
      %sub3A_132 = arith.subi %add3A_127, %sub3A_131 : i32
      %lt3A_133 = arith.constant 1250 : i32
      %lt3A_134 = arith.cmpi slt, %sub3A_132, %lt3A_133 : i32
      %and3A_135 = arith.andi %ge3A_130, %lt3A_134 : i1
      %convert_element_type3A_136 = arith.extui %and3A_135 : i1 to i32
      %cond3A_137 = arith.constant 0 : i32
      %cond3A_138 = arith.cmpi ne, %convert_element_type3A_136, %cond3A_137 : i32
      scf.if %cond3A_138 {
        %dma_wait3A = arith.constant 0 : i32
        %dma_wait3A_154 = arith.constant 0 : i32
        %dma_wait3A_155 = arith.constant 0 : i32
        %dma_wait3A_156 = tpu.memref_slice %arg20[%dma_wait3A_154, %dma_wait3A_155] : memref<256x64xf32, #tpu.memory_space<vmem>> -> memref<128x64xf32, #tpu.memory_space<vmem>>
        %dma_wait3A_157 = arith.constant 0 : i32
        %dma_wait3A_158 = tpu.memref_slice %arg14[%dma_wait3A, %dma_wait3A_157] : memref<2x128xi32, #tpu.memory_space<vmem>> -> memref<1x128xi32, #tpu.memory_space<vmem>>
        %dma_wait3A_159 = tpu.memref_squeeze %dma_wait3A_158 : memref<1x128xi32, #tpu.memory_space<vmem>> -> memref<128xi32, #tpu.memory_space<vmem>>
        %dma_wait3A_160 = arith.constant 0 : i32
        %dma_wait3A_161 = arith.constant 0 : i32
        %dma_wait3A_162 = tpu.memref_slice %arg23[%dma_wait3A_160, %dma_wait3A_161] : memref<10112x64xf32, #tpu.memory_space<vmem_shared>> -> memref<10112x64xf32, #tpu.memory_space<vmem_shared>>
        tpu.wait_indirect_dma semaphore(%arg27 : memref<!tpu.dma_semaphore, #tpu.memory_space<semaphore_mem>>) src(%dma_wait3A_156 : memref<128x64xf32, #tpu.memory_space<vmem>>) dst(%dma_wait3A_162 : memref<10112x64xf32, #tpu.memory_space<vmem_shared>>)
        %dma_wait3A_163 = arith.constant 1 : i32
        %dma_wait3A_164 = arith.constant 128 : i32
        %dma_wait3A_165 = arith.constant 0 : i32
        %dma_wait3A_166 = tpu.memref_slice %arg20[%dma_wait3A_164, %dma_wait3A_165] : memref<256x64xf32, #tpu.memory_space<vmem>> -> memref<128x64xf32, #tpu.memory_space<vmem>>
        %dma_wait3A_167 = arith.constant 0 : i32
        %dma_wait3A_168 = tpu.memref_slice %arg14[%dma_wait3A_163, %dma_wait3A_167] : memref<2x128xi32, #tpu.memory_space<vmem>> -> memref<1x128xi32, #tpu.memory_space<vmem>>
        %dma_wait3A_169 = tpu.memref_squeeze %dma_wait3A_168 : memref<1x128xi32, #tpu.memory_space<vmem>> -> memref<128xi32, #tpu.memory_space<vmem>>
        %dma_wait3A_170 = arith.constant 0 : i32
        %dma_wait3A_171 = arith.constant 0 : i32
        %dma_wait3A_172 = tpu.memref_slice %arg23[%dma_wait3A_170, %dma_wait3A_171] : memref<10112x64xf32, #tpu.memory_space<vmem_shared>> -> memref<10112x64xf32, #tpu.memory_space<vmem_shared>>
        tpu.wait_indirect_dma semaphore(%arg27 : memref<!tpu.dma_semaphore, #tpu.memory_space<semaphore_mem>>) src(%dma_wait3A_166 : memref<128x64xf32, #tpu.memory_space<vmem>>) dst(%dma_wait3A_172 : memref<10112x64xf32, #tpu.memory_space<vmem_shared>>)
        %eq3A_173 = arith.constant 0 : i32
        %eq3A_174 = arith.cmpi eq, %arg0, %eq3A_173 : i32
        %convert_element_type3A_175 = arith.extui %eq3A_174 : i1 to i32
        %cond3A_176 = arith.constant 0 : i32
        %cond3A_177 = arith.cmpi ne, %convert_element_type3A_175, %cond3A_176 : i32
        scf.if %cond3A_177 {
          %dma_wait3A_178 = arith.constant 0 : i32
          %dma_wait3A_179 = arith.constant 0 : i32
          %dma_wait3A_180 = tpu.memref_slice %arg14[%dma_wait3A_178, %dma_wait3A_179] : memref<2x128xi32, #tpu.memory_space<vmem>> -> memref<1x128xi32, #tpu.memory_space<vmem>>
          %dma_wait3A_181 = tpu.memref_squeeze %dma_wait3A_180 : memref<1x128xi32, #tpu.memory_space<vmem>> -> memref<128xi32, #tpu.memory_space<vmem>>
          %dma_wait3A_182 = arith.constant 0 : i32
          %dma_wait3A_183 = arith.constant 0 : i32
          %dma_wait3A_184 = tpu.memref_slice %arg24[%dma_wait3A_182, %dma_wait3A_183] : memref<10112x8xf32, #tpu.memory_space<vmem_shared>> -> memref<10112x8xf32, #tpu.memory_space<vmem_shared>>
          tpu.wait_indirect_dma semaphore(%arg27 : memref<!tpu.dma_semaphore, #tpu.memory_space<semaphore_mem>>) src(%arg22 : memref<128x8xf32, #tpu.memory_space<vmem>>) dst(%dma_wait3A_184 : memref<10112x8xf32, #tpu.memory_space<vmem_shared>>)
          %dma_wait3A_185 = arith.constant 1 : i32
          %dma_wait3A_186 = arith.constant 0 : i32
          %dma_wait3A_187 = tpu.memref_slice %arg14[%dma_wait3A_185, %dma_wait3A_186] : memref<2x128xi32, #tpu.memory_space<vmem>> -> memref<1x128xi32, #tpu.memory_space<vmem>>
          %dma_wait3A_188 = tpu.memref_squeeze %dma_wait3A_187 : memref<1x128xi32, #tpu.memory_space<vmem>> -> memref<128xi32, #tpu.memory_space<vmem>>
          %dma_wait3A_189 = arith.constant 0 : i32
          %dma_wait3A_190 = arith.constant 0 : i32
          %dma_wait3A_191 = tpu.memref_slice %arg24[%dma_wait3A_189, %dma_wait3A_190] : memref<10112x8xf32, #tpu.memory_space<vmem_shared>> -> memref<10112x8xf32, #tpu.memory_space<vmem_shared>>
          tpu.wait_indirect_dma semaphore(%arg27 : memref<!tpu.dma_semaphore, #tpu.memory_space<semaphore_mem>>) src(%arg22 : memref<128x8xf32, #tpu.memory_space<vmem>>) dst(%dma_wait3A_191 : memref<10112x8xf32, #tpu.memory_space<vmem_shared>>)
        } else {
        }
      } else {
      }
      %lt3A_139 = arith.constant 1250 : i32
      %lt3A_140 = arith.cmpi slt, %add3A_127, %lt3A_139 : i32
      %convert_element_type3A_141 = arith.extui %lt3A_140 : i1 to i32
      %cond3A_142 = arith.constant 0 : i32
      %cond3A_143 = arith.cmpi ne, %convert_element_type3A_141, %cond3A_142 : i32
      scf.if %cond3A_143 {
        %mul3A_154 = arith.constant 16 : i32
        %mul3A_155 = arith.muli %add3A_124, %mul3A_154 : i32
        %add3A_156 = arith.addi %arg1, %mul3A_155 : i32
        %mul3A_157 = arith.constant 256 : i32
        %mul3A_158 = arith.muli %add3A_156, %mul3A_157 : i32
        %mul3A_159 = arith.constant 2 : i32
        %mul3A_160 = arith.muli %add3A_156, %mul3A_159 : i32
        %scan3A_161 = arith.constant 0 : i32
        %scan3A_162 = arith.constant 0 : i32
        %scan3A_163 = arith.constant 16 : i32
        %scan3A_164 = arith.addi %scan3A_162, %scan3A_163 : i32
        %scan3A_165 = arith.constant 1 : i32
        scf.for %scan3A_194 = %scan3A_162 to %scan3A_164 step %scan3A_165  : i32 {
          %mul3A_195 = arith.constant 16 : i32
          %mul3A_196 = arith.muli %scan3A_194, %mul3A_195 : i32
          %add3A_197 = arith.addi %mul3A_158, %mul3A_196 : i32
          %add3A_198 = vector.broadcast %add3A_197 : i32 to vector<16xi32>
          %add3A_199 = arith.addi %add3A_198, %iota3A : vector<16xi32>
          %mul3A_200 = arith.constant 2 : i32
          %mul3A_201 = vector.broadcast %mul3A_200 : i32 to vector<16xi32>
          %mul3A_202 = arith.muli %mul3A_201, %add3A_199 : vector<16xi32>
          %add3A_203 = vector.broadcast %arg0 : i32 to vector<16xi32>
          %add3A_204 = arith.addi %mul3A_202, %add3A_203 : vector<16xi32>
          %jit3A = arith.constant 8 : i32
          %div3A = arith.divsi %scan3A_194, %jit3A : i32
          %sign3A = arith.constant 0 : i32
          %sign3A_205 = arith.cmpi sgt, %scan3A_194, %sign3A : i32
          %sign3A_206 = arith.extui %sign3A_205 : i1 to i32
          %sign3A_207 = arith.constant 0 : i32
          %sign3A_208 = arith.cmpi slt, %scan3A_194, %sign3A_207 : i32
          %sign3A_209 = arith.extui %sign3A_208 : i1 to i32
          %sign3A_210 = arith.subi %sign3A_206, %sign3A_209 : i32
          %sign3A_211 = arith.constant 0 : i32
          %sign3A_212 = arith.cmpi sgt, %jit3A, %sign3A_211 : i32
          %sign3A_213 = arith.extui %sign3A_212 : i1 to i32
          %sign3A_214 = arith.constant 0 : i32
          %sign3A_215 = arith.cmpi slt, %jit3A, %sign3A_214 : i32
          %sign3A_216 = arith.extui %sign3A_215 : i1 to i32
          %sign3A_217 = arith.subi %sign3A_213, %sign3A_216 : i32
          %ne3A = arith.cmpi ne, %sign3A_210, %sign3A_217 : i32
          %rem3A = arith.remsi %scan3A_194, %jit3A : i32
          %ne3A_218 = arith.constant 0 : i32
          %ne3A_219 = arith.cmpi ne, %rem3A, %ne3A_218 : i32
          %and3A_220 = arith.andi %ne3A, %ne3A_219 : i1
          %sub3A_221 = arith.constant 1 : i32
          %sub3A_222 = arith.subi %div3A, %sub3A_221 : i32
          %select_n3A = arith.select %and3A_220, %sub3A_222, %div3A : i32
          %jit3A_223 = arith.constant 8 : i32
          %eq3A_224 = arith.constant 0 : i32
          %eq3A_225 = arith.cmpi eq, %jit3A_223, %eq3A_224 : i32
          %jit3A_226 = arith.constant 1 : i32
          %select_n3A_227 = arith.select %eq3A_225, %jit3A_226, %jit3A_223 : i32
          %rem3A_228 = arith.remsi %scan3A_194, %select_n3A_227 : i32
          %ne3A_229 = arith.constant 0 : i32
          %ne3A_230 = arith.cmpi ne, %rem3A_228, %ne3A_229 : i32
          %lt3A_231 = arith.constant 0 : i32
          %lt3A_232 = arith.cmpi slt, %rem3A_228, %lt3A_231 : i32
          %lt3A_233 = arith.constant 0 : i32
          %lt3A_234 = arith.cmpi slt, %select_n3A_227, %lt3A_233 : i32
          %ne3A_235 = arith.xori %lt3A_232, %lt3A_234 : i1
          %and3A_236 = arith.andi %ne3A_235, %ne3A_230 : i1
          %add3A_237 = arith.addi %rem3A_228, %select_n3A_227 : i32
          %select_n3A_238 = arith.select %and3A_236, %add3A_237, %rem3A_228 : i32
          %mul3A_239 = arith.constant 16 : i32
          %mul3A_240 = arith.muli %select_n3A_238, %mul3A_239 : i32
          %swap3A = arith.index_cast %select_n3A : i32 to index
          %swap3A_241 = arith.index_cast %mul3A_240 : i32 to index
          %swap3A_242 = tpu.vector_load %arg13[%swap3A, %swap3A_241] {strides = array<i32>} : memref<2x128xi32, #tpu.memory_space<vmem>>, vector<1x16xi32>,
          %swap3A_243 = vector.shape_cast %swap3A_242 : vector<1x16xi32> to vector<16xi32>
          %swap3A_244 = vector.shape_cast %add3A_204 : vector<16xi32> to vector<1x16xi32>
          tpu.vector_store %arg13[%swap3A, %swap3A_241], %swap3A_244 {strides = array<i32>} : memref<2x128xi32, #tpu.memory_space<vmem>>, vector<1x16xi32>,
        }
        %scan3A_166 = arith.constant 16 : i32
        %dma_start3A = arith.constant 0 : i32
        %dma_start3A_167 = tpu.memref_slice %arg3[%mul3A_160, %dma_start3A] : memref<2500x128xi32, #tpu.memory_space<hbm>> -> memref<2x128xi32, #tpu.memory_space<hbm>>
        %dma_start3A_168 = arith.constant 0 : i32
        %dma_start3A_169 = tpu.memref_slice %arg3[%mul3A_160, %dma_start3A_168] : memref<2500x128xi32, #tpu.memory_space<hbm>> -> memref<2x128xi32, #tpu.memory_space<hbm>>
        tpu.enqueue_dma source(%dma_start3A_169 : memref<2x128xi32, #tpu.memory_space<hbm>>) target(%arg17 : memref<2x128xi32, #tpu.memory_space<vmem>>) target_semaphore(%arg26 : memref<!tpu.dma_semaphore, #tpu.memory_space<semaphore_mem>>)
        %dma_start3A_170 = arith.constant 0 : i32
        %dma_start3A_171 = tpu.memref_slice %arg4[%mul3A_160, %dma_start3A_170] : memref<2500x128xf32, #tpu.memory_space<hbm>> -> memref<2x128xf32, #tpu.memory_space<hbm>>
        %dma_start3A_172 = arith.constant 0 : i32
        %dma_start3A_173 = tpu.memref_slice %arg4[%mul3A_160, %dma_start3A_172] : memref<2500x128xf32, #tpu.memory_space<hbm>> -> memref<2x128xf32, #tpu.memory_space<hbm>>
        tpu.enqueue_dma source(%dma_start3A_173 : memref<2x128xf32, #tpu.memory_space<hbm>>) target(%arg19 : memref<2x128xf32, #tpu.memory_space<vmem>>) target_semaphore(%arg26 : memref<!tpu.dma_semaphore, #tpu.memory_space<semaphore_mem>>)
        %dma_start3A_174 = arith.constant 0 : i32
        %dma_start3A_175 = arith.constant 0 : i32
        %dma_start3A_176 = arith.constant 0 : i32
        %dma_start3A_177 = tpu.memref_slice %arg11[%dma_start3A_175, %dma_start3A_176] : memref<256x64xf32, #tpu.memory_space<vmem>> -> memref<128x64xf32, #tpu.memory_space<vmem>>
        %dma_start3A_178 = arith.constant 0 : i32
        %dma_start3A_179 = tpu.memref_slice %arg13[%dma_start3A_174, %dma_start3A_178] : memref<2x128xi32, #tpu.memory_space<vmem>> -> memref<1x128xi32, #tpu.memory_space<vmem>>
        %dma_start3A_180 = tpu.memref_squeeze %dma_start3A_179 : memref<1x128xi32, #tpu.memory_space<vmem>> -> memref<128xi32, #tpu.memory_space<vmem>>
        %dma_start3A_181 = arith.constant 0 : i32
        %dma_start3A_182 = arith.constant 0 : i32
        %dma_start3A_183 = tpu.memref_slice %arg2[%dma_start3A_181, %dma_start3A_182] : memref<640000x64xf32, #tpu.memory_space<hbm>> -> memref<640000x64xf32, #tpu.memory_space<hbm>>
        tpu.enqueue_indirect_dma source(%dma_start3A_183 : memref<640000x64xf32, #tpu.memory_space<hbm>>) target(%dma_start3A_177 : memref<128x64xf32, #tpu.memory_space<vmem>>) offsets(%dma_start3A_180 : memref<128xi32, #tpu.memory_space<vmem>>) semaphore(%arg26 : memref<!tpu.dma_semaphore, #tpu.memory_space<semaphore_mem>>)
        %dma_start3A_184 = arith.constant 1 : i32
        %dma_start3A_185 = arith.constant 128 : i32
        %dma_start3A_186 = arith.constant 0 : i32
        %dma_start3A_187 = tpu.memref_slice %arg11[%dma_start3A_185, %dma_start3A_186] : memref<256x64xf32, #tpu.memory_space<vmem>> -> memref<128x64xf32, #tpu.memory_space<vmem>>
        %dma_start3A_188 = arith.constant 0 : i32
        %dma_start3A_189 = tpu.memref_slice %arg13[%dma_start3A_184, %dma_start3A_188] : memref<2x128xi32, #tpu.memory_space<vmem>> -> memref<1x128xi32, #tpu.memory_space<vmem>>
        %dma_start3A_190 = tpu.memref_squeeze %dma_start3A_189 : memref<1x128xi32, #tpu.memory_space<vmem>> -> memref<128xi32, #tpu.memory_space<vmem>>
        %dma_start3A_191 = arith.constant 0 : i32
        %dma_start3A_192 = arith.constant 0 : i32
        %dma_start3A_193 = tpu.memref_slice %arg2[%dma_start3A_191, %dma_start3A_192] : memref<640000x64xf32, #tpu.memory_space<hbm>> -> memref<640000x64xf32, #tpu.memory_space<hbm>>
        tpu.enqueue_indirect_dma source(%dma_start3A_193 : memref<640000x64xf32, #tpu.memory_space<hbm>>) target(%dma_start3A_187 : memref<128x64xf32, #tpu.memory_space<vmem>>) offsets(%dma_start3A_190 : memref<128xi32, #tpu.memory_space<vmem>>) semaphore(%arg26 : memref<!tpu.dma_semaphore, #tpu.memory_space<semaphore_mem>>)
      } else {
      }
      %ge3A_144 = arith.constant 1 : i32
      %ge3A_145 = arith.cmpi sge, %add3A_124, %ge3A_144 : i32
      %sub3A_146 = arith.constant 16 : i32
      %sub3A_147 = arith.subi %add3A_127, %sub3A_146 : i32
      %lt3A_148 = arith.constant 1250 : i32
      %lt3A_149 = arith.cmpi slt, %sub3A_147, %lt3A_148 : i32
      %and3A_150 = arith.andi %ge3A_145, %lt3A_149 : i1
      %convert_element_type3A_151 = arith.extui %and3A_150 : i1 to i32
      %cond3A_152 = arith.constant 0 : i32
      %cond3A_153 = arith.cmpi ne, %convert_element_type3A_151, %cond3A_152 : i32
      scf.if %cond3A_153 {
        %sub3A_154 = arith.constant 1 : i32
        %sub3A_155 = arith.subi %add3A_124, %sub3A_154 : i32
        %mul3A_156 = arith.constant 16 : i32
        %mul3A_157 = arith.muli %sub3A_155, %mul3A_156 : i32
        %add3A_158 = arith.addi %arg1, %mul3A_157 : i32
        %mul3A_159 = arith.constant 2 : i32
        %mul3A_160 = arith.muli %add3A_158, %mul3A_159 : i32
        %dma_wait3A = arith.constant 0 : i32
        %dma_wait3A_161 = tpu.memref_slice %arg3[%mul3A_160, %dma_wait3A] : memref<2500x128xi32, #tpu.memory_space<hbm>> -> memref<2x128xi32, #tpu.memory_space<hbm>>
        %dma_wait3A_162 = arith.constant 0 : i32
        %dma_wait3A_163 = tpu.memref_slice %arg3[%mul3A_160, %dma_wait3A_162] : memref<2500x128xi32, #tpu.memory_space<hbm>> -> memref<2x128xi32, #tpu.memory_space<hbm>>
        tpu.wait_dma2 semaphore(%arg25 : memref<!tpu.dma_semaphore, #tpu.memory_space<semaphore_mem>>) src(%dma_wait3A_163 : memref<2x128xi32, #tpu.memory_space<hbm>>) dst(%arg16 : memref<2x128xi32, #tpu.memory_space<vmem>>)
        %dma_wait3A_164 = arith.constant 0 : i32
        %dma_wait3A_165 = tpu.memref_slice %arg4[%mul3A_160, %dma_wait3A_164] : memref<2500x128xf32, #tpu.memory_space<hbm>> -> memref<2x128xf32, #tpu.memory_space<hbm>>
        %dma_wait3A_166 = arith.constant 0 : i32
        %dma_wait3A_167 = tpu.memref_slice %arg4[%mul3A_160, %dma_wait3A_166] : memref<2500x128xf32, #tpu.memory_space<hbm>> -> memref<2x128xf32, #tpu.memory_space<hbm>>
        tpu.wait_dma2 semaphore(%arg25 : memref<!tpu.dma_semaphore, #tpu.memory_space<semaphore_mem>>) src(%dma_wait3A_167 : memref<2x128xf32, #tpu.memory_space<hbm>>) dst(%arg18 : memref<2x128xf32, #tpu.memory_space<vmem>>)
        %dma_wait3A_168 = arith.constant 0 : i32
        %dma_wait3A_169 = arith.constant 0 : i32
        %dma_wait3A_170 = arith.constant 0 : i32
        %dma_wait3A_171 = tpu.memref_slice %arg10[%dma_wait3A_169, %dma_wait3A_170] : memref<256x64xf32, #tpu.memory_space<vmem>> -> memref<128x64xf32, #tpu.memory_space<vmem>>
        %dma_wait3A_172 = arith.constant 0 : i32
        %dma_wait3A_173 = tpu.memref_slice %arg12[%dma_wait3A_168, %dma_wait3A_172] : memref<2x128xi32, #tpu.memory_space<vmem>> -> memref<1x128xi32, #tpu.memory_space<vmem>>
        %dma_wait3A_174 = tpu.memref_squeeze %dma_wait3A_173 : memref<1x128xi32, #tpu.memory_space<vmem>> -> memref<128xi32, #tpu.memory_space<vmem>>
        %dma_wait3A_175 = arith.constant 0 : i32
        %dma_wait3A_176 = arith.constant 0 : i32
        %dma_wait3A_177 = tpu.memref_slice %arg2[%dma_wait3A_175, %dma_wait3A_176] : memref<640000x64xf32, #tpu.memory_space<hbm>> -> memref<640000x64xf32, #tpu.memory_space<hbm>>
        tpu.wait_indirect_dma semaphore(%arg25 : memref<!tpu.dma_semaphore, #tpu.memory_space<semaphore_mem>>) src(%dma_wait3A_177 : memref<640000x64xf32, #tpu.memory_space<hbm>>) dst(%dma_wait3A_171 : memref<128x64xf32, #tpu.memory_space<vmem>>)
        %dma_wait3A_178 = arith.constant 1 : i32
        %dma_wait3A_179 = arith.constant 128 : i32
        %dma_wait3A_180 = arith.constant 0 : i32
        %dma_wait3A_181 = tpu.memref_slice %arg10[%dma_wait3A_179, %dma_wait3A_180] : memref<256x64xf32, #tpu.memory_space<vmem>> -> memref<128x64xf32, #tpu.memory_space<vmem>>
        %dma_wait3A_182 = arith.constant 0 : i32
        %dma_wait3A_183 = tpu.memref_slice %arg12[%dma_wait3A_178, %dma_wait3A_182] : memref<2x128xi32, #tpu.memory_space<vmem>> -> memref<1x128xi32, #tpu.memory_space<vmem>>
        %dma_wait3A_184 = tpu.memref_squeeze %dma_wait3A_183 : memref<1x128xi32, #tpu.memory_space<vmem>> -> memref<128xi32, #tpu.memory_space<vmem>>
        %dma_wait3A_185 = arith.constant 0 : i32
        %dma_wait3A_186 = arith.constant 0 : i32
        %dma_wait3A_187 = tpu.memref_slice %arg2[%dma_wait3A_185, %dma_wait3A_186] : memref<640000x64xf32, #tpu.memory_space<hbm>> -> memref<640000x64xf32, #tpu.memory_space<hbm>>
        tpu.wait_indirect_dma semaphore(%arg25 : memref<!tpu.dma_semaphore, #tpu.memory_space<semaphore_mem>>) src(%dma_wait3A_187 : memref<640000x64xf32, #tpu.memory_space<hbm>>) dst(%dma_wait3A_181 : memref<128x64xf32, #tpu.memory_space<vmem>>)
        %scan3A_188 = arith.constant 0 : i32
        %scan3A_189 = arith.constant 0 : i32
        %scan3A_190 = arith.constant 16 : i32
        %scan3A_191 = arith.addi %scan3A_189, %scan3A_190 : i32
        %scan3A_192 = arith.constant 1 : i32
        scf.for %scan3A_218 = %scan3A_189 to %scan3A_191 step %scan3A_192  : i32 {
          %jit3A = arith.constant 8 : i32
          %div3A = arith.divsi %scan3A_218, %jit3A : i32
          %sign3A = arith.constant 0 : i32
          %sign3A_219 = arith.cmpi sgt, %scan3A_218, %sign3A : i32
          %sign3A_220 = arith.extui %sign3A_219 : i1 to i32
          %sign3A_221 = arith.constant 0 : i32
          %sign3A_222 = arith.cmpi slt, %scan3A_218, %sign3A_221 : i32
          %sign3A_223 = arith.extui %sign3A_222 : i1 to i32
          %sign3A_224 = arith.subi %sign3A_220, %sign3A_223 : i32
          %sign3A_225 = arith.constant 0 : i32
          %sign3A_226 = arith.cmpi sgt, %jit3A, %sign3A_225 : i32
          %sign3A_227 = arith.extui %sign3A_226 : i1 to i32
          %sign3A_228 = arith.constant 0 : i32
          %sign3A_229 = arith.cmpi slt, %jit3A, %sign3A_228 : i32
          %sign3A_230 = arith.extui %sign3A_229 : i1 to i32
          %sign3A_231 = arith.subi %sign3A_227, %sign3A_230 : i32
          %ne3A = arith.cmpi ne, %sign3A_224, %sign3A_231 : i32
          %rem3A = arith.remsi %scan3A_218, %jit3A : i32
          %ne3A_232 = arith.constant 0 : i32
          %ne3A_233 = arith.cmpi ne, %rem3A, %ne3A_232 : i32
          %and3A_234 = arith.andi %ne3A, %ne3A_233 : i1
          %sub3A_235 = arith.constant 1 : i32
          %sub3A_236 = arith.subi %div3A, %sub3A_235 : i32
          %select_n3A = arith.select %and3A_234, %sub3A_236, %div3A : i32
          %jit3A_237 = arith.constant 8 : i32
          %eq3A_238 = arith.constant 0 : i32
          %eq3A_239 = arith.cmpi eq, %jit3A_237, %eq3A_238 : i32
          %jit3A_240 = arith.constant 1 : i32
          %select_n3A_241 = arith.select %eq3A_239, %jit3A_240, %jit3A_237 : i32
          %rem3A_242 = arith.remsi %scan3A_218, %select_n3A_241 : i32
          %ne3A_243 = arith.constant 0 : i32
          %ne3A_244 = arith.cmpi ne, %rem3A_242, %ne3A_243 : i32
          %lt3A_245 = arith.constant 0 : i32
          %lt3A_246 = arith.cmpi slt, %rem3A_242, %lt3A_245 : i32
          %lt3A_247 = arith.constant 0 : i32
          %lt3A_248 = arith.cmpi slt, %select_n3A_241, %lt3A_247 : i32
          %ne3A_249 = arith.xori %lt3A_246, %lt3A_248 : i1
          %and3A_250 = arith.andi %ne3A_249, %ne3A_244 : i1
          %add3A_251 = arith.addi %rem3A_242, %select_n3A_241 : i32
          %select_n3A_252 = arith.select %and3A_250, %add3A_251, %rem3A_242 : i32
          %mul3A_253 = arith.constant 16 : i32
          %mul3A_254 = arith.muli %select_n3A_252, %mul3A_253 : i32
          %get3A = arith.index_cast %select_n3A : i32 to index
          %get3A_255 = arith.index_cast %mul3A_254 : i32 to index
          %get3A_256 = tpu.vector_load %arg18[%get3A, %get3A_255] {strides = array<i32>} : memref<2x128xf32, #tpu.memory_space<vmem>>, vector<1x16xf32>,
          %get3A_257 = vector.shape_cast %get3A_256 : vector<1x16xf32> to vector<16xf32>
          %mul3A_258 = arith.constant 16 : i32
          %mul3A_259 = arith.muli %scan3A_218, %mul3A_258 : i32
          %add3A_260 = arith.constant 0 : i32
          %add3A_261 = arith.addi %mul3A_259, %add3A_260 : i32
          %add3A_262 = arith.constant 1 : i32
          %add3A_263 = arith.addi %add3A_261, %add3A_262 : i32
          %slice3A = vector.extract_strided_slice %get3A_257 {offsets = [0], sizes = [1], strides = [1]} : vector<16xf32> to vector<1xf32>
          %squeeze3A = vector.extract %slice3A[0] : f32 from vector<1xf32>
          %slice3A_264 = vector.extract_strided_slice %get3A_257 {offsets = [1], sizes = [1], strides = [1]} : vector<16xf32> to vector<1xf32>
          %squeeze3A_265 = vector.extract %slice3A_264[0] : f32 from vector<1xf32>
          %get3A_266 = arith.index_cast %add3A_261 : i32 to index
          %get3A_267 = arith.constant 0 : index
          %get3A_268 = tpu.vector_load %arg10[%get3A_266, %get3A_267] {strides = array<i32>} : memref<256x64xf32, #tpu.memory_space<vmem>>, vector<1x16xf32>,
          %get3A_269 = vector.shape_cast %get3A_268 : vector<1x16xf32> to vector<16xf32>
          %get3A_270 = arith.index_cast %add3A_261 : i32 to index
          %get3A_271 = arith.constant 16 : index
          %get3A_272 = tpu.vector_load %arg10[%get3A_270, %get3A_271] {strides = array<i32>} : memref<256x64xf32, #tpu.memory_space<vmem>>, vector<1x16xf32>,
          %get3A_273 = vector.shape_cast %get3A_272 : vector<1x16xf32> to vector<16xf32>
          %get3A_274 = arith.index_cast %add3A_261 : i32 to index
          %get3A_275 = arith.constant 32 : index
          %get3A_276 = tpu.vector_load %arg10[%get3A_274, %get3A_275] {strides = array<i32>} : memref<256x64xf32, #tpu.memory_space<vmem>>, vector<1x16xf32>,
          %get3A_277 = vector.shape_cast %get3A_276 : vector<1x16xf32> to vector<16xf32>
          %get3A_278 = arith.index_cast %add3A_261 : i32 to index
          %get3A_279 = arith.constant 48 : index
          %get3A_280 = tpu.vector_load %arg10[%get3A_278, %get3A_279] {strides = array<i32>} : memref<256x64xf32, #tpu.memory_space<vmem>>, vector<1x16xf32>,
          %get3A_281 = vector.shape_cast %get3A_280 : vector<1x16xf32> to vector<16xf32>
          %get3A_282 = arith.index_cast %add3A_263 : i32 to index
          %get3A_283 = arith.constant 0 : index
          %get3A_284 = tpu.vector_load %arg10[%get3A_282, %get3A_283] {strides = array<i32>} : memref<256x64xf32, #tpu.memory_space<vmem>>, vector<1x16xf32>,
          %get3A_285 = vector.shape_cast %get3A_284 : vector<1x16xf32> to vector<16xf32>
          %get3A_286 = arith.index_cast %add3A_263 : i32 to index
          %get3A_287 = arith.constant 16 : index
          %get3A_288 = tpu.vector_load %arg10[%get3A_286, %get3A_287] {strides = array<i32>} : memref<256x64xf32, #tpu.memory_space<vmem>>, vector<1x16xf32>,
          %get3A_289 = vector.shape_cast %get3A_288 : vector<1x16xf32> to vector<16xf32>
          %get3A_290 = arith.index_cast %add3A_263 : i32 to index
          %get3A_291 = arith.constant 32 : index
          %get3A_292 = tpu.vector_load %arg10[%get3A_290, %get3A_291] {strides = array<i32>} : memref<256x64xf32, #tpu.memory_space<vmem>>, vector<1x16xf32>,
          %get3A_293 = vector.shape_cast %get3A_292 : vector<1x16xf32> to vector<16xf32>
          %get3A_294 = arith.index_cast %add3A_263 : i32 to index
          %get3A_295 = arith.constant 48 : index
          %get3A_296 = tpu.vector_load %arg10[%get3A_294, %get3A_295] {strides = array<i32>} : memref<256x64xf32, #tpu.memory_space<vmem>>, vector<1x16xf32>,
          %get3A_297 = vector.shape_cast %get3A_296 : vector<1x16xf32> to vector<16xf32>
          %mul3A_298 = vector.broadcast %squeeze3A : f32 to vector<16xf32>
          %mul3A_299 = arith.mulf %get3A_269, %mul3A_298 : vector<16xf32>
          %swap3A = arith.index_cast %add3A_261 : i32 to index
          %swap3A_300 = arith.constant 0 : index
          %swap3A_301 = tpu.vector_load %arg20[%swap3A, %swap3A_300] {strides = array<i32>} : memref<256x64xf32, #tpu.memory_space<vmem>>, vector<1x16xf32>,
          %swap3A_302 = vector.shape_cast %swap3A_301 : vector<1x16xf32> to vector<16xf32>
          %swap3A_303 = vector.shape_cast %mul3A_299 : vector<16xf32> to vector<1x16xf32>
          tpu.vector_store %arg20[%swap3A, %swap3A_300], %swap3A_303 {strides = array<i32>} : memref<256x64xf32, #tpu.memory_space<vmem>>, vector<1x16xf32>,
          %mul3A_304 = vector.broadcast %squeeze3A : f32 to vector<16xf32>
          %mul3A_305 = arith.mulf %get3A_273, %mul3A_304 : vector<16xf32>
          %swap3A_306 = arith.index_cast %add3A_261 : i32 to index
          %swap3A_307 = arith.constant 16 : index
          %swap3A_308 = tpu.vector_load %arg20[%swap3A_306, %swap3A_307] {strides = array<i32>} : memref<256x64xf32, #tpu.memory_space<vmem>>, vector<1x16xf32>,
          %swap3A_309 = vector.shape_cast %swap3A_308 : vector<1x16xf32> to vector<16xf32>
          %swap3A_310 = vector.shape_cast %mul3A_305 : vector<16xf32> to vector<1x16xf32>
          tpu.vector_store %arg20[%swap3A_306, %swap3A_307], %swap3A_310 {strides = array<i32>} : memref<256x64xf32, #tpu.memory_space<vmem>>, vector<1x16xf32>,
          %mul3A_311 = vector.broadcast %squeeze3A : f32 to vector<16xf32>
          %mul3A_312 = arith.mulf %get3A_277, %mul3A_311 : vector<16xf32>
          %swap3A_313 = arith.index_cast %add3A_261 : i32 to index
          %swap3A_314 = arith.constant 32 : index
          %swap3A_315 = tpu.vector_load %arg20[%swap3A_313, %swap3A_314] {strides = array<i32>} : memref<256x64xf32, #tpu.memory_space<vmem>>, vector<1x16xf32>,
          %swap3A_316 = vector.shape_cast %swap3A_315 : vector<1x16xf32> to vector<16xf32>
          %swap3A_317 = vector.shape_cast %mul3A_312 : vector<16xf32> to vector<1x16xf32>
          tpu.vector_store %arg20[%swap3A_313, %swap3A_314], %swap3A_317 {strides = array<i32>} : memref<256x64xf32, #tpu.memory_space<vmem>>, vector<1x16xf32>,
          %mul3A_318 = vector.broadcast %squeeze3A : f32 to vector<16xf32>
          %mul3A_319 = arith.mulf %get3A_281, %mul3A_318 : vector<16xf32>
          %swap3A_320 = arith.index_cast %add3A_261 : i32 to index
          %swap3A_321 = arith.constant 48 : index
          %swap3A_322 = tpu.vector_load %arg20[%swap3A_320, %swap3A_321] {strides = array<i32>} : memref<256x64xf32, #tpu.memory_space<vmem>>, vector<1x16xf32>,
          %swap3A_323 = vector.shape_cast %swap3A_322 : vector<1x16xf32> to vector<16xf32>
          %swap3A_324 = vector.shape_cast %mul3A_319 : vector<16xf32> to vector<1x16xf32>
          tpu.vector_store %arg20[%swap3A_320, %swap3A_321], %swap3A_324 {strides = array<i32>} : memref<256x64xf32, #tpu.memory_space<vmem>>, vector<1x16xf32>,
          %mul3A_325 = vector.broadcast %squeeze3A_265 : f32 to vector<16xf32>
          %mul3A_326 = arith.mulf %get3A_285, %mul3A_325 : vector<16xf32>
          %swap3A_327 = arith.index_cast %add3A_263 : i32 to index
          %swap3A_328 = arith.constant 0 : index
          %swap3A_329 = tpu.vector_load %arg20[%swap3A_327, %swap3A_328] {strides = array<i32>} : memref<256x64xf32, #tpu.memory_space<vmem>>, vector<1x16xf32>,
          %swap3A_330 = vector.shape_cast %swap3A_329 : vector<1x16xf32> to vector<16xf32>
          %swap3A_331 = vector.shape_cast %mul3A_326 : vector<16xf32> to vector<1x16xf32>
          tpu.vector_store %arg20[%swap3A_327, %swap3A_328], %swap3A_331 {strides = array<i32>} : memref<256x64xf32, #tpu.memory_space<vmem>>, vector<1x16xf32>,
          %mul3A_332 = vector.broadcast %squeeze3A_265 : f32 to vector<16xf32>
          %mul3A_333 = arith.mulf %get3A_289, %mul3A_332 : vector<16xf32>
          %swap3A_334 = arith.index_cast %add3A_263 : i32 to index
          %swap3A_335 = arith.constant 16 : index
          %swap3A_336 = tpu.vector_load %arg20[%swap3A_334, %swap3A_335] {strides = array<i32>} : memref<256x64xf32, #tpu.memory_space<vmem>>, vector<1x16xf32>,
          %swap3A_337 = vector.shape_cast %swap3A_336 : vector<1x16xf32> to vector<16xf32>
          %swap3A_338 = vector.shape_cast %mul3A_333 : vector<16xf32> to vector<1x16xf32>
          tpu.vector_store %arg20[%swap3A_334, %swap3A_335], %swap3A_338 {strides = array<i32>} : memref<256x64xf32, #tpu.memory_space<vmem>>, vector<1x16xf32>,
          %mul3A_339 = vector.broadcast %squeeze3A_265 : f32 to vector<16xf32>
          %mul3A_340 = arith.mulf %get3A_293, %mul3A_339 : vector<16xf32>
          %swap3A_341 = arith.index_cast %add3A_263 : i32 to index
          %swap3A_342 = arith.constant 32 : index
          %swap3A_343 = tpu.vector_load %arg20[%swap3A_341, %swap3A_342] {strides = array<i32>} : memref<256x64xf32, #tpu.memory_space<vmem>>, vector<1x16xf32>,
          %swap3A_344 = vector.shape_cast %swap3A_343 : vector<1x16xf32> to vector<16xf32>
          %swap3A_345 = vector.shape_cast %mul3A_340 : vector<16xf32> to vector<1x16xf32>
          tpu.vector_store %arg20[%swap3A_341, %swap3A_342], %swap3A_345 {strides = array<i32>} : memref<256x64xf32, #tpu.memory_space<vmem>>, vector<1x16xf32>,
          %mul3A_346 = vector.broadcast %squeeze3A_265 : f32 to vector<16xf32>
          %mul3A_347 = arith.mulf %get3A_297, %mul3A_346 : vector<16xf32>
          %swap3A_348 = arith.index_cast %add3A_263 : i32 to index
          %swap3A_349 = arith.constant 48 : index
          %swap3A_350 = tpu.vector_load %arg20[%swap3A_348, %swap3A_349] {strides = array<i32>} : memref<256x64xf32, #tpu.memory_space<vmem>>, vector<1x16xf32>,
          %swap3A_351 = vector.shape_cast %swap3A_350 : vector<1x16xf32> to vector<16xf32>
          %swap3A_352 = vector.shape_cast %mul3A_347 : vector<16xf32> to vector<1x16xf32>
          tpu.vector_store %arg20[%swap3A_348, %swap3A_349], %swap3A_352 {strides = array<i32>} : memref<256x64xf32, #tpu.memory_space<vmem>>, vector<1x16xf32>,
          %mul3A_353 = arith.constant 16 : i32
          %mul3A_354 = arith.muli %scan3A_218, %mul3A_353 : i32
          %add3A_355 = arith.constant 2 : i32
          %add3A_356 = arith.addi %mul3A_354, %add3A_355 : i32
          %add3A_357 = arith.constant 1 : i32
          %add3A_358 = arith.addi %add3A_356, %add3A_357 : i32
          %slice3A_359 = vector.extract_strided_slice %get3A_257 {offsets = [2], sizes = [1], strides = [1]} : vector<16xf32> to vector<1xf32>
          %squeeze3A_360 = vector.extract %slice3A_359[0] : f32 from vector<1xf32>
          %slice3A_361 = vector.extract_strided_slice %get3A_257 {offsets = [3], sizes = [1], strides = [1]} : vector<16xf32> to vector<1xf32>
          %squeeze3A_362 = vector.extract %slice3A_361[0] : f32 from vector<1xf32>
          %get3A_363 = arith.index_cast %add3A_356 : i32 to index
          %get3A_364 = arith.constant 0 : index
          %get3A_365 = tpu.vector_load %arg10[%get3A_363, %get3A_364] {strides = array<i32>} : memref<256x64xf32, #tpu.memory_space<vmem>>, vector<1x16xf32>,
          %get3A_366 = vector.shape_cast %get3A_365 : vector<1x16xf32> to vector<16xf32>
          %get3A_367 = arith.index_cast %add3A_356 : i32 to index
          %get3A_368 = arith.constant 16 : index
          %get3A_369 = tpu.vector_load %arg10[%get3A_367, %get3A_368] {strides = array<i32>} : memref<256x64xf32, #tpu.memory_space<vmem>>, vector<1x16xf32>,
          %get3A_370 = vector.shape_cast %get3A_369 : vector<1x16xf32> to vector<16xf32>
          %get3A_371 = arith.index_cast %add3A_356 : i32 to index
          %get3A_372 = arith.constant 32 : index
          %get3A_373 = tpu.vector_load %arg10[%get3A_371, %get3A_372] {strides = array<i32>} : memref<256x64xf32, #tpu.memory_space<vmem>>, vector<1x16xf32>,
          %get3A_374 = vector.shape_cast %get3A_373 : vector<1x16xf32> to vector<16xf32>
          %get3A_375 = arith.index_cast %add3A_356 : i32 to index
          %get3A_376 = arith.constant 48 : index
          %get3A_377 = tpu.vector_load %arg10[%get3A_375, %get3A_376] {strides = array<i32>} : memref<256x64xf32, #tpu.memory_space<vmem>>, vector<1x16xf32>,
          %get3A_378 = vector.shape_cast %get3A_377 : vector<1x16xf32> to vector<16xf32>
          %get3A_379 = arith.index_cast %add3A_358 : i32 to index
          %get3A_380 = arith.constant 0 : index
          %get3A_381 = tpu.vector_load %arg10[%get3A_379, %get3A_380] {strides = array<i32>} : memref<256x64xf32, #tpu.memory_space<vmem>>, vector<1x16xf32>,
          %get3A_382 = vector.shape_cast %get3A_381 : vector<1x16xf32> to vector<16xf32>
          %get3A_383 = arith.index_cast %add3A_358 : i32 to index
          %get3A_384 = arith.constant 16 : index
          %get3A_385 = tpu.vector_load %arg10[%get3A_383, %get3A_384] {strides = array<i32>} : memref<256x64xf32, #tpu.memory_space<vmem>>, vector<1x16xf32>,
          %get3A_386 = vector.shape_cast %get3A_385 : vector<1x16xf32> to vector<16xf32>
          %get3A_387 = arith.index_cast %add3A_358 : i32 to index
          %get3A_388 = arith.constant 32 : index
          %get3A_389 = tpu.vector_load %arg10[%get3A_387, %get3A_388] {strides = array<i32>} : memref<256x64xf32, #tpu.memory_space<vmem>>, vector<1x16xf32>,
          %get3A_390 = vector.shape_cast %get3A_389 : vector<1x16xf32> to vector<16xf32>
          %get3A_391 = arith.index_cast %add3A_358 : i32 to index
          %get3A_392 = arith.constant 48 : index
          %get3A_393 = tpu.vector_load %arg10[%get3A_391, %get3A_392] {strides = array<i32>} : memref<256x64xf32, #tpu.memory_space<vmem>>, vector<1x16xf32>,
          %get3A_394 = vector.shape_cast %get3A_393 : vector<1x16xf32> to vector<16xf32>
          %mul3A_395 = vector.broadcast %squeeze3A_360 : f32 to vector<16xf32>
          %mul3A_396 = arith.mulf %get3A_366, %mul3A_395 : vector<16xf32>
          %swap3A_397 = arith.index_cast %add3A_356 : i32 to index
          %swap3A_398 = arith.constant 0 : index
          %swap3A_399 = tpu.vector_load %arg20[%swap3A_397, %swap3A_398] {strides = array<i32>} : memref<256x64xf32, #tpu.memory_space<vmem>>, vector<1x16xf32>,
          %swap3A_400 = vector.shape_cast %swap3A_399 : vector<1x16xf32> to vector<16xf32>
          %swap3A_401 = vector.shape_cast %mul3A_396 : vector<16xf32> to vector<1x16xf32>
          tpu.vector_store %arg20[%swap3A_397, %swap3A_398], %swap3A_401 {strides = array<i32>} : memref<256x64xf32, #tpu.memory_space<vmem>>, vector<1x16xf32>,
          %mul3A_402 = vector.broadcast %squeeze3A_360 : f32 to vector<16xf32>
          %mul3A_403 = arith.mulf %get3A_370, %mul3A_402 : vector<16xf32>
          %swap3A_404 = arith.index_cast %add3A_356 : i32 to index
          %swap3A_405 = arith.constant 16 : index
          %swap3A_406 = tpu.vector_load %arg20[%swap3A_404, %swap3A_405] {strides = array<i32>} : memref<256x64xf32, #tpu.memory_space<vmem>>, vector<1x16xf32>,
          %swap3A_407 = vector.shape_cast %swap3A_406 : vector<1x16xf32> to vector<16xf32>
          %swap3A_408 = vector.shape_cast %mul3A_403 : vector<16xf32> to vector<1x16xf32>
          tpu.vector_store %arg20[%swap3A_404, %swap3A_405], %swap3A_408 {strides = array<i32>} : memref<256x64xf32, #tpu.memory_space<vmem>>, vector<1x16xf32>,
          %mul3A_409 = vector.broadcast %squeeze3A_360 : f32 to vector<16xf32>
          %mul3A_410 = arith.mulf %get3A_374, %mul3A_409 : vector<16xf32>
          %swap3A_411 = arith.index_cast %add3A_356 : i32 to index
          %swap3A_412 = arith.constant 32 : index
          %swap3A_413 = tpu.vector_load %arg20[%swap3A_411, %swap3A_412] {strides = array<i32>} : memref<256x64xf32, #tpu.memory_space<vmem>>, vector<1x16xf32>,
          %swap3A_414 = vector.shape_cast %swap3A_413 : vector<1x16xf32> to vector<16xf32>
          %swap3A_415 = vector.shape_cast %mul3A_410 : vector<16xf32> to vector<1x16xf32>
          tpu.vector_store %arg20[%swap3A_411, %swap3A_412], %swap3A_415 {strides = array<i32>} : memref<256x64xf32, #tpu.memory_space<vmem>>, vector<1x16xf32>,
          %mul3A_416 = vector.broadcast %squeeze3A_360 : f32 to vector<16xf32>
          %mul3A_417 = arith.mulf %get3A_378, %mul3A_416 : vector<16xf32>
          %swap3A_418 = arith.index_cast %add3A_356 : i32 to index
          %swap3A_419 = arith.constant 48 : index
          %swap3A_420 = tpu.vector_load %arg20[%swap3A_418, %swap3A_419] {strides = array<i32>} : memref<256x64xf32, #tpu.memory_space<vmem>>, vector<1x16xf32>,
          %swap3A_421 = vector.shape_cast %swap3A_420 : vector<1x16xf32> to vector<16xf32>
          %swap3A_422 = vector.shape_cast %mul3A_417 : vector<16xf32> to vector<1x16xf32>
          tpu.vector_store %arg20[%swap3A_418, %swap3A_419], %swap3A_422 {strides = array<i32>} : memref<256x64xf32, #tpu.memory_space<vmem>>, vector<1x16xf32>,
          %mul3A_423 = vector.broadcast %squeeze3A_362 : f32 to vector<16xf32>
          %mul3A_424 = arith.mulf %get3A_382, %mul3A_423 : vector<16xf32>
          %swap3A_425 = arith.index_cast %add3A_358 : i32 to index
          %swap3A_426 = arith.constant 0 : index
          %swap3A_427 = tpu.vector_load %arg20[%swap3A_425, %swap3A_426] {strides = array<i32>} : memref<256x64xf32, #tpu.memory_space<vmem>>, vector<1x16xf32>,
          %swap3A_428 = vector.shape_cast %swap3A_427 : vector<1x16xf32> to vector<16xf32>
          %swap3A_429 = vector.shape_cast %mul3A_424 : vector<16xf32> to vector<1x16xf32>
          tpu.vector_store %arg20[%swap3A_425, %swap3A_426], %swap3A_429 {strides = array<i32>} : memref<256x64xf32, #tpu.memory_space<vmem>>, vector<1x16xf32>,
          %mul3A_430 = vector.broadcast %squeeze3A_362 : f32 to vector<16xf32>
          %mul3A_431 = arith.mulf %get3A_386, %mul3A_430 : vector<16xf32>
          %swap3A_432 = arith.index_cast %add3A_358 : i32 to index
          %swap3A_433 = arith.constant 16 : index
          %swap3A_434 = tpu.vector_load %arg20[%swap3A_432, %swap3A_433] {strides = array<i32>} : memref<256x64xf32, #tpu.memory_space<vmem>>, vector<1x16xf32>,
          %swap3A_435 = vector.shape_cast %swap3A_434 : vector<1x16xf32> to vector<16xf32>
          %swap3A_436 = vector.shape_cast %mul3A_431 : vector<16xf32> to vector<1x16xf32>
          tpu.vector_store %arg20[%swap3A_432, %swap3A_433], %swap3A_436 {strides = array<i32>} : memref<256x64xf32, #tpu.memory_space<vmem>>, vector<1x16xf32>,
          %mul3A_437 = vector.broadcast %squeeze3A_362 : f32 to vector<16xf32>
          %mul3A_438 = arith.mulf %get3A_390, %mul3A_437 : vector<16xf32>
          %swap3A_439 = arith.index_cast %add3A_358 : i32 to index
          %swap3A_440 = arith.constant 32 : index
          %swap3A_441 = tpu.vector_load %arg20[%swap3A_439, %swap3A_440] {strides = array<i32>} : memref<256x64xf32, #tpu.memory_space<vmem>>, vector<1x16xf32>,
          %swap3A_442 = vector.shape_cast %swap3A_441 : vector<1x16xf32> to vector<16xf32>
          %swap3A_443 = vector.shape_cast %mul3A_438 : vector<16xf32> to vector<1x16xf32>
          tpu.vector_store %arg20[%swap3A_439, %swap3A_440], %swap3A_443 {strides = array<i32>} : memref<256x64xf32, #tpu.memory_space<vmem>>, vector<1x16xf32>,
          %mul3A_444 = vector.broadcast %squeeze3A_362 : f32 to vector<16xf32>
          %mul3A_445 = arith.mulf %get3A_394, %mul3A_444 : vector<16xf32>
          %swap3A_446 = arith.index_cast %add3A_358 : i32 to index
          %swap3A_447 = arith.constant 48 : index
          %swap3A_448 = tpu.vector_load %arg20[%swap3A_446, %swap3A_447] {strides = array<i32>} : memref<256x64xf32, #tpu.memory_space<vmem>>, vector<1x16xf32>,
          %swap3A_449 = vector.shape_cast %swap3A_448 : vector<1x16xf32> to vector<16xf32>
          %swap3A_450 = vector.shape_cast %mul3A_445 : vector<16xf32> to vector<1x16xf32>
          tpu.vector_store %arg20[%swap3A_446, %swap3A_447], %swap3A_450 {strides = array<i32>} : memref<256x64xf32, #tpu.memory_space<vmem>>, vector<1x16xf32>,
          %mul3A_451 = arith.constant 16 : i32
          %mul3A_452 = arith.muli %scan3A_218, %mul3A_451 : i32
          %add3A_453 = arith.constant 4 : i32
          %add3A_454 = arith.addi %mul3A_452, %add3A_453 : i32
          %add3A_455 = arith.constant 1 : i32
          %add3A_456 = arith.addi %add3A_454, %add3A_455 : i32
          %slice3A_457 = vector.extract_strided_slice %get3A_257 {offsets = [4], sizes = [1], strides = [1]} : vector<16xf32> to vector<1xf32>
          %squeeze3A_458 = vector.extract %slice3A_457[0] : f32 from vector<1xf32>
          %slice3A_459 = vector.extract_strided_slice %get3A_257 {offsets = [5], sizes = [1], strides = [1]} : vector<16xf32> to vector<1xf32>
          %squeeze3A_460 = vector.extract %slice3A_459[0] : f32 from vector<1xf32>
          %get3A_461 = arith.index_cast %add3A_454 : i32 to index
          %get3A_462 = arith.constant 0 : index
          %get3A_463 = tpu.vector_load %arg10[%get3A_461, %get3A_462] {strides = array<i32>} : memref<256x64xf32, #tpu.memory_space<vmem>>, vector<1x16xf32>,
          %get3A_464 = vector.shape_cast %get3A_463 : vector<1x16xf32> to vector<16xf32>
          %get3A_465 = arith.index_cast %add3A_454 : i32 to index
          %get3A_466 = arith.constant 16 : index
          %get3A_467 = tpu.vector_load %arg10[%get3A_465, %get3A_466] {strides = array<i32>} : memref<256x64xf32, #tpu.memory_space<vmem>>, vector<1x16xf32>,
          %get3A_468 = vector.shape_cast %get3A_467 : vector<1x16xf32> to vector<16xf32>
          %get3A_469 = arith.index_cast %add3A_454 : i32 to index
          %get3A_470 = arith.constant 32 : index
          %get3A_471 = tpu.vector_load %arg10[%get3A_469, %get3A_470] {strides = array<i32>} : memref<256x64xf32, #tpu.memory_space<vmem>>, vector<1x16xf32>,
          %get3A_472 = vector.shape_cast %get3A_471 : vector<1x16xf32> to vector<16xf32>
          %get3A_473 = arith.index_cast %add3A_454 : i32 to index
          %get3A_474 = arith.constant 48 : index
          %get3A_475 = tpu.vector_load %arg10[%get3A_473, %get3A_474] {strides = array<i32>} : memref<256x64xf32, #tpu.memory_space<vmem>>, vector<1x16xf32>,
          %get3A_476 = vector.shape_cast %get3A_475 : vector<1x16xf32> to vector<16xf32>
          %get3A_477 = arith.index_cast %add3A_456 : i32 to index
          %get3A_478 = arith.constant 0 : index
          %get3A_479 = tpu.vector_load %arg10[%get3A_477, %get3A_478] {strides = array<i32>} : memref<256x64xf32, #tpu.memory_space<vmem>>, vector<1x16xf32>,
          %get3A_480 = vector.shape_cast %get3A_479 : vector<1x16xf32> to vector<16xf32>
          %get3A_481 = arith.index_cast %add3A_456 : i32 to index
          %get3A_482 = arith.constant 16 : index
          %get3A_483 = tpu.vector_load %arg10[%get3A_481, %get3A_482] {strides = array<i32>} : memref<256x64xf32, #tpu.memory_space<vmem>>, vector<1x16xf32>,
          %get3A_484 = vector.shape_cast %get3A_483 : vector<1x16xf32> to vector<16xf32>
          %get3A_485 = arith.index_cast %add3A_456 : i32 to index
          %get3A_486 = arith.constant 32 : index
          %get3A_487 = tpu.vector_load %arg10[%get3A_485, %get3A_486] {strides = array<i32>} : memref<256x64xf32, #tpu.memory_space<vmem>>, vector<1x16xf32>,
          %get3A_488 = vector.shape_cast %get3A_487 : vector<1x16xf32> to vector<16xf32>
          %get3A_489 = arith.index_cast %add3A_456 : i32 to index
          %get3A_490 = arith.constant 48 : index
          %get3A_491 = tpu.vector_load %arg10[%get3A_489, %get3A_490] {strides = array<i32>} : memref<256x64xf32, #tpu.memory_space<vmem>>, vector<1x16xf32>,
          %get3A_492 = vector.shape_cast %get3A_491 : vector<1x16xf32> to vector<16xf32>
          %mul3A_493 = vector.broadcast %squeeze3A_458 : f32 to vector<16xf32>
          %mul3A_494 = arith.mulf %get3A_464, %mul3A_493 : vector<16xf32>
          %swap3A_495 = arith.index_cast %add3A_454 : i32 to index
          %swap3A_496 = arith.constant 0 : index
          %swap3A_497 = tpu.vector_load %arg20[%swap3A_495, %swap3A_496] {strides = array<i32>} : memref<256x64xf32, #tpu.memory_space<vmem>>, vector<1x16xf32>,
          %swap3A_498 = vector.shape_cast %swap3A_497 : vector<1x16xf32> to vector<16xf32>
          %swap3A_499 = vector.shape_cast %mul3A_494 : vector<16xf32> to vector<1x16xf32>
          tpu.vector_store %arg20[%swap3A_495, %swap3A_496], %swap3A_499 {strides = array<i32>} : memref<256x64xf32, #tpu.memory_space<vmem>>, vector<1x16xf32>,
          %mul3A_500 = vector.broadcast %squeeze3A_458 : f32 to vector<16xf32>
          %mul3A_501 = arith.mulf %get3A_468, %mul3A_500 : vector<16xf32>
          %swap3A_502 = arith.index_cast %add3A_454 : i32 to index
          %swap3A_503 = arith.constant 16 : index
          %swap3A_504 = tpu.vector_load %arg20[%swap3A_502, %swap3A_503] {strides = array<i32>} : memref<256x64xf32, #tpu.memory_space<vmem>>, vector<1x16xf32>,
          %swap3A_505 = vector.shape_cast %swap3A_504 : vector<1x16xf32> to vector<16xf32>
          %swap3A_506 = vector.shape_cast %mul3A_501 : vector<16xf32> to vector<1x16xf32>
          tpu.vector_store %arg20[%swap3A_502, %swap3A_503], %swap3A_506 {strides = array<i32>} : memref<256x64xf32, #tpu.memory_space<vmem>>, vector<1x16xf32>,
          %mul3A_507 = vector.broadcast %squeeze3A_458 : f32 to vector<16xf32>
          %mul3A_508 = arith.mulf %get3A_472, %mul3A_507 : vector<16xf32>
          %swap3A_509 = arith.index_cast %add3A_454 : i32 to index
          %swap3A_510 = arith.constant 32 : index
          %swap3A_511 = tpu.vector_load %arg20[%swap3A_509, %swap3A_510] {strides = array<i32>} : memref<256x64xf32, #tpu.memory_space<vmem>>, vector<1x16xf32>,
          %swap3A_512 = vector.shape_cast %swap3A_511 : vector<1x16xf32> to vector<16xf32>
          %swap3A_513 = vector.shape_cast %mul3A_508 : vector<16xf32> to vector<1x16xf32>
          tpu.vector_store %arg20[%swap3A_509, %swap3A_510], %swap3A_513 {strides = array<i32>} : memref<256x64xf32, #tpu.memory_space<vmem>>, vector<1x16xf32>,
          %mul3A_514 = vector.broadcast %squeeze3A_458 : f32 to vector<16xf32>
          %mul3A_515 = arith.mulf %get3A_476, %mul3A_514 : vector<16xf32>
          %swap3A_516 = arith.index_cast %add3A_454 : i32 to index
          %swap3A_517 = arith.constant 48 : index
          %swap3A_518 = tpu.vector_load %arg20[%swap3A_516, %swap3A_517] {strides = array<i32>} : memref<256x64xf32, #tpu.memory_space<vmem>>, vector<1x16xf32>,
          %swap3A_519 = vector.shape_cast %swap3A_518 : vector<1x16xf32> to vector<16xf32>
          %swap3A_520 = vector.shape_cast %mul3A_515 : vector<16xf32> to vector<1x16xf32>
          tpu.vector_store %arg20[%swap3A_516, %swap3A_517], %swap3A_520 {strides = array<i32>} : memref<256x64xf32, #tpu.memory_space<vmem>>, vector<1x16xf32>,
          %mul3A_521 = vector.broadcast %squeeze3A_460 : f32 to vector<16xf32>
          %mul3A_522 = arith.mulf %get3A_480, %mul3A_521 : vector<16xf32>
          %swap3A_523 = arith.index_cast %add3A_456 : i32 to index
          %swap3A_524 = arith.constant 0 : index
          %swap3A_525 = tpu.vector_load %arg20[%swap3A_523, %swap3A_524] {strides = array<i32>} : memref<256x64xf32, #tpu.memory_space<vmem>>, vector<1x16xf32>,
          %swap3A_526 = vector.shape_cast %swap3A_525 : vector<1x16xf32> to vector<16xf32>
          %swap3A_527 = vector.shape_cast %mul3A_522 : vector<16xf32> to vector<1x16xf32>
          tpu.vector_store %arg20[%swap3A_523, %swap3A_524], %swap3A_527 {strides = array<i32>} : memref<256x64xf32, #tpu.memory_space<vmem>>, vector<1x16xf32>,
          %mul3A_528 = vector.broadcast %squeeze3A_460 : f32 to vector<16xf32>
          %mul3A_529 = arith.mulf %get3A_484, %mul3A_528 : vector<16xf32>
          %swap3A_530 = arith.index_cast %add3A_456 : i32 to index
          %swap3A_531 = arith.constant 16 : index
          %swap3A_532 = tpu.vector_load %arg20[%swap3A_530, %swap3A_531] {strides = array<i32>} : memref<256x64xf32, #tpu.memory_space<vmem>>, vector<1x16xf32>,
          %swap3A_533 = vector.shape_cast %swap3A_532 : vector<1x16xf32> to vector<16xf32>
          %swap3A_534 = vector.shape_cast %mul3A_529 : vector<16xf32> to vector<1x16xf32>
          tpu.vector_store %arg20[%swap3A_530, %swap3A_531], %swap3A_534 {strides = array<i32>} : memref<256x64xf32, #tpu.memory_space<vmem>>, vector<1x16xf32>,
          %mul3A_535 = vector.broadcast %squeeze3A_460 : f32 to vector<16xf32>
          %mul3A_536 = arith.mulf %get3A_488, %mul3A_535 : vector<16xf32>
          %swap3A_537 = arith.index_cast %add3A_456 : i32 to index
          %swap3A_538 = arith.constant 32 : index
          %swap3A_539 = tpu.vector_load %arg20[%swap3A_537, %swap3A_538] {strides = array<i32>} : memref<256x64xf32, #tpu.memory_space<vmem>>, vector<1x16xf32>,
          %swap3A_540 = vector.shape_cast %swap3A_539 : vector<1x16xf32> to vector<16xf32>
          %swap3A_541 = vector.shape_cast %mul3A_536 : vector<16xf32> to vector<1x16xf32>
          tpu.vector_store %arg20[%swap3A_537, %swap3A_538], %swap3A_541 {strides = array<i32>} : memref<256x64xf32, #tpu.memory_space<vmem>>, vector<1x16xf32>,
          %mul3A_542 = vector.broadcast %squeeze3A_460 : f32 to vector<16xf32>
          %mul3A_543 = arith.mulf %get3A_492, %mul3A_542 : vector<16xf32>
          %swap3A_544 = arith.index_cast %add3A_456 : i32 to index
          %swap3A_545 = arith.constant 48 : index
          %swap3A_546 = tpu.vector_load %arg20[%swap3A_544, %swap3A_545] {strides = array<i32>} : memref<256x64xf32, #tpu.memory_space<vmem>>, vector<1x16xf32>,
          %swap3A_547 = vector.shape_cast %swap3A_546 : vector<1x16xf32> to vector<16xf32>
          %swap3A_548 = vector.shape_cast %mul3A_543 : vector<16xf32> to vector<1x16xf32>
          tpu.vector_store %arg20[%swap3A_544, %swap3A_545], %swap3A_548 {strides = array<i32>} : memref<256x64xf32, #tpu.memory_space<vmem>>, vector<1x16xf32>,
          %mul3A_549 = arith.constant 16 : i32
          %mul3A_550 = arith.muli %scan3A_218, %mul3A_549 : i32
          %add3A_551 = arith.constant 6 : i32
          %add3A_552 = arith.addi %mul3A_550, %add3A_551 : i32
          %add3A_553 = arith.constant 1 : i32
          %add3A_554 = arith.addi %add3A_552, %add3A_553 : i32
          %slice3A_555 = vector.extract_strided_slice %get3A_257 {offsets = [6], sizes = [1], strides = [1]} : vector<16xf32> to vector<1xf32>
          %squeeze3A_556 = vector.extract %slice3A_555[0] : f32 from vector<1xf32>
          %slice3A_557 = vector.extract_strided_slice %get3A_257 {offsets = [7], sizes = [1], strides = [1]} : vector<16xf32> to vector<1xf32>
          %squeeze3A_558 = vector.extract %slice3A_557[0] : f32 from vector<1xf32>
          %get3A_559 = arith.index_cast %add3A_552 : i32 to index
          %get3A_560 = arith.constant 0 : index
          %get3A_561 = tpu.vector_load %arg10[%get3A_559, %get3A_560] {strides = array<i32>} : memref<256x64xf32, #tpu.memory_space<vmem>>, vector<1x16xf32>,
          %get3A_562 = vector.shape_cast %get3A_561 : vector<1x16xf32> to vector<16xf32>
          %get3A_563 = arith.index_cast %add3A_552 : i32 to index
          %get3A_564 = arith.constant 16 : index
          %get3A_565 = tpu.vector_load %arg10[%get3A_563, %get3A_564] {strides = array<i32>} : memref<256x64xf32, #tpu.memory_space<vmem>>, vector<1x16xf32>,
          %get3A_566 = vector.shape_cast %get3A_565 : vector<1x16xf32> to vector<16xf32>
          %get3A_567 = arith.index_cast %add3A_552 : i32 to index
          %get3A_568 = arith.constant 32 : index
          %get3A_569 = tpu.vector_load %arg10[%get3A_567, %get3A_568] {strides = array<i32>} : memref<256x64xf32, #tpu.memory_space<vmem>>, vector<1x16xf32>,
          %get3A_570 = vector.shape_cast %get3A_569 : vector<1x16xf32> to vector<16xf32>
          %get3A_571 = arith.index_cast %add3A_552 : i32 to index
          %get3A_572 = arith.constant 48 : index
          %get3A_573 = tpu.vector_load %arg10[%get3A_571, %get3A_572] {strides = array<i32>} : memref<256x64xf32, #tpu.memory_space<vmem>>, vector<1x16xf32>,
          %get3A_574 = vector.shape_cast %get3A_573 : vector<1x16xf32> to vector<16xf32>
          %get3A_575 = arith.index_cast %add3A_554 : i32 to index
          %get3A_576 = arith.constant 0 : index
          %get3A_577 = tpu.vector_load %arg10[%get3A_575, %get3A_576] {strides = array<i32>} : memref<256x64xf32, #tpu.memory_space<vmem>>, vector<1x16xf32>,
          %get3A_578 = vector.shape_cast %get3A_577 : vector<1x16xf32> to vector<16xf32>
          %get3A_579 = arith.index_cast %add3A_554 : i32 to index
          %get3A_580 = arith.constant 16 : index
          %get3A_581 = tpu.vector_load %arg10[%get3A_579, %get3A_580] {strides = array<i32>} : memref<256x64xf32, #tpu.memory_space<vmem>>, vector<1x16xf32>,
          %get3A_582 = vector.shape_cast %get3A_581 : vector<1x16xf32> to vector<16xf32>
          %get3A_583 = arith.index_cast %add3A_554 : i32 to index
          %get3A_584 = arith.constant 32 : index
          %get3A_585 = tpu.vector_load %arg10[%get3A_583, %get3A_584] {strides = array<i32>} : memref<256x64xf32, #tpu.memory_space<vmem>>, vector<1x16xf32>,
          %get3A_586 = vector.shape_cast %get3A_585 : vector<1x16xf32> to vector<16xf32>
          %get3A_587 = arith.index_cast %add3A_554 : i32 to index
          %get3A_588 = arith.constant 48 : index
          %get3A_589 = tpu.vector_load %arg10[%get3A_587, %get3A_588] {strides = array<i32>} : memref<256x64xf32, #tpu.memory_space<vmem>>, vector<1x16xf32>,
          %get3A_590 = vector.shape_cast %get3A_589 : vector<1x16xf32> to vector<16xf32>
          %mul3A_591 = vector.broadcast %squeeze3A_556 : f32 to vector<16xf32>
          %mul3A_592 = arith.mulf %get3A_562, %mul3A_591 : vector<16xf32>
          %swap3A_593 = arith.index_cast %add3A_552 : i32 to index
          %swap3A_594 = arith.constant 0 : index
          %swap3A_595 = tpu.vector_load %arg20[%swap3A_593, %swap3A_594] {strides = array<i32>} : memref<256x64xf32, #tpu.memory_space<vmem>>, vector<1x16xf32>,
          %swap3A_596 = vector.shape_cast %swap3A_595 : vector<1x16xf32> to vector<16xf32>
          %swap3A_597 = vector.shape_cast %mul3A_592 : vector<16xf32> to vector<1x16xf32>
          tpu.vector_store %arg20[%swap3A_593, %swap3A_594], %swap3A_597 {strides = array<i32>} : memref<256x64xf32, #tpu.memory_space<vmem>>, vector<1x16xf32>,
          %mul3A_598 = vector.broadcast %squeeze3A_556 : f32 to vector<16xf32>
          %mul3A_599 = arith.mulf %get3A_566, %mul3A_598 : vector<16xf32>
          %swap3A_600 = arith.index_cast %add3A_552 : i32 to index
          %swap3A_601 = arith.constant 16 : index
          %swap3A_602 = tpu.vector_load %arg20[%swap3A_600, %swap3A_601] {strides = array<i32>} : memref<256x64xf32, #tpu.memory_space<vmem>>, vector<1x16xf32>,
          %swap3A_603 = vector.shape_cast %swap3A_602 : vector<1x16xf32> to vector<16xf32>
          %swap3A_604 = vector.shape_cast %mul3A_599 : vector<16xf32> to vector<1x16xf32>
          tpu.vector_store %arg20[%swap3A_600, %swap3A_601], %swap3A_604 {strides = array<i32>} : memref<256x64xf32, #tpu.memory_space<vmem>>, vector<1x16xf32>,
          %mul3A_605 = vector.broadcast %squeeze3A_556 : f32 to vector<16xf32>
          %mul3A_606 = arith.mulf %get3A_570, %mul3A_605 : vector<16xf32>
          %swap3A_607 = arith.index_cast %add3A_552 : i32 to index
          %swap3A_608 = arith.constant 32 : index
          %swap3A_609 = tpu.vector_load %arg20[%swap3A_607, %swap3A_608] {strides = array<i32>} : memref<256x64xf32, #tpu.memory_space<vmem>>, vector<1x16xf32>,
          %swap3A_610 = vector.shape_cast %swap3A_609 : vector<1x16xf32> to vector<16xf32>
          %swap3A_611 = vector.shape_cast %mul3A_606 : vector<16xf32> to vector<1x16xf32>
          tpu.vector_store %arg20[%swap3A_607, %swap3A_608], %swap3A_611 {strides = array<i32>} : memref<256x64xf32, #tpu.memory_space<vmem>>, vector<1x16xf32>,
          %mul3A_612 = vector.broadcast %squeeze3A_556 : f32 to vector<16xf32>
          %mul3A_613 = arith.mulf %get3A_574, %mul3A_612 : vector<16xf32>
          %swap3A_614 = arith.index_cast %add3A_552 : i32 to index
          %swap3A_615 = arith.constant 48 : index
          %swap3A_616 = tpu.vector_load %arg20[%swap3A_614, %swap3A_615] {strides = array<i32>} : memref<256x64xf32, #tpu.memory_space<vmem>>, vector<1x16xf32>,
          %swap3A_617 = vector.shape_cast %swap3A_616 : vector<1x16xf32> to vector<16xf32>
          %swap3A_618 = vector.shape_cast %mul3A_613 : vector<16xf32> to vector<1x16xf32>
          tpu.vector_store %arg20[%swap3A_614, %swap3A_615], %swap3A_618 {strides = array<i32>} : memref<256x64xf32, #tpu.memory_space<vmem>>, vector<1x16xf32>,
          %mul3A_619 = vector.broadcast %squeeze3A_558 : f32 to vector<16xf32>
          %mul3A_620 = arith.mulf %get3A_578, %mul3A_619 : vector<16xf32>
          %swap3A_621 = arith.index_cast %add3A_554 : i32 to index
          %swap3A_622 = arith.constant 0 : index
          %swap3A_623 = tpu.vector_load %arg20[%swap3A_621, %swap3A_622] {strides = array<i32>} : memref<256x64xf32, #tpu.memory_space<vmem>>, vector<1x16xf32>,
          %swap3A_624 = vector.shape_cast %swap3A_623 : vector<1x16xf32> to vector<16xf32>
          %swap3A_625 = vector.shape_cast %mul3A_620 : vector<16xf32> to vector<1x16xf32>
          tpu.vector_store %arg20[%swap3A_621, %swap3A_622], %swap3A_625 {strides = array<i32>} : memref<256x64xf32, #tpu.memory_space<vmem>>, vector<1x16xf32>,
          %mul3A_626 = vector.broadcast %squeeze3A_558 : f32 to vector<16xf32>
          %mul3A_627 = arith.mulf %get3A_582, %mul3A_626 : vector<16xf32>
          %swap3A_628 = arith.index_cast %add3A_554 : i32 to index
          %swap3A_629 = arith.constant 16 : index
          %swap3A_630 = tpu.vector_load %arg20[%swap3A_628, %swap3A_629] {strides = array<i32>} : memref<256x64xf32, #tpu.memory_space<vmem>>, vector<1x16xf32>,
          %swap3A_631 = vector.shape_cast %swap3A_630 : vector<1x16xf32> to vector<16xf32>
          %swap3A_632 = vector.shape_cast %mul3A_627 : vector<16xf32> to vector<1x16xf32>
          tpu.vector_store %arg20[%swap3A_628, %swap3A_629], %swap3A_632 {strides = array<i32>} : memref<256x64xf32, #tpu.memory_space<vmem>>, vector<1x16xf32>,
          %mul3A_633 = vector.broadcast %squeeze3A_558 : f32 to vector<16xf32>
          %mul3A_634 = arith.mulf %get3A_586, %mul3A_633 : vector<16xf32>
          %swap3A_635 = arith.index_cast %add3A_554 : i32 to index
          %swap3A_636 = arith.constant 32 : index
          %swap3A_637 = tpu.vector_load %arg20[%swap3A_635, %swap3A_636] {strides = array<i32>} : memref<256x64xf32, #tpu.memory_space<vmem>>, vector<1x16xf32>,
          %swap3A_638 = vector.shape_cast %swap3A_637 : vector<1x16xf32> to vector<16xf32>
          %swap3A_639 = vector.shape_cast %mul3A_634 : vector<16xf32> to vector<1x16xf32>
          tpu.vector_store %arg20[%swap3A_635, %swap3A_636], %swap3A_639 {strides = array<i32>} : memref<256x64xf32, #tpu.memory_space<vmem>>, vector<1x16xf32>,
          %mul3A_640 = vector.broadcast %squeeze3A_558 : f32 to vector<16xf32>
          %mul3A_641 = arith.mulf %get3A_590, %mul3A_640 : vector<16xf32>
          %swap3A_642 = arith.index_cast %add3A_554 : i32 to index
          %swap3A_643 = arith.constant 48 : index
          %swap3A_644 = tpu.vector_load %arg20[%swap3A_642, %swap3A_643] {strides = array<i32>} : memref<256x64xf32, #tpu.memory_space<vmem>>, vector<1x16xf32>,
          %swap3A_645 = vector.shape_cast %swap3A_644 : vector<1x16xf32> to vector<16xf32>
          %swap3A_646 = vector.shape_cast %mul3A_641 : vector<16xf32> to vector<1x16xf32>
          tpu.vector_store %arg20[%swap3A_642, %swap3A_643], %swap3A_646 {strides = array<i32>} : memref<256x64xf32, #tpu.memory_space<vmem>>, vector<1x16xf32>,
          %mul3A_647 = arith.constant 16 : i32
          %mul3A_648 = arith.muli %scan3A_218, %mul3A_647 : i32
          %add3A_649 = arith.constant 8 : i32
          %add3A_650 = arith.addi %mul3A_648, %add3A_649 : i32
          %add3A_651 = arith.constant 1 : i32
          %add3A_652 = arith.addi %add3A_650, %add3A_651 : i32
          %slice3A_653 = vector.extract_strided_slice %get3A_257 {offsets = [8], sizes = [1], strides = [1]} : vector<16xf32> to vector<1xf32>
          %squeeze3A_654 = vector.extract %slice3A_653[0] : f32 from vector<1xf32>
          %slice3A_655 = vector.extract_strided_slice %get3A_257 {offsets = [9], sizes = [1], strides = [1]} : vector<16xf32> to vector<1xf32>
          %squeeze3A_656 = vector.extract %slice3A_655[0] : f32 from vector<1xf32>
          %get3A_657 = arith.index_cast %add3A_650 : i32 to index
          %get3A_658 = arith.constant 0 : index
          %get3A_659 = tpu.vector_load %arg10[%get3A_657, %get3A_658] {strides = array<i32>} : memref<256x64xf32, #tpu.memory_space<vmem>>, vector<1x16xf32>,
          %get3A_660 = vector.shape_cast %get3A_659 : vector<1x16xf32> to vector<16xf32>
          %get3A_661 = arith.index_cast %add3A_650 : i32 to index
          %get3A_662 = arith.constant 16 : index
          %get3A_663 = tpu.vector_load %arg10[%get3A_661, %get3A_662] {strides = array<i32>} : memref<256x64xf32, #tpu.memory_space<vmem>>, vector<1x16xf32>,
          %get3A_664 = vector.shape_cast %get3A_663 : vector<1x16xf32> to vector<16xf32>
          %get3A_665 = arith.index_cast %add3A_650 : i32 to index
          %get3A_666 = arith.constant 32 : index
          %get3A_667 = tpu.vector_load %arg10[%get3A_665, %get3A_666] {strides = array<i32>} : memref<256x64xf32, #tpu.memory_space<vmem>>, vector<1x16xf32>,
          %get3A_668 = vector.shape_cast %get3A_667 : vector<1x16xf32> to vector<16xf32>
          %get3A_669 = arith.index_cast %add3A_650 : i32 to index
          %get3A_670 = arith.constant 48 : index
          %get3A_671 = tpu.vector_load %arg10[%get3A_669, %get3A_670] {strides = array<i32>} : memref<256x64xf32, #tpu.memory_space<vmem>>, vector<1x16xf32>,
          %get3A_672 = vector.shape_cast %get3A_671 : vector<1x16xf32> to vector<16xf32>
          %get3A_673 = arith.index_cast %add3A_652 : i32 to index
          %get3A_674 = arith.constant 0 : index
          %get3A_675 = tpu.vector_load %arg10[%get3A_673, %get3A_674] {strides = array<i32>} : memref<256x64xf32, #tpu.memory_space<vmem>>, vector<1x16xf32>,
          %get3A_676 = vector.shape_cast %get3A_675 : vector<1x16xf32> to vector<16xf32>
          %get3A_677 = arith.index_cast %add3A_652 : i32 to index
          %get3A_678 = arith.constant 16 : index
          %get3A_679 = tpu.vector_load %arg10[%get3A_677, %get3A_678] {strides = array<i32>} : memref<256x64xf32, #tpu.memory_space<vmem>>, vector<1x16xf32>,
          %get3A_680 = vector.shape_cast %get3A_679 : vector<1x16xf32> to vector<16xf32>
          %get3A_681 = arith.index_cast %add3A_652 : i32 to index
          %get3A_682 = arith.constant 32 : index
          %get3A_683 = tpu.vector_load %arg10[%get3A_681, %get3A_682] {strides = array<i32>} : memref<256x64xf32, #tpu.memory_space<vmem>>, vector<1x16xf32>,
          %get3A_684 = vector.shape_cast %get3A_683 : vector<1x16xf32> to vector<16xf32>
          %get3A_685 = arith.index_cast %add3A_652 : i32 to index
          %get3A_686 = arith.constant 48 : index
          %get3A_687 = tpu.vector_load %arg10[%get3A_685, %get3A_686] {strides = array<i32>} : memref<256x64xf32, #tpu.memory_space<vmem>>, vector<1x16xf32>,
          %get3A_688 = vector.shape_cast %get3A_687 : vector<1x16xf32> to vector<16xf32>
          %mul3A_689 = vector.broadcast %squeeze3A_654 : f32 to vector<16xf32>
          %mul3A_690 = arith.mulf %get3A_660, %mul3A_689 : vector<16xf32>
          %swap3A_691 = arith.index_cast %add3A_650 : i32 to index
          %swap3A_692 = arith.constant 0 : index
          %swap3A_693 = tpu.vector_load %arg20[%swap3A_691, %swap3A_692] {strides = array<i32>} : memref<256x64xf32, #tpu.memory_space<vmem>>, vector<1x16xf32>,
          %swap3A_694 = vector.shape_cast %swap3A_693 : vector<1x16xf32> to vector<16xf32>
          %swap3A_695 = vector.shape_cast %mul3A_690 : vector<16xf32> to vector<1x16xf32>
          tpu.vector_store %arg20[%swap3A_691, %swap3A_692], %swap3A_695 {strides = array<i32>} : memref<256x64xf32, #tpu.memory_space<vmem>>, vector<1x16xf32>,
          %mul3A_696 = vector.broadcast %squeeze3A_654 : f32 to vector<16xf32>
          %mul3A_697 = arith.mulf %get3A_664, %mul3A_696 : vector<16xf32>
          %swap3A_698 = arith.index_cast %add3A_650 : i32 to index
          %swap3A_699 = arith.constant 16 : index
          %swap3A_700 = tpu.vector_load %arg20[%swap3A_698, %swap3A_699] {strides = array<i32>} : memref<256x64xf32, #tpu.memory_space<vmem>>, vector<1x16xf32>,
          %swap3A_701 = vector.shape_cast %swap3A_700 : vector<1x16xf32> to vector<16xf32>
          %swap3A_702 = vector.shape_cast %mul3A_697 : vector<16xf32> to vector<1x16xf32>
          tpu.vector_store %arg20[%swap3A_698, %swap3A_699], %swap3A_702 {strides = array<i32>} : memref<256x64xf32, #tpu.memory_space<vmem>>, vector<1x16xf32>,
          %mul3A_703 = vector.broadcast %squeeze3A_654 : f32 to vector<16xf32>
          %mul3A_704 = arith.mulf %get3A_668, %mul3A_703 : vector<16xf32>
          %swap3A_705 = arith.index_cast %add3A_650 : i32 to index
          %swap3A_706 = arith.constant 32 : index
          %swap3A_707 = tpu.vector_load %arg20[%swap3A_705, %swap3A_706] {strides = array<i32>} : memref<256x64xf32, #tpu.memory_space<vmem>>, vector<1x16xf32>,
          %swap3A_708 = vector.shape_cast %swap3A_707 : vector<1x16xf32> to vector<16xf32>
          %swap3A_709 = vector.shape_cast %mul3A_704 : vector<16xf32> to vector<1x16xf32>
          tpu.vector_store %arg20[%swap3A_705, %swap3A_706], %swap3A_709 {strides = array<i32>} : memref<256x64xf32, #tpu.memory_space<vmem>>, vector<1x16xf32>,
          %mul3A_710 = vector.broadcast %squeeze3A_654 : f32 to vector<16xf32>
          %mul3A_711 = arith.mulf %get3A_672, %mul3A_710 : vector<16xf32>
          %swap3A_712 = arith.index_cast %add3A_650 : i32 to index
          %swap3A_713 = arith.constant 48 : index
          %swap3A_714 = tpu.vector_load %arg20[%swap3A_712, %swap3A_713] {strides = array<i32>} : memref<256x64xf32, #tpu.memory_space<vmem>>, vector<1x16xf32>,
          %swap3A_715 = vector.shape_cast %swap3A_714 : vector<1x16xf32> to vector<16xf32>
          %swap3A_716 = vector.shape_cast %mul3A_711 : vector<16xf32> to vector<1x16xf32>
          tpu.vector_store %arg20[%swap3A_712, %swap3A_713], %swap3A_716 {strides = array<i32>} : memref<256x64xf32, #tpu.memory_space<vmem>>, vector<1x16xf32>,
          %mul3A_717 = vector.broadcast %squeeze3A_656 : f32 to vector<16xf32>
          %mul3A_718 = arith.mulf %get3A_676, %mul3A_717 : vector<16xf32>
          %swap3A_719 = arith.index_cast %add3A_652 : i32 to index
          %swap3A_720 = arith.constant 0 : index
          %swap3A_721 = tpu.vector_load %arg20[%swap3A_719, %swap3A_720] {strides = array<i32>} : memref<256x64xf32, #tpu.memory_space<vmem>>, vector<1x16xf32>,
          %swap3A_722 = vector.shape_cast %swap3A_721 : vector<1x16xf32> to vector<16xf32>
          %swap3A_723 = vector.shape_cast %mul3A_718 : vector<16xf32> to vector<1x16xf32>
          tpu.vector_store %arg20[%swap3A_719, %swap3A_720], %swap3A_723 {strides = array<i32>} : memref<256x64xf32, #tpu.memory_space<vmem>>, vector<1x16xf32>,
          %mul3A_724 = vector.broadcast %squeeze3A_656 : f32 to vector<16xf32>
          %mul3A_725 = arith.mulf %get3A_680, %mul3A_724 : vector<16xf32>
          %swap3A_726 = arith.index_cast %add3A_652 : i32 to index
          %swap3A_727 = arith.constant 16 : index
          %swap3A_728 = tpu.vector_load %arg20[%swap3A_726, %swap3A_727] {strides = array<i32>} : memref<256x64xf32, #tpu.memory_space<vmem>>, vector<1x16xf32>,
          %swap3A_729 = vector.shape_cast %swap3A_728 : vector<1x16xf32> to vector<16xf32>
          %swap3A_730 = vector.shape_cast %mul3A_725 : vector<16xf32> to vector<1x16xf32>
          tpu.vector_store %arg20[%swap3A_726, %swap3A_727], %swap3A_730 {strides = array<i32>} : memref<256x64xf32, #tpu.memory_space<vmem>>, vector<1x16xf32>,
          %mul3A_731 = vector.broadcast %squeeze3A_656 : f32 to vector<16xf32>
          %mul3A_732 = arith.mulf %get3A_684, %mul3A_731 : vector<16xf32>
          %swap3A_733 = arith.index_cast %add3A_652 : i32 to index
          %swap3A_734 = arith.constant 32 : index
          %swap3A_735 = tpu.vector_load %arg20[%swap3A_733, %swap3A_734] {strides = array<i32>} : memref<256x64xf32, #tpu.memory_space<vmem>>, vector<1x16xf32>,
          %swap3A_736 = vector.shape_cast %swap3A_735 : vector<1x16xf32> to vector<16xf32>
          %swap3A_737 = vector.shape_cast %mul3A_732 : vector<16xf32> to vector<1x16xf32>
          tpu.vector_store %arg20[%swap3A_733, %swap3A_734], %swap3A_737 {strides = array<i32>} : memref<256x64xf32, #tpu.memory_space<vmem>>, vector<1x16xf32>,
          %mul3A_738 = vector.broadcast %squeeze3A_656 : f32 to vector<16xf32>
          %mul3A_739 = arith.mulf %get3A_688, %mul3A_738 : vector<16xf32>
          %swap3A_740 = arith.index_cast %add3A_652 : i32 to index
          %swap3A_741 = arith.constant 48 : index
          %swap3A_742 = tpu.vector_load %arg20[%swap3A_740, %swap3A_741] {strides = array<i32>} : memref<256x64xf32, #tpu.memory_space<vmem>>, vector<1x16xf32>,
          %swap3A_743 = vector.shape_cast %swap3A_742 : vector<1x16xf32> to vector<16xf32>
          %swap3A_744 = vector.shape_cast %mul3A_739 : vector<16xf32> to vector<1x16xf32>
          tpu.vector_store %arg20[%swap3A_740, %swap3A_741], %swap3A_744 {strides = array<i32>} : memref<256x64xf32, #tpu.memory_space<vmem>>, vector<1x16xf32>,
          %mul3A_745 = arith.constant 16 : i32
          %mul3A_746 = arith.muli %scan3A_218, %mul3A_745 : i32
          %add3A_747 = arith.constant 10 : i32
          %add3A_748 = arith.addi %mul3A_746, %add3A_747 : i32
          %add3A_749 = arith.constant 1 : i32
          %add3A_750 = arith.addi %add3A_748, %add3A_749 : i32
          %slice3A_751 = vector.extract_strided_slice %get3A_257 {offsets = [10], sizes = [1], strides = [1]} : vector<16xf32> to vector<1xf32>
          %squeeze3A_752 = vector.extract %slice3A_751[0] : f32 from vector<1xf32>
          %slice3A_753 = vector.extract_strided_slice %get3A_257 {offsets = [11], sizes = [1], strides = [1]} : vector<16xf32> to vector<1xf32>
          %squeeze3A_754 = vector.extract %slice3A_753[0] : f32 from vector<1xf32>
          %get3A_755 = arith.index_cast %add3A_748 : i32 to index
          %get3A_756 = arith.constant 0 : index
          %get3A_757 = tpu.vector_load %arg10[%get3A_755, %get3A_756] {strides = array<i32>} : memref<256x64xf32, #tpu.memory_space<vmem>>, vector<1x16xf32>,
          %get3A_758 = vector.shape_cast %get3A_757 : vector<1x16xf32> to vector<16xf32>
          %get3A_759 = arith.index_cast %add3A_748 : i32 to index
          %get3A_760 = arith.constant 16 : index
          %get3A_761 = tpu.vector_load %arg10[%get3A_759, %get3A_760] {strides = array<i32>} : memref<256x64xf32, #tpu.memory_space<vmem>>, vector<1x16xf32>,
          %get3A_762 = vector.shape_cast %get3A_761 : vector<1x16xf32> to vector<16xf32>
          %get3A_763 = arith.index_cast %add3A_748 : i32 to index
          %get3A_764 = arith.constant 32 : index
          %get3A_765 = tpu.vector_load %arg10[%get3A_763, %get3A_764] {strides = array<i32>} : memref<256x64xf32, #tpu.memory_space<vmem>>, vector<1x16xf32>,
          %get3A_766 = vector.shape_cast %get3A_765 : vector<1x16xf32> to vector<16xf32>
          %get3A_767 = arith.index_cast %add3A_748 : i32 to index
          %get3A_768 = arith.constant 48 : index
          %get3A_769 = tpu.vector_load %arg10[%get3A_767, %get3A_768] {strides = array<i32>} : memref<256x64xf32, #tpu.memory_space<vmem>>, vector<1x16xf32>,
          %get3A_770 = vector.shape_cast %get3A_769 : vector<1x16xf32> to vector<16xf32>
          %get3A_771 = arith.index_cast %add3A_750 : i32 to index
          %get3A_772 = arith.constant 0 : index
          %get3A_773 = tpu.vector_load %arg10[%get3A_771, %get3A_772] {strides = array<i32>} : memref<256x64xf32, #tpu.memory_space<vmem>>, vector<1x16xf32>,
          %get3A_774 = vector.shape_cast %get3A_773 : vector<1x16xf32> to vector<16xf32>
          %get3A_775 = arith.index_cast %add3A_750 : i32 to index
          %get3A_776 = arith.constant 16 : index
          %get3A_777 = tpu.vector_load %arg10[%get3A_775, %get3A_776] {strides = array<i32>} : memref<256x64xf32, #tpu.memory_space<vmem>>, vector<1x16xf32>,
          %get3A_778 = vector.shape_cast %get3A_777 : vector<1x16xf32> to vector<16xf32>
          %get3A_779 = arith.index_cast %add3A_750 : i32 to index
          %get3A_780 = arith.constant 32 : index
          %get3A_781 = tpu.vector_load %arg10[%get3A_779, %get3A_780] {strides = array<i32>} : memref<256x64xf32, #tpu.memory_space<vmem>>, vector<1x16xf32>,
          %get3A_782 = vector.shape_cast %get3A_781 : vector<1x16xf32> to vector<16xf32>
          %get3A_783 = arith.index_cast %add3A_750 : i32 to index
          %get3A_784 = arith.constant 48 : index
          %get3A_785 = tpu.vector_load %arg10[%get3A_783, %get3A_784] {strides = array<i32>} : memref<256x64xf32, #tpu.memory_space<vmem>>, vector<1x16xf32>,
          %get3A_786 = vector.shape_cast %get3A_785 : vector<1x16xf32> to vector<16xf32>
          %mul3A_787 = vector.broadcast %squeeze3A_752 : f32 to vector<16xf32>
          %mul3A_788 = arith.mulf %get3A_758, %mul3A_787 : vector<16xf32>
          %swap3A_789 = arith.index_cast %add3A_748 : i32 to index
          %swap3A_790 = arith.constant 0 : index
          %swap3A_791 = tpu.vector_load %arg20[%swap3A_789, %swap3A_790] {strides = array<i32>} : memref<256x64xf32, #tpu.memory_space<vmem>>, vector<1x16xf32>,
          %swap3A_792 = vector.shape_cast %swap3A_791 : vector<1x16xf32> to vector<16xf32>
          %swap3A_793 = vector.shape_cast %mul3A_788 : vector<16xf32> to vector<1x16xf32>
          tpu.vector_store %arg20[%swap3A_789, %swap3A_790], %swap3A_793 {strides = array<i32>} : memref<256x64xf32, #tpu.memory_space<vmem>>, vector<1x16xf32>,
          %mul3A_794 = vector.broadcast %squeeze3A_752 : f32 to vector<16xf32>
          %mul3A_795 = arith.mulf %get3A_762, %mul3A_794 : vector<16xf32>
          %swap3A_796 = arith.index_cast %add3A_748 : i32 to index
          %swap3A_797 = arith.constant 16 : index
          %swap3A_798 = tpu.vector_load %arg20[%swap3A_796, %swap3A_797] {strides = array<i32>} : memref<256x64xf32, #tpu.memory_space<vmem>>, vector<1x16xf32>,
          %swap3A_799 = vector.shape_cast %swap3A_798 : vector<1x16xf32> to vector<16xf32>
          %swap3A_800 = vector.shape_cast %mul3A_795 : vector<16xf32> to vector<1x16xf32>
          tpu.vector_store %arg20[%swap3A_796, %swap3A_797], %swap3A_800 {strides = array<i32>} : memref<256x64xf32, #tpu.memory_space<vmem>>, vector<1x16xf32>,
          %mul3A_801 = vector.broadcast %squeeze3A_752 : f32 to vector<16xf32>
          %mul3A_802 = arith.mulf %get3A_766, %mul3A_801 : vector<16xf32>
          %swap3A_803 = arith.index_cast %add3A_748 : i32 to index
          %swap3A_804 = arith.constant 32 : index
          %swap3A_805 = tpu.vector_load %arg20[%swap3A_803, %swap3A_804] {strides = array<i32>} : memref<256x64xf32, #tpu.memory_space<vmem>>, vector<1x16xf32>,
          %swap3A_806 = vector.shape_cast %swap3A_805 : vector<1x16xf32> to vector<16xf32>
          %swap3A_807 = vector.shape_cast %mul3A_802 : vector<16xf32> to vector<1x16xf32>
          tpu.vector_store %arg20[%swap3A_803, %swap3A_804], %swap3A_807 {strides = array<i32>} : memref<256x64xf32, #tpu.memory_space<vmem>>, vector<1x16xf32>,
          %mul3A_808 = vector.broadcast %squeeze3A_752 : f32 to vector<16xf32>
          %mul3A_809 = arith.mulf %get3A_770, %mul3A_808 : vector<16xf32>
          %swap3A_810 = arith.index_cast %add3A_748 : i32 to index
          %swap3A_811 = arith.constant 48 : index
          %swap3A_812 = tpu.vector_load %arg20[%swap3A_810, %swap3A_811] {strides = array<i32>} : memref<256x64xf32, #tpu.memory_space<vmem>>, vector<1x16xf32>,
          %swap3A_813 = vector.shape_cast %swap3A_812 : vector<1x16xf32> to vector<16xf32>
          %swap3A_814 = vector.shape_cast %mul3A_809 : vector<16xf32> to vector<1x16xf32>
          tpu.vector_store %arg20[%swap3A_810, %swap3A_811], %swap3A_814 {strides = array<i32>} : memref<256x64xf32, #tpu.memory_space<vmem>>, vector<1x16xf32>,
          %mul3A_815 = vector.broadcast %squeeze3A_754 : f32 to vector<16xf32>
          %mul3A_816 = arith.mulf %get3A_774, %mul3A_815 : vector<16xf32>
          %swap3A_817 = arith.index_cast %add3A_750 : i32 to index
          %swap3A_818 = arith.constant 0 : index
          %swap3A_819 = tpu.vector_load %arg20[%swap3A_817, %swap3A_818] {strides = array<i32>} : memref<256x64xf32, #tpu.memory_space<vmem>>, vector<1x16xf32>,
          %swap3A_820 = vector.shape_cast %swap3A_819 : vector<1x16xf32> to vector<16xf32>
          %swap3A_821 = vector.shape_cast %mul3A_816 : vector<16xf32> to vector<1x16xf32>
          tpu.vector_store %arg20[%swap3A_817, %swap3A_818], %swap3A_821 {strides = array<i32>} : memref<256x64xf32, #tpu.memory_space<vmem>>, vector<1x16xf32>,
          %mul3A_822 = vector.broadcast %squeeze3A_754 : f32 to vector<16xf32>
          %mul3A_823 = arith.mulf %get3A_778, %mul3A_822 : vector<16xf32>
          %swap3A_824 = arith.index_cast %add3A_750 : i32 to index
          %swap3A_825 = arith.constant 16 : index
          %swap3A_826 = tpu.vector_load %arg20[%swap3A_824, %swap3A_825] {strides = array<i32>} : memref<256x64xf32, #tpu.memory_space<vmem>>, vector<1x16xf32>,
          %swap3A_827 = vector.shape_cast %swap3A_826 : vector<1x16xf32> to vector<16xf32>
          %swap3A_828 = vector.shape_cast %mul3A_823 : vector<16xf32> to vector<1x16xf32>
          tpu.vector_store %arg20[%swap3A_824, %swap3A_825], %swap3A_828 {strides = array<i32>} : memref<256x64xf32, #tpu.memory_space<vmem>>, vector<1x16xf32>,
          %mul3A_829 = vector.broadcast %squeeze3A_754 : f32 to vector<16xf32>
          %mul3A_830 = arith.mulf %get3A_782, %mul3A_829 : vector<16xf32>
          %swap3A_831 = arith.index_cast %add3A_750 : i32 to index
          %swap3A_832 = arith.constant 32 : index
          %swap3A_833 = tpu.vector_load %arg20[%swap3A_831, %swap3A_832] {strides = array<i32>} : memref<256x64xf32, #tpu.memory_space<vmem>>, vector<1x16xf32>,
          %swap3A_834 = vector.shape_cast %swap3A_833 : vector<1x16xf32> to vector<16xf32>
          %swap3A_835 = vector.shape_cast %mul3A_830 : vector<16xf32> to vector<1x16xf32>
          tpu.vector_store %arg20[%swap3A_831, %swap3A_832], %swap3A_835 {strides = array<i32>} : memref<256x64xf32, #tpu.memory_space<vmem>>, vector<1x16xf32>,
          %mul3A_836 = vector.broadcast %squeeze3A_754 : f32 to vector<16xf32>
          %mul3A_837 = arith.mulf %get3A_786, %mul3A_836 : vector<16xf32>
          %swap3A_838 = arith.index_cast %add3A_750 : i32 to index
          %swap3A_839 = arith.constant 48 : index
          %swap3A_840 = tpu.vector_load %arg20[%swap3A_838, %swap3A_839] {strides = array<i32>} : memref<256x64xf32, #tpu.memory_space<vmem>>, vector<1x16xf32>,
          %swap3A_841 = vector.shape_cast %swap3A_840 : vector<1x16xf32> to vector<16xf32>
          %swap3A_842 = vector.shape_cast %mul3A_837 : vector<16xf32> to vector<1x16xf32>
          tpu.vector_store %arg20[%swap3A_838, %swap3A_839], %swap3A_842 {strides = array<i32>} : memref<256x64xf32, #tpu.memory_space<vmem>>, vector<1x16xf32>,
          %mul3A_843 = arith.constant 16 : i32
          %mul3A_844 = arith.muli %scan3A_218, %mul3A_843 : i32
          %add3A_845 = arith.constant 12 : i32
          %add3A_846 = arith.addi %mul3A_844, %add3A_845 : i32
          %add3A_847 = arith.constant 1 : i32
          %add3A_848 = arith.addi %add3A_846, %add3A_847 : i32
          %slice3A_849 = vector.extract_strided_slice %get3A_257 {offsets = [12], sizes = [1], strides = [1]} : vector<16xf32> to vector<1xf32>
          %squeeze3A_850 = vector.extract %slice3A_849[0] : f32 from vector<1xf32>
          %slice3A_851 = vector.extract_strided_slice %get3A_257 {offsets = [13], sizes = [1], strides = [1]} : vector<16xf32> to vector<1xf32>
          %squeeze3A_852 = vector.extract %slice3A_851[0] : f32 from vector<1xf32>
          %get3A_853 = arith.index_cast %add3A_846 : i32 to index
          %get3A_854 = arith.constant 0 : index
          %get3A_855 = tpu.vector_load %arg10[%get3A_853, %get3A_854] {strides = array<i32>} : memref<256x64xf32, #tpu.memory_space<vmem>>, vector<1x16xf32>,
          %get3A_856 = vector.shape_cast %get3A_855 : vector<1x16xf32> to vector<16xf32>
          %get3A_857 = arith.index_cast %add3A_846 : i32 to index
          %get3A_858 = arith.constant 16 : index
          %get3A_859 = tpu.vector_load %arg10[%get3A_857, %get3A_858] {strides = array<i32>} : memref<256x64xf32, #tpu.memory_space<vmem>>, vector<1x16xf32>,
          %get3A_860 = vector.shape_cast %get3A_859 : vector<1x16xf32> to vector<16xf32>
          %get3A_861 = arith.index_cast %add3A_846 : i32 to index
          %get3A_862 = arith.constant 32 : index
          %get3A_863 = tpu.vector_load %arg10[%get3A_861, %get3A_862] {strides = array<i32>} : memref<256x64xf32, #tpu.memory_space<vmem>>, vector<1x16xf32>,
          %get3A_864 = vector.shape_cast %get3A_863 : vector<1x16xf32> to vector<16xf32>
          %get3A_865 = arith.index_cast %add3A_846 : i32 to index
          %get3A_866 = arith.constant 48 : index
          %get3A_867 = tpu.vector_load %arg10[%get3A_865, %get3A_866] {strides = array<i32>} : memref<256x64xf32, #tpu.memory_space<vmem>>, vector<1x16xf32>,
          %get3A_868 = vector.shape_cast %get3A_867 : vector<1x16xf32> to vector<16xf32>
          %get3A_869 = arith.index_cast %add3A_848 : i32 to index
          %get3A_870 = arith.constant 0 : index
          %get3A_871 = tpu.vector_load %arg10[%get3A_869, %get3A_870] {strides = array<i32>} : memref<256x64xf32, #tpu.memory_space<vmem>>, vector<1x16xf32>,
          %get3A_872 = vector.shape_cast %get3A_871 : vector<1x16xf32> to vector<16xf32>
          %get3A_873 = arith.index_cast %add3A_848 : i32 to index
          %get3A_874 = arith.constant 16 : index
          %get3A_875 = tpu.vector_load %arg10[%get3A_873, %get3A_874] {strides = array<i32>} : memref<256x64xf32, #tpu.memory_space<vmem>>, vector<1x16xf32>,
          %get3A_876 = vector.shape_cast %get3A_875 : vector<1x16xf32> to vector<16xf32>
          %get3A_877 = arith.index_cast %add3A_848 : i32 to index
          %get3A_878 = arith.constant 32 : index
          %get3A_879 = tpu.vector_load %arg10[%get3A_877, %get3A_878] {strides = array<i32>} : memref<256x64xf32, #tpu.memory_space<vmem>>, vector<1x16xf32>,
          %get3A_880 = vector.shape_cast %get3A_879 : vector<1x16xf32> to vector<16xf32>
          %get3A_881 = arith.index_cast %add3A_848 : i32 to index
          %get3A_882 = arith.constant 48 : index
          %get3A_883 = tpu.vector_load %arg10[%get3A_881, %get3A_882] {strides = array<i32>} : memref<256x64xf32, #tpu.memory_space<vmem>>, vector<1x16xf32>,
          %get3A_884 = vector.shape_cast %get3A_883 : vector<1x16xf32> to vector<16xf32>
          %mul3A_885 = vector.broadcast %squeeze3A_850 : f32 to vector<16xf32>
          %mul3A_886 = arith.mulf %get3A_856, %mul3A_885 : vector<16xf32>
          %swap3A_887 = arith.index_cast %add3A_846 : i32 to index
          %swap3A_888 = arith.constant 0 : index
          %swap3A_889 = tpu.vector_load %arg20[%swap3A_887, %swap3A_888] {strides = array<i32>} : memref<256x64xf32, #tpu.memory_space<vmem>>, vector<1x16xf32>,
          %swap3A_890 = vector.shape_cast %swap3A_889 : vector<1x16xf32> to vector<16xf32>
          %swap3A_891 = vector.shape_cast %mul3A_886 : vector<16xf32> to vector<1x16xf32>
          tpu.vector_store %arg20[%swap3A_887, %swap3A_888], %swap3A_891 {strides = array<i32>} : memref<256x64xf32, #tpu.memory_space<vmem>>, vector<1x16xf32>,
          %mul3A_892 = vector.broadcast %squeeze3A_850 : f32 to vector<16xf32>
          %mul3A_893 = arith.mulf %get3A_860, %mul3A_892 : vector<16xf32>
          %swap3A_894 = arith.index_cast %add3A_846 : i32 to index
          %swap3A_895 = arith.constant 16 : index
          %swap3A_896 = tpu.vector_load %arg20[%swap3A_894, %swap3A_895] {strides = array<i32>} : memref<256x64xf32, #tpu.memory_space<vmem>>, vector<1x16xf32>,
          %swap3A_897 = vector.shape_cast %swap3A_896 : vector<1x16xf32> to vector<16xf32>
          %swap3A_898 = vector.shape_cast %mul3A_893 : vector<16xf32> to vector<1x16xf32>
          tpu.vector_store %arg20[%swap3A_894, %swap3A_895], %swap3A_898 {strides = array<i32>} : memref<256x64xf32, #tpu.memory_space<vmem>>, vector<1x16xf32>,
          %mul3A_899 = vector.broadcast %squeeze3A_850 : f32 to vector<16xf32>
          %mul3A_900 = arith.mulf %get3A_864, %mul3A_899 : vector<16xf32>
          %swap3A_901 = arith.index_cast %add3A_846 : i32 to index
          %swap3A_902 = arith.constant 32 : index
          %swap3A_903 = tpu.vector_load %arg20[%swap3A_901, %swap3A_902] {strides = array<i32>} : memref<256x64xf32, #tpu.memory_space<vmem>>, vector<1x16xf32>,
          %swap3A_904 = vector.shape_cast %swap3A_903 : vector<1x16xf32> to vector<16xf32>
          %swap3A_905 = vector.shape_cast %mul3A_900 : vector<16xf32> to vector<1x16xf32>
          tpu.vector_store %arg20[%swap3A_901, %swap3A_902], %swap3A_905 {strides = array<i32>} : memref<256x64xf32, #tpu.memory_space<vmem>>, vector<1x16xf32>,
          %mul3A_906 = vector.broadcast %squeeze3A_850 : f32 to vector<16xf32>
          %mul3A_907 = arith.mulf %get3A_868, %mul3A_906 : vector<16xf32>
          %swap3A_908 = arith.index_cast %add3A_846 : i32 to index
          %swap3A_909 = arith.constant 48 : index
          %swap3A_910 = tpu.vector_load %arg20[%swap3A_908, %swap3A_909] {strides = array<i32>} : memref<256x64xf32, #tpu.memory_space<vmem>>, vector<1x16xf32>,
          %swap3A_911 = vector.shape_cast %swap3A_910 : vector<1x16xf32> to vector<16xf32>
          %swap3A_912 = vector.shape_cast %mul3A_907 : vector<16xf32> to vector<1x16xf32>
          tpu.vector_store %arg20[%swap3A_908, %swap3A_909], %swap3A_912 {strides = array<i32>} : memref<256x64xf32, #tpu.memory_space<vmem>>, vector<1x16xf32>,
          %mul3A_913 = vector.broadcast %squeeze3A_852 : f32 to vector<16xf32>
          %mul3A_914 = arith.mulf %get3A_872, %mul3A_913 : vector<16xf32>
          %swap3A_915 = arith.index_cast %add3A_848 : i32 to index
          %swap3A_916 = arith.constant 0 : index
          %swap3A_917 = tpu.vector_load %arg20[%swap3A_915, %swap3A_916] {strides = array<i32>} : memref<256x64xf32, #tpu.memory_space<vmem>>, vector<1x16xf32>,
          %swap3A_918 = vector.shape_cast %swap3A_917 : vector<1x16xf32> to vector<16xf32>
          %swap3A_919 = vector.shape_cast %mul3A_914 : vector<16xf32> to vector<1x16xf32>
          tpu.vector_store %arg20[%swap3A_915, %swap3A_916], %swap3A_919 {strides = array<i32>} : memref<256x64xf32, #tpu.memory_space<vmem>>, vector<1x16xf32>,
          %mul3A_920 = vector.broadcast %squeeze3A_852 : f32 to vector<16xf32>
          %mul3A_921 = arith.mulf %get3A_876, %mul3A_920 : vector<16xf32>
          %swap3A_922 = arith.index_cast %add3A_848 : i32 to index
          %swap3A_923 = arith.constant 16 : index
          %swap3A_924 = tpu.vector_load %arg20[%swap3A_922, %swap3A_923] {strides = array<i32>} : memref<256x64xf32, #tpu.memory_space<vmem>>, vector<1x16xf32>,
          %swap3A_925 = vector.shape_cast %swap3A_924 : vector<1x16xf32> to vector<16xf32>
          %swap3A_926 = vector.shape_cast %mul3A_921 : vector<16xf32> to vector<1x16xf32>
          tpu.vector_store %arg20[%swap3A_922, %swap3A_923], %swap3A_926 {strides = array<i32>} : memref<256x64xf32, #tpu.memory_space<vmem>>, vector<1x16xf32>,
          %mul3A_927 = vector.broadcast %squeeze3A_852 : f32 to vector<16xf32>
          %mul3A_928 = arith.mulf %get3A_880, %mul3A_927 : vector<16xf32>
          %swap3A_929 = arith.index_cast %add3A_848 : i32 to index
          %swap3A_930 = arith.constant 32 : index
          %swap3A_931 = tpu.vector_load %arg20[%swap3A_929, %swap3A_930] {strides = array<i32>} : memref<256x64xf32, #tpu.memory_space<vmem>>, vector<1x16xf32>,
          %swap3A_932 = vector.shape_cast %swap3A_931 : vector<1x16xf32> to vector<16xf32>
          %swap3A_933 = vector.shape_cast %mul3A_928 : vector<16xf32> to vector<1x16xf32>
          tpu.vector_store %arg20[%swap3A_929, %swap3A_930], %swap3A_933 {strides = array<i32>} : memref<256x64xf32, #tpu.memory_space<vmem>>, vector<1x16xf32>,
          %mul3A_934 = vector.broadcast %squeeze3A_852 : f32 to vector<16xf32>
          %mul3A_935 = arith.mulf %get3A_884, %mul3A_934 : vector<16xf32>
          %swap3A_936 = arith.index_cast %add3A_848 : i32 to index
          %swap3A_937 = arith.constant 48 : index
          %swap3A_938 = tpu.vector_load %arg20[%swap3A_936, %swap3A_937] {strides = array<i32>} : memref<256x64xf32, #tpu.memory_space<vmem>>, vector<1x16xf32>,
          %swap3A_939 = vector.shape_cast %swap3A_938 : vector<1x16xf32> to vector<16xf32>
          %swap3A_940 = vector.shape_cast %mul3A_935 : vector<16xf32> to vector<1x16xf32>
          tpu.vector_store %arg20[%swap3A_936, %swap3A_937], %swap3A_940 {strides = array<i32>} : memref<256x64xf32, #tpu.memory_space<vmem>>, vector<1x16xf32>,
          %mul3A_941 = arith.constant 16 : i32
          %mul3A_942 = arith.muli %scan3A_218, %mul3A_941 : i32
          %add3A_943 = arith.constant 14 : i32
          %add3A_944 = arith.addi %mul3A_942, %add3A_943 : i32
          %add3A_945 = arith.constant 1 : i32
          %add3A_946 = arith.addi %add3A_944, %add3A_945 : i32
          %slice3A_947 = vector.extract_strided_slice %get3A_257 {offsets = [14], sizes = [1], strides = [1]} : vector<16xf32> to vector<1xf32>
          %squeeze3A_948 = vector.extract %slice3A_947[0] : f32 from vector<1xf32>
          %slice3A_949 = vector.extract_strided_slice %get3A_257 {offsets = [15], sizes = [1], strides = [1]} : vector<16xf32> to vector<1xf32>
          %squeeze3A_950 = vector.extract %slice3A_949[0] : f32 from vector<1xf32>
          %get3A_951 = arith.index_cast %add3A_944 : i32 to index
          %get3A_952 = arith.constant 0 : index
          %get3A_953 = tpu.vector_load %arg10[%get3A_951, %get3A_952] {strides = array<i32>} : memref<256x64xf32, #tpu.memory_space<vmem>>, vector<1x16xf32>,
          %get3A_954 = vector.shape_cast %get3A_953 : vector<1x16xf32> to vector<16xf32>
          %get3A_955 = arith.index_cast %add3A_944 : i32 to index
          %get3A_956 = arith.constant 16 : index
          %get3A_957 = tpu.vector_load %arg10[%get3A_955, %get3A_956] {strides = array<i32>} : memref<256x64xf32, #tpu.memory_space<vmem>>, vector<1x16xf32>,
          %get3A_958 = vector.shape_cast %get3A_957 : vector<1x16xf32> to vector<16xf32>
          %get3A_959 = arith.index_cast %add3A_944 : i32 to index
          %get3A_960 = arith.constant 32 : index
          %get3A_961 = tpu.vector_load %arg10[%get3A_959, %get3A_960] {strides = array<i32>} : memref<256x64xf32, #tpu.memory_space<vmem>>, vector<1x16xf32>,
          %get3A_962 = vector.shape_cast %get3A_961 : vector<1x16xf32> to vector<16xf32>
          %get3A_963 = arith.index_cast %add3A_944 : i32 to index
          %get3A_964 = arith.constant 48 : index
          %get3A_965 = tpu.vector_load %arg10[%get3A_963, %get3A_964] {strides = array<i32>} : memref<256x64xf32, #tpu.memory_space<vmem>>, vector<1x16xf32>,
          %get3A_966 = vector.shape_cast %get3A_965 : vector<1x16xf32> to vector<16xf32>
          %get3A_967 = arith.index_cast %add3A_946 : i32 to index
          %get3A_968 = arith.constant 0 : index
          %get3A_969 = tpu.vector_load %arg10[%get3A_967, %get3A_968] {strides = array<i32>} : memref<256x64xf32, #tpu.memory_space<vmem>>, vector<1x16xf32>,
          %get3A_970 = vector.shape_cast %get3A_969 : vector<1x16xf32> to vector<16xf32>
          %get3A_971 = arith.index_cast %add3A_946 : i32 to index
          %get3A_972 = arith.constant 16 : index
          %get3A_973 = tpu.vector_load %arg10[%get3A_971, %get3A_972] {strides = array<i32>} : memref<256x64xf32, #tpu.memory_space<vmem>>, vector<1x16xf32>,
          %get3A_974 = vector.shape_cast %get3A_973 : vector<1x16xf32> to vector<16xf32>
          %get3A_975 = arith.index_cast %add3A_946 : i32 to index
          %get3A_976 = arith.constant 32 : index
          %get3A_977 = tpu.vector_load %arg10[%get3A_975, %get3A_976] {strides = array<i32>} : memref<256x64xf32, #tpu.memory_space<vmem>>, vector<1x16xf32>,
          %get3A_978 = vector.shape_cast %get3A_977 : vector<1x16xf32> to vector<16xf32>
          %get3A_979 = arith.index_cast %add3A_946 : i32 to index
          %get3A_980 = arith.constant 48 : index
          %get3A_981 = tpu.vector_load %arg10[%get3A_979, %get3A_980] {strides = array<i32>} : memref<256x64xf32, #tpu.memory_space<vmem>>, vector<1x16xf32>,
          %get3A_982 = vector.shape_cast %get3A_981 : vector<1x16xf32> to vector<16xf32>
          %mul3A_983 = vector.broadcast %squeeze3A_948 : f32 to vector<16xf32>
          %mul3A_984 = arith.mulf %get3A_954, %mul3A_983 : vector<16xf32>
          %swap3A_985 = arith.index_cast %add3A_944 : i32 to index
          %swap3A_986 = arith.constant 0 : index
          %swap3A_987 = tpu.vector_load %arg20[%swap3A_985, %swap3A_986] {strides = array<i32>} : memref<256x64xf32, #tpu.memory_space<vmem>>, vector<1x16xf32>,
          %swap3A_988 = vector.shape_cast %swap3A_987 : vector<1x16xf32> to vector<16xf32>
          %swap3A_989 = vector.shape_cast %mul3A_984 : vector<16xf32> to vector<1x16xf32>
          tpu.vector_store %arg20[%swap3A_985, %swap3A_986], %swap3A_989 {strides = array<i32>} : memref<256x64xf32, #tpu.memory_space<vmem>>, vector<1x16xf32>,
          %mul3A_990 = vector.broadcast %squeeze3A_948 : f32 to vector<16xf32>
          %mul3A_991 = arith.mulf %get3A_958, %mul3A_990 : vector<16xf32>
          %swap3A_992 = arith.index_cast %add3A_944 : i32 to index
          %swap3A_993 = arith.constant 16 : index
          %swap3A_994 = tpu.vector_load %arg20[%swap3A_992, %swap3A_993] {strides = array<i32>} : memref<256x64xf32, #tpu.memory_space<vmem>>, vector<1x16xf32>,
          %swap3A_995 = vector.shape_cast %swap3A_994 : vector<1x16xf32> to vector<16xf32>
          %swap3A_996 = vector.shape_cast %mul3A_991 : vector<16xf32> to vector<1x16xf32>
          tpu.vector_store %arg20[%swap3A_992, %swap3A_993], %swap3A_996 {strides = array<i32>} : memref<256x64xf32, #tpu.memory_space<vmem>>, vector<1x16xf32>,
          %mul3A_997 = vector.broadcast %squeeze3A_948 : f32 to vector<16xf32>
          %mul3A_998 = arith.mulf %get3A_962, %mul3A_997 : vector<16xf32>
          %swap3A_999 = arith.index_cast %add3A_944 : i32 to index
          %swap3A_1000 = arith.constant 32 : index
          %swap3A_1001 = tpu.vector_load %arg20[%swap3A_999, %swap3A_1000] {strides = array<i32>} : memref<256x64xf32, #tpu.memory_space<vmem>>, vector<1x16xf32>,
          %swap3A_1002 = vector.shape_cast %swap3A_1001 : vector<1x16xf32> to vector<16xf32>
          %swap3A_1003 = vector.shape_cast %mul3A_998 : vector<16xf32> to vector<1x16xf32>
          tpu.vector_store %arg20[%swap3A_999, %swap3A_1000], %swap3A_1003 {strides = array<i32>} : memref<256x64xf32, #tpu.memory_space<vmem>>, vector<1x16xf32>,
          %mul3A_1004 = vector.broadcast %squeeze3A_948 : f32 to vector<16xf32>
          %mul3A_1005 = arith.mulf %get3A_966, %mul3A_1004 : vector<16xf32>
          %swap3A_1006 = arith.index_cast %add3A_944 : i32 to index
          %swap3A_1007 = arith.constant 48 : index
          %swap3A_1008 = tpu.vector_load %arg20[%swap3A_1006, %swap3A_1007] {strides = array<i32>} : memref<256x64xf32, #tpu.memory_space<vmem>>, vector<1x16xf32>,
          %swap3A_1009 = vector.shape_cast %swap3A_1008 : vector<1x16xf32> to vector<16xf32>
          %swap3A_1010 = vector.shape_cast %mul3A_1005 : vector<16xf32> to vector<1x16xf32>
          tpu.vector_store %arg20[%swap3A_1006, %swap3A_1007], %swap3A_1010 {strides = array<i32>} : memref<256x64xf32, #tpu.memory_space<vmem>>, vector<1x16xf32>,
          %mul3A_1011 = vector.broadcast %squeeze3A_950 : f32 to vector<16xf32>
          %mul3A_1012 = arith.mulf %get3A_970, %mul3A_1011 : vector<16xf32>
          %swap3A_1013 = arith.index_cast %add3A_946 : i32 to index
          %swap3A_1014 = arith.constant 0 : index
          %swap3A_1015 = tpu.vector_load %arg20[%swap3A_1013, %swap3A_1014] {strides = array<i32>} : memref<256x64xf32, #tpu.memory_space<vmem>>, vector<1x16xf32>,
          %swap3A_1016 = vector.shape_cast %swap3A_1015 : vector<1x16xf32> to vector<16xf32>
          %swap3A_1017 = vector.shape_cast %mul3A_1012 : vector<16xf32> to vector<1x16xf32>
          tpu.vector_store %arg20[%swap3A_1013, %swap3A_1014], %swap3A_1017 {strides = array<i32>} : memref<256x64xf32, #tpu.memory_space<vmem>>, vector<1x16xf32>,
          %mul3A_1018 = vector.broadcast %squeeze3A_950 : f32 to vector<16xf32>
          %mul3A_1019 = arith.mulf %get3A_974, %mul3A_1018 : vector<16xf32>
          %swap3A_1020 = arith.index_cast %add3A_946 : i32 to index
          %swap3A_1021 = arith.constant 16 : index
          %swap3A_1022 = tpu.vector_load %arg20[%swap3A_1020, %swap3A_1021] {strides = array<i32>} : memref<256x64xf32, #tpu.memory_space<vmem>>, vector<1x16xf32>,
          %swap3A_1023 = vector.shape_cast %swap3A_1022 : vector<1x16xf32> to vector<16xf32>
          %swap3A_1024 = vector.shape_cast %mul3A_1019 : vector<16xf32> to vector<1x16xf32>
          tpu.vector_store %arg20[%swap3A_1020, %swap3A_1021], %swap3A_1024 {strides = array<i32>} : memref<256x64xf32, #tpu.memory_space<vmem>>, vector<1x16xf32>,
          %mul3A_1025 = vector.broadcast %squeeze3A_950 : f32 to vector<16xf32>
          %mul3A_1026 = arith.mulf %get3A_978, %mul3A_1025 : vector<16xf32>
          %swap3A_1027 = arith.index_cast %add3A_946 : i32 to index
          %swap3A_1028 = arith.constant 32 : index
          %swap3A_1029 = tpu.vector_load %arg20[%swap3A_1027, %swap3A_1028] {strides = array<i32>} : memref<256x64xf32, #tpu.memory_space<vmem>>, vector<1x16xf32>,
          %swap3A_1030 = vector.shape_cast %swap3A_1029 : vector<1x16xf32> to vector<16xf32>
          %swap3A_1031 = vector.shape_cast %mul3A_1026 : vector<16xf32> to vector<1x16xf32>
          tpu.vector_store %arg20[%swap3A_1027, %swap3A_1028], %swap3A_1031 {strides = array<i32>} : memref<256x64xf32, #tpu.memory_space<vmem>>, vector<1x16xf32>,
          %mul3A_1032 = vector.broadcast %squeeze3A_950 : f32 to vector<16xf32>
          %mul3A_1033 = arith.mulf %get3A_982, %mul3A_1032 : vector<16xf32>
          %swap3A_1034 = arith.index_cast %add3A_946 : i32 to index
          %swap3A_1035 = arith.constant 48 : index
          %swap3A_1036 = tpu.vector_load %arg20[%swap3A_1034, %swap3A_1035] {strides = array<i32>} : memref<256x64xf32, #tpu.memory_space<vmem>>, vector<1x16xf32>,
          %swap3A_1037 = vector.shape_cast %swap3A_1036 : vector<1x16xf32> to vector<16xf32>
          %swap3A_1038 = vector.shape_cast %mul3A_1033 : vector<16xf32> to vector<1x16xf32>
          tpu.vector_store %arg20[%swap3A_1034, %swap3A_1035], %swap3A_1038 {strides = array<i32>} : memref<256x64xf32, #tpu.memory_space<vmem>>, vector<1x16xf32>,
        }
        %scan3A_193 = arith.constant 16 : i32
        %dma_start3A = arith.constant 0 : i32
        %dma_start3A_194 = arith.constant 0 : i32
        %dma_start3A_195 = arith.constant 0 : i32
        %dma_start3A_196 = tpu.memref_slice %arg20[%dma_start3A_194, %dma_start3A_195] : memref<256x64xf32, #tpu.memory_space<vmem>> -> memref<128x64xf32, #tpu.memory_space<vmem>>
        %dma_start3A_197 = arith.constant 0 : i32
        %dma_start3A_198 = tpu.memref_slice %arg16[%dma_start3A, %dma_start3A_197] : memref<2x128xi32, #tpu.memory_space<vmem>> -> memref<1x128xi32, #tpu.memory_space<vmem>>
        %dma_start3A_199 = tpu.memref_squeeze %dma_start3A_198 : memref<1x128xi32, #tpu.memory_space<vmem>> -> memref<128xi32, #tpu.memory_space<vmem>>
        %dma_start3A_200 = arith.constant 0 : i32
        %dma_start3A_201 = arith.constant 0 : i32
        %dma_start3A_202 = tpu.memref_slice %arg23[%dma_start3A_200, %dma_start3A_201] : memref<10112x64xf32, #tpu.memory_space<vmem_shared>> -> memref<10112x64xf32, #tpu.memory_space<vmem_shared>>
        tpu.enqueue_indirect_dma source(%dma_start3A_196 : memref<128x64xf32, #tpu.memory_space<vmem>>) target(%dma_start3A_202 : memref<10112x64xf32, #tpu.memory_space<vmem_shared>>) offsets(%dma_start3A_199 : memref<128xi32, #tpu.memory_space<vmem>>) semaphore(%arg27 : memref<!tpu.dma_semaphore, #tpu.memory_space<semaphore_mem>>) {add = true}
        %dma_start3A_203 = arith.constant 1 : i32
        %dma_start3A_204 = arith.constant 128 : i32
        %dma_start3A_205 = arith.constant 0 : i32
        %dma_start3A_206 = tpu.memref_slice %arg20[%dma_start3A_204, %dma_start3A_205] : memref<256x64xf32, #tpu.memory_space<vmem>> -> memref<128x64xf32, #tpu.memory_space<vmem>>
        %dma_start3A_207 = arith.constant 0 : i32
        %dma_start3A_208 = tpu.memref_slice %arg16[%dma_start3A_203, %dma_start3A_207] : memref<2x128xi32, #tpu.memory_space<vmem>> -> memref<1x128xi32, #tpu.memory_space<vmem>>
        %dma_start3A_209 = tpu.memref_squeeze %dma_start3A_208 : memref<1x128xi32, #tpu.memory_space<vmem>> -> memref<128xi32, #tpu.memory_space<vmem>>
        %dma_start3A_210 = arith.constant 0 : i32
        %dma_start3A_211 = arith.constant 0 : i32
        %dma_start3A_212 = tpu.memref_slice %arg23[%dma_start3A_210, %dma_start3A_211] : memref<10112x64xf32, #tpu.memory_space<vmem_shared>> -> memref<10112x64xf32, #tpu.memory_space<vmem_shared>>
        tpu.enqueue_indirect_dma source(%dma_start3A_206 : memref<128x64xf32, #tpu.memory_space<vmem>>) target(%dma_start3A_212 : memref<10112x64xf32, #tpu.memory_space<vmem_shared>>) offsets(%dma_start3A_209 : memref<128xi32, #tpu.memory_space<vmem>>) semaphore(%arg27 : memref<!tpu.dma_semaphore, #tpu.memory_space<semaphore_mem>>) {add = true}
        %eq3A_213 = arith.constant 0 : i32
        %eq3A_214 = arith.cmpi eq, %arg0, %eq3A_213 : i32
        %convert_element_type3A_215 = arith.extui %eq3A_214 : i1 to i32
        %cond3A_216 = arith.constant 0 : i32
        %cond3A_217 = arith.cmpi ne, %convert_element_type3A_215, %cond3A_216 : i32
        scf.if %cond3A_217 {
          %dma_start3A_218 = arith.constant 0 : i32
          %dma_start3A_219 = arith.constant 0 : i32
          %dma_start3A_220 = tpu.memref_slice %arg16[%dma_start3A_218, %dma_start3A_219] : memref<2x128xi32, #tpu.memory_space<vmem>> -> memref<1x128xi32, #tpu.memory_space<vmem>>
          %dma_start3A_221 = tpu.memref_squeeze %dma_start3A_220 : memref<1x128xi32, #tpu.memory_space<vmem>> -> memref<128xi32, #tpu.memory_space<vmem>>
          %dma_start3A_222 = arith.constant 0 : i32
          %dma_start3A_223 = arith.constant 0 : i32
          %dma_start3A_224 = tpu.memref_slice %arg24[%dma_start3A_222, %dma_start3A_223] : memref<10112x8xf32, #tpu.memory_space<vmem_shared>> -> memref<10112x8xf32, #tpu.memory_space<vmem_shared>>
          tpu.enqueue_indirect_dma source(%arg22 : memref<128x8xf32, #tpu.memory_space<vmem>>) target(%dma_start3A_224 : memref<10112x8xf32, #tpu.memory_space<vmem_shared>>) offsets(%dma_start3A_221 : memref<128xi32, #tpu.memory_space<vmem>>) semaphore(%arg27 : memref<!tpu.dma_semaphore, #tpu.memory_space<semaphore_mem>>) {add = true}
          %dma_start3A_225 = arith.constant 1 : i32
          %dma_start3A_226 = arith.constant 0 : i32
          %dma_start3A_227 = tpu.memref_slice %arg16[%dma_start3A_225, %dma_start3A_226] : memref<2x128xi32, #tpu.memory_space<vmem>> -> memref<1x128xi32, #tpu.memory_space<vmem>>
          %dma_start3A_228 = tpu.memref_squeeze %dma_start3A_227 : memref<1x128xi32, #tpu.memory_space<vmem>> -> memref<128xi32, #tpu.memory_space<vmem>>
          %dma_start3A_229 = arith.constant 0 : i32
          %dma_start3A_230 = arith.constant 0 : i32
          %dma_start3A_231 = tpu.memref_slice %arg24[%dma_start3A_229, %dma_start3A_230] : memref<10112x8xf32, #tpu.memory_space<vmem_shared>> -> memref<10112x8xf32, #tpu.memory_space<vmem_shared>>
          tpu.enqueue_indirect_dma source(%arg22 : memref<128x8xf32, #tpu.memory_space<vmem>>) target(%dma_start3A_231 : memref<10112x8xf32, #tpu.memory_space<vmem_shared>>) offsets(%dma_start3A_228 : memref<128xi32, #tpu.memory_space<vmem>>) semaphore(%arg27 : memref<!tpu.dma_semaphore, #tpu.memory_space<semaphore_mem>>) {add = true}
        } else {
        }
      } else {
      }
    }
    %scan3A_5 = arith.constant 20 : i32
    %add3A = arith.constant 1232 : i32
    %add3A_6 = arith.addi %arg1, %add3A : i32
    %lt3A = arith.constant 1250 : i32
    %lt3A_7 = arith.cmpi slt, %add3A_6, %lt3A : i32
    %convert_element_type3A = arith.extui %lt3A_7 : i1 to i32
    %cond3A = arith.constant 0 : i32
    %cond3A_8 = arith.cmpi ne, %convert_element_type3A, %cond3A : i32
    scf.if %cond3A_8 {
      %dma_wait3A = arith.constant 0 : i32
      %dma_wait3A_24 = arith.constant 0 : i32
      %dma_wait3A_25 = arith.constant 0 : i32
      %dma_wait3A_26 = tpu.memref_slice %arg21[%dma_wait3A_24, %dma_wait3A_25] : memref<256x64xf32, #tpu.memory_space<vmem>> -> memref<128x64xf32, #tpu.memory_space<vmem>>
      %dma_wait3A_27 = arith.constant 0 : i32
      %dma_wait3A_28 = tpu.memref_slice %arg15[%dma_wait3A, %dma_wait3A_27] : memref<2x128xi32, #tpu.memory_space<vmem>> -> memref<1x128xi32, #tpu.memory_space<vmem>>
      %dma_wait3A_29 = tpu.memref_squeeze %dma_wait3A_28 : memref<1x128xi32, #tpu.memory_space<vmem>> -> memref<128xi32, #tpu.memory_space<vmem>>
      %dma_wait3A_30 = arith.constant 0 : i32
      %dma_wait3A_31 = arith.constant 0 : i32
      %dma_wait3A_32 = tpu.memref_slice %arg23[%dma_wait3A_30, %dma_wait3A_31] : memref<10112x64xf32, #tpu.memory_space<vmem_shared>> -> memref<10112x64xf32, #tpu.memory_space<vmem_shared>>
      tpu.wait_indirect_dma semaphore(%arg28 : memref<!tpu.dma_semaphore, #tpu.memory_space<semaphore_mem>>) src(%dma_wait3A_26 : memref<128x64xf32, #tpu.memory_space<vmem>>) dst(%dma_wait3A_32 : memref<10112x64xf32, #tpu.memory_space<vmem_shared>>)
      %dma_wait3A_33 = arith.constant 1 : i32
      %dma_wait3A_34 = arith.constant 128 : i32
      %dma_wait3A_35 = arith.constant 0 : i32
      %dma_wait3A_36 = tpu.memref_slice %arg21[%dma_wait3A_34, %dma_wait3A_35] : memref<256x64xf32, #tpu.memory_space<vmem>> -> memref<128x64xf32, #tpu.memory_space<vmem>>
      %dma_wait3A_37 = arith.constant 0 : i32
      %dma_wait3A_38 = tpu.memref_slice %arg15[%dma_wait3A_33, %dma_wait3A_37] : memref<2x128xi32, #tpu.memory_space<vmem>> -> memref<1x128xi32, #tpu.memory_space<vmem>>
      %dma_wait3A_39 = tpu.memref_squeeze %dma_wait3A_38 : memref<1x128xi32, #tpu.memory_space<vmem>> -> memref<128xi32, #tpu.memory_space<vmem>>
      %dma_wait3A_40 = arith.constant 0 : i32
      %dma_wait3A_41 = arith.constant 0 : i32
      %dma_wait3A_42 = tpu.memref_slice %arg23[%dma_wait3A_40, %dma_wait3A_41] : memref<10112x64xf32, #tpu.memory_space<vmem_shared>> -> memref<10112x64xf32, #tpu.memory_space<vmem_shared>>
      tpu.wait_indirect_dma semaphore(%arg28 : memref<!tpu.dma_semaphore, #tpu.memory_space<semaphore_mem>>) src(%dma_wait3A_36 : memref<128x64xf32, #tpu.memory_space<vmem>>) dst(%dma_wait3A_42 : memref<10112x64xf32, #tpu.memory_space<vmem_shared>>)
      %eq3A_43 = arith.constant 0 : i32
      %eq3A_44 = arith.cmpi eq, %arg0, %eq3A_43 : i32
      %convert_element_type3A_45 = arith.extui %eq3A_44 : i1 to i32
      %cond3A_46 = arith.constant 0 : i32
      %cond3A_47 = arith.cmpi ne, %convert_element_type3A_45, %cond3A_46 : i32
      scf.if %cond3A_47 {
        %dma_wait3A_48 = arith.constant 0 : i32
        %dma_wait3A_49 = arith.constant 0 : i32
        %dma_wait3A_50 = tpu.memref_slice %arg15[%dma_wait3A_48, %dma_wait3A_49] : memref<2x128xi32, #tpu.memory_space<vmem>> -> memref<1x128xi32, #tpu.memory_space<vmem>>
        %dma_wait3A_51 = tpu.memref_squeeze %dma_wait3A_50 : memref<1x128xi32, #tpu.memory_space<vmem>> -> memref<128xi32, #tpu.memory_space<vmem>>
        %dma_wait3A_52 = arith.constant 0 : i32
        %dma_wait3A_53 = arith.constant 0 : i32
        %dma_wait3A_54 = tpu.memref_slice %arg24[%dma_wait3A_52, %dma_wait3A_53] : memref<10112x8xf32, #tpu.memory_space<vmem_shared>> -> memref<10112x8xf32, #tpu.memory_space<vmem_shared>>
        tpu.wait_indirect_dma semaphore(%arg28 : memref<!tpu.dma_semaphore, #tpu.memory_space<semaphore_mem>>) src(%arg22 : memref<128x8xf32, #tpu.memory_space<vmem>>) dst(%dma_wait3A_54 : memref<10112x8xf32, #tpu.memory_space<vmem_shared>>)
        %dma_wait3A_55 = arith.constant 1 : i32
        %dma_wait3A_56 = arith.constant 0 : i32
        %dma_wait3A_57 = tpu.memref_slice %arg15[%dma_wait3A_55, %dma_wait3A_56] : memref<2x128xi32, #tpu.memory_space<vmem>> -> memref<1x128xi32, #tpu.memory_space<vmem>>
        %dma_wait3A_58 = tpu.memref_squeeze %dma_wait3A_57 : memref<1x128xi32, #tpu.memory_space<vmem>> -> memref<128xi32, #tpu.memory_space<vmem>>
        %dma_wait3A_59 = arith.constant 0 : i32
        %dma_wait3A_60 = arith.constant 0 : i32
        %dma_wait3A_61 = tpu.memref_slice %arg24[%dma_wait3A_59, %dma_wait3A_60] : memref<10112x8xf32, #tpu.memory_space<vmem_shared>> -> memref<10112x8xf32, #tpu.memory_space<vmem_shared>>
        tpu.wait_indirect_dma semaphore(%arg28 : memref<!tpu.dma_semaphore, #tpu.memory_space<semaphore_mem>>) src(%arg22 : memref<128x8xf32, #tpu.memory_space<vmem>>) dst(%dma_wait3A_61 : memref<10112x8xf32, #tpu.memory_space<vmem_shared>>)
      } else {
      }
    } else {
    }
    %add3A_9 = arith.constant 1248 : i32
    %add3A_10 = arith.addi %arg1, %add3A_9 : i32
    %lt3A_11 = arith.constant 1250 : i32
    %lt3A_12 = arith.cmpi slt, %add3A_10, %lt3A_11 : i32
    %convert_element_type3A_13 = arith.extui %lt3A_12 : i1 to i32
    %cond3A_14 = arith.constant 0 : i32
    %cond3A_15 = arith.cmpi ne, %convert_element_type3A_13, %cond3A_14 : i32
    scf.if %cond3A_15 {
      %dma_wait3A = arith.constant 0 : i32
      %dma_wait3A_24 = arith.constant 0 : i32
      %dma_wait3A_25 = arith.constant 0 : i32
      %dma_wait3A_26 = tpu.memref_slice %arg20[%dma_wait3A_24, %dma_wait3A_25] : memref<256x64xf32, #tpu.memory_space<vmem>> -> memref<128x64xf32, #tpu.memory_space<vmem>>
      %dma_wait3A_27 = arith.constant 0 : i32
      %dma_wait3A_28 = tpu.memref_slice %arg16[%dma_wait3A, %dma_wait3A_27] : memref<2x128xi32, #tpu.memory_space<vmem>> -> memref<1x128xi32, #tpu.memory_space<vmem>>
      %dma_wait3A_29 = tpu.memref_squeeze %dma_wait3A_28 : memref<1x128xi32, #tpu.memory_space<vmem>> -> memref<128xi32, #tpu.memory_space<vmem>>
      %dma_wait3A_30 = arith.constant 0 : i32
      %dma_wait3A_31 = arith.constant 0 : i32
      %dma_wait3A_32 = tpu.memref_slice %arg23[%dma_wait3A_30, %dma_wait3A_31] : memref<10112x64xf32, #tpu.memory_space<vmem_shared>> -> memref<10112x64xf32, #tpu.memory_space<vmem_shared>>
      tpu.wait_indirect_dma semaphore(%arg27 : memref<!tpu.dma_semaphore, #tpu.memory_space<semaphore_mem>>) src(%dma_wait3A_26 : memref<128x64xf32, #tpu.memory_space<vmem>>) dst(%dma_wait3A_32 : memref<10112x64xf32, #tpu.memory_space<vmem_shared>>)
      %dma_wait3A_33 = arith.constant 1 : i32
      %dma_wait3A_34 = arith.constant 128 : i32
      %dma_wait3A_35 = arith.constant 0 : i32
      %dma_wait3A_36 = tpu.memref_slice %arg20[%dma_wait3A_34, %dma_wait3A_35] : memref<256x64xf32, #tpu.memory_space<vmem>> -> memref<128x64xf32, #tpu.memory_space<vmem>>
      %dma_wait3A_37 = arith.constant 0 : i32
      %dma_wait3A_38 = tpu.memref_slice %arg16[%dma_wait3A_33, %dma_wait3A_37] : memref<2x128xi32, #tpu.memory_space<vmem>> -> memref<1x128xi32, #tpu.memory_space<vmem>>
      %dma_wait3A_39 = tpu.memref_squeeze %dma_wait3A_38 : memref<1x128xi32, #tpu.memory_space<vmem>> -> memref<128xi32, #tpu.memory_space<vmem>>
      %dma_wait3A_40 = arith.constant 0 : i32
      %dma_wait3A_41 = arith.constant 0 : i32
      %dma_wait3A_42 = tpu.memref_slice %arg23[%dma_wait3A_40, %dma_wait3A_41] : memref<10112x64xf32, #tpu.memory_space<vmem_shared>> -> memref<10112x64xf32, #tpu.memory_space<vmem_shared>>
      tpu.wait_indirect_dma semaphore(%arg27 : memref<!tpu.dma_semaphore, #tpu.memory_space<semaphore_mem>>) src(%dma_wait3A_36 : memref<128x64xf32, #tpu.memory_space<vmem>>) dst(%dma_wait3A_42 : memref<10112x64xf32, #tpu.memory_space<vmem_shared>>)
      %eq3A_43 = arith.constant 0 : i32
      %eq3A_44 = arith.cmpi eq, %arg0, %eq3A_43 : i32
      %convert_element_type3A_45 = arith.extui %eq3A_44 : i1 to i32
      %cond3A_46 = arith.constant 0 : i32
      %cond3A_47 = arith.cmpi ne, %convert_element_type3A_45, %cond3A_46 : i32
      scf.if %cond3A_47 {
        %dma_wait3A_48 = arith.constant 0 : i32
        %dma_wait3A_49 = arith.constant 0 : i32
        %dma_wait3A_50 = tpu.memref_slice %arg16[%dma_wait3A_48, %dma_wait3A_49] : memref<2x128xi32, #tpu.memory_space<vmem>> -> memref<1x128xi32, #tpu.memory_space<vmem>>
        %dma_wait3A_51 = tpu.memref_squeeze %dma_wait3A_50 : memref<1x128xi32, #tpu.memory_space<vmem>> -> memref<128xi32, #tpu.memory_space<vmem>>
        %dma_wait3A_52 = arith.constant 0 : i32
        %dma_wait3A_53 = arith.constant 0 : i32
        %dma_wait3A_54 = tpu.memref_slice %arg24[%dma_wait3A_52, %dma_wait3A_53] : memref<10112x8xf32, #tpu.memory_space<vmem_shared>> -> memref<10112x8xf32, #tpu.memory_space<vmem_shared>>
        tpu.wait_indirect_dma semaphore(%arg27 : memref<!tpu.dma_semaphore, #tpu.memory_space<semaphore_mem>>) src(%arg22 : memref<128x8xf32, #tpu.memory_space<vmem>>) dst(%dma_wait3A_54 : memref<10112x8xf32, #tpu.memory_space<vmem_shared>>)
        %dma_wait3A_55 = arith.constant 1 : i32
        %dma_wait3A_56 = arith.constant 0 : i32
        %dma_wait3A_57 = tpu.memref_slice %arg16[%dma_wait3A_55, %dma_wait3A_56] : memref<2x128xi32, #tpu.memory_space<vmem>> -> memref<1x128xi32, #tpu.memory_space<vmem>>
        %dma_wait3A_58 = tpu.memref_squeeze %dma_wait3A_57 : memref<1x128xi32, #tpu.memory_space<vmem>> -> memref<128xi32, #tpu.memory_space<vmem>>
        %dma_wait3A_59 = arith.constant 0 : i32
        %dma_wait3A_60 = arith.constant 0 : i32
        %dma_wait3A_61 = tpu.memref_slice %arg24[%dma_wait3A_59, %dma_wait3A_60] : memref<10112x8xf32, #tpu.memory_space<vmem_shared>> -> memref<10112x8xf32, #tpu.memory_space<vmem_shared>>
        tpu.wait_indirect_dma semaphore(%arg27 : memref<!tpu.dma_semaphore, #tpu.memory_space<semaphore_mem>>) src(%arg22 : memref<128x8xf32, #tpu.memory_space<vmem>>) dst(%dma_wait3A_61 : memref<10112x8xf32, #tpu.memory_space<vmem_shared>>)
      } else {
      }
    } else {
    }
    %barrier3A_16 = arith.constant 0 : index
    tpu.barrier barrier_id(%barrier3A_16)
    %mul3A_17 = arith.constant 10112 : i32
    %mul3A_18 = arith.muli %arg0, %mul3A_17 : i32
    %add3A_19 = arith.addi %mul3A_18, %mul3A_0 : i32
    "tpu.region"() ({
      %run_scoped3A = tpu.sem_alloc : memref<!tpu.dma_semaphore, #tpu.memory_space<semaphore_mem>>
      %dma_start3A = arith.constant 0 : i32
      %dma_start3A_24 = tpu.memref_slice %arg8[%add3A_19, %dma_start3A] : memref<20224x64xf32, #tpu.memory_space<hbm>> -> memref<632x64xf32, #tpu.memory_space<hbm>>
      %dma_start3A_25 = arith.constant 0 : i32
      %dma_start3A_26 = tpu.memref_slice %arg23[%mul3A_0, %dma_start3A_25] : memref<10112x64xf32, #tpu.memory_space<vmem_shared>> -> memref<632x64xf32, #tpu.memory_space<vmem_shared>>
      tpu.enqueue_dma source(%dma_start3A_26 : memref<632x64xf32, #tpu.memory_space<vmem_shared>>) target(%dma_start3A_24 : memref<632x64xf32, #tpu.memory_space<hbm>>) target_semaphore(%run_scoped3A : memref<!tpu.dma_semaphore, #tpu.memory_space<semaphore_mem>>)
      %dma_wait3A = arith.constant 0 : i32
      %dma_wait3A_27 = tpu.memref_slice %arg8[%add3A_19, %dma_wait3A] : memref<20224x64xf32, #tpu.memory_space<hbm>> -> memref<632x64xf32, #tpu.memory_space<hbm>>
      %dma_wait3A_28 = arith.constant 0 : i32
      %dma_wait3A_29 = tpu.memref_slice %arg23[%mul3A_0, %dma_wait3A_28] : memref<10112x64xf32, #tpu.memory_space<vmem_shared>> -> memref<632x64xf32, #tpu.memory_space<vmem_shared>>
      tpu.wait_dma2 semaphore(%run_scoped3A : memref<!tpu.dma_semaphore, #tpu.memory_space<semaphore_mem>>) src(%dma_wait3A_29 : memref<632x64xf32, #tpu.memory_space<vmem_shared>>) dst(%dma_wait3A_27 : memref<632x64xf32, #tpu.memory_space<hbm>>)
      tpu.yield
    }) : () -> ()
    %eq3A = arith.constant 0 : i32
    %eq3A_20 = arith.cmpi eq, %arg0, %eq3A : i32
    %convert_element_type3A_21 = arith.extui %eq3A_20 : i1 to i32
    %cond3A_22 = arith.constant 0 : i32
    %cond3A_23 = arith.cmpi ne, %convert_element_type3A_21, %cond3A_22 : i32
    scf.if %cond3A_23 {
      "tpu.region"() ({
        %run_scoped3A = tpu.sem_alloc : memref<!tpu.dma_semaphore, #tpu.memory_space<semaphore_mem>>
        %dma_start3A = arith.constant 0 : i32
        %dma_start3A_24 = tpu.memref_slice %arg9[%mul3A_0, %dma_start3A] : memref<10112x8xf32, #tpu.memory_space<hbm>> -> memref<632x8xf32, #tpu.memory_space<hbm>>
        %dma_start3A_25 = arith.constant 0 : i32
        %dma_start3A_26 = tpu.memref_slice %arg24[%mul3A_0, %dma_start3A_25] : memref<10112x8xf32, #tpu.memory_space<vmem_shared>> -> memref<632x8xf32, #tpu.memory_space<vmem_shared>>
        tpu.enqueue_dma source(%dma_start3A_26 : memref<632x8xf32, #tpu.memory_space<vmem_shared>>) target(%dma_start3A_24 : memref<632x8xf32, #tpu.memory_space<hbm>>) target_semaphore(%run_scoped3A : memref<!tpu.dma_semaphore, #tpu.memory_space<semaphore_mem>>)
        %dma_wait3A = arith.constant 0 : i32
        %dma_wait3A_27 = tpu.memref_slice %arg9[%mul3A_0, %dma_wait3A] : memref<10112x8xf32, #tpu.memory_space<hbm>> -> memref<632x8xf32, #tpu.memory_space<hbm>>
        %dma_wait3A_28 = arith.constant 0 : i32
        %dma_wait3A_29 = tpu.memref_slice %arg24[%mul3A_0, %dma_wait3A_28] : memref<10112x8xf32, #tpu.memory_space<vmem_shared>> -> memref<632x8xf32, #tpu.memory_space<vmem_shared>>
        tpu.wait_dma2 semaphore(%run_scoped3A : memref<!tpu.dma_semaphore, #tpu.memory_space<semaphore_mem>>) src(%dma_wait3A_29 : memref<632x8xf32, #tpu.memory_space<vmem_shared>>) dst(%dma_wait3A_27 : memref<632x8xf32, #tpu.memory_space<hbm>>)
        tpu.yield
      }) : () -> ()
    } else {
    }
    return
  }
}

module attributes {stable_mosaic.version = 14 : i64} {
  func.func @_combine_body(%arg0: i32, %arg1: memref<632x64xf32, #tpu.memory_space<vmem>>, %arg2: memref<632x64xf32, #tpu.memory_space<vmem>>, %arg3: memref<632x8xf32, #tpu.memory_space<vmem>>, %arg4: memref<632x128xf32, #tpu.memory_space<vmem>>) attributes {dimension_semantics = [#tpu.dimension_semantics<arbitrary>], iteration_bounds = array<i64: 16>, scalar_prefetch = 0 : i64, scratch_operands = 0 : i64, tpu.core_type = #tpu.core_type<tc>, window_params = [{transform_indices = @transform_0, window_bounds = array<i64: 632, 64>}, {transform_indices = @transform_1, window_bounds = array<i64: 632, 64>}, {transform_indices = @transform_2, window_bounds = array<i64: 632, 8>}, {transform_indices = @transform_3, window_bounds = array<i64: 632, 128>}]} {
    %get3A = arith.constant 0 : index
    %get3A_0 = arith.constant 0 : index
    %get3A_1 = vector.load %arg3[%get3A, %get3A_0] : memref<632x8xf32, #tpu.memory_space<vmem>>, vector<632x8xf32>
    %reduce_sum3A = arith.constant dense<0.000000e+00> : vector<632xf32>
    %reduce_sum3A_2 = vector.multi_reduction <add>, %get3A_1, %reduce_sum3A [1] : vector<632x8xf32> to vector<632xf32>
    %max3A = arith.constant 1.000000e+00 : f32
    %max3A_3 = vector.broadcast %max3A : f32 to vector<632xf32>
    %max3A_4 = arith.maximumf %reduce_sum3A_2, %max3A_3 : vector<632xf32>
    %get3A_5 = arith.constant 0 : index
    %get3A_6 = arith.constant 0 : index
    %get3A_7 = vector.load %arg1[%get3A_5, %get3A_6] : memref<632x64xf32, #tpu.memory_space<vmem>>, vector<632x64xf32>
    %get3A_8 = arith.constant 0 : index
    %get3A_9 = arith.constant 0 : index
    %get3A_10 = vector.load %arg2[%get3A_8, %get3A_9] : memref<632x64xf32, #tpu.memory_space<vmem>>, vector<632x64xf32>
    %concatenate3A = tpu.concatenate %get3A_7, %get3A_10 in 1 : vector<632x64xf32>, vector<632x64xf32> -> vector<632x128xf32>
    %broadcast_in_dim3A = vector.shape_cast %max3A_4 : vector<632xf32> to vector<632x1xf32>
    %div3A = vector.broadcast %broadcast_in_dim3A : vector<632x1xf32> to vector<632x128xf32>
    %div3A_11 = arith.divf %concatenate3A, %div3A : vector<632x128xf32>
    %swap3A = arith.constant 0 : index
    %swap3A_12 = arith.constant 0 : index
    %swap3A_13 = vector.load %arg4[%swap3A, %swap3A_12] : memref<632x128xf32, #tpu.memory_space<vmem>>, vector<632x128xf32>
    tpu.vector_store %arg4[%swap3A, %swap3A_12], %div3A_11 {strides = array<i32>} : memref<632x128xf32, #tpu.memory_space<vmem>>, vector<632x128xf32>,
    return
  }
  func.func @transform_0(%arg0: i32) -> (i32, i32) {
    %c0_i32 = arith.constant 0 : i32
    %c0_i32_0 = arith.constant 0 : i32
    return %arg0, %c0_i32 : i32, i32
  }
  func.func @transform_1(%arg0: i32) -> (i32, i32) {
    %add3A = arith.constant 16 : i32
    %add3A_0 = arith.addi %arg0, %add3A : i32
    %c0_i32 = arith.constant 0 : i32
    %c0_i32_1 = arith.constant 0 : i32
    return %add3A_0, %c0_i32 : i32, i32
  }
  func.func @transform_2(%arg0: i32) -> (i32, i32) {
    %c0_i32 = arith.constant 0 : i32
    %c0_i32_0 = arith.constant 0 : i32
    return %arg0, %c0_i32 : i32, i32
  }
  func.func @transform_3(%arg0: i32) -> (i32, i32) {
    %c0_i32 = arith.constant 0 : i32
    %c0_i32_0 = arith.constant 0 : i32
    return %arg0, %c0_i32 : i32, i32
  }
}

</mosaic_0001>

<sc_bundles>
// kernel: kernel.4.cloned.1.call-start
scs
__scs_entry_jumppad:
0x0: {  	(pc) =	sbr.rel $0x88, $3  }
0x1: {  	(tag) =	ssettag $0x0;
	lr =	simm.s32 $0x1  }
0x2: {  	[smem:$0x3F9E] =	sst lr;
	_ =	strace $0xD0000000  }
0x3: {  	_ = 	snop  }
0x4: {  	_ = 	snop  }
0x5: {  	_ = 	snop  }
0x6: {  	_ = 	snop  }
0x7: {  	_ = 	snop  }
__scs_overlays_trampoline_lowered:
0x8: {  	[smem:$0x3FAD] =	sst s0  }
0x9: {  	[smem:$0x3FAE] =	sst s1  }
0xa: {  	[smem:$0x3FAF] =	sst s2  }
0xb: {  	[smem:$0x3FB0] =	sst s3  }
0xc: {  	[smem:$0x3FB1] =	sst s4  }
0xd: {  	[smem:$0x3FB2] =	sst s5  }
0xe: {  	[smem:$0x3FB3] =	sst s6  }
0xf: {  	[smem:$0x3FB4] =	sst s7  }
0x10: {  	[smem:$0x3FB5] =	sst s8  }
0x11: {  	[smem:$0x3FB6] =	sst s9;
	s0 =	simm.s32 @!p0 $0x0  }
0x12: {  	s1 =	sld [smem:$0x3F9C];
	s0 =	simm.s32 @p0 $0x1  }
0x13: {  	[smem:$0x3FB7] =	sst s0;
	s0 =	simm.s32 @!p1 $0x0  }
0x14: {  	s2 =	sld [smem:$0x3F9B];
	s0 =	simm.s32 @p1 $0x1  }
0x15: {  	[smem:$0x3FB8] =	sst s0;
	s0 =	simm.s32 @!p2 $0x0  }
0x16: {  	s3 =	sld [smem:$0x3FDB];
	s0 =	simm.s32 @p2 $0x1  }
0x17: {  	s4 =	simm.s32 $0x1BF5;
	[smem:$0x3FBA] =	sst s0  }
0x18: {  	s0 =	sld [smem:$0x3F9D];
	_ =	swait.ge [sflag:s4], $0x0  }
0x19: {  	s7 =	sld [smem:$0x3F9E]  }
0x1a: {  	s8 =	sadd.s32 $0xFFFFE003, lr  }
0x1b: {  	s9 =	sadd.s32 $0xFFFFFEF7, lr;
	s5 =	simm.s32 $0xFFFFFFFF;
	p2 =	slt.u32 s8, $0xFFFFF086  }
0x1c: {  	p1 =	slt.u32 s9, $0xF7A;
	s5 =	simm.s32 @!p2 $0x0  }
0x1d: {  	s5 =	simm.s32 @p1 $0x1;
	p0 =	seq.s32 s7, s2  }
0x1e: {  	s7 =	smul.u32 @!p0 $0xF7A, s2;
	p2 =	seq.s32 @!p0 s5, $0x0  }
0x1f: {  	s9 =	smul.u32 $0xF7A, s1;
	s8 =	simm.s32 @!p0 $0x1BF5;
	p2 =	por !p2, p0  }
0x20: {  	[sflag:s8] =	ssyncset.s32 @!p0 $0xFFFFF086;
	s6 =	sadd.s32 @!p0 s3, s7;
	s7 =	simm.s32 @!p0 $0x108  }
0x21: {  	s3 =	sadd.s32 s3, s9;
	s6 =	sadd.s32 @!p0 $0x88, s6;
	s7 =	simm.s32 @p2 $0x1082  }
0x22: {  	[simem:s7], [sflag:s8] =	dma.local @!p0 [hbm:s6], $0xF7A  }
0x23: {  	s9 =	sor.u32 $0xD0000000, s2;
	s6 =	simm.s32 $0x108;
	_ =	swait.ge @!p0 [sflag:s8], $0x0  }
0x24: {  	s3 =	sadd.s32 $0x88, s3;
	s6 =	simm.s32 @!p1 $0x1082;
	[sflag:s4] =	ssyncset.s32 $0xFFFFF086  }
0x25: {  	[simem:s6], [sflag:s4] =	dma.local [hbm:s3], $0xF7A  }
0x26: {  	[smem:$0x3F9E] =	sst s1;
	(tag) =	ssettag s2;
	_ =	strace s9  }
0x27: {  	s1 =	sld [smem:$0x3FAE]  }
0x28: {  	s2 =	sld [smem:$0x3FAF]  }
0x29: {  	s4 =	sld [smem:$0x3FB1]  }
0x2a: {  	p0 =	seq.s32 s5, $0x0;
	s5 =	sld [smem:$0x3FB2]  }
0x2b: {  	s6 =	sld [smem:$0x3FB3]  }
0x2c: {  	s7 =	sld [smem:$0x3FB4]  }
0x2d: {  	s3 =	simm.s32 $0x108;
	s8 =	sld [smem:$0x3FB5]  }
0x2e: {  	s3 =	simm.s32 @!p0 $0x1082;
	s9 =	sld [smem:$0x3FB6]  }
0x2f: {  	lr =	sadd.s32 s0, s3;
	s0 =	sld [smem:$0x3FAD]  }
0x30: {  	s3 =	sld [smem:$0x3FB0]  }
0x31: {  	[smem:$0x3FB9] =	sst s10  }
0x32: {  	s10 =	sld [smem:$0x3FB7];
	_ =	sdelay $0x3  }
0x33: {  	p0 =	seq.s32 s10, $0x1;
	s10 =	sld [smem:$0x3FB9];
	_ =	sdelay $0x3  }
0x34: {  	[smem:$0x3FB9] =	sst s10  }
0x35: {  	s10 =	sld [smem:$0x3FB8];
	_ =	sdelay $0x3  }
0x36: {  	p1 =	seq.s32 s10, $0x1;
	s10 =	sld [smem:$0x3FB9];
	_ =	sdelay $0x3  }
0x37: {  	[smem:$0x3FB9] =	sst s10  }
0x38: {  	s10 =	sld [smem:$0x3FBA]  }
0x39: {  	_ = 	snop;
	(pc) =	sbr.ind lr, $3  }
0x3a: {  	_ = 	snop  }
0x3b: {  	_ = 	snop  }
0x3c: {  	p2 =	seq.s32 s10, $0x1;
	s10 =	sld [smem:$0x3FB9]  }
0x3d: {  	_ =	shalt  }
0x3e: {  	_ =	shalt  }
0x3f: {  	_ =	shalt  }
0x40: {  	_ =	shalt  }
0x41: {  	_ =	shalt  }
0x42: {  	_ =	shalt  }
0x43: {  	_ =	shalt  }
0x44: {  	_ =	shalt  }
0x45: {  	_ =	shalt  }
0x46: {  	_ =	shalt  }
0x47: {  	_ =	shalt  }
0x48: {  	_ =	shalt  }
0x49: {  	_ =	shalt  }
0x4a: {  	_ =	shalt  }
0x4b: {  	_ =	shalt  }
0x4c: {  	_ =	shalt  }
0x4d: {  	_ =	shalt  }
0x4e: {  	_ =	shalt  }
0x4f: {  	_ =	shalt  }
0x50: {  	_ =	shalt  }
0x51: {  	_ =	shalt  }
0x52: {  	_ =	shalt  }
0x53: {  	_ =	shalt  }
0x54: {  	_ =	shalt  }
0x55: {  	_ =	shalt  }
0x56: {  	_ =	shalt  }
0x57: {  	_ =	shalt  }
0x58: {  	_ =	shalt  }
0x59: {  	_ =	shalt  }
0x5a: {  	_ =	shalt  }
0x5b: {  	_ =	shalt  }
0x5c: {  	_ =	shalt  }
0x5d: {  	_ =	shalt  }
0x5e: {  	_ =	shalt  }
0x5f: {  	_ =	shalt  }
0x60: {  	_ =	shalt  }
0x61: {  	_ =	shalt  }
0x62: {  	_ =	shalt  }
0x63: {  	_ =	shalt  }
0x64: {  	_ =	shalt  }
0x65: {  	_ =	shalt  }
0x66: {  	_ =	shalt  }
0x67: {  	_ =	shalt  }
0x68: {  	_ =	shalt  }
0x69: {  	_ =	shalt  }
0x6a: {  	_ =	shalt  }
0x6b: {  	_ =	shalt  }
0x6c: {  	_ =	shalt  }
0x6d: {  	_ =	shalt  }
0x6e: {  	_ =	shalt  }
0x6f: {  	_ =	shalt  }
0x70: {  	_ =	shalt  }
0x71: {  	_ =	shalt  }
0x72: {  	_ =	shalt  }
0x73: {  	_ =	shalt  }
0x74: {  	_ =	shalt  }
0x75: {  	_ =	shalt  }
0x76: {  	_ =	shalt  }
0x77: {  	_ =	shalt  }
0x78: {  	_ =	shalt  }
0x79: {  	_ =	shalt  }
0x7a: {  	_ =	shalt  }
0x7b: {  	_ =	shalt  }
0x7c: {  	_ =	shalt  }
0x7d: {  	_ =	shalt  }
0x7e: {  	_ =	shalt  }
0x7f: {  	_ =	shalt  }
0x80: {  	_ =	shalt  }
0x81: {  	_ =	shalt  }
0x82: {  	_ =	shalt  }
0x83: {  	_ =	shalt  }
0x84: {  	_ =	shalt  }
0x85: {  	_ =	shalt  }
0x86: {  	_ =	shalt  }
0x87: {  	_ =	shalt  }
.Lfunc_end0:
.L_simem_size_0:
called_computation_lowered:
.L_overlay_start_0:
0x88: {  	s2 =	sld [smem:$0x3FD9]  }
0x89: {  	s3 =	sld [smem:$0x3FFE];
	_ =	sdelay $0x1  }
0x8a: {  	s1 =	srdreg.scid  }
0x8b: {  	s0 =	sand.u32 $0x1, s1  }
0x8c: {  	s17 =	sshll.u32 s0, $0xA;
	s2 =	sadd.s32 s3, s2  }
0x8d: {  	s2 =	sadd.s32 s2, s17  }
0x8e: {  	[smem:$0x3FC5] =	sst s2  }
0x8f: {  	_ = 	snop  }
0x90: {  	s2 =	sld [smem:$0x3FC9]  }
0x91: {  	s18 =	sld [smem:$0x3FC8]  }
0x92: {  	s4 =	sld [smem:$0x3FC7]  }
0x93: {  	s5 =	sld [smem:$0x3FD0];
	(tm) =	ssettm $0x1  }
0x94: {  	s6 =	sld [smem:$0x3FFB];
	_ =	sdelay $0x3  }
0x95: {  	_ =	strace s6  }
0x96: {  	s6 =	sld [smem:$0x3FFC];
	_ =	sdelay $0x3  }
0x97: {  	_ =	strace s6  }
0x98: {  	s6 =	sld [smem:$0x3FFD];
	_ =	sdelay $0x3  }
0x99: {  	_ =	strace s6  }
0x9a: {  	_ =	strace $0x8FFFFFFF  }
0x9b: {  	s19 =	sld [smem:$0x3FDB];
	_ =	sdelay $0x1  }
0x9c: {  	s7 =	simm.s32 $_scs_section_size  }
0x9d: {  	s8 =	simm.s32 $_size__tile_overlayer_lowered;
	s9 =	simm.s32 $_tile_overlayer_lowered  }
0x9e: {  	s22 =	simm.s32 $0x1BFF;
	s21 =	sshll.u32 s9, $0x1;
	s6 =	sadd.s32 s7, s19  }
0x9f: {  	s10 =	simm.s32 $0x0;
	s20 =	sshll.u32 s8, $0x1;
	s8 =	sadd.s32 s21, s6  }
0xa0: {  	[timem:s10], [sflag:s22] =	dma.local [hbm:s8], s20  }
0xa1: {  	_ =	swait.ge [sflag:s22], s20  }
0xa2: {  	s7 =	ssub.s32 $0x0, s20;
	[sflag:s22] =	ssyncset.done $0x0  }
0xa3: {  	[sflag:s22] =	ssyncadd.s32 s7;
	_ =	sdelay $0x1  }
0xa4: {  	s23 =	simm.s32 $0x1B8B  }
0xa5: {  	_ =	swait.ge [sflag:s23], $0x1  }
0xa6: {  	[sflag:s23] =	ssyncset.done $0x0  }
0xa7: {  	s25 =	simm.s32 $0x1B8E;
	s24 =	sld [smem:$0x3FFE];
	[sflag:s23] =	ssyncadd.s32 $0xFFFFFFFF  }
0xa8: {  	s26 =	simm.s32 $execute0_lowered;
	[smem:$0x3FD2] =	sst s25  }
0xa9: {  	s8 =	sshll.u32 s26, $0x1;
	_ =	strace $0x80000046;
	[dreg:$0x1] =	wrdreg $0xFFFFFFFF  }
0xaa: {  	s28 =	simm.s32 $_size_execute0_lowered;
	s6 =	sadd.s32 s6, s8;
	[dreg:$0x0] =	wrdreg $0x0  }
0xab: {  	s8 =	sshll.u32 s28, $0x1;
	[dreg:$0x2] =	wrdreg s6  }
0xac: {  	[dreg:$0x3] =	wrdreg s8  }
0xad: {  	[dreg:$0x4] =	wrdreg $0xC0  }
0xae: {  	_ =	task [dreg:s10], $0x5FFFF  }
0xaf: {  	[dreg:$0x1] =	wrdreg $0xFFFFFFFF  }
0xb0: {  	[dreg:$0x0] =	wrdreg $0x60  }
0xb1: {  	[dreg:$0x2] =	wrdreg s2  }
0xb2: {  	[dreg:$0x3] =	wrdreg s18  }
0xb3: {  	[dreg:$0x4] =	wrdreg s4  }
0xb4: {  	[dreg:$0x5] =	wrdreg s24  }
0xb5: {  	[dreg:$0x6] =	wrdreg s5  }
0xb6: {  	[dreg:$0x7] =	wrdreg $0x10C000  }
0xb7: {  	[dreg:$0x8] =	wrdreg $0x1AA000  }
0xb8: {  	[dreg:$0x9] =	wrdreg $0x9  }
0xb9: {  	_ =	task.clear_ibuf [dreg:s10], $0xAFFFF;
	_ =	strace $0x90000046  }
0xba: {  	s29 =	simm.s32 $0x9;
	_ =	strace $0x80000048  }
0xbb: {  	_ =	swait.ge [sflag:s29], $0x1  }
0xbc: {  	[sflag:s29] =	ssyncadd.s32 $0xFFFFFFFF  }
0xbd: {  	_ =	strace $0x90000048  }
0xbe: {  	_ =	sfence  }
0xbf: {  	s30 =	sld [smem:$0x0];
	_ =	sdelay $0x2  }
0xc0: {  	s31 =	sshll.u32 s1, $0xD;
	s1 =	sshrl.u32 s1, $0x2  }
0xc1: {  	s3 =	sand.u32 $0x4000, s31;
	s1 =	sadd.s32 s1, s30  }
0xc2: {  	s0 =	sor.u32 s3, s0;
	s1 =	sshll.u32 s1, $0x11  }
0xc3: {  	s0 =	sor.u32 s1, s0  }
0xc4: {  	s0 =	sadd.s32 $0x8F2B, s0  }
0xc5: {  	[sflag:s0] =	ssyncadd.remote.s32 $0x1  }
0xc6: {  	_ =	sfence.sel $0xFFFF  }
0xc7: {  	[dreg:$0x0] =	wrdreg $0xFFFFFFFF;
	(pc) =	sbr.abs _section_cstart, $3  }
0xc8: {  	[dreg:$0x1] =	wrdreg $0xFFFFFFFF  }
0xc9: {  	_ =	task.clear_ibuf [dreg:s10], $0x2FFFF;
	_ =	strace $0x9FFFFFFF  }
0xca: {  	(tm) =	ssettm $0x7FFFFFFF  }
0xcb: {  	_ =	shalt  }
tec
execute0_lowered:
.L_overlay_start_1:
0x0: {  	(tag) =	ssettag $0x1  }
0x1: {  	s0 =	rddreg [dreg:$0x0]  }
0x2: {  	s2 =	rddreg [dreg:$0x1]  }
0x3: {  	s3 =	rddreg [dreg:$0x2]  }
0x4: {  	s1 =	rddreg [dreg:$0x3]  }
0x5: {  	s9 =	rddreg [dreg:$0x4]  }
0x6: {  	s4 =	rddreg [dreg:$0x5]  }
0x7: {  	s6 =	rddreg [dreg:$0x6];
	s7 =	simm.s32 $0x0;
	s8 =	srdreg.scid  }
0x8: {  	s5 =	stileid.u32;
	s28 =	simm.s32 $0x80;
	s15 =	simm.s32 $0xC800  }
0x9: {  	[smem:$0x7FF] =	sst s7;
	s8 =	sand.u32 $0x1, s8;
	s10 =	smul.u32 $0x278, s5  }
0xa: {  	s12 =	sadd.s32 $0xC00, s1;
	s16 =	sadd.s32 $0x800, s1;
	s19 =	smul.u32 $0x27800, s5  }
0xb: {  	s17 =	sadd.s32 $0x600, s1;
	s14 =	smul.u32 $0x13C0, s5;
	s25 =	sshll.u32 s5, $0x8  }
0xc: {  	s30 =	sshll.u32 s5, $0x6;
	_ =	strace $0x80000047;
	[dreg:$0x8] =	wrdreg s12  }
0xd: {  	p1 =	sgt.u32 s5, $0x1;
	s11 =	smul.u32 $0x2780, s8;
	[dreg:$0x9] =	wrdreg s16  }
0xe: {  	[dreg:$0xa] =	wrdreg s17;
	s18 =	ssub.s32 $0x2, s8;
	s17 =	sor.u32 $0x10, s5  }
0xf: {  	s29 =	sor.u32 $0x2000, s25;
	[dreg:$0xe] =	wrdreg s25;
	s12 =	simm.s32 $0x5  }
0x10: {  	p0 =	sne.s32 s8, $0x0;
	s13 =	sshrl.u32 s18, $0x1;
	s21 =	sshrl.u32 s19, $0x2  }
0x11: {  	s22 =	sadd.s32 s14, s6;
	s23 =	sshrl.u32 s14, $0x3;
	[dreg:$0x10] =	wrdreg s29  }
0x12: {  	s14 =	sor.u32 $0x1C05, s30;
	s19 =	simm.s32 $0x2;
	s10 =	sadd.s32 s10, s11  }
0x13: {  	s20 =	ssub.s32 s18, s13;
	s11 =	sadd.s32 s21, s4;
	s24 =	sadd.s32 s9, s23  }
0x14: {  	[dreg:$0xb] =	wrdreg s22;
	s31 =	sshrl.u32 s22, $0x3;
	s13 =	simm.s32 $0x8800  }
0x15: {  	s22 =	simm.s32 $0xE800;
	s21 =	simm.s32 $0x3;
	[dreg:$0x12] =	wrdreg s14  }
0x16: {  	s10 =	sshll.u32 s10, $0x3;
	[dreg:$0xd] =	wrdreg s24;
	s26 =	smax.u32 s20, $0x1  }
.Ltmp0:
0x17: {  	s16 =	sshrl.u32 s11, $0x3;
	[dreg:$0x14] =	wrdreg s31;
	(pc) =	sbr.rel .LBB2_1-.Ltmp0, $4  }
0x18: {  	s11 =	simm.s32 $0x1;
	s1 =	sadd.s32 s10, s1;
	[dreg:$0xf] =	wrdreg s26  }
0x19: {  	s24 =	simm.s32 $0xA800;
	[dreg:$0x13] =	wrdreg s16;
	s1 =	sadd.s32 $0x2000, s1  }
0x1a: {  	v1 =	vlaneseq.u32;
	s10 =	simm.s32 $0x0;
	[dreg:$0xc] =	wrdreg s1;
	s1 =	sor.u32 $0x3000, s25  }
0x1b: {  	v1 =	vmul.u32 $0x2, v1;
	v0 =	vmov s8;
	s25 =	simm.s32 $0x8200;
	[dreg:$0x11] =	wrdreg s1;
	s1 =	simm.s32 $0x8300  }
.LBB2_29:
0x1c: {  	_ =	swait.ge [sflag:s21], $0x400  }
0x1d: {  	[sflag:s21] =	ssyncset.done $0x0  }
0x1e: {  	[sflag:s21] =	ssyncadd.s32 $0xFFFFFC00  }
0x1f: {  	_ =	swait.ge [sflag:s21], $0x400  }
0x20: {  	[sflag:s21] =	ssyncset.done $0x0  }
0x21: {  	[sflag:s21] =	ssyncadd.s32 $0xFFFFFC00  }
.LBB2_30:
0x22: {  	[bflag:$0x0] =	sbarrier.arrive $0xFFFF  }
0x23: {  	s9 =	rddreg [dreg:$0xc]  }
0x24: {  	[hbm:s9], [sflag:s14] =	dma.local [spmem:s16], $0x13C0  }
0x25: {  	_ =	swait.ge [sflag:s12], $0x13C0  }
0x26: {  	[sflag:s12] =	ssyncset.done $0x0;
	s9 =	rddreg [dreg:$0xb]  }
0x27: {  	s10 =	rddreg [dreg:$0xd];
	[sflag:s12] =	ssyncadd.s32 $0xFFFFEC40;
	s9 =	sshrl.u32 @!p0 s9, $0x3  }
0x28: {  	[hbm:s10], [sflag:s14] =	dma.local @!p0 [spmem:s9], $0x278  }
0x29: {  	s9 =	simm.s32 @!p0 $0x5  }
0x2a: {  	_ =	swait.ge @!p0 [sflag:s9], $0x278  }
0x2b: {  	[sflag:s9] =	ssyncset.done @!p0 $0x0  }
0x2c: {  	s10 =	rddreg [dreg:$0x15];
	[sflag:s9] =	ssyncadd.s32 @!p0 $0xFFFFFD88  }
.LBB2_32:
0x2d: {  	s10 =	sadd.s32 $0x1, s10;
	s9 =	rddreg [dreg:$0xf]  }
0x2e: {  	p2 =	sne.s32 s10, s9  }
.Ltmp1:
0x2f: {  	_ = 	snop;
	(pc) =	sbr.rel @!p2 .LBB2_33-.Ltmp1, $1  }
0x30: {  	_ =	sdelay $0x3  }
.LBB2_1:
0x31: {  	[dreg:$0x15] =	wrdreg s10  }
0x32: {  	s9 =	rddreg [dreg:$0xa];
	s26 =	simm.s32 $0x10800  }
0x33: {  	[tilespmem:s26], [sflag:$0x5] =	stream.linear.gather [hbm4b:s9+s7], $0x400, $0x38;
	[tilespmem:$0x1BDC0] =	vst v63  }
0x34: {  	_ =	swait.ge [sflag:s12], $0x400  }
0x35: {  	[sflag:s12] =	ssyncset.done $0x0  }
0x36: {  	s29 =	rddreg [dreg:$0x8];
	[sflag:s12] =	ssyncadd.s32 $0xFFFFFC00  }
0x37: {  	[spmem:s16], [sflag:s14] =	dma.local [hbm:s29], $0x13C0  }
0x38: {  	_ =	swait.ge [sflag:s12], $0x13C0  }
0x39: {  	[sflag:s12] =	ssyncset.done $0x0;
	s30 =	rddreg [dreg:$0x9]  }
0x3a: {  	s31 =	rddreg [dreg:$0x14];
	[sflag:s12] =	ssyncadd.s32 $0xFFFFEC40  }
0x3b: {  	[spmem:s31], [sflag:s14] =	dma.local [hbm:s30], $0x278  }
0x3c: {  	_ =	swait.ge [sflag:s12], $0x278  }
0x3d: {  	[sflag:s12] =	ssyncset.done $0x0  }
.Ltmp2:
0x3e: {  	[sflag:s12] =	ssyncadd.s32 $0xFFFFFD88;
	(pc) =	sbr.rel .LBB2_2-.Ltmp2, $4  }
0x3f: {  	[bflag:$0x0] =	sbarrier.arrive $0xFFFF  }
0x40: {  	s23 =	rddreg [dreg:$0x11]  }
0x41: {  	s16 =	rddreg [dreg:$0x10]  }
0x42: {  	s26 =	simm.s32 $0x0;
	s18 =	rddreg [dreg:$0xe]  }
.LBB2_26:
0x43: {  	s26 =	sadd.s32 $0x1, s26  }
0x44: {  	p2 =	sne.s32 s26, $0x14  }
.Ltmp3:
0x45: {  	_ = 	snop;
	(pc) =	sbr.rel @!p2 .LBB2_27-.Ltmp3, $2  }
0x46: {  	_ =	sdelay $0x2  }
0x47: {  	s18 =	sadd.s32 $0x4000, s18;
	s16 =	sadd.s32 $0x4000, s16;
	s23 =	sadd.s32 $0x4000, s23  }
.LBB2_2:
0x48: {  	p2 =	seq.s32 s26, $0x0  }
0x49: {  	s9 =	simm.s32 @!p2 $0x4  }
0x4a: {  	_ =	swait.ge @!p2 [sflag:s9], $0x2000  }
0x4b: {  	[sflag:s9] =	ssyncset.done @!p2 $0x0  }
0x4c: {  	[sflag:s9] =	ssyncadd.s32 @!p2 $0xFFFFE000  }
0x4d: {  	p3 =	sne.s32 @!p2 s8, $0x0;
	_ =	swait.ge @!p2 [sflag:s9], $0x2000  }
0x4e: {  	p3 =	por p3, p2;
	[sflag:s9] =	ssyncset.done @!p2 $0x0  }
0x4f: {  	[sflag:s9] =	ssyncadd.s32 @!p2 $0xFFFFE000;
	s9 =	simm.s32 @!p3 $0x4  }
0x50: {  	_ =	swait.ge @!p3 [sflag:s9], $0x400  }
0x51: {  	s14 =	sadd.s32 $0x0, s18;
	[sflag:s9] =	ssyncset.done @!p3 $0x0  }
0x52: {  	s30 =	sshll.u32 s26, $0x6;
	s12 =	simm.s32 $0x0;
	v2 =	vmov s14;
	[sflag:s9] =	ssyncadd.s32 @!p3 $0xFFFFFC00  }
0x53: {  	s29 =	sor.u32 s5, s30;
	s31 =	sand.u32 $0x200, s12;
	v2 =	vshll.u32 v2, $0x1;
	_ =	swait.ge @!p3 [sflag:s9], $0x400  }
0x54: {  	s20 =	sand.u32 $0x70, s12;
	s31 =	sshrl.u32 s31, $0x2;
	v2 =	vor.u32 v1, v2;
	[sflag:s9] =	ssyncset.done @!p3 $0x0  }
0x55: {  	s14 =	simm.s32 $0x40;
	s20 =	sor.u32 s20, s31;
	v2 =	vor.u32 v0, v2;
	[sflag:s9] =	ssyncadd.s32 @!p3 $0xFFFFFC00  }
.LBB2_3:
0x56: {  	p3 =	sne.s32 s14, $0x3C0  }
0x57: {  	[tilespmem:s20+$0x8000] =	vst v2;
	s12 =	sadd.s32 $0x10, s12;
	s9 =	smov.u32 s14;
	s14 =	sadd.s32 $0x40, s14  }
.Ltmp4:
0x58: {  	s20 =	sadd.s32 s12, s18;
	(pc) =	sbr.rel @p3 .LBB2_3-.Ltmp4, $4  }
0x59: {  	v2 =	vmov s20  }
0x5a: {  	s9 =	sand.u32 $0x200, s9;
	v2 =	vshll.u32 v2, $0x1  }
0x5b: {  	s20 =	sand.u32 $0x70, s12;
	s9 =	sshrl.u32 s9, $0x2;
	v2 =	vor.u32 v1, v2  }
0x5c: {  	s20 =	sor.u32 s20, s9;
	v2 =	vor.u32 v0, v2  }
0x5d: {  	s9 =	sshll.u32 s29, $0x5  }
0x5e: {  	[tilespmem:s20+$0x8000] =	vst v2;
	s12 =	sadd.s32 s2, s9  }
0x5f: {  	[tilespmem:s25], [sflag:$0x1] =	stream.linear.gather [hbm4b:s12+s7], $0x100, $0x38;
	[tilespmem:$0x1BDC0] =	vst v63  }
0x60: {  	s10 =	simm.s32 $0x8600;
	s9 =	sadd.s32 s3, s9  }
0x61: {  	[tilespmem:s10], [sflag:$0x1] =	stream.linear.gather [hbm4b:s9+s7], $0x100, $0x38;
	[tilespmem:$0x1BDC0] =	vst v63  }
.Ltmp5:
0x62: {  	_ = 	snop;
	(pc) =	sbr.rel @p2 .LBB2_8-.Ltmp5, $4  }
0x63: {  	s14 =	simm.s32 $0x8000  }
0x64: {  	[tilespmem:s7], [sflag:$0x1] =	stream.indirect.gather [hbm4b:s0+s28], $0x40, s14, s28, $0xb8;
	[tilespmem:$0x1BDC0] =	vst v63  }
0x65: {  	s20 =	simm.s32 $0x8080;
	s31 =	simm.s32 $0x2000;
	s12 =	smov.u32 s17  }
0x66: {  	[tilespmem:s31], [sflag:$0x1] =	stream.indirect.gather [hbm4b:s0+s28], $0x40, s20, s28, $0xb8;
	[tilespmem:$0x1BDC0] =	vst v63  }
0x67: {  	_ =	swait.ge [sflag:s19], $0x100  }
0x68: {  	[sflag:s19] =	ssyncset.done $0x0  }
0x69: {  	[sflag:s19] =	ssyncadd.s32 $0xFFFFFF00  }
0x6a: {  	_ =	swait.ge [sflag:s19], $0x100  }
0x6b: {  	[sflag:s19] =	ssyncset.done $0x0  }
0x6c: {  	[sflag:s19] =	ssyncadd.s32 $0xFFFFFF00  }
0x6d: {  	_ =	swait.ge [sflag:s19], $0x2000  }
0x6e: {  	[sflag:s19] =	ssyncset.done $0x0  }
0x6f: {  	[sflag:s19] =	ssyncadd.s32 $0xFFFFE000  }
0x70: {  	_ =	swait.ge [sflag:s19], $0x2000  }
0x71: {  	s31 =	simm.s32 $0x0;
	s20 =	simm.s32 $0x4200;
	[sflag:s19] =	ssyncset.done $0x0  }
0x72: {  	s14 =	simm.s32 $0xCA00;
	s12 =	simm.s32 $0x0;
	[sflag:s19] =	ssyncadd.s32 $0xFFFFE000  }
.LBB2_6:
0x73: {  	s9 =	sand.u32 $0x200, s12  }
0x74: {  	s10 =	sand.u32 $0x70, s31;
	s9 =	sshrl.u32 s9, $0x2  }
0x75: {  	s9 =	sor.u32 s10, s9  }
0x76: {  	v2 =	vld [tilespmem:s9+$0x8700];
	_ =	sdelay $0x1  }
0x77: {  	v3 =	vld [tilespmem:s20+$0xFFFFFE00]  }
0x78: {  	v4 =	vld [tilespmem:s20+$0xFFFFFE10]  }
0x79: {  	v6 =	vld [tilespmem:s20+$0xFFFFFE30]  }
0x7a: {  	v5 =	vld [tilespmem:s20+$0xFFFFFE20];
	v8 =	vbroadcast v2, $0x0  }
0x7b: {  	v9 =	vld [tilespmem:s20+$0xFFFFFE50]  }
0x7c: {  	v7 =	vld [tilespmem:s20+$0xFFFFFE40];
	v3 =	vmul.f32 v8, v3  }
0x7d: {  	v11 =	vld [tilespmem:s20+$0xFFFFFE70];
	v4 =	vmul.f32 v4, v8  }
0x7e: {  	v10 =	vld [tilespmem:s20+$0xFFFFFE60];
	v37 =	vbroadcast v2, $0x1;
	v38 =	vmul.f32 v6, v8;
	[tilespmem:s14+$0xFFFFFE00] =	vst v3  }
0x7f: {  	v3 =	vmul.f32 v5, v8;
	[tilespmem:s14+$0xFFFFFE10] =	vst v4  }
0x80: {  	v39 =	vmul.f32 v9, v37;
	[tilespmem:s14+$0xFFFFFE30] =	vst v38  }
0x81: {  	[tilespmem:s14+$0xFFFFFE20] =	vst v3;
	v3 =	vmul.f32 v7, v37  }
0x82: {  	v40 =	vmul.f32 v11, v37;
	[tilespmem:s14+$0xFFFFFE50] =	vst v39  }
0x83: {  	[tilespmem:s14+$0xFFFFFE40] =	vst v3;
	v3 =	vmul.f32 v10, v37  }
0x84: {  	[tilespmem:s14+$0xFFFFFE70] =	vst v40  }
0x85: {  	[tilespmem:s14+$0xFFFFFE60] =	vst v3  }
0x86: {  	v3 =	vld [tilespmem:s20+$0xFFFFFE80]  }
0x87: {  	v4 =	vld [tilespmem:s20+$0xFFFFFE90]  }
0x88: {  	v42 =	vld [tilespmem:s20+$0xFFFFFEB0]  }
0x89: {  	v44 =	vbroadcast v2, $0x2;
	v41 =	vld [tilespmem:s20+$0xFFFFFEA0]  }
0x8a: {  	v45 =	vld [tilespmem:s20+$0xFFFFFED0]  }
0x8b: {  	v43 =	vld [tilespmem:s20+$0xFFFFFEC0];
	v3 =	vmul.f32 v3, v44  }
0x8c: {  	v47 =	vld [tilespmem:s20+$0xFFFFFEF0];
	v4 =	vmul.f32 v4, v44  }
0x8d: {  	v48 =	vbroadcast v2, $0x3;
	v46 =	vld [tilespmem:s20+$0xFFFFFEE0];
	v49 =	vmul.f32 v42, v44;
	[tilespmem:s14+$0xFFFFFE80] =	vst v3  }
0x8e: {  	v3 =	vmul.f32 v41, v44;
	[tilespmem:s14+$0xFFFFFE90] =	vst v4  }
0x8f: {  	v50 =	vmul.f32 v45, v48;
	[tilespmem:s14+$0xFFFFFEB0] =	vst v49  }
0x90: {  	[tilespmem:s14+$0xFFFFFEA0] =	vst v3;
	v3 =	vmul.f32 v43, v48  }
0x91: {  	v51 =	vmul.f32 v47, v48;
	[tilespmem:s14+$0xFFFFFED0] =	vst v50  }
0x92: {  	[tilespmem:s14+$0xFFFFFEC0] =	vst v3;
	v3 =	vmul.f32 v46, v48  }
0x93: {  	[tilespmem:s14+$0xFFFFFEF0] =	vst v51  }
0x94: {  	[tilespmem:s14+$0xFFFFFEE0] =	vst v3  }
0x95: {  	v3 =	vld [tilespmem:s20+$0xFFFFFF00]  }
0x96: {  	v4 =	vld [tilespmem:s20+$0xFFFFFF10]  }
0x97: {  	v53 =	vld [tilespmem:s20+$0xFFFFFF30]  }
0x98: {  	v55 =	vbroadcast v2, $0x4;
	v52 =	vld [tilespmem:s20+$0xFFFFFF20]  }
0x99: {  	v56 =	vld [tilespmem:s20+$0xFFFFFF50]  }
0x9a: {  	v54 =	vld [tilespmem:s20+$0xFFFFFF40];
	v3 =	vmul.f32 v3, v55  }
0x9b: {  	v58 =	vld [tilespmem:s20+$0xFFFFFF70];
	v4 =	vmul.f32 v4, v55  }
0x9c: {  	v59 =	vbroadcast v2, $0x5;
	v57 =	vld [tilespmem:s20+$0xFFFFFF60];
	v60 =	vmul.f32 v53, v55;
	[tilespmem:s14+$0xFFFFFF00] =	vst v3  }
0x9d: {  	v3 =	vmul.f32 v52, v55;
	[tilespmem:s14+$0xFFFFFF10] =	vst v4  }
0x9e: {  	v61 =	vmul.f32 v56, v59;
	[tilespmem:s14+$0xFFFFFF30] =	vst v60  }
0x9f: {  	[tilespmem:s14+$0xFFFFFF20] =	vst v3;
	v3 =	vmul.f32 v54, v59  }
0xa0: {  	v62 =	vmul.f32 v58, v59;
	[tilespmem:s14+$0xFFFFFF50] =	vst v61  }
0xa1: {  	[tilespmem:s14+$0xFFFFFF40] =	vst v3;
	v3 =	vmul.f32 v57, v59  }
0xa2: {  	[tilespmem:s14+$0xFFFFFF70] =	vst v62  }
0xa3: {  	[tilespmem:s14+$0xFFFFFF60] =	vst v3  }
0xa4: {  	v3 =	vld [tilespmem:s20+$0xFFFFFF80]  }
0xa5: {  	v4 =	vld [tilespmem:s20+$0xFFFFFF90]  }
0xa6: {  	v12 =	vld [tilespmem:s20+$0xFFFFFFB0]  }
0xa7: {  	v14 =	vbroadcast v2, $0x6;
	v63 =	vld [tilespmem:s20+$0xFFFFFFA0]  }
0xa8: {  	v15 =	vld [tilespmem:s20+$0xFFFFFFD0]  }
0xa9: {  	v13 =	vld [tilespmem:s20+$0xFFFFFFC0];
	v3 =	vmul.f32 v3, v14  }
0xaa: {  	v17 =	vld [tilespmem:s20+$0xFFFFFFF0];
	v4 =	vmul.f32 v4, v14  }
0xab: {  	v18 =	vbroadcast v2, $0x7;
	v16 =	vld [tilespmem:s20+$0xFFFFFFE0];
	v19 =	vmul.f32 v12, v14;
	[tilespmem:s14+$0xFFFFFF80] =	vst v3  }
0xac: {  	v3 =	vmul.f32 v63, v14;
	[tilespmem:s14+$0xFFFFFF90] =	vst v4  }
0xad: {  	v20 =	vmul.f32 v15, v18;
	[tilespmem:s14+$0xFFFFFFB0] =	vst v19  }
0xae: {  	[tilespmem:s14+$0xFFFFFFA0] =	vst v3;
	v3 =	vmul.f32 v13, v18  }
0xaf: {  	v21 =	vmul.f32 v17, v18;
	[tilespmem:s14+$0xFFFFFFD0] =	vst v20  }
0xb0: {  	[tilespmem:s14+$0xFFFFFFC0] =	vst v3;
	v3 =	vmul.f32 v16, v18  }
0xb1: {  	[tilespmem:s14+$0xFFFFFFF0] =	vst v21  }
0xb2: {  	[tilespmem:s14+$0xFFFFFFE0] =	vst v3  }
0xb3: {  	v3 =	vld [tilespmem:s20+$0x0]  }
0xb4: {  	v4 =	vld [tilespmem:s20+$0x10]  }
0xb5: {  	v23 =	vld [tilespmem:s20+$0x30]  }
0xb6: {  	v25 =	vbroadcast v2, $0x8;
	v22 =	vld [tilespmem:s20+$0x20]  }
0xb7: {  	v26 =	vld [tilespmem:s20+$0x50]  }
0xb8: {  	v24 =	vld [tilespmem:s20+$0x40];
	v3 =	vmul.f32 v3, v25  }
0xb9: {  	v28 =	vld [tilespmem:s20+$0x70];
	v4 =	vmul.f32 v4, v25  }
0xba: {  	v29 =	vbroadcast v2, $0x9;
	v27 =	vld [tilespmem:s20+$0x60];
	v30 =	vmul.f32 v23, v25;
	[tilespmem:s14+$0x0] =	vst v3  }
0xbb: {  	v3 =	vmul.f32 v22, v25;
	[tilespmem:s14+$0x10] =	vst v4  }
0xbc: {  	v31 =	vmul.f32 v26, v29;
	[tilespmem:s14+$0x30] =	vst v30  }
0xbd: {  	[tilespmem:s14+$0x20] =	vst v3;
	v3 =	vmul.f32 v24, v29  }
0xbe: {  	v32 =	vmul.f32 v28, v29;
	[tilespmem:s14+$0x50] =	vst v31  }
0xbf: {  	[tilespmem:s14+$0x40] =	vst v3;
	v3 =	vmul.f32 v27, v29  }
0xc0: {  	[tilespmem:s14+$0x70] =	vst v32  }
0xc1: {  	[tilespmem:s14+$0x60] =	vst v3  }
0xc2: {  	v3 =	vld [tilespmem:s20+$0x80]  }
0xc3: {  	v4 =	vld [tilespmem:s20+$0x90]  }
0xc4: {  	v34 =	vld [tilespmem:s20+$0xB0]  }
0xc5: {  	v36 =	vbroadcast v2, $0xA;
	v33 =	vld [tilespmem:s20+$0xA0]  }
0xc6: {  	v37 =	vld [tilespmem:s20+$0xD0]  }
0xc7: {  	v35 =	vld [tilespmem:s20+$0xC0];
	v3 =	vmul.f32 v3, v36  }
0xc8: {  	v39 =	vld [tilespmem:s20+$0xF0];
	v4 =	vmul.f32 v4, v36  }
0xc9: {  	v40 =	vbroadcast v2, $0xB;
	v38 =	vld [tilespmem:s20+$0xE0];
	v41 =	vmul.f32 v34, v36;
	[tilespmem:s14+$0x80] =	vst v3  }
0xca: {  	v3 =	vmul.f32 v33, v36;
	[tilespmem:s14+$0x90] =	vst v4  }
0xcb: {  	v42 =	vmul.f32 v37, v40;
	[tilespmem:s14+$0xB0] =	vst v41  }
0xcc: {  	[tilespmem:s14+$0xA0] =	vst v3;
	v3 =	vmul.f32 v35, v40  }
0xcd: {  	v43 =	vmul.f32 v39, v40;
	[tilespmem:s14+$0xD0] =	vst v42  }
0xce: {  	[tilespmem:s14+$0xC0] =	vst v3;
	v3 =	vmul.f32 v38, v40  }
0xcf: {  	[tilespmem:s14+$0xF0] =	vst v43  }
0xd0: {  	[tilespmem:s14+$0xE0] =	vst v3  }
0xd1: {  	v3 =	vld [tilespmem:s20+$0x100]  }
0xd2: {  	v4 =	vld [tilespmem:s20+$0x110]  }
0xd3: {  	v45 =	vld [tilespmem:s20+$0x130]  }
0xd4: {  	v47 =	vbroadcast v2, $0xC;
	v44 =	vld [tilespmem:s20+$0x120]  }
0xd5: {  	v48 =	vld [tilespmem:s20+$0x150]  }
0xd6: {  	v46 =	vld [tilespmem:s20+$0x140];
	v3 =	vmul.f32 v3, v47  }
0xd7: {  	v50 =	vld [tilespmem:s20+$0x170];
	v4 =	vmul.f32 v4, v47  }
0xd8: {  	v51 =	vbroadcast v2, $0xD;
	v49 =	vld [tilespmem:s20+$0x160];
	v52 =	vmul.f32 v45, v47;
	[tilespmem:s14+$0x100] =	vst v3  }
0xd9: {  	v3 =	vmul.f32 v44, v47;
	[tilespmem:s14+$0x110] =	vst v4  }
0xda: {  	v53 =	vmul.f32 v48, v51;
	[tilespmem:s14+$0x130] =	vst v52  }
0xdb: {  	[tilespmem:s14+$0x120] =	vst v3;
	v3 =	vmul.f32 v46, v51  }
0xdc: {  	v54 =	vmul.f32 v50, v51;
	[tilespmem:s14+$0x150] =	vst v53  }
0xdd: {  	[tilespmem:s14+$0x140] =	vst v3;
	v3 =	vmul.f32 v49, v51  }
0xde: {  	[tilespmem:s14+$0x170] =	vst v54  }
0xdf: {  	[tilespmem:s14+$0x160] =	vst v3  }
0xe0: {  	v3 =	vld [tilespmem:s20+$0x180]  }
0xe1: {  	v4 =	vld [tilespmem:s20+$0x190]  }
0xe2: {  	v55 =	vld [tilespmem:s20+$0x1A0]  }
0xe3: {  	v58 =	vbroadcast v2, $0xE;
	v56 =	vld [tilespmem:s20+$0x1B0]  }
0xe4: {  	v57 =	vld [tilespmem:s20+$0x1C0]  }
0xe5: {  	v59 =	vld [tilespmem:s20+$0x1D0];
	v3 =	vmul.f32 v3, v58  }
0xe6: {  	v60 =	vld [tilespmem:s20+$0x1E0];
	v4 =	vmul.f32 v4, v58  }
0xe7: {  	v2 =	vbroadcast v2, $0xF;
	v61 =	vld [tilespmem:s20+$0x1F0];
	[tilespmem:s14+$0x180] =	vst v3;
	v3 =	vmul.f32 v55, v58  }
0xe8: {  	v62 =	vmul.f32 v56, v58;
	[tilespmem:s14+$0x190] =	vst v4  }
0xe9: {  	p2 =	sne.s32 s12, $0x3C0;
	[tilespmem:s14+$0x1A0] =	vst v3;
	v3 =	vmul.f32 v57, v2  }
.Ltmp6:
0xea: {  	v63 =	vmul.f32 v59, v2;
	[tilespmem:s14+$0x1B0] =	vst v62;
	(pc) =	sbr.rel @p2 .LBB2_6-.Ltmp6, $4  }
0xeb: {  	[tilespmem:s14+$0x1C0] =	vst v3;
	v3 =	vmul.f32 v60, v2  }
0xec: {  	[tilespmem:s14+$0x1D0] =	vst v63;
	v2 =	vmul.f32 v61, v2  }
0xed: {  	s31 =	sadd.s32 $0x10, s31;
	[tilespmem:s14+$0x1E0] =	vst v3  }
0xee: {  	s12 =	sadd.s32 $0x40, s12;
	s20 =	sadd.s32 $0x400, s20;
	[tilespmem:s14+$0x1F0] =	vst v2;
	s14 =	sadd.s32 $0x400, s14  }
0xef: {  	s9 =	simm.s32 $0x8500  }
0xf0: {  	[spmem:s4] =	stream.indirect.scatter.add.f32 [tilespmem:s15], [sflag:$0x4], $0x40, s9, s28, $0xb8;
	[tilespmem:$0x1BDC0] =	vst v63  }
0xf1: {  	s20 =	simm.s32 $0x8580;
	s10 =	simm.s32 @!p0 $0x8500  }
0xf2: {  	[spmem:s4] =	stream.indirect.scatter.add.f32 [tilespmem:s22], [sflag:$0x4], $0x40, s20, s28, $0xb8;
	[tilespmem:$0x1BDC0] =	vst v63  }
0xf3: {  	s12 =	simm.s32 @!p0 $0x10800;
	s31 =	sor.u32 $0x10, s30;
	s9 =	simm.s32 @!p0 $0x80  }
0xf4: {  	[spmem:s6] =	stream.indirect.scatter.add.f32 @!p0 [tilespmem:s12], [sflag:$0x4], $0x8, s10, s9, $0xb8;
	[tilespmem:$0x1BDC0] =	vst v63  }
0xf5: {  	p2 =	slt.u32 s31, $0x30;
	s10 =	simm.s32 @!p0 $0x8580  }
0xf6: {  	[spmem:s6] =	stream.indirect.scatter.add.f32 @!p0 [tilespmem:s12], [sflag:$0x4], $0x8, s10, s9, $0xb8;
	[tilespmem:$0x1BDC0] =	vst v63  }
0xf7: {  	s10 =	simm.s32 @!p2 $0x3  }
0xf8: {  	_ =	swait.ge @!p2 [sflag:s10], $0x2000  }
0xf9: {  	[sflag:s10] =	ssyncset.done @!p2 $0x0  }
0xfa: {  	[sflag:s10] =	ssyncadd.s32 @!p2 $0xFFFFE000  }
0xfb: {  	p3 =	sne.s32 @!p2 s8, $0x0;
	_ =	swait.ge @!p2 [sflag:s10], $0x2000  }
0xfc: {  	p3 =	por p3, p2;
	[sflag:s10] =	ssyncset.done @!p2 $0x0  }
0xfd: {  	[sflag:s10] =	ssyncadd.s32 @!p2 $0xFFFFE000;
	s10 =	simm.s32 @!p3 $0x3  }
0xfe: {  	_ =	swait.ge @!p3 [sflag:s10], $0x400  }
0xff: {  	[sflag:s10] =	ssyncset.done @!p3 $0x0  }
0x100: {  	[sflag:s10] =	ssyncadd.s32 @!p3 $0xFFFFFC00  }
0x101: {  	_ =	swait.ge @!p3 [sflag:s10], $0x400  }
0x102: {  	[sflag:s10] =	ssyncset.done @!p3 $0x0  }
0x103: {  	s12 =	sor.u32 s5, s31;
	[sflag:s10] =	ssyncadd.s32 @!p3 $0xFFFFFC00  }
.LBB2_8:
0x104: {  	s14 =	sshll.u32 s12, $0x8  }
0x105: {  	s9 =	sadd.s32 $0x0, s14  }
0x106: {  	s20 =	simm.s32 $0x0;
	v2 =	vmov s9  }
0x107: {  	s9 =	sand.u32 $0x200, s20;
	v2 =	vshll.u32 v2, $0x1  }
0x108: {  	s10 =	sand.u32 $0x70, s20;
	s9 =	sshrl.u32 s9, $0x2;
	v2 =	vor.u32 v1, v2  }
0x109: {  	s31 =	simm.s32 $0x40;
	s9 =	sor.u32 s10, s9;
	v2 =	vor.u32 v0, v2  }
.LBB2_9:
0x10a: {  	p2 =	sne.s32 s31, $0x3C0  }
0x10b: {  	[tilespmem:s9+$0x8100] =	vst v2;
	s20 =	sadd.s32 $0x10, s20;
	s9 =	smov.u32 s31;
	s31 =	sadd.s32 $0x40, s31  }
.Ltmp7:
0x10c: {  	s10 =	sadd.s32 s20, s14;
	(pc) =	sbr.rel @p2 .LBB2_9-.Ltmp7, $4  }
0x10d: {  	v2 =	vmov s10  }
0x10e: {  	s9 =	sand.u32 $0x200, s9;
	v2 =	vshll.u32 v2, $0x1  }
0x10f: {  	s10 =	sand.u32 $0x70, s20;
	s9 =	sshrl.u32 s9, $0x2;
	v2 =	vor.u32 v1, v2  }
0x110: {  	s9 =	sor.u32 s10, s9;
	v2 =	vor.u32 v0, v2  }
0x111: {  	s10 =	sshll.u32 s12, $0x5  }
0x112: {  	[tilespmem:s9+$0x8100] =	vst v2;
	s31 =	simm.s32 $0x0;
	s12 =	sadd.s32 s2, s10  }
0x113: {  	[tilespmem:s1], [sflag:$0x2] =	stream.linear.gather [hbm4b:s12+s31], $0x100, $0x38;
	[tilespmem:$0x1BDC0] =	vst v63  }
0x114: {  	s20 =	simm.s32 $0x8700;
	s14 =	sadd.s32 s3, s10  }
0x115: {  	[tilespmem:s20], [sflag:$0x2] =	stream.linear.gather [hbm4b:s14+s31], $0x100, $0x38;
	[tilespmem:$0x1BDC0] =	vst v63  }
0x116: {  	s10 =	simm.s32 $0x8100;
	s12 =	simm.s32 $0x4000  }
0x117: {  	[tilespmem:s12], [sflag:$0x2] =	stream.indirect.gather [hbm4b:s0+s28], $0x40, s10, s28, $0xb8;
	[tilespmem:$0x1BDC0] =	vst v63  }
0x118: {  	s14 =	simm.s32 $0x8180;
	s20 =	simm.s32 $0x6000  }
0x119: {  	[tilespmem:s20], [sflag:$0x2] =	stream.indirect.gather [hbm4b:s0+s28], $0x40, s14, s28, $0xb8;
	[tilespmem:$0x1BDC0] =	vst v63  }
0x11a: {  	_ =	swait.ge [sflag:s11], $0x100  }
0x11b: {  	[sflag:s11] =	ssyncset.done $0x0  }
0x11c: {  	[sflag:s11] =	ssyncadd.s32 $0xFFFFFF00  }
0x11d: {  	_ =	swait.ge [sflag:s11], $0x100  }
0x11e: {  	[sflag:s11] =	ssyncset.done $0x0  }
0x11f: {  	[sflag:s11] =	ssyncadd.s32 $0xFFFFFF00  }
0x120: {  	_ =	swait.ge [sflag:s11], $0x2000  }
0x121: {  	[sflag:s11] =	ssyncset.done $0x0  }
0x122: {  	[sflag:s11] =	ssyncadd.s32 $0xFFFFE000  }
0x123: {  	_ =	swait.ge [sflag:s11], $0x2000  }
0x124: {  	s12 =	simm.s32 $0x0;
	[sflag:s11] =	ssyncset.done $0x0  }
0x125: {  	s20 =	simm.s32 $0x200;
	s14 =	simm.s32 $0x8A00;
	[sflag:s11] =	ssyncadd.s32 $0xFFFFE000  }
.LBB2_11:
0x126: {  	s9 =	sand.u32 $0x200, s12  }
0x127: {  	s10 =	sand.u32 $0x70, s31;
	s9 =	sshrl.u32 s9, $0x2  }
0x128: {  	s9 =	sor.u32 s10, s9  }
0x129: {  	v2 =	vld [tilespmem:s9+$0x8600];
	_ =	sdelay $0x1  }
0x12a: {  	v3 =	vld [tilespmem:s20+$0xFFFFFE00]  }
0x12b: {  	v4 =	vld [tilespmem:s20+$0xFFFFFE10]  }
0x12c: {  	v6 =	vld [tilespmem:s20+$0xFFFFFE30]  }
0x12d: {  	v5 =	vld [tilespmem:s20+$0xFFFFFE20];
	v8 =	vbroadcast v2, $0x0  }
0x12e: {  	v9 =	vld [tilespmem:s20+$0xFFFFFE50]  }
0x12f: {  	v7 =	vld [tilespmem:s20+$0xFFFFFE40];
	v3 =	vmul.f32 v8, v3  }
0x130: {  	v11 =	vld [tilespmem:s20+$0xFFFFFE70];
	v4 =	vmul.f32 v4, v8  }
0x131: {  	v10 =	vld [tilespmem:s20+$0xFFFFFE60];
	v37 =	vbroadcast v2, $0x1;
	v38 =	vmul.f32 v6, v8;
	[tilespmem:s14+$0xFFFFFE00] =	vst v3  }
0x132: {  	v3 =	vmul.f32 v5, v8;
	[tilespmem:s14+$0xFFFFFE10] =	vst v4  }
0x133: {  	v39 =	vmul.f32 v9, v37;
	[tilespmem:s14+$0xFFFFFE30] =	vst v38  }
0x134: {  	[tilespmem:s14+$0xFFFFFE20] =	vst v3;
	v3 =	vmul.f32 v7, v37  }
0x135: {  	v40 =	vmul.f32 v11, v37;
	[tilespmem:s14+$0xFFFFFE50] =	vst v39  }
0x136: {  	[tilespmem:s14+$0xFFFFFE40] =	vst v3;
	v3 =	vmul.f32 v10, v37  }
0x137: {  	[tilespmem:s14+$0xFFFFFE70] =	vst v40  }
0x138: {  	[tilespmem:s14+$0xFFFFFE60] =	vst v3  }
0x139: {  	v3 =	vld [tilespmem:s20+$0xFFFFFE80]  }
0x13a: {  	v4 =	vld [tilespmem:s20+$0xFFFFFE90]  }
0x13b: {  	v42 =	vld [tilespmem:s20+$0xFFFFFEB0]  }
0x13c: {  	v44 =	vbroadcast v2, $0x2;
	v41 =	vld [tilespmem:s20+$0xFFFFFEA0]  }
0x13d: {  	v45 =	vld [tilespmem:s20+$0xFFFFFED0]  }
0x13e: {  	v43 =	vld [tilespmem:s20+$0xFFFFFEC0];
	v3 =	vmul.f32 v3, v44  }
0x13f: {  	v47 =	vld [tilespmem:s20+$0xFFFFFEF0];
	v4 =	vmul.f32 v4, v44  }
0x140: {  	v48 =	vbroadcast v2, $0x3;
	v46 =	vld [tilespmem:s20+$0xFFFFFEE0];
	v49 =	vmul.f32 v42, v44;
	[tilespmem:s14+$0xFFFFFE80] =	vst v3  }
0x141: {  	v3 =	vmul.f32 v41, v44;
	[tilespmem:s14+$0xFFFFFE90] =	vst v4  }
0x142: {  	v50 =	vmul.f32 v45, v48;
	[tilespmem:s14+$0xFFFFFEB0] =	vst v49  }
0x143: {  	[tilespmem:s14+$0xFFFFFEA0] =	vst v3;
	v3 =	vmul.f32 v43, v48  }
0x144: {  	v51 =	vmul.f32 v47, v48;
	[tilespmem:s14+$0xFFFFFED0] =	vst v50  }
0x145: {  	[tilespmem:s14+$0xFFFFFEC0] =	vst v3;
	v3 =	vmul.f32 v46, v48  }
0x146: {  	[tilespmem:s14+$0xFFFFFEF0] =	vst v51  }
0x147: {  	[tilespmem:s14+$0xFFFFFEE0] =	vst v3  }
0x148: {  	v3 =	vld [tilespmem:s20+$0xFFFFFF00]  }
0x149: {  	v4 =	vld [tilespmem:s20+$0xFFFFFF10]  }
0x14a: {  	v53 =	vld [tilespmem:s20+$0xFFFFFF30]  }
0x14b: {  	v55 =	vbroadcast v2, $0x4;
	v52 =	vld [tilespmem:s20+$0xFFFFFF20]  }
0x14c: {  	v56 =	vld [tilespmem:s20+$0xFFFFFF50]  }
0x14d: {  	v54 =	vld [tilespmem:s20+$0xFFFFFF40];
	v3 =	vmul.f32 v3, v55  }
0x14e: {  	v58 =	vld [tilespmem:s20+$0xFFFFFF70];
	v4 =	vmul.f32 v4, v55  }
0x14f: {  	v59 =	vbroadcast v2, $0x5;
	v57 =	vld [tilespmem:s20+$0xFFFFFF60];
	v60 =	vmul.f32 v53, v55;
	[tilespmem:s14+$0xFFFFFF00] =	vst v3  }
0x150: {  	v3 =	vmul.f32 v52, v55;
	[tilespmem:s14+$0xFFFFFF10] =	vst v4  }
0x151: {  	v61 =	vmul.f32 v56, v59;
	[tilespmem:s14+$0xFFFFFF30] =	vst v60  }
0x152: {  	[tilespmem:s14+$0xFFFFFF20] =	vst v3;
	v3 =	vmul.f32 v54, v59  }
0x153: {  	v62 =	vmul.f32 v58, v59;
	[tilespmem:s14+$0xFFFFFF50] =	vst v61  }
0x154: {  	[tilespmem:s14+$0xFFFFFF40] =	vst v3;
	v3 =	vmul.f32 v57, v59  }
0x155: {  	[tilespmem:s14+$0xFFFFFF70] =	vst v62  }
0x156: {  	[tilespmem:s14+$0xFFFFFF60] =	vst v3  }
0x157: {  	v3 =	vld [tilespmem:s20+$0xFFFFFF80]  }
0x158: {  	v4 =	vld [tilespmem:s20+$0xFFFFFF90]  }
0x159: {  	v12 =	vld [tilespmem:s20+$0xFFFFFFB0]  }
0x15a: {  	v14 =	vbroadcast v2, $0x6;
	v63 =	vld [tilespmem:s20+$0xFFFFFFA0]  }
0x15b: {  	v15 =	vld [tilespmem:s20+$0xFFFFFFD0]  }
0x15c: {  	v13 =	vld [tilespmem:s20+$0xFFFFFFC0];
	v3 =	vmul.f32 v3, v14  }
0x15d: {  	v17 =	vld [tilespmem:s20+$0xFFFFFFF0];
	v4 =	vmul.f32 v4, v14  }
0x15e: {  	v18 =	vbroadcast v2, $0x7;
	v16 =	vld [tilespmem:s20+$0xFFFFFFE0];
	v19 =	vmul.f32 v12, v14;
	[tilespmem:s14+$0xFFFFFF80] =	vst v3  }
0x15f: {  	v3 =	vmul.f32 v63, v14;
	[tilespmem:s14+$0xFFFFFF90] =	vst v4  }
0x160: {  	v20 =	vmul.f32 v15, v18;
	[tilespmem:s14+$0xFFFFFFB0] =	vst v19  }
0x161: {  	[tilespmem:s14+$0xFFFFFFA0] =	vst v3;
	v3 =	vmul.f32 v13, v18  }
0x162: {  	v21 =	vmul.f32 v17, v18;
	[tilespmem:s14+$0xFFFFFFD0] =	vst v20  }
0x163: {  	[tilespmem:s14+$0xFFFFFFC0] =	vst v3;
	v3 =	vmul.f32 v16, v18  }
0x164: {  	[tilespmem:s14+$0xFFFFFFF0] =	vst v21  }
0x165: {  	[tilespmem:s14+$0xFFFFFFE0] =	vst v3  }
0x166: {  	v3 =	vld [tilespmem:s20+$0x0]  }
0x167: {  	v4 =	vld [tilespmem:s20+$0x10]  }
0x168: {  	v23 =	vld [tilespmem:s20+$0x30]  }
0x169: {  	v25 =	vbroadcast v2, $0x8;
	v22 =	vld [tilespmem:s20+$0x20]  }
0x16a: {  	v26 =	vld [tilespmem:s20+$0x50]  }
0x16b: {  	v24 =	vld [tilespmem:s20+$0x40];
	v3 =	vmul.f32 v3, v25  }
0x16c: {  	v28 =	vld [tilespmem:s20+$0x70];
	v4 =	vmul.f32 v4, v25  }
0x16d: {  	v29 =	vbroadcast v2, $0x9;
	v27 =	vld [tilespmem:s20+$0x60];
	v30 =	vmul.f32 v23, v25;
	[tilespmem:s14+$0x0] =	vst v3  }
0x16e: {  	v3 =	vmul.f32 v22, v25;
	[tilespmem:s14+$0x10] =	vst v4  }
0x16f: {  	v31 =	vmul.f32 v26, v29;
	[tilespmem:s14+$0x30] =	vst v30  }
0x170: {  	[tilespmem:s14+$0x20] =	vst v3;
	v3 =	vmul.f32 v24, v29  }
0x171: {  	v32 =	vmul.f32 v28, v29;
	[tilespmem:s14+$0x50] =	vst v31  }
0x172: {  	[tilespmem:s14+$0x40] =	vst v3;
	v3 =	vmul.f32 v27, v29  }
0x173: {  	[tilespmem:s14+$0x70] =	vst v32  }
0x174: {  	[tilespmem:s14+$0x60] =	vst v3  }
0x175: {  	v3 =	vld [tilespmem:s20+$0x80]  }
0x176: {  	v4 =	vld [tilespmem:s20+$0x90]  }
0x177: {  	v34 =	vld [tilespmem:s20+$0xB0]  }
0x178: {  	v36 =	vbroadcast v2, $0xA;
	v33 =	vld [tilespmem:s20+$0xA0]  }
0x179: {  	v37 =	vld [tilespmem:s20+$0xD0]  }
0x17a: {  	v35 =	vld [tilespmem:s20+$0xC0];
	v3 =	vmul.f32 v3, v36  }
0x17b: {  	v39 =	vld [tilespmem:s20+$0xF0];
	v4 =	vmul.f32 v4, v36  }
0x17c: {  	v40 =	vbroadcast v2, $0xB;
	v38 =	vld [tilespmem:s20+$0xE0];
	v41 =	vmul.f32 v34, v36;
	[tilespmem:s14+$0x80] =	vst v3  }
0x17d: {  	v3 =	vmul.f32 v33, v36;
	[tilespmem:s14+$0x90] =	vst v4  }
0x17e: {  	v42 =	vmul.f32 v37, v40;
	[tilespmem:s14+$0xB0] =	vst v41  }
0x17f: {  	[tilespmem:s14+$0xA0] =	vst v3;
	v3 =	vmul.f32 v35, v40  }
0x180: {  	v43 =	vmul.f32 v39, v40;
	[tilespmem:s14+$0xD0] =	vst v42  }
0x181: {  	[tilespmem:s14+$0xC0] =	vst v3;
	v3 =	vmul.f32 v38, v40  }
0x182: {  	[tilespmem:s14+$0xF0] =	vst v43  }
0x183: {  	[tilespmem:s14+$0xE0] =	vst v3  }
0x184: {  	v3 =	vld [tilespmem:s20+$0x100]  }
0x185: {  	v4 =	vld [tilespmem:s20+$0x110]  }
0x186: {  	v45 =	vld [tilespmem:s20+$0x130]  }
0x187: {  	v47 =	vbroadcast v2, $0xC;
	v44 =	vld [tilespmem:s20+$0x120]  }
0x188: {  	v48 =	vld [tilespmem:s20+$0x150]  }
0x189: {  	v46 =	vld [tilespmem:s20+$0x140];
	v3 =	vmul.f32 v3, v47  }
0x18a: {  	v50 =	vld [tilespmem:s20+$0x170];
	v4 =	vmul.f32 v4, v47  }
0x18b: {  	v51 =	vbroadcast v2, $0xD;
	v49 =	vld [tilespmem:s20+$0x160];
	v52 =	vmul.f32 v45, v47;
	[tilespmem:s14+$0x100] =	vst v3  }
0x18c: {  	v3 =	vmul.f32 v44, v47;
	[tilespmem:s14+$0x110] =	vst v4  }
0x18d: {  	v53 =	vmul.f32 v48, v51;
	[tilespmem:s14+$0x130] =	vst v52  }
0x18e: {  	[tilespmem:s14+$0x120] =	vst v3;
	v3 =	vmul.f32 v46, v51  }
0x18f: {  	v54 =	vmul.f32 v50, v51;
	[tilespmem:s14+$0x150] =	vst v53  }
0x190: {  	[tilespmem:s14+$0x140] =	vst v3;
	v3 =	vmul.f32 v49, v51  }
0x191: {  	[tilespmem:s14+$0x170] =	vst v54  }
0x192: {  	[tilespmem:s14+$0x160] =	vst v3  }
0x193: {  	v3 =	vld [tilespmem:s20+$0x180]  }
0x194: {  	v4 =	vld [tilespmem:s20+$0x190]  }
0x195: {  	v55 =	vld [tilespmem:s20+$0x1A0]  }
0x196: {  	v58 =	vbroadcast v2, $0xE;
	v56 =	vld [tilespmem:s20+$0x1B0]  }
0x197: {  	v57 =	vld [tilespmem:s20+$0x1C0]  }
0x198: {  	v59 =	vld [tilespmem:s20+$0x1D0];
	v3 =	vmul.f32 v3, v58  }
0x199: {  	v60 =	vld [tilespmem:s20+$0x1E0];
	v4 =	vmul.f32 v4, v58  }
0x19a: {  	v2 =	vbroadcast v2, $0xF;
	v61 =	vld [tilespmem:s20+$0x1F0];
	[tilespmem:s14+$0x180] =	vst v3;
	v3 =	vmul.f32 v55, v58  }
0x19b: {  	v62 =	vmul.f32 v56, v58;
	[tilespmem:s14+$0x190] =	vst v4  }
0x19c: {  	p2 =	sne.s32 s12, $0x3C0;
	[tilespmem:s14+$0x1A0] =	vst v3;
	v3 =	vmul.f32 v57, v2  }
.Ltmp8:
0x19d: {  	v63 =	vmul.f32 v59, v2;
	[tilespmem:s14+$0x1B0] =	vst v62;
	(pc) =	sbr.rel @p2 .LBB2_11-.Ltmp8, $4  }
0x19e: {  	[tilespmem:s14+$0x1C0] =	vst v3;
	v3 =	vmul.f32 v60, v2  }
0x19f: {  	[tilespmem:s14+$0x1D0] =	vst v63;
	v2 =	vmul.f32 v61, v2  }
0x1a0: {  	s31 =	sadd.s32 $0x10, s31;
	[tilespmem:s14+$0x1E0] =	vst v3  }
0x1a1: {  	s12 =	sadd.s32 $0x40, s12;
	s20 =	sadd.s32 $0x400, s20;
	[tilespmem:s14+$0x1F0] =	vst v2;
	s14 =	sadd.s32 $0x400, s14  }
0x1a2: {  	[spmem:s4] =	stream.indirect.scatter.add.f32 [tilespmem:s13], [sflag:$0x3], $0x40, s25, s28, $0xb8;
	[tilespmem:$0x1BDC0] =	vst v63  }
0x1a3: {  	s9 =	simm.s32 $0x8280;
	s10 =	simm.s32 @!p0 $0x8200  }
0x1a4: {  	[spmem:s4] =	stream.indirect.scatter.add.f32 [tilespmem:s24], [sflag:$0x3], $0x40, s9, s28, $0xb8;
	[tilespmem:$0x1BDC0] =	vst v63  }
0x1a5: {  	s12 =	simm.s32 @!p0 $0x10800;
	s31 =	sor.u32 $0x20, s30;
	s9 =	simm.s32 @!p0 $0x80  }
0x1a6: {  	[spmem:s6] =	stream.indirect.scatter.add.f32 @!p0 [tilespmem:s12], [sflag:$0x3], $0x8, s10, s9, $0xb8;
	[tilespmem:$0x1BDC0] =	vst v63  }
0x1a7: {  	p2 =	slt.u32 s31, $0x30;
	s10 =	simm.s32 @!p0 $0x8280  }
0x1a8: {  	[spmem:s6] =	stream.indirect.scatter.add.f32 @!p0 [tilespmem:s12], [sflag:$0x3], $0x8, s10, s9, $0xb8;
	[tilespmem:$0x1BDC0] =	vst v63  }
0x1a9: {  	s10 =	simm.s32 @!p2 $0x4  }
0x1aa: {  	_ =	swait.ge @!p2 [sflag:s10], $0x2000  }
0x1ab: {  	[sflag:s10] =	ssyncset.done @!p2 $0x0  }
0x1ac: {  	[sflag:s10] =	ssyncadd.s32 @!p2 $0xFFFFE000  }
0x1ad: {  	p3 =	sne.s32 @!p2 s8, $0x0;
	_ =	swait.ge @!p2 [sflag:s10], $0x2000  }
0x1ae: {  	p3 =	por p3, p2;
	[sflag:s10] =	ssyncset.done @!p2 $0x0  }
0x1af: {  	s12 =	sor.u32 s5, s31;
	[sflag:s10] =	ssyncadd.s32 @!p2 $0xFFFFE000;
	s10 =	simm.s32 @!p3 $0x4  }
0x1b0: {  	p2 =	sgt.u32 s12, $0x4E1;
	_ =	swait.ge @!p3 [sflag:s10], $0x400  }
.Ltmp9:
0x1b1: {  	[sflag:s10] =	ssyncset.done @!p3 $0x0;
	(pc) =	sbr.rel @p2 .LBB2_16-.Ltmp9, $4  }
0x1b2: {  	[sflag:s10] =	ssyncadd.s32 @!p3 $0xFFFFFC00  }
0x1b3: {  	_ =	swait.ge @!p3 [sflag:s10], $0x400  }
0x1b4: {  	[sflag:s10] =	ssyncset.done @!p3 $0x0  }
0x1b5: {  	s14 =	simm.s32 $0x0;
	[sflag:s10] =	ssyncadd.s32 @!p3 $0xFFFFFC00  }
0x1b6: {  	s9 =	sadd.s32 $0x0, s16  }
0x1b7: {  	v2 =	vmov s9  }
0x1b8: {  	s31 =	sand.u32 $0x200, s14;
	v2 =	vshll.u32 v2, $0x1  }
0x1b9: {  	s10 =	sand.u32 $0x70, s14;
	s9 =	sshrl.u32 s31, $0x2;
	v2 =	vor.u32 v1, v2  }
0x1ba: {  	s20 =	simm.s32 $0x40;
	s9 =	sor.u32 s10, s9;
	v2 =	vor.u32 v0, v2  }
.LBB2_14:
0x1bb: {  	p2 =	sne.s32 s20, $0x3C0  }
0x1bc: {  	[tilespmem:s9+$0x8000] =	vst v2;
	s14 =	sadd.s32 $0x10, s14;
	s9 =	smov.u32 s20;
	s20 =	sadd.s32 $0x40, s20  }
.Ltmp10:
0x1bd: {  	s10 =	sadd.s32 s14, s16;
	(pc) =	sbr.rel @p2 .LBB2_14-.Ltmp10, $4  }
0x1be: {  	v2 =	vmov s10  }
0x1bf: {  	s9 =	sand.u32 $0x200, s9;
	v2 =	vshll.u32 v2, $0x1  }
0x1c0: {  	s10 =	sand.u32 $0x70, s14;
	s9 =	sshrl.u32 s9, $0x2;
	v2 =	vor.u32 v1, v2  }
0x1c1: {  	s9 =	sor.u32 s10, s9;
	v2 =	vor.u32 v0, v2  }
0x1c2: {  	s10 =	sshll.u32 s12, $0x5  }
0x1c3: {  	[tilespmem:s9+$0x8000] =	vst v2;
	s31 =	simm.s32 $0x8400;
	s30 =	sadd.s32 s2, s10  }
0x1c4: {  	[tilespmem:s31], [sflag:$0x1] =	stream.linear.gather [hbm4b:s30+s7], $0x100, $0x38;
	[tilespmem:$0x1BDC0] =	vst v63  }
0x1c5: {  	s14 =	simm.s32 $0x8600;
	s12 =	sadd.s32 s3, s10  }
0x1c6: {  	[tilespmem:s14], [sflag:$0x1] =	stream.linear.gather [hbm4b:s12+s7], $0x100, $0x38;
	[tilespmem:$0x1BDC0] =	vst v63  }
0x1c7: {  	s20 =	simm.s32 $0x8000  }
0x1c8: {  	[tilespmem:s7], [sflag:$0x1] =	stream.indirect.gather [hbm4b:s0+s28], $0x40, s20, s28, $0xb8;
	[tilespmem:$0x1BDC0] =	vst v63  }
0x1c9: {  	s30 =	simm.s32 $0x8080;
	s31 =	simm.s32 $0x2000  }
0x1ca: {  	[tilespmem:s31], [sflag:$0x1] =	stream.indirect.gather [hbm4b:s0+s28], $0x40, s30, s28, $0xb8;
	[tilespmem:$0x1BDC0] =	vst v63  }
.LBB2_16:
0x1cb: {  	_ =	swait.ge [sflag:s19], $0x100  }
0x1cc: {  	[sflag:s19] =	ssyncset.done $0x0  }
0x1cd: {  	[sflag:s19] =	ssyncadd.s32 $0xFFFFFF00  }
0x1ce: {  	_ =	swait.ge [sflag:s19], $0x100  }
0x1cf: {  	[sflag:s19] =	ssyncset.done $0x0  }
0x1d0: {  	[sflag:s19] =	ssyncadd.s32 $0xFFFFFF00  }
0x1d1: {  	_ =	swait.ge [sflag:s19], $0x2000  }
0x1d2: {  	[sflag:s19] =	ssyncset.done $0x0  }
0x1d3: {  	[sflag:s19] =	ssyncadd.s32 $0xFFFFE000  }
0x1d4: {  	_ =	swait.ge [sflag:s19], $0x2000  }
0x1d5: {  	s30 =	simm.s32 $0x0;
	s20 =	simm.s32 $0x4200;
	[sflag:s19] =	ssyncset.done $0x0  }
0x1d6: {  	s14 =	simm.s32 $0xCA00;
	s12 =	simm.s32 $0x0;
	[sflag:s19] =	ssyncadd.s32 $0xFFFFE000  }
.LBB2_17:
0x1d7: {  	s9 =	sand.u32 $0x200, s12  }
0x1d8: {  	s10 =	sand.u32 $0x70, s30;
	s9 =	sshrl.u32 s9, $0x2  }
0x1d9: {  	s9 =	sor.u32 s10, s9  }
0x1da: {  	v2 =	vld [tilespmem:s9+$0x8700];
	_ =	sdelay $0x1  }
0x1db: {  	v3 =	vld [tilespmem:s20+$0xFFFFFE00]  }
0x1dc: {  	v4 =	vld [tilespmem:s20+$0xFFFFFE10]  }
0x1dd: {  	v6 =	vld [tilespmem:s20+$0xFFFFFE30]  }
0x1de: {  	v5 =	vld [tilespmem:s20+$0xFFFFFE20];
	v8 =	vbroadcast v2, $0x0  }
0x1df: {  	v9 =	vld [tilespmem:s20+$0xFFFFFE50]  }
0x1e0: {  	v7 =	vld [tilespmem:s20+$0xFFFFFE40];
	v3 =	vmul.f32 v8, v3  }
0x1e1: {  	v11 =	vld [tilespmem:s20+$0xFFFFFE70];
	v4 =	vmul.f32 v4, v8  }
0x1e2: {  	v10 =	vld [tilespmem:s20+$0xFFFFFE60];
	v37 =	vbroadcast v2, $0x1;
	v38 =	vmul.f32 v6, v8;
	[tilespmem:s14+$0xFFFFFE00] =	vst v3  }
0x1e3: {  	v3 =	vmul.f32 v5, v8;
	[tilespmem:s14+$0xFFFFFE10] =	vst v4  }
0x1e4: {  	v39 =	vmul.f32 v9, v37;
	[tilespmem:s14+$0xFFFFFE30] =	vst v38  }
0x1e5: {  	[tilespmem:s14+$0xFFFFFE20] =	vst v3;
	v3 =	vmul.f32 v7, v37  }
0x1e6: {  	v40 =	vmul.f32 v11, v37;
	[tilespmem:s14+$0xFFFFFE50] =	vst v39  }
0x1e7: {  	[tilespmem:s14+$0xFFFFFE40] =	vst v3;
	v3 =	vmul.f32 v10, v37  }
0x1e8: {  	[tilespmem:s14+$0xFFFFFE70] =	vst v40  }
0x1e9: {  	[tilespmem:s14+$0xFFFFFE60] =	vst v3  }
0x1ea: {  	v3 =	vld [tilespmem:s20+$0xFFFFFE80]  }
0x1eb: {  	v4 =	vld [tilespmem:s20+$0xFFFFFE90]  }
0x1ec: {  	v42 =	vld [tilespmem:s20+$0xFFFFFEB0]  }
0x1ed: {  	v44 =	vbroadcast v2, $0x2;
	v41 =	vld [tilespmem:s20+$0xFFFFFEA0]  }
0x1ee: {  	v45 =	vld [tilespmem:s20+$0xFFFFFED0]  }
0x1ef: {  	v43 =	vld [tilespmem:s20+$0xFFFFFEC0];
	v3 =	vmul.f32 v3, v44  }
0x1f0: {  	v47 =	vld [tilespmem:s20+$0xFFFFFEF0];
	v4 =	vmul.f32 v4, v44  }
0x1f1: {  	v48 =	vbroadcast v2, $0x3;
	v46 =	vld [tilespmem:s20+$0xFFFFFEE0];
	v49 =	vmul.f32 v42, v44;
	[tilespmem:s14+$0xFFFFFE80] =	vst v3  }
0x1f2: {  	v3 =	vmul.f32 v41, v44;
	[tilespmem:s14+$0xFFFFFE90] =	vst v4  }
0x1f3: {  	v50 =	vmul.f32 v45, v48;
	[tilespmem:s14+$0xFFFFFEB0] =	vst v49  }
0x1f4: {  	[tilespmem:s14+$0xFFFFFEA0] =	vst v3;
	v3 =	vmul.f32 v43, v48  }
0x1f5: {  	v51 =	vmul.f32 v47, v48;
	[tilespmem:s14+$0xFFFFFED0] =	vst v50  }
0x1f6: {  	[tilespmem:s14+$0xFFFFFEC0] =	vst v3;
	v3 =	vmul.f32 v46, v48  }
0x1f7: {  	[tilespmem:s14+$0xFFFFFEF0] =	vst v51  }
0x1f8: {  	[tilespmem:s14+$0xFFFFFEE0] =	vst v3  }
0x1f9: {  	v3 =	vld [tilespmem:s20+$0xFFFFFF00]  }
0x1fa: {  	v4 =	vld [tilespmem:s20+$0xFFFFFF10]  }
0x1fb: {  	v53 =	vld [tilespmem:s20+$0xFFFFFF30]  }
0x1fc: {  	v55 =	vbroadcast v2, $0x4;
	v52 =	vld [tilespmem:s20+$0xFFFFFF20]  }
0x1fd: {  	v56 =	vld [tilespmem:s20+$0xFFFFFF50]  }
0x1fe: {  	v54 =	vld [tilespmem:s20+$0xFFFFFF40];
	v3 =	vmul.f32 v3, v55  }
0x1ff: {  	v58 =	vld [tilespmem:s20+$0xFFFFFF70];
	v4 =	vmul.f32 v4, v55  }
0x200: {  	v59 =	vbroadcast v2, $0x5;
	v57 =	vld [tilespmem:s20+$0xFFFFFF60];
	v60 =	vmul.f32 v53, v55;
	[tilespmem:s14+$0xFFFFFF00] =	vst v3  }
0x201: {  	v3 =	vmul.f32 v52, v55;
	[tilespmem:s14+$0xFFFFFF10] =	vst v4  }
0x202: {  	v61 =	vmul.f32 v56, v59;
	[tilespmem:s14+$0xFFFFFF30] =	vst v60  }
0x203: {  	[tilespmem:s14+$0xFFFFFF20] =	vst v3;
	v3 =	vmul.f32 v54, v59  }
0x204: {  	v62 =	vmul.f32 v58, v59;
	[tilespmem:s14+$0xFFFFFF50] =	vst v61  }
0x205: {  	[tilespmem:s14+$0xFFFFFF40] =	vst v3;
	v3 =	vmul.f32 v57, v59  }
0x206: {  	[tilespmem:s14+$0xFFFFFF70] =	vst v62  }
0x207: {  	[tilespmem:s14+$0xFFFFFF60] =	vst v3  }
0x208: {  	v3 =	vld [tilespmem:s20+$0xFFFFFF80]  }
0x209: {  	v4 =	vld [tilespmem:s20+$0xFFFFFF90]  }
0x20a: {  	v12 =	vld [tilespmem:s20+$0xFFFFFFB0]  }
0x20b: {  	v14 =	vbroadcast v2, $0x6;
	v63 =	vld [tilespmem:s20+$0xFFFFFFA0]  }
0x20c: {  	v15 =	vld [tilespmem:s20+$0xFFFFFFD0]  }
0x20d: {  	v13 =	vld [tilespmem:s20+$0xFFFFFFC0];
	v3 =	vmul.f32 v3, v14  }
0x20e: {  	v17 =	vld [tilespmem:s20+$0xFFFFFFF0];
	v4 =	vmul.f32 v4, v14  }
0x20f: {  	v18 =	vbroadcast v2, $0x7;
	v16 =	vld [tilespmem:s20+$0xFFFFFFE0];
	v19 =	vmul.f32 v12, v14;
	[tilespmem:s14+$0xFFFFFF80] =	vst v3  }
0x210: {  	v3 =	vmul.f32 v63, v14;
	[tilespmem:s14+$0xFFFFFF90] =	vst v4  }
0x211: {  	v20 =	vmul.f32 v15, v18;
	[tilespmem:s14+$0xFFFFFFB0] =	vst v19  }
0x212: {  	[tilespmem:s14+$0xFFFFFFA0] =	vst v3;
	v3 =	vmul.f32 v13, v18  }
0x213: {  	v21 =	vmul.f32 v17, v18;
	[tilespmem:s14+$0xFFFFFFD0] =	vst v20  }
0x214: {  	[tilespmem:s14+$0xFFFFFFC0] =	vst v3;
	v3 =	vmul.f32 v16, v18  }
0x215: {  	[tilespmem:s14+$0xFFFFFFF0] =	vst v21  }
0x216: {  	[tilespmem:s14+$0xFFFFFFE0] =	vst v3  }
0x217: {  	v3 =	vld [tilespmem:s20+$0x0]  }
0x218: {  	v4 =	vld [tilespmem:s20+$0x10]  }
0x219: {  	v23 =	vld [tilespmem:s20+$0x30]  }
0x21a: {  	v25 =	vbroadcast v2, $0x8;
	v22 =	vld [tilespmem:s20+$0x20]  }
0x21b: {  	v26 =	vld [tilespmem:s20+$0x50]  }
0x21c: {  	v24 =	vld [tilespmem:s20+$0x40];
	v3 =	vmul.f32 v3, v25  }
0x21d: {  	v28 =	vld [tilespmem:s20+$0x70];
	v4 =	vmul.f32 v4, v25  }
0x21e: {  	v29 =	vbroadcast v2, $0x9;
	v27 =	vld [tilespmem:s20+$0x60];
	v30 =	vmul.f32 v23, v25;
	[tilespmem:s14+$0x0] =	vst v3  }
0x21f: {  	v3 =	vmul.f32 v22, v25;
	[tilespmem:s14+$0x10] =	vst v4  }
0x220: {  	v31 =	vmul.f32 v26, v29;
	[tilespmem:s14+$0x30] =	vst v30  }
0x221: {  	[tilespmem:s14+$0x20] =	vst v3;
	v3 =	vmul.f32 v24, v29  }
0x222: {  	v32 =	vmul.f32 v28, v29;
	[tilespmem:s14+$0x50] =	vst v31  }
0x223: {  	[tilespmem:s14+$0x40] =	vst v3;
	v3 =	vmul.f32 v27, v29  }
0x224: {  	[tilespmem:s14+$0x70] =	vst v32  }
0x225: {  	[tilespmem:s14+$0x60] =	vst v3  }
0x226: {  	v3 =	vld [tilespmem:s20+$0x80]  }
0x227: {  	v4 =	vld [tilespmem:s20+$0x90]  }
0x228: {  	v34 =	vld [tilespmem:s20+$0xB0]  }
0x229: {  	v36 =	vbroadcast v2, $0xA;
	v33 =	vld [tilespmem:s20+$0xA0]  }
0x22a: {  	v37 =	vld [tilespmem:s20+$0xD0]  }
0x22b: {  	v35 =	vld [tilespmem:s20+$0xC0];
	v3 =	vmul.f32 v3, v36  }
0x22c: {  	v39 =	vld [tilespmem:s20+$0xF0];
	v4 =	vmul.f32 v4, v36  }
0x22d: {  	v40 =	vbroadcast v2, $0xB;
	v38 =	vld [tilespmem:s20+$0xE0];
	v41 =	vmul.f32 v34, v36;
	[tilespmem:s14+$0x80] =	vst v3  }
0x22e: {  	v3 =	vmul.f32 v33, v36;
	[tilespmem:s14+$0x90] =	vst v4  }
0x22f: {  	v42 =	vmul.f32 v37, v40;
	[tilespmem:s14+$0xB0] =	vst v41  }
0x230: {  	[tilespmem:s14+$0xA0] =	vst v3;
	v3 =	vmul.f32 v35, v40  }
0x231: {  	v43 =	vmul.f32 v39, v40;
	[tilespmem:s14+$0xD0] =	vst v42  }
0x232: {  	[tilespmem:s14+$0xC0] =	vst v3;
	v3 =	vmul.f32 v38, v40  }
0x233: {  	[tilespmem:s14+$0xF0] =	vst v43  }
0x234: {  	[tilespmem:s14+$0xE0] =	vst v3  }
0x235: {  	v3 =	vld [tilespmem:s20+$0x100]  }
0x236: {  	v4 =	vld [tilespmem:s20+$0x110]  }
0x237: {  	v45 =	vld [tilespmem:s20+$0x130]  }
0x238: {  	v47 =	vbroadcast v2, $0xC;
	v44 =	vld [tilespmem:s20+$0x120]  }
0x239: {  	v48 =	vld [tilespmem:s20+$0x150]  }
0x23a: {  	v46 =	vld [tilespmem:s20+$0x140];
	v3 =	vmul.f32 v3, v47  }
0x23b: {  	v50 =	vld [tilespmem:s20+$0x170];
	v4 =	vmul.f32 v4, v47  }
0x23c: {  	v51 =	vbroadcast v2, $0xD;
	v49 =	vld [tilespmem:s20+$0x160];
	v52 =	vmul.f32 v45, v47;
	[tilespmem:s14+$0x100] =	vst v3  }
0x23d: {  	v3 =	vmul.f32 v44, v47;
	[tilespmem:s14+$0x110] =	vst v4  }
0x23e: {  	v53 =	vmul.f32 v48, v51;
	[tilespmem:s14+$0x130] =	vst v52  }
0x23f: {  	[tilespmem:s14+$0x120] =	vst v3;
	v3 =	vmul.f32 v46, v51  }
0x240: {  	v54 =	vmul.f32 v50, v51;
	[tilespmem:s14+$0x150] =	vst v53  }
0x241: {  	[tilespmem:s14+$0x140] =	vst v3;
	v3 =	vmul.f32 v49, v51  }
0x242: {  	[tilespmem:s14+$0x170] =	vst v54  }
0x243: {  	[tilespmem:s14+$0x160] =	vst v3  }
0x244: {  	v3 =	vld [tilespmem:s20+$0x180]  }
0x245: {  	v4 =	vld [tilespmem:s20+$0x190]  }
0x246: {  	v55 =	vld [tilespmem:s20+$0x1A0]  }
0x247: {  	v58 =	vbroadcast v2, $0xE;
	v56 =	vld [tilespmem:s20+$0x1B0]  }
0x248: {  	v57 =	vld [tilespmem:s20+$0x1C0]  }
0x249: {  	v59 =	vld [tilespmem:s20+$0x1D0];
	v3 =	vmul.f32 v3, v58  }
0x24a: {  	v60 =	vld [tilespmem:s20+$0x1E0];
	v4 =	vmul.f32 v4, v58  }
0x24b: {  	v2 =	vbroadcast v2, $0xF;
	v61 =	vld [tilespmem:s20+$0x1F0];
	[tilespmem:s14+$0x180] =	vst v3;
	v3 =	vmul.f32 v55, v58  }
0x24c: {  	v62 =	vmul.f32 v56, v58;
	[tilespmem:s14+$0x190] =	vst v4  }
0x24d: {  	p2 =	sne.s32 s12, $0x3C0;
	[tilespmem:s14+$0x1A0] =	vst v3;
	v3 =	vmul.f32 v57, v2  }
.Ltmp11:
0x24e: {  	v63 =	vmul.f32 v59, v2;
	[tilespmem:s14+$0x1B0] =	vst v62;
	(pc) =	sbr.rel @p2 .LBB2_17-.Ltmp11, $4  }
0x24f: {  	[tilespmem:s14+$0x1C0] =	vst v3;
	v3 =	vmul.f32 v60, v2  }
0x250: {  	[tilespmem:s14+$0x1D0] =	vst v63;
	v2 =	vmul.f32 v61, v2  }
0x251: {  	s30 =	sadd.s32 $0x10, s30;
	[tilespmem:s14+$0x1E0] =	vst v3  }
0x252: {  	s12 =	sadd.s32 $0x40, s12;
	s20 =	sadd.s32 $0x400, s20;
	[tilespmem:s14+$0x1F0] =	vst v2;
	s14 =	sadd.s32 $0x400, s14  }
0x253: {  	[spmem:s4] =	stream.indirect.scatter.add.f32 [tilespmem:s15], [sflag:$0x4], $0x40, s1, s28, $0xb8;
	[tilespmem:$0x1BDC0] =	vst v63  }
0x254: {  	s9 =	simm.s32 $0x8380  }
0x255: {  	[spmem:s4] =	stream.indirect.scatter.add.f32 [tilespmem:s22], [sflag:$0x4], $0x40, s9, s28, $0xb8;
	[tilespmem:$0x1BDC0] =	vst v63  }
0x256: {  	s10 =	simm.s32 @!p0 $0x8300;
	s12 =	simm.s32 @!p0 $0x10800;
	s9 =	simm.s32 @!p0 $0x80  }
0x257: {  	[spmem:s6] =	stream.indirect.scatter.add.f32 @!p0 [tilespmem:s12], [sflag:$0x4], $0x8, s10, s9, $0xb8;
	[tilespmem:$0x1BDC0] =	vst v63  }
0x258: {  	s10 =	simm.s32 @!p0 $0x8380  }
0x259: {  	[spmem:s6] =	stream.indirect.scatter.add.f32 @!p0 [tilespmem:s12], [sflag:$0x4], $0x8, s10, s9, $0xb8;
	[tilespmem:$0x1BDC0] =	vst v63  }
0x25a: {  	_ =	swait.ge [sflag:s21], $0x2000  }
0x25b: {  	[sflag:s21] =	ssyncset.done $0x0  }
0x25c: {  	[sflag:s21] =	ssyncadd.s32 $0xFFFFE000  }
0x25d: {  	_ =	swait.ge [sflag:s21], $0x2000  }
0x25e: {  	[sflag:s21] =	ssyncset.done $0x0  }
0x25f: {  	s9 =	simm.s32 @!p0 $0x3;
	s12 =	sor.u32 $0x30, s29;
	[sflag:s21] =	ssyncadd.s32 $0xFFFFE000  }
0x260: {  	p2 =	sgt.u32 s12, $0x4E1;
	_ =	swait.ge @!p0 [sflag:s9], $0x400  }
.Ltmp12:
0x261: {  	[sflag:s9] =	ssyncset.done @!p0 $0x0;
	(pc) =	sbr.rel @p2 .LBB2_22-.Ltmp12, $4  }
0x262: {  	[sflag:s9] =	ssyncadd.s32 @!p0 $0xFFFFFC00  }
0x263: {  	_ =	swait.ge @!p0 [sflag:s9], $0x400  }
0x264: {  	[sflag:s9] =	ssyncset.done @!p0 $0x0  }
0x265: {  	s14 =	simm.s32 $0x0;
	[sflag:s9] =	ssyncadd.s32 @!p0 $0xFFFFFC00  }
0x266: {  	s9 =	sadd.s32 $0x0, s23  }
0x267: {  	v2 =	vmov s9  }
0x268: {  	s31 =	sand.u32 $0x200, s14;
	v2 =	vshll.u32 v2, $0x1  }
0x269: {  	s10 =	sand.u32 $0x70, s14;
	s9 =	sshrl.u32 s31, $0x2;
	v2 =	vor.u32 v1, v2  }
0x26a: {  	s20 =	simm.s32 $0x40;
	s9 =	sor.u32 s10, s9;
	v2 =	vor.u32 v0, v2  }
.LBB2_20:
0x26b: {  	p2 =	sne.s32 s20, $0x3C0  }
0x26c: {  	[tilespmem:s9+$0x8100] =	vst v2;
	s14 =	sadd.s32 $0x10, s14;
	s9 =	smov.u32 s20;
	s20 =	sadd.s32 $0x40, s20  }
.Ltmp13:
0x26d: {  	s10 =	sadd.s32 s14, s23;
	(pc) =	sbr.rel @p2 .LBB2_20-.Ltmp13, $4  }
0x26e: {  	v2 =	vmov s10  }
0x26f: {  	s9 =	sand.u32 $0x200, s9;
	v2 =	vshll.u32 v2, $0x1  }
0x270: {  	s10 =	sand.u32 $0x70, s14;
	s9 =	sshrl.u32 s9, $0x2;
	v2 =	vor.u32 v1, v2  }
0x271: {  	s9 =	sor.u32 s10, s9;
	v2 =	vor.u32 v0, v2  }
0x272: {  	s10 =	sshll.u32 s12, $0x5  }
0x273: {  	[tilespmem:s9+$0x8100] =	vst v2;
	s31 =	simm.s32 $0x8500;
	s30 =	sadd.s32 s2, s10  }
0x274: {  	[tilespmem:s31], [sflag:$0x2] =	stream.linear.gather [hbm4b:s30+s7], $0x100, $0x38;
	[tilespmem:$0x1BDC0] =	vst v63  }
0x275: {  	s14 =	simm.s32 $0x8700;
	s12 =	sadd.s32 s3, s10  }
0x276: {  	[tilespmem:s14], [sflag:$0x2] =	stream.linear.gather [hbm4b:s12+s7], $0x100, $0x38;
	[tilespmem:$0x1BDC0] =	vst v63  }
.Ltmp14:
0x277: {  	_ = 	snop;
	(pc) =	sbr.rel .LBB2_23-.Ltmp14, $4  }
0x278: {  	s20 =	simm.s32 $0x8100;
	s29 =	simm.s32 $0x4000  }
0x279: {  	[tilespmem:s29], [sflag:$0x2] =	stream.indirect.gather [hbm4b:s0+s28], $0x40, s20, s28, $0xb8;
	[tilespmem:$0x1BDC0] =	vst v63  }
0x27a: {  	s30 =	simm.s32 $0x8180;
	s31 =	simm.s32 $0x6000  }
0x27b: {  	[tilespmem:s31], [sflag:$0x2] =	stream.indirect.gather [hbm4b:s0+s28], $0x40, s30, s28, $0xb8;
	[tilespmem:$0x1BDC0] =	vst v63  }
.LBB2_22:
0x27c: {  	p2 =	sgt.u32 s12, $0x4F1  }
.Ltmp15:
0x27d: {  	_ = 	snop;
	(pc) =	sbr.rel @p2 .LBB2_26-.Ltmp15, $1  }
0x27e: {  	_ =	sdelay $0x3  }
.LBB2_23:
0x27f: {  	_ =	swait.ge [sflag:s11], $0x100  }
0x280: {  	[sflag:s11] =	ssyncset.done $0x0  }
0x281: {  	[sflag:s11] =	ssyncadd.s32 $0xFFFFFF00  }
0x282: {  	_ =	swait.ge [sflag:s11], $0x100  }
0x283: {  	[sflag:s11] =	ssyncset.done $0x0  }
0x284: {  	[sflag:s11] =	ssyncadd.s32 $0xFFFFFF00  }
0x285: {  	_ =	swait.ge [sflag:s11], $0x2000  }
0x286: {  	[sflag:s11] =	ssyncset.done $0x0  }
0x287: {  	[sflag:s11] =	ssyncadd.s32 $0xFFFFE000  }
0x288: {  	_ =	swait.ge [sflag:s11], $0x2000  }
0x289: {  	s29 =	simm.s32 $0x0;
	s20 =	simm.s32 $0x200;
	[sflag:s11] =	ssyncset.done $0x0  }
0x28a: {  	s14 =	simm.s32 $0x8A00;
	s12 =	simm.s32 $0x0;
	[sflag:s11] =	ssyncadd.s32 $0xFFFFE000  }
.LBB2_24:
0x28b: {  	s9 =	sand.u32 $0x200, s12  }
0x28c: {  	s10 =	sand.u32 $0x70, s29;
	s9 =	sshrl.u32 s9, $0x2  }
0x28d: {  	s9 =	sor.u32 s10, s9  }
0x28e: {  	v2 =	vld [tilespmem:s9+$0x8600];
	_ =	sdelay $0x1  }
0x28f: {  	v3 =	vld [tilespmem:s20+$0xFFFFFE00]  }
0x290: {  	v4 =	vld [tilespmem:s20+$0xFFFFFE10]  }
0x291: {  	v6 =	vld [tilespmem:s20+$0xFFFFFE30]  }
0x292: {  	v5 =	vld [tilespmem:s20+$0xFFFFFE20];
	v8 =	vbroadcast v2, $0x0  }
0x293: {  	v9 =	vld [tilespmem:s20+$0xFFFFFE50]  }
0x294: {  	v7 =	vld [tilespmem:s20+$0xFFFFFE40];
	v3 =	vmul.f32 v8, v3  }
0x295: {  	v11 =	vld [tilespmem:s20+$0xFFFFFE70];
	v4 =	vmul.f32 v4, v8  }
0x296: {  	v10 =	vld [tilespmem:s20+$0xFFFFFE60];
	v37 =	vbroadcast v2, $0x1;
	v38 =	vmul.f32 v6, v8;
	[tilespmem:s14+$0xFFFFFE00] =	vst v3  }
0x297: {  	v3 =	vmul.f32 v5, v8;
	[tilespmem:s14+$0xFFFFFE10] =	vst v4  }
0x298: {  	v39 =	vmul.f32 v9, v37;
	[tilespmem:s14+$0xFFFFFE30] =	vst v38  }
0x299: {  	[tilespmem:s14+$0xFFFFFE20] =	vst v3;
	v3 =	vmul.f32 v7, v37  }
0x29a: {  	v40 =	vmul.f32 v11, v37;
	[tilespmem:s14+$0xFFFFFE50] =	vst v39  }
0x29b: {  	[tilespmem:s14+$0xFFFFFE40] =	vst v3;
	v3 =	vmul.f32 v10, v37  }
0x29c: {  	[tilespmem:s14+$0xFFFFFE70] =	vst v40  }
0x29d: {  	[tilespmem:s14+$0xFFFFFE60] =	vst v3  }
0x29e: {  	v3 =	vld [tilespmem:s20+$0xFFFFFE80]  }
0x29f: {  	v4 =	vld [tilespmem:s20+$0xFFFFFE90]  }
0x2a0: {  	v42 =	vld [tilespmem:s20+$0xFFFFFEB0]  }
0x2a1: {  	v44 =	vbroadcast v2, $0x2;
	v41 =	vld [tilespmem:s20+$0xFFFFFEA0]  }
0x2a2: {  	v45 =	vld [tilespmem:s20+$0xFFFFFED0]  }
0x2a3: {  	v43 =	vld [tilespmem:s20+$0xFFFFFEC0];
	v3 =	vmul.f32 v3, v44  }
0x2a4: {  	v47 =	vld [tilespmem:s20+$0xFFFFFEF0];
	v4 =	vmul.f32 v4, v44  }
0x2a5: {  	v48 =	vbroadcast v2, $0x3;
	v46 =	vld [tilespmem:s20+$0xFFFFFEE0];
	v49 =	vmul.f32 v42, v44;
	[tilespmem:s14+$0xFFFFFE80] =	vst v3  }
0x2a6: {  	v3 =	vmul.f32 v41, v44;
	[tilespmem:s14+$0xFFFFFE90] =	vst v4  }
0x2a7: {  	v50 =	vmul.f32 v45, v48;
	[tilespmem:s14+$0xFFFFFEB0] =	vst v49  }
0x2a8: {  	[tilespmem:s14+$0xFFFFFEA0] =	vst v3;
	v3 =	vmul.f32 v43, v48  }
0x2a9: {  	v51 =	vmul.f32 v47, v48;
	[tilespmem:s14+$0xFFFFFED0] =	vst v50  }
0x2aa: {  	[tilespmem:s14+$0xFFFFFEC0] =	vst v3;
	v3 =	vmul.f32 v46, v48  }
0x2ab: {  	[tilespmem:s14+$0xFFFFFEF0] =	vst v51  }
0x2ac: {  	[tilespmem:s14+$0xFFFFFEE0] =	vst v3  }
0x2ad: {  	v3 =	vld [tilespmem:s20+$0xFFFFFF00]  }
0x2ae: {  	v4 =	vld [tilespmem:s20+$0xFFFFFF10]  }
0x2af: {  	v53 =	vld [tilespmem:s20+$0xFFFFFF30]  }
0x2b0: {  	v55 =	vbroadcast v2, $0x4;
	v52 =	vld [tilespmem:s20+$0xFFFFFF20]  }
0x2b1: {  	v56 =	vld [tilespmem:s20+$0xFFFFFF50]  }
0x2b2: {  	v54 =	vld [tilespmem:s20+$0xFFFFFF40];
	v3 =	vmul.f32 v3, v55  }
0x2b3: {  	v58 =	vld [tilespmem:s20+$0xFFFFFF70];
	v4 =	vmul.f32 v4, v55  }
0x2b4: {  	v59 =	vbroadcast v2, $0x5;
	v57 =	vld [tilespmem:s20+$0xFFFFFF60];
	v60 =	vmul.f32 v53, v55;
	[tilespmem:s14+$0xFFFFFF00] =	vst v3  }
0x2b5: {  	v3 =	vmul.f32 v52, v55;
	[tilespmem:s14+$0xFFFFFF10] =	vst v4  }
0x2b6: {  	v61 =	vmul.f32 v56, v59;
	[tilespmem:s14+$0xFFFFFF30] =	vst v60  }
0x2b7: {  	[tilespmem:s14+$0xFFFFFF20] =	vst v3;
	v3 =	vmul.f32 v54, v59  }
0x2b8: {  	v62 =	vmul.f32 v58, v59;
	[tilespmem:s14+$0xFFFFFF50] =	vst v61  }
0x2b9: {  	[tilespmem:s14+$0xFFFFFF40] =	vst v3;
	v3 =	vmul.f32 v57, v59  }
0x2ba: {  	[tilespmem:s14+$0xFFFFFF70] =	vst v62  }
0x2bb: {  	[tilespmem:s14+$0xFFFFFF60] =	vst v3  }
0x2bc: {  	v3 =	vld [tilespmem:s20+$0xFFFFFF80]  }
0x2bd: {  	v4 =	vld [tilespmem:s20+$0xFFFFFF90]  }
0x2be: {  	v12 =	vld [tilespmem:s20+$0xFFFFFFB0]  }
0x2bf: {  	v14 =	vbroadcast v2, $0x6;
	v63 =	vld [tilespmem:s20+$0xFFFFFFA0]  }
0x2c0: {  	v15 =	vld [tilespmem:s20+$0xFFFFFFD0]  }
0x2c1: {  	v13 =	vld [tilespmem:s20+$0xFFFFFFC0];
	v3 =	vmul.f32 v3, v14  }
0x2c2: {  	v17 =	vld [tilespmem:s20+$0xFFFFFFF0];
	v4 =	vmul.f32 v4, v14  }
0x2c3: {  	v18 =	vbroadcast v2, $0x7;
	v16 =	vld [tilespmem:s20+$0xFFFFFFE0];
	v19 =	vmul.f32 v12, v14;
	[tilespmem:s14+$0xFFFFFF80] =	vst v3  }
0x2c4: {  	v3 =	vmul.f32 v63, v14;
	[tilespmem:s14+$0xFFFFFF90] =	vst v4  }
0x2c5: {  	v20 =	vmul.f32 v15, v18;
	[tilespmem:s14+$0xFFFFFFB0] =	vst v19  }
0x2c6: {  	[tilespmem:s14+$0xFFFFFFA0] =	vst v3;
	v3 =	vmul.f32 v13, v18  }
0x2c7: {  	v21 =	vmul.f32 v17, v18;
	[tilespmem:s14+$0xFFFFFFD0] =	vst v20  }
0x2c8: {  	[tilespmem:s14+$0xFFFFFFC0] =	vst v3;
	v3 =	vmul.f32 v16, v18  }
0x2c9: {  	[tilespmem:s14+$0xFFFFFFF0] =	vst v21  }
0x2ca: {  	[tilespmem:s14+$0xFFFFFFE0] =	vst v3  }
0x2cb: {  	v3 =	vld [tilespmem:s20+$0x0]  }
0x2cc: {  	v4 =	vld [tilespmem:s20+$0x10]  }
0x2cd: {  	v23 =	vld [tilespmem:s20+$0x30]  }
0x2ce: {  	v25 =	vbroadcast v2, $0x8;
	v22 =	vld [tilespmem:s20+$0x20]  }
0x2cf: {  	v26 =	vld [tilespmem:s20+$0x50]  }
0x2d0: {  	v24 =	vld [tilespmem:s20+$0x40];
	v3 =	vmul.f32 v3, v25  }
0x2d1: {  	v28 =	vld [tilespmem:s20+$0x70];
	v4 =	vmul.f32 v4, v25  }
0x2d2: {  	v29 =	vbroadcast v2, $0x9;
	v27 =	vld [tilespmem:s20+$0x60];
	v30 =	vmul.f32 v23, v25;
	[tilespmem:s14+$0x0] =	vst v3  }
0x2d3: {  	v3 =	vmul.f32 v22, v25;
	[tilespmem:s14+$0x10] =	vst v4  }
0x2d4: {  	v31 =	vmul.f32 v26, v29;
	[tilespmem:s14+$0x30] =	vst v30  }
0x2d5: {  	[tilespmem:s14+$0x20] =	vst v3;
	v3 =	vmul.f32 v24, v29  }
0x2d6: {  	v32 =	vmul.f32 v28, v29;
	[tilespmem:s14+$0x50] =	vst v31  }
0x2d7: {  	[tilespmem:s14+$0x40] =	vst v3;
	v3 =	vmul.f32 v27, v29  }
0x2d8: {  	[tilespmem:s14+$0x70] =	vst v32  }
0x2d9: {  	[tilespmem:s14+$0x60] =	vst v3  }
0x2da: {  	v3 =	vld [tilespmem:s20+$0x80]  }
0x2db: {  	v4 =	vld [tilespmem:s20+$0x90]  }
0x2dc: {  	v34 =	vld [tilespmem:s20+$0xB0]  }
0x2dd: {  	v36 =	vbroadcast v2, $0xA;
	v33 =	vld [tilespmem:s20+$0xA0]  }
0x2de: {  	v37 =	vld [tilespmem:s20+$0xD0]  }
0x2df: {  	v35 =	vld [tilespmem:s20+$0xC0];
	v3 =	vmul.f32 v3, v36  }
0x2e0: {  	v39 =	vld [tilespmem:s20+$0xF0];
	v4 =	vmul.f32 v4, v36  }
0x2e1: {  	v40 =	vbroadcast v2, $0xB;
	v38 =	vld [tilespmem:s20+$0xE0];
	v41 =	vmul.f32 v34, v36;
	[tilespmem:s14+$0x80] =	vst v3  }
0x2e2: {  	v3 =	vmul.f32 v33, v36;
	[tilespmem:s14+$0x90] =	vst v4  }
0x2e3: {  	v42 =	vmul.f32 v37, v40;
	[tilespmem:s14+$0xB0] =	vst v41  }
0x2e4: {  	[tilespmem:s14+$0xA0] =	vst v3;
	v3 =	vmul.f32 v35, v40  }
0x2e5: {  	v43 =	vmul.f32 v39, v40;
	[tilespmem:s14+$0xD0] =	vst v42  }
0x2e6: {  	[tilespmem:s14+$0xC0] =	vst v3;
	v3 =	vmul.f32 v38, v40  }
0x2e7: {  	[tilespmem:s14+$0xF0] =	vst v43  }
0x2e8: {  	[tilespmem:s14+$0xE0] =	vst v3  }
0x2e9: {  	v3 =	vld [tilespmem:s20+$0x100]  }
0x2ea: {  	v4 =	vld [tilespmem:s20+$0x110]  }
0x2eb: {  	v45 =	vld [tilespmem:s20+$0x130]  }
0x2ec: {  	v47 =	vbroadcast v2, $0xC;
	v44 =	vld [tilespmem:s20+$0x120]  }
0x2ed: {  	v48 =	vld [tilespmem:s20+$0x150]  }
0x2ee: {  	v46 =	vld [tilespmem:s20+$0x140];
	v3 =	vmul.f32 v3, v47  }
0x2ef: {  	v50 =	vld [tilespmem:s20+$0x170];
	v4 =	vmul.f32 v4, v47  }
0x2f0: {  	v51 =	vbroadcast v2, $0xD;
	v49 =	vld [tilespmem:s20+$0x160];
	v52 =	vmul.f32 v45, v47;
	[tilespmem:s14+$0x100] =	vst v3  }
0x2f1: {  	v3 =	vmul.f32 v44, v47;
	[tilespmem:s14+$0x110] =	vst v4  }
0x2f2: {  	v53 =	vmul.f32 v48, v51;
	[tilespmem:s14+$0x130] =	vst v52  }
0x2f3: {  	[tilespmem:s14+$0x120] =	vst v3;
	v3 =	vmul.f32 v46, v51  }
0x2f4: {  	v54 =	vmul.f32 v50, v51;
	[tilespmem:s14+$0x150] =	vst v53  }
0x2f5: {  	[tilespmem:s14+$0x140] =	vst v3;
	v3 =	vmul.f32 v49, v51  }
0x2f6: {  	[tilespmem:s14+$0x170] =	vst v54  }
0x2f7: {  	[tilespmem:s14+$0x160] =	vst v3  }
0x2f8: {  	v3 =	vld [tilespmem:s20+$0x180]  }
0x2f9: {  	v4 =	vld [tilespmem:s20+$0x190]  }
0x2fa: {  	v55 =	vld [tilespmem:s20+$0x1A0]  }
0x2fb: {  	v58 =	vbroadcast v2, $0xE;
	v56 =	vld [tilespmem:s20+$0x1B0]  }
0x2fc: {  	v57 =	vld [tilespmem:s20+$0x1C0]  }
0x2fd: {  	v59 =	vld [tilespmem:s20+$0x1D0];
	v3 =	vmul.f32 v3, v58  }
0x2fe: {  	v60 =	vld [tilespmem:s20+$0x1E0];
	v4 =	vmul.f32 v4, v58  }
0x2ff: {  	v2 =	vbroadcast v2, $0xF;
	v61 =	vld [tilespmem:s20+$0x1F0];
	[tilespmem:s14+$0x180] =	vst v3;
	v3 =	vmul.f32 v55, v58  }
0x300: {  	v62 =	vmul.f32 v56, v58;
	[tilespmem:s14+$0x190] =	vst v4  }
0x301: {  	p2 =	sne.s32 s12, $0x3C0;
	[tilespmem:s14+$0x1A0] =	vst v3;
	v3 =	vmul.f32 v57, v2  }
.Ltmp16:
0x302: {  	v63 =	vmul.f32 v59, v2;
	[tilespmem:s14+$0x1B0] =	vst v62;
	(pc) =	sbr.rel @p2 .LBB2_24-.Ltmp16, $4  }
0x303: {  	[tilespmem:s14+$0x1C0] =	vst v3;
	v3 =	vmul.f32 v60, v2  }
0x304: {  	[tilespmem:s14+$0x1D0] =	vst v63;
	v2 =	vmul.f32 v61, v2  }
0x305: {  	s29 =	sadd.s32 $0x10, s29;
	[tilespmem:s14+$0x1E0] =	vst v3  }
0x306: {  	s12 =	sadd.s32 $0x40, s12;
	s20 =	sadd.s32 $0x400, s20;
	[tilespmem:s14+$0x1F0] =	vst v2;
	s14 =	sadd.s32 $0x400, s14  }
0x307: {  	s9 =	simm.s32 $0x8400  }
0x308: {  	[spmem:s4] =	stream.indirect.scatter.add.f32 [tilespmem:s13], [sflag:$0x3], $0x40, s9, s28, $0xb8;
	[tilespmem:$0x1BDC0] =	vst v63  }
0x309: {  	s31 =	simm.s32 $0x8480  }
0x30a: {  	[spmem:s4] =	stream.indirect.scatter.add.f32 [tilespmem:s24], [sflag:$0x3], $0x40, s31, s28, $0xb8;
	[tilespmem:$0x1BDC0] =	vst v63  }
.Ltmp17:
0x30b: {  	_ = 	snop;
	(pc) =	sbr.rel .LBB2_26-.Ltmp17, $4  }
0x30c: {  	s10 =	simm.s32 @!p0 $0x8400;
	s12 =	simm.s32 @!p0 $0x10800;
	s9 =	simm.s32 @!p0 $0x80  }
0x30d: {  	[spmem:s6] =	stream.indirect.scatter.add.f32 @!p0 [tilespmem:s12], [sflag:$0x3], $0x8, s10, s9, $0xb8;
	[tilespmem:$0x1BDC0] =	vst v63  }
0x30e: {  	s10 =	simm.s32 @!p0 $0x8480  }
0x30f: {  	[spmem:s6] =	stream.indirect.scatter.add.f32 @!p0 [tilespmem:s12], [sflag:$0x3], $0x8, s10, s9, $0xb8;
	[tilespmem:$0x1BDC0] =	vst v63  }
.LBB2_27:
0x310: {  	s9 =	simm.s32 $0x4  }
0x311: {  	_ =	swait.ge [sflag:s9], $0x2000  }
0x312: {  	[sflag:s9] =	ssyncset.done $0x0  }
0x313: {  	[sflag:s9] =	ssyncadd.s32 $0xFFFFE000  }
0x314: {  	_ =	swait.ge [sflag:s9], $0x2000  }
0x315: {  	[sflag:s9] =	ssyncset.done $0x0  }
0x316: {  	[sflag:s9] =	ssyncadd.s32 $0xFFFFE000;
	s9 =	simm.s32 @!p0 $0x4  }
0x317: {  	_ =	swait.ge @!p0 [sflag:s9], $0x400  }
.Ltmp18:
0x318: {  	[sflag:s9] =	ssyncset.done @!p0 $0x0;
	(pc) =	sbr.rel @p1 .LBB2_30-.Ltmp18, $4  }
0x319: {  	[sflag:s9] =	ssyncadd.s32 @!p0 $0xFFFFFC00  }
0x31a: {  	_ =	swait.ge @!p0 [sflag:s9], $0x400  }
0x31b: {  	[sflag:s9] =	ssyncset.done @!p0 $0x0;
	s14 =	rddreg [dreg:$0x12]  }
0x31c: {  	s12 =	simm.s32 $0x5;
	s16 =	rddreg [dreg:$0x13];
	[sflag:s9] =	ssyncadd.s32 @!p0 $0xFFFFFC00  }
0x31d: {  	_ =	swait.ge [sflag:s21], $0x2000  }
.Ltmp19:
0x31e: {  	[sflag:s21] =	ssyncset.done $0x0;
	(pc) =	sbr.rel @!p0 .LBB2_29-.Ltmp19, $4  }
0x31f: {  	[sflag:s21] =	ssyncadd.s32 $0xFFFFE000  }
0x320: {  	_ =	swait.ge [sflag:s21], $0x2000  }
0x321: {  	[sflag:s21] =	ssyncset.done $0x0  }
0x322: {  	[sflag:s21] =	ssyncadd.s32 $0xFFFFE000  }
0x323: {  	[bflag:$0x0] =	sbarrier.arrive $0xFFFF  }
.Ltmp20:
0x324: {  	s9 =	rddreg [dreg:$0xc];
	(pc) =	sbr.rel .LBB2_32-.Ltmp20, $4  }
0x325: {  	[hbm:s9], [sflag:s14] =	dma.local [spmem:s16], $0x13C0  }
0x326: {  	_ =	swait.ge [sflag:s12], $0x13C0  }
0x327: {  	[sflag:s12] =	ssyncset.done $0x0  }
0x328: {  	s10 =	rddreg [dreg:$0x15];
	[sflag:s12] =	ssyncadd.s32 $0xFFFFEC40  }
.LBB2_33:
0x329: {  	_ =	sfence.sel $0x180000  }
0x32a: {  	[bflag:$0x0] =	sbarrier.arrive $0xFFFF  }
0x32b: {  	_ =	strace $0x90000047  }
0x32c: {  	[bflag:$0x2] =	sbarrier.arrive $0xFFFF  }
0x32d: {  	p0 =	sne.s32 s5, $0x0;
	s0 =	rddreg [dreg:$0x7]  }
0x32e: {  	s0 =	sadd.s32 @!p0 $0x100000, s0  }
0x32f: {  	[sflag:s0] =	ssyncadd.tile.s32 @!p0 $0x1;
	_ =	shalt  }
.Lfunc_end2:
_tile_overlayer_lowered:
.L_overlay_start_2:
0x330: {  	(tag) =	ssettag $0x2  }
0x331: {  	s0 =	rddreg [dreg:$0x0];
	s2 =	stileid.u32  }
0x332: {  	s1 =	rddreg [dreg:$0x1];
	p0 =	sne.s32 s2, $0x0  }
0x333: {  	s3 =	rddreg [dreg:$0x2];
	[bflag:$0x3] =	sbarrier.arrive $0xFFFF;
	s2 =	simm.s32 @!p0 $0x1C05  }
0x334: {  	[timem:s3], [sflag:s2] =	dma.local @!p0 [hbm:s0], s1  }
0x335: {  	s0 =	simm.s32 @!p0 $0x5  }
0x336: {  	_ =	swait.ge @!p0 [sflag:s0], s1  }
0x337: {  	s1 =	ssub.s32 @!p0 $0x0, s1;
	[sflag:s0] =	ssyncset.done @!p0 $0x0  }
0x338: {  	[sflag:s0] =	ssyncadd.s32 @!p0 s1  }
0x339: {  	[bflag:$0x3] =	sbarrier.arrive $0xFFFF  }
0x33a: {  	_ =	shalt  }

</sc_bundles>
